<compile_context>
chip_gen: v7x
topology: tpu7x:2x2x1
jax: 0.10.2.dev20260603
libtpu: 0.0.44.dev20260713+nightly
codegen_flags: <defaults>
</compile_context>

<pallas_src>
import jax
import jax.numpy as jnp
from jax import lax
from jax.experimental import pallas as pl
from jax.experimental.pallas import tpu as pltpu
from jax.experimental.pallas import tpu_sc as plsc

NN = 10000
NP = 10240
FF = 128
FH = 64
EE = 320000
EP = 327680
EPT = EP // 16
CHUNK = 128
NCHUNK = EPT // CHUNK
RPT = NP // 16

def _tc_proj_body(x_ref, wl_ref, wr_ref, b_ref, p_ref, q_ref):
    xb = x_ref[...]
    p_ref[...] = jnp.dot(xb, wl_ref[...], preferred_element_type=jnp.float32)
    q_ref[...] = (
        jnp.dot(xb, wr_ref[...], preferred_element_type=jnp.float32)
        + b_ref[...]
    )


def _tc_proj(xp, wl, wr, b):
    blk = 1024
    grid = NP // blk
    rspec = pl.BlockSpec((blk, FF), lambda i: (i, 0))
    wspec = pl.BlockSpec((FF, FF), lambda i: (0, 0))
    return pl.pallas_call(
        _tc_proj_body,
        grid=(grid,),
        in_specs=[rspec, wspec, wspec,
                  pl.BlockSpec((1, FF), lambda i: (0, 0))],
        out_specs=[rspec, rspec],
        out_shape=[
            jax.ShapeDtypeStruct((NP, FF), jnp.float32),
            jax.ShapeDtypeStruct((NP, FF), jnp.float32),
        ],
    )(xp, wl, wr, b.reshape(1, FF))


def _tc_comb_proj_body(sa_ref, sb_ref, p_ref, q_ref, d_ref,
                       wl_ref, wr_ref, b_ref, p2_ref, q2_ref, inv_ref):
    inv = 1.0 / (1.0 + d_ref[...][:, :1])
    inv_ref[...] = inv
    s = jnp.concatenate([sa_ref[...], sb_ref[...]], axis=1)
    h = jnp.maximum((s + p_ref[...]) * inv + q_ref[...], 0.0)
    p2_ref[...] = jnp.dot(h, wl_ref[...], preferred_element_type=jnp.float32)
    q2_ref[...] = (
        jnp.dot(h, wr_ref[...], preferred_element_type=jnp.float32)
        + b_ref[...]
    )


def _tc_comb_proj(sa, sb, p, q, deg, wl, wr, b):
    blk = 1024
    grid = NP // blk
    rspec = pl.BlockSpec((blk, FF), lambda i: (i, 0))
    hspec = pl.BlockSpec((blk, FH), lambda i: (i, 0))
    dspec = pl.BlockSpec((blk, 16), lambda i: (i, 0))
    wspec = pl.BlockSpec((FF, FF), lambda i: (0, 0))
    return pl.pallas_call(
        _tc_comb_proj_body,
        grid=(grid,),
        in_specs=[hspec, hspec, rspec, rspec, dspec, wspec, wspec,
                  pl.BlockSpec((1, FF), lambda i: (0, 0))],
        out_specs=[rspec, rspec,
                   pl.BlockSpec((blk, 1), lambda i: (i, 0))],
        out_shape=[
            jax.ShapeDtypeStruct((NP, FF), jnp.float32),
            jax.ShapeDtypeStruct((NP, FF), jnp.float32),
            jax.ShapeDtypeStruct((NP, 1), jnp.float32),
        ],
    )(sa, sb, p, q, deg, wl, wr, b.reshape(1, FF))


def _tc_comb_body(sa_ref, sb_ref, p_ref, q_ref, inv_ref, o_ref):
    s = jnp.concatenate([sa_ref[...], sb_ref[...]], axis=1)
    o_ref[...] = jnp.maximum(
        (s + p_ref[...]) * inv_ref[...] + q_ref[...], 0.0)


def _tc_comb(sa, sb, p, q, inv):
    blk = 1024
    grid = NP // blk
    rspec = pl.BlockSpec((blk, FF), lambda i: (i, 0))
    hspec = pl.BlockSpec((blk, FH), lambda i: (i, 0))
    ispec = pl.BlockSpec((blk, 1), lambda i: (i, 0))
    return pl.pallas_call(
        _tc_comb_body,
        grid=(grid,),
        in_specs=[hspec, hspec, rspec, rspec, ispec],
        out_specs=rspec,
        out_shape=jax.ShapeDtypeStruct((NP, FF), jnp.float32),
    )(sa, sb, p, q, inv)


def _make_sc_scatter(compute_deg: bool, nbuf: int):
    mesh = plsc.VectorSubcoreMesh(core_axis_name="c", subcore_axis_name="s")
    out_type = [jax.ShapeDtypeStruct((2, NP, FH), jnp.float32)]
    if compute_deg:
        out_type.append(jax.ShapeDtypeStruct((NP, 16), jnp.float32))
    scratch = []
    for _ in range(nbuf):
        scratch += [
            pltpu.VMEM((CHUNK, FH), jnp.float32),
            pltpu.SemaphoreType.DMA,
            pltpu.SemaphoreType.DMA,
        ]
    scratch += [
        pltpu.VMEM((NCHUNK, 128), jnp.int32),
        pltpu.VMEM((NCHUNK, 128), jnp.int32),
        pltpu.SemaphoreType.DMA,
        pltpu.VMEM((16, FH), jnp.float32),
        pltpu.VMEM_SHARED((NP, FH), jnp.float32),
    ]
    if compute_deg:
        scratch += [
            pltpu.VMEM((128, 16), jnp.float32),
            pltpu.VMEM((64, 16), jnp.float32),
            pltpu.VMEM_SHARED((NP, 16), jnp.float32),
        ]

    def body(pa_hbm, pb_hbm, src_hbm, dst_hbm, *refs):
        if compute_deg:
            (sacc_hbm, deg_hbm, *dmarefs, srcpre, dstpre, semi, zbuf, acc,
             onesb, zb16, dacc) = refs
        else:
            (sacc_hbm, *dmarefs, srcpre, dstpre, semi, zbuf, acc) = refs
        bufs = [tuple(dmarefs[3 * k:3 * k + 3]) for k in range(nbuf)]
        c = lax.axis_index("c")
        s = lax.axis_index("s")

        pltpu.async_copy(
            src_hbm.at[pl.ds(s * NCHUNK, NCHUNK)], srcpre, semi)
        pltpu.async_copy(
            dst_hbm.at[pl.ds(s * NCHUNK, NCHUNK)], dstpre, semi)

        z16 = jnp.zeros((16,), jnp.float32)
        for r in range(16):
            for k in range(FH // 16):
                zbuf[r, pl.ds(k * 16, 16)] = z16

        def zero_acc(i, _):
            pltpu.sync_copy(zbuf, acc.at[pl.ds(s * RPT + i * 16, 16)])
            return 0
        lax.fori_loop(0, RPT // 16, zero_acc, 0)

        if compute_deg:
            o16 = jnp.ones((16,), jnp.float32)

            def fill_ones(i, _):
                onesb[i, pl.ds(0, 16)] = o16
                return 0
            lax.fori_loop(0, 128, fill_ones, 0)

            def zero_zb16(i, _):
                zb16[i, pl.ds(0, 16)] = z16
                return 0
            lax.fori_loop(0, 64, zero_zb16, 0)

            @pl.when(c == 0)
            def _():
                def zero_dacc(i, _):
                    pltpu.sync_copy(
                        zb16, dacc.at[pl.ds(s * RPT + i * 64, 64)])
                    return 0
                lax.fori_loop(0, RPT // 64, zero_dacc, 0)

        plsc.subcore_barrier()

        pltpu.make_async_copy(
            src_hbm.at[pl.ds(s * NCHUNK, NCHUNK)], srcpre, semi).wait()
        pltpu.make_async_copy(
            dst_hbm.at[pl.ds(s * NCHUNK, NCHUNK)], dstpre, semi).wait()

        def run(p_hbm, do_deg):
            def issue_g(buf, g):
                pltpu.async_copy(p_hbm.at[srcpre.at[g]], buf[0], buf[1])

            def wait_g(buf, g):
                pltpu.make_async_copy(
                    p_hbm.at[srcpre.at[g]], buf[0], buf[1]).wait()

            def issue_s(buf, g):
                pltpu.async_copy(
                    buf[0], acc.at[dstpre.at[g]], buf[2], add=True)
                if do_deg:
                    pltpu.async_copy(
                        onesb, dacc.at[dstpre.at[g]], buf[2], add=True)

            def wait_s(buf, g):
                pltpu.make_async_copy(
                    buf[0], acc.at[dstpre.at[g]], buf[2]).wait()
                if do_deg:
                    pltpu.make_async_copy(
                        onesb, dacc.at[dstpre.at[g]], buf[2]).wait()

            def chunk(r, cc, wait_prev=True, guard=False):
                cur = bufs[r % nbuf]
                prev = bufs[(r - 1) % nbuf]
                wait_g(cur, cc)
                issue_s(cur, cc)
                if wait_prev:
                    wait_s(prev, cc - 1)
                pf = cc + nbuf - 1
                if guard:
                    @pl.when(pf <= NCHUNK - 1)
                    def _():
                        issue_g(prev, pf)
                else:
                    issue_g(prev, pf)

            for k in range(nbuf - 1):
                issue_g(bufs[k], k)
            chunk(0, 0, wait_prev=False)
            for r in range(1, nbuf):
                chunk(r, r)

            def step(u, _):
                cbase = nbuf * u
                for r in range(nbuf):
                    chunk(r, cbase + r, guard=True)
                return 0
            lax.fori_loop(1, NCHUNK // nbuf, step, 0)

            wait_s(bufs[(NCHUNK - 1) % nbuf], NCHUNK - 1)

        @pl.when(c == 0)
        def _():
            run(pa_hbm, compute_deg)

        @pl.when(c == 1)
        def _():
            run(pb_hbm, False)

        plsc.subcore_barrier()

        pltpu.sync_copy(
            acc.at[pl.ds(s * RPT, RPT)],
            sacc_hbm.at[c, pl.ds(s * RPT, RPT)])

        if compute_deg:
            @pl.when(c == 0)
            def _():
                pltpu.sync_copy(
                    dacc.at[pl.ds(s * RPT, RPT)],
                    deg_hbm.at[pl.ds(s * RPT, RPT)])

    return pl.kernel(
        body, mesh=mesh, out_type=out_type, scratch_types=scratch,
        compiler_params=pltpu.CompilerParams(use_tc_tiling_on_sc=False))


_sc_scatter_deg = _make_sc_scatter(True, 4)
_sc_scatter = _make_sc_scatter(False, 5)


@jax.jit
def kernel(x, edge_index, W1l, W1r, b1, W2l, W2r, b2):
    xp = jnp.zeros((NP, FF), jnp.float32).at[:NN].set(x)
    pad = EP - EE
    srcp = jnp.concatenate(
        [edge_index[0], jnp.zeros((pad,), jnp.int32)]).reshape(EP // 128, 128)
    dstp = jnp.concatenate(
        [edge_index[1], jnp.full((pad,), NN, jnp.int32)]).reshape(EP // 128, 128)
    p1, q1 = _tc_proj(xp, W1l, W1r, b1)
    sacc1, deg = _sc_scatter_deg(p1[:, :FH], p1[:, FH:], srcp, dstp)
    p2, q2, inv = _tc_comb_proj(sacc1[0], sacc1[1], p1, q1,
                                deg, W2l, W2r, b2)
    (sacc2,) = _sc_scatter(p2[:, :FH], p2[:, FH:], srcp, dstp)
    out = _tc_comb(sacc2[0], sacc2[1], p2, q2, inv)
    return out[:NN]

# --- scband reference (transcript-rebuilt; emitter-appended) ---
"""Pipeline reference for scband-ego-graph-encoder-59837484368293 (READ-ONLY COPY).

The authoritative reference and input builder live on the scoring server;
editing this copy changes nothing except your own understanding.
"""

import jax, jax.numpy as jnp
import numpy as np

N = 10000
F = 128
H = 128
E = 320000


def setup_inputs(seed: int = 0) -> dict:
    key = jax.random.key(seed)
    ks = jax.random.split(key, 8)
    x = jax.random.normal(ks[0], (N, F), dtype=jnp.float32)
    edge_index = jax.random.randint(ks[1], (2, E), 0, N, dtype=jnp.int32)
    # SAGEConv layer 1: lin_l (applied to mean-aggregated neighbors, has bias), lin_r (root/self)
    W1l = jax.random.normal(ks[2], (F, H), dtype=jnp.float32) / np.sqrt(F)
    W1r = jax.random.normal(ks[3], (F, H), dtype=jnp.float32) / np.sqrt(F)
    b1 = jnp.zeros((H,), dtype=jnp.float32)
    # SAGEConv layer 2
    W2l = jax.random.normal(ks[4], (H, H), dtype=jnp.float32) / np.sqrt(H)
    W2r = jax.random.normal(ks[5], (H, H), dtype=jnp.float32) / np.sqrt(H)
    b2 = jnp.zeros((H,), dtype=jnp.float32)
    return {"x": x, "edge_index": edge_index, "W1l": W1l, "W1r": W1r, "b1": b1,
            "W2l": W2l, "W2r": W2r, "b2": b2}


def _sage_layer(h, src, dst, Wl, Wr, b):
    # message: x_j (gather from source nodes)
    msg = jnp.take(h, src, axis=0)
    # mean aggregation at destination nodes (scatter-add + count)
    summed = jax.ops.segment_sum(msg, dst, num_segments=N)
    cnt = jax.ops.segment_sum(jnp.ones((src.shape[0],), dtype=h.dtype), dst, num_segments=N)
    mean = summed / jnp.maximum(cnt, 1.0)[:, None]
    # out = lin_l(mean_aggr) + lin_r(x)
    return mean @ Wl + h @ Wr + b


def reference(x, edge_index, W1l, W1r, b1, W2l, W2r, b2):
    # add_self_loops (edge_dim == 0 branch of EgoGraphEncoder)
    ar = jnp.arange(N, dtype=edge_index.dtype)
    ei = jnp.concatenate([edge_index, jnp.stack([ar, ar], axis=0)], axis=1)
    src, dst = ei[0], ei[1]
    h = jax.nn.relu(_sage_layer(x, src, dst, W1l, W1r, b1))
    h = jax.nn.relu(_sage_layer(h, src, dst, W2l, W2r, b2))
    return h

if __name__ == "__main__":
    import jax
    _d = setup_inputs()
    print(jax.jit(kernel)(*tuple(_d.values())))

</pallas_src>

<mosaic_0001>
#map = affine_map<(d0, d1) -> (0, 0)>
#map1 = affine_map<(d0, d1) -> (0, 0, 0)>
module attributes {stable_mosaic.version = 14 : i64} {
  func.func @body(%arg0: i32, %arg1: i32, %arg2: memref<10240x64xf32, #tpu.memory_space<hbm>>, %arg3: memref<10240x64xf32, #tpu.memory_space<hbm>>, %arg4: memref<2560x128xi32, #tpu.memory_space<hbm>>, %arg5: memref<2560x128xi32, #tpu.memory_space<hbm>>, %arg6: memref<2x10240x64xf32, #tpu.memory_space<hbm>>, %arg7: memref<10240x16xf32, #tpu.memory_space<hbm>>, %arg8: memref<128x64xf32, #tpu.memory_space<vmem>>, %arg9: memref<!tpu.dma_semaphore, #tpu.memory_space<semaphore_mem>>, %arg10: memref<!tpu.dma_semaphore, #tpu.memory_space<semaphore_mem>>, %arg11: memref<128x64xf32, #tpu.memory_space<vmem>>, %arg12: memref<!tpu.dma_semaphore, #tpu.memory_space<semaphore_mem>>, %arg13: memref<!tpu.dma_semaphore, #tpu.memory_space<semaphore_mem>>, %arg14: memref<128x64xf32, #tpu.memory_space<vmem>>, %arg15: memref<!tpu.dma_semaphore, #tpu.memory_space<semaphore_mem>>, %arg16: memref<!tpu.dma_semaphore, #tpu.memory_space<semaphore_mem>>, %arg17: memref<128x64xf32, #tpu.memory_space<vmem>>, %arg18: memref<!tpu.dma_semaphore, #tpu.memory_space<semaphore_mem>>, %arg19: memref<!tpu.dma_semaphore, #tpu.memory_space<semaphore_mem>>, %arg20: memref<160x128xi32, #tpu.memory_space<vmem>>, %arg21: memref<160x128xi32, #tpu.memory_space<vmem>>, %arg22: memref<!tpu.dma_semaphore, #tpu.memory_space<semaphore_mem>>, %arg23: memref<16x64xf32, #tpu.memory_space<vmem>>, %arg24: memref<10240x64xf32, #tpu.memory_space<vmem_shared>>, %arg25: memref<128x16xf32, #tpu.memory_space<vmem>>, %arg26: memref<64x16xf32, #tpu.memory_space<vmem>>, %arg27: memref<10240x16xf32, #tpu.memory_space<vmem_shared>>) attributes {dimension_semantics = [#tpu.dimension_semantics<core_parallel>, #tpu.dimension_semantics<subcore_parallel>], iteration_bounds = array<i64: 2, 16>, scalar_prefetch = 0 : i64, scratch_operands = 20 : i64, tpu.core_type = #tpu.core_type<sc_vector_subcore>, window_params = [{transform_indices = #map}, {transform_indices = #map}, {transform_indices = #map}, {transform_indices = #map}, {transform_indices = #map1}, {transform_indices = #map}]} {
    %mul3A = arith.constant 160 : i32
    %mul3A_0 = arith.muli %arg1, %mul3A : i32
    %dma_start3A = arith.constant 0 : i32
    %dma_start3A_1 = tpu.memref_slice %arg4[%mul3A_0, %dma_start3A] : memref<2560x128xi32, #tpu.memory_space<hbm>> -> memref<160x128xi32, #tpu.memory_space<hbm>>
    %dma_start3A_2 = arith.constant 0 : i32
    %dma_start3A_3 = tpu.memref_slice %arg4[%mul3A_0, %dma_start3A_2] : memref<2560x128xi32, #tpu.memory_space<hbm>> -> memref<160x128xi32, #tpu.memory_space<hbm>>
    tpu.enqueue_dma source(%dma_start3A_3 : memref<160x128xi32, #tpu.memory_space<hbm>>) target(%arg20 : memref<160x128xi32, #tpu.memory_space<vmem>>) target_semaphore(%arg22 : memref<!tpu.dma_semaphore, #tpu.memory_space<semaphore_mem>>)
    %mul3A_4 = arith.constant 160 : i32
    %mul3A_5 = arith.muli %arg1, %mul3A_4 : i32
    %dma_start3A_6 = arith.constant 0 : i32
    %dma_start3A_7 = tpu.memref_slice %arg5[%mul3A_5, %dma_start3A_6] : memref<2560x128xi32, #tpu.memory_space<hbm>> -> memref<160x128xi32, #tpu.memory_space<hbm>>
    %dma_start3A_8 = arith.constant 0 : i32
    %dma_start3A_9 = tpu.memref_slice %arg5[%mul3A_5, %dma_start3A_8] : memref<2560x128xi32, #tpu.memory_space<hbm>> -> memref<160x128xi32, #tpu.memory_space<hbm>>
    tpu.enqueue_dma source(%dma_start3A_9 : memref<160x128xi32, #tpu.memory_space<hbm>>) target(%arg21 : memref<160x128xi32, #tpu.memory_space<vmem>>) target_semaphore(%arg22 : memref<!tpu.dma_semaphore, #tpu.memory_space<semaphore_mem>>)
    %broadcast_in_dim3A = arith.constant 0.000000e+00 : f32
    %broadcast_in_dim3A_10 = vector.broadcast %broadcast_in_dim3A : f32 to vector<16xf32>
    %swap3A = arith.constant 0 : i32
    %swap3A_11 = arith.index_cast %swap3A : i32 to index
    %swap3A_12 = arith.constant 0 : index
    %swap3A_13 = tpu.vector_load %arg23[%swap3A_11, %swap3A_12] {strides = array<i32>} : memref<16x64xf32, #tpu.memory_space<vmem>>, vector<1x16xf32>,
    %swap3A_14 = vector.shape_cast %swap3A_13 : vector<1x16xf32> to vector<16xf32>
    %swap3A_15 = vector.shape_cast %broadcast_in_dim3A_10 : vector<16xf32> to vector<1x16xf32>
    tpu.vector_store %arg23[%swap3A_11, %swap3A_12], %swap3A_15 {strides = array<i32>} : memref<16x64xf32, #tpu.memory_space<vmem>>, vector<1x16xf32>,
    %swap3A_16 = arith.constant 0 : i32
    %swap3A_17 = arith.index_cast %swap3A_16 : i32 to index
    %swap3A_18 = arith.constant 16 : index
    %swap3A_19 = tpu.vector_load %arg23[%swap3A_17, %swap3A_18] {strides = array<i32>} : memref<16x64xf32, #tpu.memory_space<vmem>>, vector<1x16xf32>,
    %swap3A_20 = vector.shape_cast %swap3A_19 : vector<1x16xf32> to vector<16xf32>
    %swap3A_21 = vector.shape_cast %broadcast_in_dim3A_10 : vector<16xf32> to vector<1x16xf32>
    tpu.vector_store %arg23[%swap3A_17, %swap3A_18], %swap3A_21 {strides = array<i32>} : memref<16x64xf32, #tpu.memory_space<vmem>>, vector<1x16xf32>,
    %swap3A_22 = arith.constant 0 : i32
    %swap3A_23 = arith.index_cast %swap3A_22 : i32 to index
    %swap3A_24 = arith.constant 32 : index
    %swap3A_25 = tpu.vector_load %arg23[%swap3A_23, %swap3A_24] {strides = array<i32>} : memref<16x64xf32, #tpu.memory_space<vmem>>, vector<1x16xf32>,
    %swap3A_26 = vector.shape_cast %swap3A_25 : vector<1x16xf32> to vector<16xf32>
    %swap3A_27 = vector.shape_cast %broadcast_in_dim3A_10 : vector<16xf32> to vector<1x16xf32>
    tpu.vector_store %arg23[%swap3A_23, %swap3A_24], %swap3A_27 {strides = array<i32>} : memref<16x64xf32, #tpu.memory_space<vmem>>, vector<1x16xf32>,
    %swap3A_28 = arith.constant 0 : i32
    %swap3A_29 = arith.index_cast %swap3A_28 : i32 to index
    %swap3A_30 = arith.constant 48 : index
    %swap3A_31 = tpu.vector_load %arg23[%swap3A_29, %swap3A_30] {strides = array<i32>} : memref<16x64xf32, #tpu.memory_space<vmem>>, vector<1x16xf32>,
    %swap3A_32 = vector.shape_cast %swap3A_31 : vector<1x16xf32> to vector<16xf32>
    %swap3A_33 = vector.shape_cast %broadcast_in_dim3A_10 : vector<16xf32> to vector<1x16xf32>
    tpu.vector_store %arg23[%swap3A_29, %swap3A_30], %swap3A_33 {strides = array<i32>} : memref<16x64xf32, #tpu.memory_space<vmem>>, vector<1x16xf32>,
    %swap3A_34 = arith.constant 1 : i32
    %swap3A_35 = arith.index_cast %swap3A_34 : i32 to index
    %swap3A_36 = arith.constant 0 : index
    %swap3A_37 = tpu.vector_load %arg23[%swap3A_35, %swap3A_36] {strides = array<i32>} : memref<16x64xf32, #tpu.memory_space<vmem>>, vector<1x16xf32>,
    %swap3A_38 = vector.shape_cast %swap3A_37 : vector<1x16xf32> to vector<16xf32>
    %swap3A_39 = vector.shape_cast %broadcast_in_dim3A_10 : vector<16xf32> to vector<1x16xf32>
    tpu.vector_store %arg23[%swap3A_35, %swap3A_36], %swap3A_39 {strides = array<i32>} : memref<16x64xf32, #tpu.memory_space<vmem>>, vector<1x16xf32>,
    %swap3A_40 = arith.constant 1 : i32
    %swap3A_41 = arith.index_cast %swap3A_40 : i32 to index
    %swap3A_42 = arith.constant 16 : index
    %swap3A_43 = tpu.vector_load %arg23[%swap3A_41, %swap3A_42] {strides = array<i32>} : memref<16x64xf32, #tpu.memory_space<vmem>>, vector<1x16xf32>,
    %swap3A_44 = vector.shape_cast %swap3A_43 : vector<1x16xf32> to vector<16xf32>
    %swap3A_45 = vector.shape_cast %broadcast_in_dim3A_10 : vector<16xf32> to vector<1x16xf32>
    tpu.vector_store %arg23[%swap3A_41, %swap3A_42], %swap3A_45 {strides = array<i32>} : memref<16x64xf32, #tpu.memory_space<vmem>>, vector<1x16xf32>,
    %swap3A_46 = arith.constant 1 : i32
    %swap3A_47 = arith.index_cast %swap3A_46 : i32 to index
    %swap3A_48 = arith.constant 32 : index
    %swap3A_49 = tpu.vector_load %arg23[%swap3A_47, %swap3A_48] {strides = array<i32>} : memref<16x64xf32, #tpu.memory_space<vmem>>, vector<1x16xf32>,
    %swap3A_50 = vector.shape_cast %swap3A_49 : vector<1x16xf32> to vector<16xf32>
    %swap3A_51 = vector.shape_cast %broadcast_in_dim3A_10 : vector<16xf32> to vector<1x16xf32>
    tpu.vector_store %arg23[%swap3A_47, %swap3A_48], %swap3A_51 {strides = array<i32>} : memref<16x64xf32, #tpu.memory_space<vmem>>, vector<1x16xf32>,
    %swap3A_52 = arith.constant 1 : i32
    %swap3A_53 = arith.index_cast %swap3A_52 : i32 to index
    %swap3A_54 = arith.constant 48 : index
    %swap3A_55 = tpu.vector_load %arg23[%swap3A_53, %swap3A_54] {strides = array<i32>} : memref<16x64xf32, #tpu.memory_space<vmem>>, vector<1x16xf32>,
    %swap3A_56 = vector.shape_cast %swap3A_55 : vector<1x16xf32> to vector<16xf32>
    %swap3A_57 = vector.shape_cast %broadcast_in_dim3A_10 : vector<16xf32> to vector<1x16xf32>
    tpu.vector_store %arg23[%swap3A_53, %swap3A_54], %swap3A_57 {strides = array<i32>} : memref<16x64xf32, #tpu.memory_space<vmem>>, vector<1x16xf32>,
    %swap3A_58 = arith.constant 2 : i32
    %swap3A_59 = arith.index_cast %swap3A_58 : i32 to index
    %swap3A_60 = arith.constant 0 : index
    %swap3A_61 = tpu.vector_load %arg23[%swap3A_59, %swap3A_60] {strides = array<i32>} : memref<16x64xf32, #tpu.memory_space<vmem>>, vector<1x16xf32>,
    %swap3A_62 = vector.shape_cast %swap3A_61 : vector<1x16xf32> to vector<16xf32>
    %swap3A_63 = vector.shape_cast %broadcast_in_dim3A_10 : vector<16xf32> to vector<1x16xf32>
    tpu.vector_store %arg23[%swap3A_59, %swap3A_60], %swap3A_63 {strides = array<i32>} : memref<16x64xf32, #tpu.memory_space<vmem>>, vector<1x16xf32>,
    %swap3A_64 = arith.constant 2 : i32
    %swap3A_65 = arith.index_cast %swap3A_64 : i32 to index
    %swap3A_66 = arith.constant 16 : index
    %swap3A_67 = tpu.vector_load %arg23[%swap3A_65, %swap3A_66] {strides = array<i32>} : memref<16x64xf32, #tpu.memory_space<vmem>>, vector<1x16xf32>,
    %swap3A_68 = vector.shape_cast %swap3A_67 : vector<1x16xf32> to vector<16xf32>
    %swap3A_69 = vector.shape_cast %broadcast_in_dim3A_10 : vector<16xf32> to vector<1x16xf32>
    tpu.vector_store %arg23[%swap3A_65, %swap3A_66], %swap3A_69 {strides = array<i32>} : memref<16x64xf32, #tpu.memory_space<vmem>>, vector<1x16xf32>,
    %swap3A_70 = arith.constant 2 : i32
    %swap3A_71 = arith.index_cast %swap3A_70 : i32 to index
    %swap3A_72 = arith.constant 32 : index
    %swap3A_73 = tpu.vector_load %arg23[%swap3A_71, %swap3A_72] {strides = array<i32>} : memref<16x64xf32, #tpu.memory_space<vmem>>, vector<1x16xf32>,
    %swap3A_74 = vector.shape_cast %swap3A_73 : vector<1x16xf32> to vector<16xf32>
    %swap3A_75 = vector.shape_cast %broadcast_in_dim3A_10 : vector<16xf32> to vector<1x16xf32>
    tpu.vector_store %arg23[%swap3A_71, %swap3A_72], %swap3A_75 {strides = array<i32>} : memref<16x64xf32, #tpu.memory_space<vmem>>, vector<1x16xf32>,
    %swap3A_76 = arith.constant 2 : i32
    %swap3A_77 = arith.index_cast %swap3A_76 : i32 to index
    %swap3A_78 = arith.constant 48 : index
    %swap3A_79 = tpu.vector_load %arg23[%swap3A_77, %swap3A_78] {strides = array<i32>} : memref<16x64xf32, #tpu.memory_space<vmem>>, vector<1x16xf32>,
    %swap3A_80 = vector.shape_cast %swap3A_79 : vector<1x16xf32> to vector<16xf32>
    %swap3A_81 = vector.shape_cast %broadcast_in_dim3A_10 : vector<16xf32> to vector<1x16xf32>
    tpu.vector_store %arg23[%swap3A_77, %swap3A_78], %swap3A_81 {strides = array<i32>} : memref<16x64xf32, #tpu.memory_space<vmem>>, vector<1x16xf32>,
    %swap3A_82 = arith.constant 3 : i32
    %swap3A_83 = arith.index_cast %swap3A_82 : i32 to index
    %swap3A_84 = arith.constant 0 : index
    %swap3A_85 = tpu.vector_load %arg23[%swap3A_83, %swap3A_84] {strides = array<i32>} : memref<16x64xf32, #tpu.memory_space<vmem>>, vector<1x16xf32>,
    %swap3A_86 = vector.shape_cast %swap3A_85 : vector<1x16xf32> to vector<16xf32>
    %swap3A_87 = vector.shape_cast %broadcast_in_dim3A_10 : vector<16xf32> to vector<1x16xf32>
    tpu.vector_store %arg23[%swap3A_83, %swap3A_84], %swap3A_87 {strides = array<i32>} : memref<16x64xf32, #tpu.memory_space<vmem>>, vector<1x16xf32>,
    %swap3A_88 = arith.constant 3 : i32
    %swap3A_89 = arith.index_cast %swap3A_88 : i32 to index
    %swap3A_90 = arith.constant 16 : index
    %swap3A_91 = tpu.vector_load %arg23[%swap3A_89, %swap3A_90] {strides = array<i32>} : memref<16x64xf32, #tpu.memory_space<vmem>>, vector<1x16xf32>,
    %swap3A_92 = vector.shape_cast %swap3A_91 : vector<1x16xf32> to vector<16xf32>
    %swap3A_93 = vector.shape_cast %broadcast_in_dim3A_10 : vector<16xf32> to vector<1x16xf32>
    tpu.vector_store %arg23[%swap3A_89, %swap3A_90], %swap3A_93 {strides = array<i32>} : memref<16x64xf32, #tpu.memory_space<vmem>>, vector<1x16xf32>,
    %swap3A_94 = arith.constant 3 : i32
    %swap3A_95 = arith.index_cast %swap3A_94 : i32 to index
    %swap3A_96 = arith.constant 32 : index
    %swap3A_97 = tpu.vector_load %arg23[%swap3A_95, %swap3A_96] {strides = array<i32>} : memref<16x64xf32, #tpu.memory_space<vmem>>, vector<1x16xf32>,
    %swap3A_98 = vector.shape_cast %swap3A_97 : vector<1x16xf32> to vector<16xf32>
    %swap3A_99 = vector.shape_cast %broadcast_in_dim3A_10 : vector<16xf32> to vector<1x16xf32>
    tpu.vector_store %arg23[%swap3A_95, %swap3A_96], %swap3A_99 {strides = array<i32>} : memref<16x64xf32, #tpu.memory_space<vmem>>, vector<1x16xf32>,
    %swap3A_100 = arith.constant 3 : i32
    %swap3A_101 = arith.index_cast %swap3A_100 : i32 to index
    %swap3A_102 = arith.constant 48 : index
    %swap3A_103 = tpu.vector_load %arg23[%swap3A_101, %swap3A_102] {strides = array<i32>} : memref<16x64xf32, #tpu.memory_space<vmem>>, vector<1x16xf32>,
    %swap3A_104 = vector.shape_cast %swap3A_103 : vector<1x16xf32> to vector<16xf32>
    %swap3A_105 = vector.shape_cast %broadcast_in_dim3A_10 : vector<16xf32> to vector<1x16xf32>
    tpu.vector_store %arg23[%swap3A_101, %swap3A_102], %swap3A_105 {strides = array<i32>} : memref<16x64xf32, #tpu.memory_space<vmem>>, vector<1x16xf32>,
    %swap3A_106 = arith.constant 4 : i32
    %swap3A_107 = arith.index_cast %swap3A_106 : i32 to index
    %swap3A_108 = arith.constant 0 : index
    %swap3A_109 = tpu.vector_load %arg23[%swap3A_107, %swap3A_108] {strides = array<i32>} : memref<16x64xf32, #tpu.memory_space<vmem>>, vector<1x16xf32>,
    %swap3A_110 = vector.shape_cast %swap3A_109 : vector<1x16xf32> to vector<16xf32>
    %swap3A_111 = vector.shape_cast %broadcast_in_dim3A_10 : vector<16xf32> to vector<1x16xf32>
    tpu.vector_store %arg23[%swap3A_107, %swap3A_108], %swap3A_111 {strides = array<i32>} : memref<16x64xf32, #tpu.memory_space<vmem>>, vector<1x16xf32>,
    %swap3A_112 = arith.constant 4 : i32
    %swap3A_113 = arith.index_cast %swap3A_112 : i32 to index
    %swap3A_114 = arith.constant 16 : index
    %swap3A_115 = tpu.vector_load %arg23[%swap3A_113, %swap3A_114] {strides = array<i32>} : memref<16x64xf32, #tpu.memory_space<vmem>>, vector<1x16xf32>,
    %swap3A_116 = vector.shape_cast %swap3A_115 : vector<1x16xf32> to vector<16xf32>
    %swap3A_117 = vector.shape_cast %broadcast_in_dim3A_10 : vector<16xf32> to vector<1x16xf32>
    tpu.vector_store %arg23[%swap3A_113, %swap3A_114], %swap3A_117 {strides = array<i32>} : memref<16x64xf32, #tpu.memory_space<vmem>>, vector<1x16xf32>,
    %swap3A_118 = arith.constant 4 : i32
    %swap3A_119 = arith.index_cast %swap3A_118 : i32 to index
    %swap3A_120 = arith.constant 32 : index
    %swap3A_121 = tpu.vector_load %arg23[%swap3A_119, %swap3A_120] {strides = array<i32>} : memref<16x64xf32, #tpu.memory_space<vmem>>, vector<1x16xf32>,
    %swap3A_122 = vector.shape_cast %swap3A_121 : vector<1x16xf32> to vector<16xf32>
    %swap3A_123 = vector.shape_cast %broadcast_in_dim3A_10 : vector<16xf32> to vector<1x16xf32>
    tpu.vector_store %arg23[%swap3A_119, %swap3A_120], %swap3A_123 {strides = array<i32>} : memref<16x64xf32, #tpu.memory_space<vmem>>, vector<1x16xf32>,
    %swap3A_124 = arith.constant 4 : i32
    %swap3A_125 = arith.index_cast %swap3A_124 : i32 to index
    %swap3A_126 = arith.constant 48 : index
    %swap3A_127 = tpu.vector_load %arg23[%swap3A_125, %swap3A_126] {strides = array<i32>} : memref<16x64xf32, #tpu.memory_space<vmem>>, vector<1x16xf32>,
    %swap3A_128 = vector.shape_cast %swap3A_127 : vector<1x16xf32> to vector<16xf32>
    %swap3A_129 = vector.shape_cast %broadcast_in_dim3A_10 : vector<16xf32> to vector<1x16xf32>
    tpu.vector_store %arg23[%swap3A_125, %swap3A_126], %swap3A_129 {strides = array<i32>} : memref<16x64xf32, #tpu.memory_space<vmem>>, vector<1x16xf32>,
    %swap3A_130 = arith.constant 5 : i32
    %swap3A_131 = arith.index_cast %swap3A_130 : i32 to index
    %swap3A_132 = arith.constant 0 : index
    %swap3A_133 = tpu.vector_load %arg23[%swap3A_131, %swap3A_132] {strides = array<i32>} : memref<16x64xf32, #tpu.memory_space<vmem>>, vector<1x16xf32>,
    %swap3A_134 = vector.shape_cast %swap3A_133 : vector<1x16xf32> to vector<16xf32>
    %swap3A_135 = vector.shape_cast %broadcast_in_dim3A_10 : vector<16xf32> to vector<1x16xf32>
    tpu.vector_store %arg23[%swap3A_131, %swap3A_132], %swap3A_135 {strides = array<i32>} : memref<16x64xf32, #tpu.memory_space<vmem>>, vector<1x16xf32>,
    %swap3A_136 = arith.constant 5 : i32
    %swap3A_137 = arith.index_cast %swap3A_136 : i32 to index
    %swap3A_138 = arith.constant 16 : index
    %swap3A_139 = tpu.vector_load %arg23[%swap3A_137, %swap3A_138] {strides = array<i32>} : memref<16x64xf32, #tpu.memory_space<vmem>>, vector<1x16xf32>,
    %swap3A_140 = vector.shape_cast %swap3A_139 : vector<1x16xf32> to vector<16xf32>
    %swap3A_141 = vector.shape_cast %broadcast_in_dim3A_10 : vector<16xf32> to vector<1x16xf32>
    tpu.vector_store %arg23[%swap3A_137, %swap3A_138], %swap3A_141 {strides = array<i32>} : memref<16x64xf32, #tpu.memory_space<vmem>>, vector<1x16xf32>,
    %swap3A_142 = arith.constant 5 : i32
    %swap3A_143 = arith.index_cast %swap3A_142 : i32 to index
    %swap3A_144 = arith.constant 32 : index
    %swap3A_145 = tpu.vector_load %arg23[%swap3A_143, %swap3A_144] {strides = array<i32>} : memref<16x64xf32, #tpu.memory_space<vmem>>, vector<1x16xf32>,
    %swap3A_146 = vector.shape_cast %swap3A_145 : vector<1x16xf32> to vector<16xf32>
    %swap3A_147 = vector.shape_cast %broadcast_in_dim3A_10 : vector<16xf32> to vector<1x16xf32>
    tpu.vector_store %arg23[%swap3A_143, %swap3A_144], %swap3A_147 {strides = array<i32>} : memref<16x64xf32, #tpu.memory_space<vmem>>, vector<1x16xf32>,
    %swap3A_148 = arith.constant 5 : i32
    %swap3A_149 = arith.index_cast %swap3A_148 : i32 to index
    %swap3A_150 = arith.constant 48 : index
    %swap3A_151 = tpu.vector_load %arg23[%swap3A_149, %swap3A_150] {strides = array<i32>} : memref<16x64xf32, #tpu.memory_space<vmem>>, vector<1x16xf32>,
    %swap3A_152 = vector.shape_cast %swap3A_151 : vector<1x16xf32> to vector<16xf32>
    %swap3A_153 = vector.shape_cast %broadcast_in_dim3A_10 : vector<16xf32> to vector<1x16xf32>
    tpu.vector_store %arg23[%swap3A_149, %swap3A_150], %swap3A_153 {strides = array<i32>} : memref<16x64xf32, #tpu.memory_space<vmem>>, vector<1x16xf32>,
    %swap3A_154 = arith.constant 6 : i32
    %swap3A_155 = arith.index_cast %swap3A_154 : i32 to index
    %swap3A_156 = arith.constant 0 : index
    %swap3A_157 = tpu.vector_load %arg23[%swap3A_155, %swap3A_156] {strides = array<i32>} : memref<16x64xf32, #tpu.memory_space<vmem>>, vector<1x16xf32>,
    %swap3A_158 = vector.shape_cast %swap3A_157 : vector<1x16xf32> to vector<16xf32>
    %swap3A_159 = vector.shape_cast %broadcast_in_dim3A_10 : vector<16xf32> to vector<1x16xf32>
    tpu.vector_store %arg23[%swap3A_155, %swap3A_156], %swap3A_159 {strides = array<i32>} : memref<16x64xf32, #tpu.memory_space<vmem>>, vector<1x16xf32>,
    %swap3A_160 = arith.constant 6 : i32
    %swap3A_161 = arith.index_cast %swap3A_160 : i32 to index
    %swap3A_162 = arith.constant 16 : index
    %swap3A_163 = tpu.vector_load %arg23[%swap3A_161, %swap3A_162] {strides = array<i32>} : memref<16x64xf32, #tpu.memory_space<vmem>>, vector<1x16xf32>,
    %swap3A_164 = vector.shape_cast %swap3A_163 : vector<1x16xf32> to vector<16xf32>
    %swap3A_165 = vector.shape_cast %broadcast_in_dim3A_10 : vector<16xf32> to vector<1x16xf32>
    tpu.vector_store %arg23[%swap3A_161, %swap3A_162], %swap3A_165 {strides = array<i32>} : memref<16x64xf32, #tpu.memory_space<vmem>>, vector<1x16xf32>,
    %swap3A_166 = arith.constant 6 : i32
    %swap3A_167 = arith.index_cast %swap3A_166 : i32 to index
    %swap3A_168 = arith.constant 32 : index
    %swap3A_169 = tpu.vector_load %arg23[%swap3A_167, %swap3A_168] {strides = array<i32>} : memref<16x64xf32, #tpu.memory_space<vmem>>, vector<1x16xf32>,
    %swap3A_170 = vector.shape_cast %swap3A_169 : vector<1x16xf32> to vector<16xf32>
    %swap3A_171 = vector.shape_cast %broadcast_in_dim3A_10 : vector<16xf32> to vector<1x16xf32>
    tpu.vector_store %arg23[%swap3A_167, %swap3A_168], %swap3A_171 {strides = array<i32>} : memref<16x64xf32, #tpu.memory_space<vmem>>, vector<1x16xf32>,
    %swap3A_172 = arith.constant 6 : i32
    %swap3A_173 = arith.index_cast %swap3A_172 : i32 to index
    %swap3A_174 = arith.constant 48 : index
    %swap3A_175 = tpu.vector_load %arg23[%swap3A_173, %swap3A_174] {strides = array<i32>} : memref<16x64xf32, #tpu.memory_space<vmem>>, vector<1x16xf32>,
    %swap3A_176 = vector.shape_cast %swap3A_175 : vector<1x16xf32> to vector<16xf32>
    %swap3A_177 = vector.shape_cast %broadcast_in_dim3A_10 : vector<16xf32> to vector<1x16xf32>
    tpu.vector_store %arg23[%swap3A_173, %swap3A_174], %swap3A_177 {strides = array<i32>} : memref<16x64xf32, #tpu.memory_space<vmem>>, vector<1x16xf32>,
    %swap3A_178 = arith.constant 7 : i32
    %swap3A_179 = arith.index_cast %swap3A_178 : i32 to index
    %swap3A_180 = arith.constant 0 : index
    %swap3A_181 = tpu.vector_load %arg23[%swap3A_179, %swap3A_180] {strides = array<i32>} : memref<16x64xf32, #tpu.memory_space<vmem>>, vector<1x16xf32>,
    %swap3A_182 = vector.shape_cast %swap3A_181 : vector<1x16xf32> to vector<16xf32>
    %swap3A_183 = vector.shape_cast %broadcast_in_dim3A_10 : vector<16xf32> to vector<1x16xf32>
    tpu.vector_store %arg23[%swap3A_179, %swap3A_180], %swap3A_183 {strides = array<i32>} : memref<16x64xf32, #tpu.memory_space<vmem>>, vector<1x16xf32>,
    %swap3A_184 = arith.constant 7 : i32
    %swap3A_185 = arith.index_cast %swap3A_184 : i32 to index
    %swap3A_186 = arith.constant 16 : index
    %swap3A_187 = tpu.vector_load %arg23[%swap3A_185, %swap3A_186] {strides = array<i32>} : memref<16x64xf32, #tpu.memory_space<vmem>>, vector<1x16xf32>,
    %swap3A_188 = vector.shape_cast %swap3A_187 : vector<1x16xf32> to vector<16xf32>
    %swap3A_189 = vector.shape_cast %broadcast_in_dim3A_10 : vector<16xf32> to vector<1x16xf32>
    tpu.vector_store %arg23[%swap3A_185, %swap3A_186], %swap3A_189 {strides = array<i32>} : memref<16x64xf32, #tpu.memory_space<vmem>>, vector<1x16xf32>,
    %swap3A_190 = arith.constant 7 : i32
    %swap3A_191 = arith.index_cast %swap3A_190 : i32 to index
    %swap3A_192 = arith.constant 32 : index
    %swap3A_193 = tpu.vector_load %arg23[%swap3A_191, %swap3A_192] {strides = array<i32>} : memref<16x64xf32, #tpu.memory_space<vmem>>, vector<1x16xf32>,
    %swap3A_194 = vector.shape_cast %swap3A_193 : vector<1x16xf32> to vector<16xf32>
    %swap3A_195 = vector.shape_cast %broadcast_in_dim3A_10 : vector<16xf32> to vector<1x16xf32>
    tpu.vector_store %arg23[%swap3A_191, %swap3A_192], %swap3A_195 {strides = array<i32>} : memref<16x64xf32, #tpu.memory_space<vmem>>, vector<1x16xf32>,
    %swap3A_196 = arith.constant 7 : i32
    %swap3A_197 = arith.index_cast %swap3A_196 : i32 to index
    %swap3A_198 = arith.constant 48 : index
    %swap3A_199 = tpu.vector_load %arg23[%swap3A_197, %swap3A_198] {strides = array<i32>} : memref<16x64xf32, #tpu.memory_space<vmem>>, vector<1x16xf32>,
    %swap3A_200 = vector.shape_cast %swap3A_199 : vector<1x16xf32> to vector<16xf32>
    %swap3A_201 = vector.shape_cast %broadcast_in_dim3A_10 : vector<16xf32> to vector<1x16xf32>
    tpu.vector_store %arg23[%swap3A_197, %swap3A_198], %swap3A_201 {strides = array<i32>} : memref<16x64xf32, #tpu.memory_space<vmem>>, vector<1x16xf32>,
    %swap3A_202 = arith.constant 8 : i32
    %swap3A_203 = arith.index_cast %swap3A_202 : i32 to index
    %swap3A_204 = arith.constant 0 : index
    %swap3A_205 = tpu.vector_load %arg23[%swap3A_203, %swap3A_204] {strides = array<i32>} : memref<16x64xf32, #tpu.memory_space<vmem>>, vector<1x16xf32>,
    %swap3A_206 = vector.shape_cast %swap3A_205 : vector<1x16xf32> to vector<16xf32>
    %swap3A_207 = vector.shape_cast %broadcast_in_dim3A_10 : vector<16xf32> to vector<1x16xf32>
    tpu.vector_store %arg23[%swap3A_203, %swap3A_204], %swap3A_207 {strides = array<i32>} : memref<16x64xf32, #tpu.memory_space<vmem>>, vector<1x16xf32>,
    %swap3A_208 = arith.constant 8 : i32
    %swap3A_209 = arith.index_cast %swap3A_208 : i32 to index
    %swap3A_210 = arith.constant 16 : index
    %swap3A_211 = tpu.vector_load %arg23[%swap3A_209, %swap3A_210] {strides = array<i32>} : memref<16x64xf32, #tpu.memory_space<vmem>>, vector<1x16xf32>,
    %swap3A_212 = vector.shape_cast %swap3A_211 : vector<1x16xf32> to vector<16xf32>
    %swap3A_213 = vector.shape_cast %broadcast_in_dim3A_10 : vector<16xf32> to vector<1x16xf32>
    tpu.vector_store %arg23[%swap3A_209, %swap3A_210], %swap3A_213 {strides = array<i32>} : memref<16x64xf32, #tpu.memory_space<vmem>>, vector<1x16xf32>,
    %swap3A_214 = arith.constant 8 : i32
    %swap3A_215 = arith.index_cast %swap3A_214 : i32 to index
    %swap3A_216 = arith.constant 32 : index
    %swap3A_217 = tpu.vector_load %arg23[%swap3A_215, %swap3A_216] {strides = array<i32>} : memref<16x64xf32, #tpu.memory_space<vmem>>, vector<1x16xf32>,
    %swap3A_218 = vector.shape_cast %swap3A_217 : vector<1x16xf32> to vector<16xf32>
    %swap3A_219 = vector.shape_cast %broadcast_in_dim3A_10 : vector<16xf32> to vector<1x16xf32>
    tpu.vector_store %arg23[%swap3A_215, %swap3A_216], %swap3A_219 {strides = array<i32>} : memref<16x64xf32, #tpu.memory_space<vmem>>, vector<1x16xf32>,
    %swap3A_220 = arith.constant 8 : i32
    %swap3A_221 = arith.index_cast %swap3A_220 : i32 to index
    %swap3A_222 = arith.constant 48 : index
    %swap3A_223 = tpu.vector_load %arg23[%swap3A_221, %swap3A_222] {strides = array<i32>} : memref<16x64xf32, #tpu.memory_space<vmem>>, vector<1x16xf32>,
    %swap3A_224 = vector.shape_cast %swap3A_223 : vector<1x16xf32> to vector<16xf32>
    %swap3A_225 = vector.shape_cast %broadcast_in_dim3A_10 : vector<16xf32> to vector<1x16xf32>
    tpu.vector_store %arg23[%swap3A_221, %swap3A_222], %swap3A_225 {strides = array<i32>} : memref<16x64xf32, #tpu.memory_space<vmem>>, vector<1x16xf32>,
    %swap3A_226 = arith.constant 9 : i32
    %swap3A_227 = arith.index_cast %swap3A_226 : i32 to index
    %swap3A_228 = arith.constant 0 : index
    %swap3A_229 = tpu.vector_load %arg23[%swap3A_227, %swap3A_228] {strides = array<i32>} : memref<16x64xf32, #tpu.memory_space<vmem>>, vector<1x16xf32>,
    %swap3A_230 = vector.shape_cast %swap3A_229 : vector<1x16xf32> to vector<16xf32>
    %swap3A_231 = vector.shape_cast %broadcast_in_dim3A_10 : vector<16xf32> to vector<1x16xf32>
    tpu.vector_store %arg23[%swap3A_227, %swap3A_228], %swap3A_231 {strides = array<i32>} : memref<16x64xf32, #tpu.memory_space<vmem>>, vector<1x16xf32>,
    %swap3A_232 = arith.constant 9 : i32
    %swap3A_233 = arith.index_cast %swap3A_232 : i32 to index
    %swap3A_234 = arith.constant 16 : index
    %swap3A_235 = tpu.vector_load %arg23[%swap3A_233, %swap3A_234] {strides = array<i32>} : memref<16x64xf32, #tpu.memory_space<vmem>>, vector<1x16xf32>,
    %swap3A_236 = vector.shape_cast %swap3A_235 : vector<1x16xf32> to vector<16xf32>
    %swap3A_237 = vector.shape_cast %broadcast_in_dim3A_10 : vector<16xf32> to vector<1x16xf32>
    tpu.vector_store %arg23[%swap3A_233, %swap3A_234], %swap3A_237 {strides = array<i32>} : memref<16x64xf32, #tpu.memory_space<vmem>>, vector<1x16xf32>,
    %swap3A_238 = arith.constant 9 : i32
    %swap3A_239 = arith.index_cast %swap3A_238 : i32 to index
    %swap3A_240 = arith.constant 32 : index
    %swap3A_241 = tpu.vector_load %arg23[%swap3A_239, %swap3A_240] {strides = array<i32>} : memref<16x64xf32, #tpu.memory_space<vmem>>, vector<1x16xf32>,
    %swap3A_242 = vector.shape_cast %swap3A_241 : vector<1x16xf32> to vector<16xf32>
    %swap3A_243 = vector.shape_cast %broadcast_in_dim3A_10 : vector<16xf32> to vector<1x16xf32>
    tpu.vector_store %arg23[%swap3A_239, %swap3A_240], %swap3A_243 {strides = array<i32>} : memref<16x64xf32, #tpu.memory_space<vmem>>, vector<1x16xf32>,
    %swap3A_244 = arith.constant 9 : i32
    %swap3A_245 = arith.index_cast %swap3A_244 : i32 to index
    %swap3A_246 = arith.constant 48 : index
    %swap3A_247 = tpu.vector_load %arg23[%swap3A_245, %swap3A_246] {strides = array<i32>} : memref<16x64xf32, #tpu.memory_space<vmem>>, vector<1x16xf32>,
    %swap3A_248 = vector.shape_cast %swap3A_247 : vector<1x16xf32> to vector<16xf32>
    %swap3A_249 = vector.shape_cast %broadcast_in_dim3A_10 : vector<16xf32> to vector<1x16xf32>
    tpu.vector_store %arg23[%swap3A_245, %swap3A_246], %swap3A_249 {strides = array<i32>} : memref<16x64xf32, #tpu.memory_space<vmem>>, vector<1x16xf32>,
    %swap3A_250 = arith.constant 10 : i32
    %swap3A_251 = arith.index_cast %swap3A_250 : i32 to index
    %swap3A_252 = arith.constant 0 : index
    %swap3A_253 = tpu.vector_load %arg23[%swap3A_251, %swap3A_252] {strides = array<i32>} : memref<16x64xf32, #tpu.memory_space<vmem>>, vector<1x16xf32>,
    %swap3A_254 = vector.shape_cast %swap3A_253 : vector<1x16xf32> to vector<16xf32>
    %swap3A_255 = vector.shape_cast %broadcast_in_dim3A_10 : vector<16xf32> to vector<1x16xf32>
    tpu.vector_store %arg23[%swap3A_251, %swap3A_252], %swap3A_255 {strides = array<i32>} : memref<16x64xf32, #tpu.memory_space<vmem>>, vector<1x16xf32>,
    %swap3A_256 = arith.constant 10 : i32
    %swap3A_257 = arith.index_cast %swap3A_256 : i32 to index
    %swap3A_258 = arith.constant 16 : index
    %swap3A_259 = tpu.vector_load %arg23[%swap3A_257, %swap3A_258] {strides = array<i32>} : memref<16x64xf32, #tpu.memory_space<vmem>>, vector<1x16xf32>,
    %swap3A_260 = vector.shape_cast %swap3A_259 : vector<1x16xf32> to vector<16xf32>
    %swap3A_261 = vector.shape_cast %broadcast_in_dim3A_10 : vector<16xf32> to vector<1x16xf32>
    tpu.vector_store %arg23[%swap3A_257, %swap3A_258], %swap3A_261 {strides = array<i32>} : memref<16x64xf32, #tpu.memory_space<vmem>>, vector<1x16xf32>,
    %swap3A_262 = arith.constant 10 : i32
    %swap3A_263 = arith.index_cast %swap3A_262 : i32 to index
    %swap3A_264 = arith.constant 32 : index
    %swap3A_265 = tpu.vector_load %arg23[%swap3A_263, %swap3A_264] {strides = array<i32>} : memref<16x64xf32, #tpu.memory_space<vmem>>, vector<1x16xf32>,
    %swap3A_266 = vector.shape_cast %swap3A_265 : vector<1x16xf32> to vector<16xf32>
    %swap3A_267 = vector.shape_cast %broadcast_in_dim3A_10 : vector<16xf32> to vector<1x16xf32>
    tpu.vector_store %arg23[%swap3A_263, %swap3A_264], %swap3A_267 {strides = array<i32>} : memref<16x64xf32, #tpu.memory_space<vmem>>, vector<1x16xf32>,
    %swap3A_268 = arith.constant 10 : i32
    %swap3A_269 = arith.index_cast %swap3A_268 : i32 to index
    %swap3A_270 = arith.constant 48 : index
    %swap3A_271 = tpu.vector_load %arg23[%swap3A_269, %swap3A_270] {strides = array<i32>} : memref<16x64xf32, #tpu.memory_space<vmem>>, vector<1x16xf32>,
    %swap3A_272 = vector.shape_cast %swap3A_271 : vector<1x16xf32> to vector<16xf32>
    %swap3A_273 = vector.shape_cast %broadcast_in_dim3A_10 : vector<16xf32> to vector<1x16xf32>
    tpu.vector_store %arg23[%swap3A_269, %swap3A_270], %swap3A_273 {strides = array<i32>} : memref<16x64xf32, #tpu.memory_space<vmem>>, vector<1x16xf32>,
    %swap3A_274 = arith.constant 11 : i32
    %swap3A_275 = arith.index_cast %swap3A_274 : i32 to index
    %swap3A_276 = arith.constant 0 : index
    %swap3A_277 = tpu.vector_load %arg23[%swap3A_275, %swap3A_276] {strides = array<i32>} : memref<16x64xf32, #tpu.memory_space<vmem>>, vector<1x16xf32>,
    %swap3A_278 = vector.shape_cast %swap3A_277 : vector<1x16xf32> to vector<16xf32>
    %swap3A_279 = vector.shape_cast %broadcast_in_dim3A_10 : vector<16xf32> to vector<1x16xf32>
    tpu.vector_store %arg23[%swap3A_275, %swap3A_276], %swap3A_279 {strides = array<i32>} : memref<16x64xf32, #tpu.memory_space<vmem>>, vector<1x16xf32>,
    %swap3A_280 = arith.constant 11 : i32
    %swap3A_281 = arith.index_cast %swap3A_280 : i32 to index
    %swap3A_282 = arith.constant 16 : index
    %swap3A_283 = tpu.vector_load %arg23[%swap3A_281, %swap3A_282] {strides = array<i32>} : memref<16x64xf32, #tpu.memory_space<vmem>>, vector<1x16xf32>,
    %swap3A_284 = vector.shape_cast %swap3A_283 : vector<1x16xf32> to vector<16xf32>
    %swap3A_285 = vector.shape_cast %broadcast_in_dim3A_10 : vector<16xf32> to vector<1x16xf32>
    tpu.vector_store %arg23[%swap3A_281, %swap3A_282], %swap3A_285 {strides = array<i32>} : memref<16x64xf32, #tpu.memory_space<vmem>>, vector<1x16xf32>,
    %swap3A_286 = arith.constant 11 : i32
    %swap3A_287 = arith.index_cast %swap3A_286 : i32 to index
    %swap3A_288 = arith.constant 32 : index
    %swap3A_289 = tpu.vector_load %arg23[%swap3A_287, %swap3A_288] {strides = array<i32>} : memref<16x64xf32, #tpu.memory_space<vmem>>, vector<1x16xf32>,
    %swap3A_290 = vector.shape_cast %swap3A_289 : vector<1x16xf32> to vector<16xf32>
    %swap3A_291 = vector.shape_cast %broadcast_in_dim3A_10 : vector<16xf32> to vector<1x16xf32>
    tpu.vector_store %arg23[%swap3A_287, %swap3A_288], %swap3A_291 {strides = array<i32>} : memref<16x64xf32, #tpu.memory_space<vmem>>, vector<1x16xf32>,
    %swap3A_292 = arith.constant 11 : i32
    %swap3A_293 = arith.index_cast %swap3A_292 : i32 to index
    %swap3A_294 = arith.constant 48 : index
    %swap3A_295 = tpu.vector_load %arg23[%swap3A_293, %swap3A_294] {strides = array<i32>} : memref<16x64xf32, #tpu.memory_space<vmem>>, vector<1x16xf32>,
    %swap3A_296 = vector.shape_cast %swap3A_295 : vector<1x16xf32> to vector<16xf32>
    %swap3A_297 = vector.shape_cast %broadcast_in_dim3A_10 : vector<16xf32> to vector<1x16xf32>
    tpu.vector_store %arg23[%swap3A_293, %swap3A_294], %swap3A_297 {strides = array<i32>} : memref<16x64xf32, #tpu.memory_space<vmem>>, vector<1x16xf32>,
    %swap3A_298 = arith.constant 12 : i32
    %swap3A_299 = arith.index_cast %swap3A_298 : i32 to index
    %swap3A_300 = arith.constant 0 : index
    %swap3A_301 = tpu.vector_load %arg23[%swap3A_299, %swap3A_300] {strides = array<i32>} : memref<16x64xf32, #tpu.memory_space<vmem>>, vector<1x16xf32>,
    %swap3A_302 = vector.shape_cast %swap3A_301 : vector<1x16xf32> to vector<16xf32>
    %swap3A_303 = vector.shape_cast %broadcast_in_dim3A_10 : vector<16xf32> to vector<1x16xf32>
    tpu.vector_store %arg23[%swap3A_299, %swap3A_300], %swap3A_303 {strides = array<i32>} : memref<16x64xf32, #tpu.memory_space<vmem>>, vector<1x16xf32>,
    %swap3A_304 = arith.constant 12 : i32
    %swap3A_305 = arith.index_cast %swap3A_304 : i32 to index
    %swap3A_306 = arith.constant 16 : index
    %swap3A_307 = tpu.vector_load %arg23[%swap3A_305, %swap3A_306] {strides = array<i32>} : memref<16x64xf32, #tpu.memory_space<vmem>>, vector<1x16xf32>,
    %swap3A_308 = vector.shape_cast %swap3A_307 : vector<1x16xf32> to vector<16xf32>
    %swap3A_309 = vector.shape_cast %broadcast_in_dim3A_10 : vector<16xf32> to vector<1x16xf32>
    tpu.vector_store %arg23[%swap3A_305, %swap3A_306], %swap3A_309 {strides = array<i32>} : memref<16x64xf32, #tpu.memory_space<vmem>>, vector<1x16xf32>,
    %swap3A_310 = arith.constant 12 : i32
    %swap3A_311 = arith.index_cast %swap3A_310 : i32 to index
    %swap3A_312 = arith.constant 32 : index
    %swap3A_313 = tpu.vector_load %arg23[%swap3A_311, %swap3A_312] {strides = array<i32>} : memref<16x64xf32, #tpu.memory_space<vmem>>, vector<1x16xf32>,
    %swap3A_314 = vector.shape_cast %swap3A_313 : vector<1x16xf32> to vector<16xf32>
    %swap3A_315 = vector.shape_cast %broadcast_in_dim3A_10 : vector<16xf32> to vector<1x16xf32>
    tpu.vector_store %arg23[%swap3A_311, %swap3A_312], %swap3A_315 {strides = array<i32>} : memref<16x64xf32, #tpu.memory_space<vmem>>, vector<1x16xf32>,
    %swap3A_316 = arith.constant 12 : i32
    %swap3A_317 = arith.index_cast %swap3A_316 : i32 to index
    %swap3A_318 = arith.constant 48 : index
    %swap3A_319 = tpu.vector_load %arg23[%swap3A_317, %swap3A_318] {strides = array<i32>} : memref<16x64xf32, #tpu.memory_space<vmem>>, vector<1x16xf32>,
    %swap3A_320 = vector.shape_cast %swap3A_319 : vector<1x16xf32> to vector<16xf32>
    %swap3A_321 = vector.shape_cast %broadcast_in_dim3A_10 : vector<16xf32> to vector<1x16xf32>
    tpu.vector_store %arg23[%swap3A_317, %swap3A_318], %swap3A_321 {strides = array<i32>} : memref<16x64xf32, #tpu.memory_space<vmem>>, vector<1x16xf32>,
    %swap3A_322 = arith.constant 13 : i32
    %swap3A_323 = arith.index_cast %swap3A_322 : i32 to index
    %swap3A_324 = arith.constant 0 : index
    %swap3A_325 = tpu.vector_load %arg23[%swap3A_323, %swap3A_324] {strides = array<i32>} : memref<16x64xf32, #tpu.memory_space<vmem>>, vector<1x16xf32>,
    %swap3A_326 = vector.shape_cast %swap3A_325 : vector<1x16xf32> to vector<16xf32>
    %swap3A_327 = vector.shape_cast %broadcast_in_dim3A_10 : vector<16xf32> to vector<1x16xf32>
    tpu.vector_store %arg23[%swap3A_323, %swap3A_324], %swap3A_327 {strides = array<i32>} : memref<16x64xf32, #tpu.memory_space<vmem>>, vector<1x16xf32>,
    %swap3A_328 = arith.constant 13 : i32
    %swap3A_329 = arith.index_cast %swap3A_328 : i32 to index
    %swap3A_330 = arith.constant 16 : index
    %swap3A_331 = tpu.vector_load %arg23[%swap3A_329, %swap3A_330] {strides = array<i32>} : memref<16x64xf32, #tpu.memory_space<vmem>>, vector<1x16xf32>,
    %swap3A_332 = vector.shape_cast %swap3A_331 : vector<1x16xf32> to vector<16xf32>
    %swap3A_333 = vector.shape_cast %broadcast_in_dim3A_10 : vector<16xf32> to vector<1x16xf32>
    tpu.vector_store %arg23[%swap3A_329, %swap3A_330], %swap3A_333 {strides = array<i32>} : memref<16x64xf32, #tpu.memory_space<vmem>>, vector<1x16xf32>,
    %swap3A_334 = arith.constant 13 : i32
    %swap3A_335 = arith.index_cast %swap3A_334 : i32 to index
    %swap3A_336 = arith.constant 32 : index
    %swap3A_337 = tpu.vector_load %arg23[%swap3A_335, %swap3A_336] {strides = array<i32>} : memref<16x64xf32, #tpu.memory_space<vmem>>, vector<1x16xf32>,
    %swap3A_338 = vector.shape_cast %swap3A_337 : vector<1x16xf32> to vector<16xf32>
    %swap3A_339 = vector.shape_cast %broadcast_in_dim3A_10 : vector<16xf32> to vector<1x16xf32>
    tpu.vector_store %arg23[%swap3A_335, %swap3A_336], %swap3A_339 {strides = array<i32>} : memref<16x64xf32, #tpu.memory_space<vmem>>, vector<1x16xf32>,
    %swap3A_340 = arith.constant 13 : i32
    %swap3A_341 = arith.index_cast %swap3A_340 : i32 to index
    %swap3A_342 = arith.constant 48 : index
    %swap3A_343 = tpu.vector_load %arg23[%swap3A_341, %swap3A_342] {strides = array<i32>} : memref<16x64xf32, #tpu.memory_space<vmem>>, vector<1x16xf32>,
    %swap3A_344 = vector.shape_cast %swap3A_343 : vector<1x16xf32> to vector<16xf32>
    %swap3A_345 = vector.shape_cast %broadcast_in_dim3A_10 : vector<16xf32> to vector<1x16xf32>
    tpu.vector_store %arg23[%swap3A_341, %swap3A_342], %swap3A_345 {strides = array<i32>} : memref<16x64xf32, #tpu.memory_space<vmem>>, vector<1x16xf32>,
    %swap3A_346 = arith.constant 14 : i32
    %swap3A_347 = arith.index_cast %swap3A_346 : i32 to index
    %swap3A_348 = arith.constant 0 : index
    %swap3A_349 = tpu.vector_load %arg23[%swap3A_347, %swap3A_348] {strides = array<i32>} : memref<16x64xf32, #tpu.memory_space<vmem>>, vector<1x16xf32>,
    %swap3A_350 = vector.shape_cast %swap3A_349 : vector<1x16xf32> to vector<16xf32>
    %swap3A_351 = vector.shape_cast %broadcast_in_dim3A_10 : vector<16xf32> to vector<1x16xf32>
    tpu.vector_store %arg23[%swap3A_347, %swap3A_348], %swap3A_351 {strides = array<i32>} : memref<16x64xf32, #tpu.memory_space<vmem>>, vector<1x16xf32>,
    %swap3A_352 = arith.constant 14 : i32
    %swap3A_353 = arith.index_cast %swap3A_352 : i32 to index
    %swap3A_354 = arith.constant 16 : index
    %swap3A_355 = tpu.vector_load %arg23[%swap3A_353, %swap3A_354] {strides = array<i32>} : memref<16x64xf32, #tpu.memory_space<vmem>>, vector<1x16xf32>,
    %swap3A_356 = vector.shape_cast %swap3A_355 : vector<1x16xf32> to vector<16xf32>
    %swap3A_357 = vector.shape_cast %broadcast_in_dim3A_10 : vector<16xf32> to vector<1x16xf32>
    tpu.vector_store %arg23[%swap3A_353, %swap3A_354], %swap3A_357 {strides = array<i32>} : memref<16x64xf32, #tpu.memory_space<vmem>>, vector<1x16xf32>,
    %swap3A_358 = arith.constant 14 : i32
    %swap3A_359 = arith.index_cast %swap3A_358 : i32 to index
    %swap3A_360 = arith.constant 32 : index
    %swap3A_361 = tpu.vector_load %arg23[%swap3A_359, %swap3A_360] {strides = array<i32>} : memref<16x64xf32, #tpu.memory_space<vmem>>, vector<1x16xf32>,
    %swap3A_362 = vector.shape_cast %swap3A_361 : vector<1x16xf32> to vector<16xf32>
    %swap3A_363 = vector.shape_cast %broadcast_in_dim3A_10 : vector<16xf32> to vector<1x16xf32>
    tpu.vector_store %arg23[%swap3A_359, %swap3A_360], %swap3A_363 {strides = array<i32>} : memref<16x64xf32, #tpu.memory_space<vmem>>, vector<1x16xf32>,
    %swap3A_364 = arith.constant 14 : i32
    %swap3A_365 = arith.index_cast %swap3A_364 : i32 to index
    %swap3A_366 = arith.constant 48 : index
    %swap3A_367 = tpu.vector_load %arg23[%swap3A_365, %swap3A_366] {strides = array<i32>} : memref<16x64xf32, #tpu.memory_space<vmem>>, vector<1x16xf32>,
    %swap3A_368 = vector.shape_cast %swap3A_367 : vector<1x16xf32> to vector<16xf32>
    %swap3A_369 = vector.shape_cast %broadcast_in_dim3A_10 : vector<16xf32> to vector<1x16xf32>
    tpu.vector_store %arg23[%swap3A_365, %swap3A_366], %swap3A_369 {strides = array<i32>} : memref<16x64xf32, #tpu.memory_space<vmem>>, vector<1x16xf32>,
    %swap3A_370 = arith.constant 15 : i32
    %swap3A_371 = arith.index_cast %swap3A_370 : i32 to index
    %swap3A_372 = arith.constant 0 : index
    %swap3A_373 = tpu.vector_load %arg23[%swap3A_371, %swap3A_372] {strides = array<i32>} : memref<16x64xf32, #tpu.memory_space<vmem>>, vector<1x16xf32>,
    %swap3A_374 = vector.shape_cast %swap3A_373 : vector<1x16xf32> to vector<16xf32>
    %swap3A_375 = vector.shape_cast %broadcast_in_dim3A_10 : vector<16xf32> to vector<1x16xf32>
    tpu.vector_store %arg23[%swap3A_371, %swap3A_372], %swap3A_375 {strides = array<i32>} : memref<16x64xf32, #tpu.memory_space<vmem>>, vector<1x16xf32>,
    %swap3A_376 = arith.constant 15 : i32
    %swap3A_377 = arith.index_cast %swap3A_376 : i32 to index
    %swap3A_378 = arith.constant 16 : index
    %swap3A_379 = tpu.vector_load %arg23[%swap3A_377, %swap3A_378] {strides = array<i32>} : memref<16x64xf32, #tpu.memory_space<vmem>>, vector<1x16xf32>,
    %swap3A_380 = vector.shape_cast %swap3A_379 : vector<1x16xf32> to vector<16xf32>
    %swap3A_381 = vector.shape_cast %broadcast_in_dim3A_10 : vector<16xf32> to vector<1x16xf32>
    tpu.vector_store %arg23[%swap3A_377, %swap3A_378], %swap3A_381 {strides = array<i32>} : memref<16x64xf32, #tpu.memory_space<vmem>>, vector<1x16xf32>,
    %swap3A_382 = arith.constant 15 : i32
    %swap3A_383 = arith.index_cast %swap3A_382 : i32 to index
    %swap3A_384 = arith.constant 32 : index
    %swap3A_385 = tpu.vector_load %arg23[%swap3A_383, %swap3A_384] {strides = array<i32>} : memref<16x64xf32, #tpu.memory_space<vmem>>, vector<1x16xf32>,
    %swap3A_386 = vector.shape_cast %swap3A_385 : vector<1x16xf32> to vector<16xf32>
    %swap3A_387 = vector.shape_cast %broadcast_in_dim3A_10 : vector<16xf32> to vector<1x16xf32>
    tpu.vector_store %arg23[%swap3A_383, %swap3A_384], %swap3A_387 {strides = array<i32>} : memref<16x64xf32, #tpu.memory_space<vmem>>, vector<1x16xf32>,
    %swap3A_388 = arith.constant 15 : i32
    %swap3A_389 = arith.index_cast %swap3A_388 : i32 to index
    %swap3A_390 = arith.constant 48 : index
    %swap3A_391 = tpu.vector_load %arg23[%swap3A_389, %swap3A_390] {strides = array<i32>} : memref<16x64xf32, #tpu.memory_space<vmem>>, vector<1x16xf32>,
    %swap3A_392 = vector.shape_cast %swap3A_391 : vector<1x16xf32> to vector<16xf32>
    %swap3A_393 = vector.shape_cast %broadcast_in_dim3A_10 : vector<16xf32> to vector<1x16xf32>
    tpu.vector_store %arg23[%swap3A_389, %swap3A_390], %swap3A_393 {strides = array<i32>} : memref<16x64xf32, #tpu.memory_space<vmem>>, vector<1x16xf32>,
    %scan3A = arith.constant 0 : i32
    %scan3A_394 = arith.constant 0 : i32
    %scan3A_395 = arith.constant 40 : i32
    %scan3A_396 = arith.addi %scan3A_394, %scan3A_395 : i32
    %scan3A_397 = arith.constant 1 : i32
    %scan3A_398 = scf.for %scan3A_449 = %scan3A_394 to %scan3A_396 step %scan3A_397 iter_args(%scan3A_450 = %scan3A) -> (i32)  : i32 {
      %mul3A_451 = arith.constant 640 : i32
      %mul3A_452 = arith.muli %arg1, %mul3A_451 : i32
      %mul3A_453 = arith.constant 16 : i32
      %mul3A_454 = arith.muli %scan3A_449, %mul3A_453 : i32
      %add3A = arith.addi %mul3A_452, %mul3A_454 : i32
      "tpu.region"() ({
        %run_scoped3A = tpu.sem_alloc : memref<!tpu.dma_semaphore, #tpu.memory_space<semaphore_mem>>
        %dma_start3A_456 = arith.constant 0 : i32
        %dma_start3A_457 = tpu.memref_slice %arg24[%add3A, %dma_start3A_456] : memref<10240x64xf32, #tpu.memory_space<vmem_shared>> -> memref<16x64xf32, #tpu.memory_space<vmem_shared>>
        %dma_start3A_458 = arith.constant 0 : i32
        %dma_start3A_459 = tpu.memref_slice %arg24[%add3A, %dma_start3A_458] : memref<10240x64xf32, #tpu.memory_space<vmem_shared>> -> memref<16x64xf32, #tpu.memory_space<vmem_shared>>
        tpu.enqueue_dma source(%arg23 : memref<16x64xf32, #tpu.memory_space<vmem>>) target(%dma_start3A_459 : memref<16x64xf32, #tpu.memory_space<vmem_shared>>) target_semaphore(%run_scoped3A : memref<!tpu.dma_semaphore, #tpu.memory_space<semaphore_mem>>)
        %dma_wait3A_460 = arith.constant 0 : i32
        %dma_wait3A_461 = tpu.memref_slice %arg24[%add3A, %dma_wait3A_460] : memref<10240x64xf32, #tpu.memory_space<vmem_shared>> -> memref<16x64xf32, #tpu.memory_space<vmem_shared>>
        %dma_wait3A_462 = arith.constant 0 : i32
        %dma_wait3A_463 = tpu.memref_slice %arg24[%add3A, %dma_wait3A_462] : memref<10240x64xf32, #tpu.memory_space<vmem_shared>> -> memref<16x64xf32, #tpu.memory_space<vmem_shared>>
        tpu.wait_dma2 semaphore(%run_scoped3A : memref<!tpu.dma_semaphore, #tpu.memory_space<semaphore_mem>>) src(%arg23 : memref<16x64xf32, #tpu.memory_space<vmem>>) dst(%dma_wait3A_463 : memref<16x64xf32, #tpu.memory_space<vmem_shared>>)
        tpu.yield
      }) : () -> ()
      %scan3A_455 = arith.constant 0 : i32
      scf.yield %scan3A_455 : i32
    }
    %scan3A_399 = arith.constant 40 : i32
    %broadcast_in_dim3A_400 = arith.constant 1.000000e+00 : f32
    %broadcast_in_dim3A_401 = vector.broadcast %broadcast_in_dim3A_400 : f32 to vector<16xf32>
    %scan3A_402 = arith.constant 0 : i32
    %scan3A_403 = arith.constant 0 : i32
    %scan3A_404 = arith.constant 128 : i32
    %scan3A_405 = arith.addi %scan3A_403, %scan3A_404 : i32
    %scan3A_406 = arith.constant 1 : i32
    %scan3A_407 = scf.for %scan3A_449 = %scan3A_403 to %scan3A_405 step %scan3A_406 iter_args(%scan3A_450 = %scan3A_402) -> (i32)  : i32 {
      %swap3A_451 = arith.index_cast %scan3A_449 : i32 to index
      %swap3A_452 = arith.constant 0 : index
      %swap3A_453 = tpu.vector_load %arg25[%swap3A_451, %swap3A_452] {strides = array<i32>} : memref<128x16xf32, #tpu.memory_space<vmem>>, vector<1x16xf32>,
      %swap3A_454 = vector.shape_cast %swap3A_453 : vector<1x16xf32> to vector<16xf32>
      %swap3A_455 = vector.shape_cast %broadcast_in_dim3A_401 : vector<16xf32> to vector<1x16xf32>
      tpu.vector_store %arg25[%swap3A_451, %swap3A_452], %swap3A_455 {strides = array<i32>} : memref<128x16xf32, #tpu.memory_space<vmem>>, vector<1x16xf32>,
      %scan3A_456 = arith.constant 0 : i32
      scf.yield %scan3A_456 : i32
    }
    %scan3A_408 = arith.constant 128 : i32
    %scan3A_409 = arith.constant 0 : i32
    %scan3A_410 = arith.constant 0 : i32
    %scan3A_411 = arith.constant 64 : i32
    %scan3A_412 = arith.addi %scan3A_410, %scan3A_411 : i32
    %scan3A_413 = arith.constant 1 : i32
    %scan3A_414 = scf.for %scan3A_449 = %scan3A_410 to %scan3A_412 step %scan3A_413 iter_args(%scan3A_450 = %scan3A_409) -> (i32)  : i32 {
      %swap3A_451 = arith.index_cast %scan3A_449 : i32 to index
      %swap3A_452 = arith.constant 0 : index
      %swap3A_453 = tpu.vector_load %arg26[%swap3A_451, %swap3A_452] {strides = array<i32>} : memref<64x16xf32, #tpu.memory_space<vmem>>, vector<1x16xf32>,
      %swap3A_454 = vector.shape_cast %swap3A_453 : vector<1x16xf32> to vector<16xf32>
      %swap3A_455 = vector.shape_cast %broadcast_in_dim3A_10 : vector<16xf32> to vector<1x16xf32>
      tpu.vector_store %arg26[%swap3A_451, %swap3A_452], %swap3A_455 {strides = array<i32>} : memref<64x16xf32, #tpu.memory_space<vmem>>, vector<1x16xf32>,
      %scan3A_456 = arith.constant 0 : i32
      scf.yield %scan3A_456 : i32
    }
    %scan3A_415 = arith.constant 64 : i32
    %eq3A = arith.constant 0 : i32
    %eq3A_416 = arith.cmpi eq, %arg0, %eq3A : i32
    %convert_element_type3A = arith.extui %eq3A_416 : i1 to i32
    %cond3A = arith.constant 0 : i32
    %cond3A_417 = arith.cmpi ne, %convert_element_type3A, %cond3A : i32
    scf.if %cond3A_417 {
      %scan3A_449 = arith.constant 0 : i32
      %scan3A_450 = arith.constant 0 : i32
      %scan3A_451 = arith.constant 10 : i32
      %scan3A_452 = arith.addi %scan3A_450, %scan3A_451 : i32
      %scan3A_453 = arith.constant 1 : i32
      %scan3A_454 = scf.for %scan3A_456 = %scan3A_450 to %scan3A_452 step %scan3A_453 iter_args(%scan3A_457 = %scan3A_449) -> (i32)  : i32 {
        %mul3A_458 = arith.constant 640 : i32
        %mul3A_459 = arith.muli %arg1, %mul3A_458 : i32
        %mul3A_460 = arith.constant 64 : i32
        %mul3A_461 = arith.muli %scan3A_456, %mul3A_460 : i32
        %add3A = arith.addi %mul3A_459, %mul3A_461 : i32
        "tpu.region"() ({
          %run_scoped3A = tpu.sem_alloc : memref<!tpu.dma_semaphore, #tpu.memory_space<semaphore_mem>>
          %dma_start3A_463 = arith.constant 0 : i32
          %dma_start3A_464 = tpu.memref_slice %arg27[%add3A, %dma_start3A_463] : memref<10240x16xf32, #tpu.memory_space<vmem_shared>> -> memref<64x16xf32, #tpu.memory_space<vmem_shared>>
          %dma_start3A_465 = arith.constant 0 : i32
          %dma_start3A_466 = tpu.memref_slice %arg27[%add3A, %dma_start3A_465] : memref<10240x16xf32, #tpu.memory_space<vmem_shared>> -> memref<64x16xf32, #tpu.memory_space<vmem_shared>>
          tpu.enqueue_dma source(%arg26 : memref<64x16xf32, #tpu.memory_space<vmem>>) target(%dma_start3A_466 : memref<64x16xf32, #tpu.memory_space<vmem_shared>>) target_semaphore(%run_scoped3A : memref<!tpu.dma_semaphore, #tpu.memory_space<semaphore_mem>>)
          %dma_wait3A_467 = arith.constant 0 : i32
          %dma_wait3A_468 = tpu.memref_slice %arg27[%add3A, %dma_wait3A_467] : memref<10240x16xf32, #tpu.memory_space<vmem_shared>> -> memref<64x16xf32, #tpu.memory_space<vmem_shared>>
          %dma_wait3A_469 = arith.constant 0 : i32
          %dma_wait3A_470 = tpu.memref_slice %arg27[%add3A, %dma_wait3A_469] : memref<10240x16xf32, #tpu.memory_space<vmem_shared>> -> memref<64x16xf32, #tpu.memory_space<vmem_shared>>
          tpu.wait_dma2 semaphore(%run_scoped3A : memref<!tpu.dma_semaphore, #tpu.memory_space<semaphore_mem>>) src(%arg26 : memref<64x16xf32, #tpu.memory_space<vmem>>) dst(%dma_wait3A_470 : memref<64x16xf32, #tpu.memory_space<vmem_shared>>)
          tpu.yield
        }) : () -> ()
        %scan3A_462 = arith.constant 0 : i32
        scf.yield %scan3A_462 : i32
      }
      %scan3A_455 = arith.constant 10 : i32
    } else {
    }
    %barrier3A = arith.constant 0 : index
    tpu.barrier barrier_id(%barrier3A)
    %mul3A_418 = arith.constant 160 : i32
    %mul3A_419 = arith.muli %arg1, %mul3A_418 : i32
    %dma_wait3A = arith.constant 0 : i32
    %dma_wait3A_420 = tpu.memref_slice %arg4[%mul3A_419, %dma_wait3A] : memref<2560x128xi32, #tpu.memory_space<hbm>> -> memref<160x128xi32, #tpu.memory_space<hbm>>
    %dma_wait3A_421 = arith.constant 0 : i32
    %dma_wait3A_422 = tpu.memref_slice %arg4[%mul3A_419, %dma_wait3A_421] : memref<2560x128xi32, #tpu.memory_space<hbm>> -> memref<160x128xi32, #tpu.memory_space<hbm>>
    tpu.wait_dma2 semaphore(%arg22 : memref<!tpu.dma_semaphore, #tpu.memory_space<semaphore_mem>>) src(%dma_wait3A_422 : memref<160x128xi32, #tpu.memory_space<hbm>>) dst(%arg20 : memref<160x128xi32, #tpu.memory_space<vmem>>)
    %mul3A_423 = arith.constant 160 : i32
    %mul3A_424 = arith.muli %arg1, %mul3A_423 : i32
    %dma_wait3A_425 = arith.constant 0 : i32
    %dma_wait3A_426 = tpu.memref_slice %arg5[%mul3A_424, %dma_wait3A_425] : memref<2560x128xi32, #tpu.memory_space<hbm>> -> memref<160x128xi32, #tpu.memory_space<hbm>>
    %dma_wait3A_427 = arith.constant 0 : i32
    %dma_wait3A_428 = tpu.memref_slice %arg5[%mul3A_424, %dma_wait3A_427] : memref<2560x128xi32, #tpu.memory_space<hbm>> -> memref<160x128xi32, #tpu.memory_space<hbm>>
    tpu.wait_dma2 semaphore(%arg22 : memref<!tpu.dma_semaphore, #tpu.memory_space<semaphore_mem>>) src(%dma_wait3A_428 : memref<160x128xi32, #tpu.memory_space<hbm>>) dst(%arg21 : memref<160x128xi32, #tpu.memory_space<vmem>>)
    %eq3A_429 = arith.constant 0 : i32
    %eq3A_430 = arith.cmpi eq, %arg0, %eq3A_429 : i32
    %convert_element_type3A_431 = arith.extui %eq3A_430 : i1 to i32
    %cond3A_432 = arith.constant 0 : i32
    %cond3A_433 = arith.cmpi ne, %convert_element_type3A_431, %cond3A_432 : i32
    scf.if %cond3A_433 {
      %dma_start3A_449 = arith.constant 0 : i32
      %dma_start3A_450 = arith.constant 0 : i32
      %dma_start3A_451 = tpu.memref_slice %arg20[%dma_start3A_449, %dma_start3A_450] : memref<160x128xi32, #tpu.memory_space<vmem>> -> memref<1x128xi32, #tpu.memory_space<vmem>>
      %dma_start3A_452 = tpu.memref_squeeze %dma_start3A_451 : memref<1x128xi32, #tpu.memory_space<vmem>> -> memref<128xi32, #tpu.memory_space<vmem>>
      %dma_start3A_453 = arith.constant 0 : i32
      %dma_start3A_454 = arith.constant 0 : i32
      %dma_start3A_455 = tpu.memref_slice %arg2[%dma_start3A_453, %dma_start3A_454] : memref<10240x64xf32, #tpu.memory_space<hbm>> -> memref<10240x64xf32, #tpu.memory_space<hbm>>
      tpu.enqueue_indirect_dma source(%dma_start3A_455 : memref<10240x64xf32, #tpu.memory_space<hbm>>) target(%arg8 : memref<128x64xf32, #tpu.memory_space<vmem>>) offsets(%dma_start3A_452 : memref<128xi32, #tpu.memory_space<vmem>>) semaphore(%arg9 : memref<!tpu.dma_semaphore, #tpu.memory_space<semaphore_mem>>)
      %dma_start3A_456 = arith.constant 1 : i32
      %dma_start3A_457 = arith.constant 0 : i32
      %dma_start3A_458 = tpu.memref_slice %arg20[%dma_start3A_456, %dma_start3A_457] : memref<160x128xi32, #tpu.memory_space<vmem>> -> memref<1x128xi32, #tpu.memory_space<vmem>>
      %dma_start3A_459 = tpu.memref_squeeze %dma_start3A_458 : memref<1x128xi32, #tpu.memory_space<vmem>> -> memref<128xi32, #tpu.memory_space<vmem>>
      %dma_start3A_460 = arith.constant 0 : i32
      %dma_start3A_461 = arith.constant 0 : i32
      %dma_start3A_462 = tpu.memref_slice %arg2[%dma_start3A_460, %dma_start3A_461] : memref<10240x64xf32, #tpu.memory_space<hbm>> -> memref<10240x64xf32, #tpu.memory_space<hbm>>
      tpu.enqueue_indirect_dma source(%dma_start3A_462 : memref<10240x64xf32, #tpu.memory_space<hbm>>) target(%arg11 : memref<128x64xf32, #tpu.memory_space<vmem>>) offsets(%dma_start3A_459 : memref<128xi32, #tpu.memory_space<vmem>>) semaphore(%arg12 : memref<!tpu.dma_semaphore, #tpu.memory_space<semaphore_mem>>)
      %dma_start3A_463 = arith.constant 2 : i32
      %dma_start3A_464 = arith.constant 0 : i32
      %dma_start3A_465 = tpu.memref_slice %arg20[%dma_start3A_463, %dma_start3A_464] : memref<160x128xi32, #tpu.memory_space<vmem>> -> memref<1x128xi32, #tpu.memory_space<vmem>>
      %dma_start3A_466 = tpu.memref_squeeze %dma_start3A_465 : memref<1x128xi32, #tpu.memory_space<vmem>> -> memref<128xi32, #tpu.memory_space<vmem>>
      %dma_start3A_467 = arith.constant 0 : i32
      %dma_start3A_468 = arith.constant 0 : i32
      %dma_start3A_469 = tpu.memref_slice %arg2[%dma_start3A_467, %dma_start3A_468] : memref<10240x64xf32, #tpu.memory_space<hbm>> -> memref<10240x64xf32, #tpu.memory_space<hbm>>
      tpu.enqueue_indirect_dma source(%dma_start3A_469 : memref<10240x64xf32, #tpu.memory_space<hbm>>) target(%arg14 : memref<128x64xf32, #tpu.memory_space<vmem>>) offsets(%dma_start3A_466 : memref<128xi32, #tpu.memory_space<vmem>>) semaphore(%arg15 : memref<!tpu.dma_semaphore, #tpu.memory_space<semaphore_mem>>)
      %dma_wait3A_470 = arith.constant 0 : i32
      %dma_wait3A_471 = arith.constant 0 : i32
      %dma_wait3A_472 = tpu.memref_slice %arg20[%dma_wait3A_470, %dma_wait3A_471] : memref<160x128xi32, #tpu.memory_space<vmem>> -> memref<1x128xi32, #tpu.memory_space<vmem>>
      %dma_wait3A_473 = tpu.memref_squeeze %dma_wait3A_472 : memref<1x128xi32, #tpu.memory_space<vmem>> -> memref<128xi32, #tpu.memory_space<vmem>>
      %dma_wait3A_474 = arith.constant 0 : i32
      %dma_wait3A_475 = arith.constant 0 : i32
      %dma_wait3A_476 = tpu.memref_slice %arg2[%dma_wait3A_474, %dma_wait3A_475] : memref<10240x64xf32, #tpu.memory_space<hbm>> -> memref<10240x64xf32, #tpu.memory_space<hbm>>
      tpu.wait_indirect_dma semaphore(%arg9 : memref<!tpu.dma_semaphore, #tpu.memory_space<semaphore_mem>>) src(%dma_wait3A_476 : memref<10240x64xf32, #tpu.memory_space<hbm>>) dst(%arg8 : memref<128x64xf32, #tpu.memory_space<vmem>>)
      %dma_start3A_477 = arith.constant 0 : i32
      %dma_start3A_478 = arith.constant 0 : i32
      %dma_start3A_479 = tpu.memref_slice %arg21[%dma_start3A_477, %dma_start3A_478] : memref<160x128xi32, #tpu.memory_space<vmem>> -> memref<1x128xi32, #tpu.memory_space<vmem>>
      %dma_start3A_480 = tpu.memref_squeeze %dma_start3A_479 : memref<1x128xi32, #tpu.memory_space<vmem>> -> memref<128xi32, #tpu.memory_space<vmem>>
      %dma_start3A_481 = arith.constant 0 : i32
      %dma_start3A_482 = arith.constant 0 : i32
      %dma_start3A_483 = tpu.memref_slice %arg24[%dma_start3A_481, %dma_start3A_482] : memref<10240x64xf32, #tpu.memory_space<vmem_shared>> -> memref<10240x64xf32, #tpu.memory_space<vmem_shared>>
      tpu.enqueue_indirect_dma source(%arg8 : memref<128x64xf32, #tpu.memory_space<vmem>>) target(%dma_start3A_483 : memref<10240x64xf32, #tpu.memory_space<vmem_shared>>) offsets(%dma_start3A_480 : memref<128xi32, #tpu.memory_space<vmem>>) semaphore(%arg10 : memref<!tpu.dma_semaphore, #tpu.memory_space<semaphore_mem>>) {add = true}
      %dma_start3A_484 = arith.constant 0 : i32
      %dma_start3A_485 = arith.constant 0 : i32
      %dma_start3A_486 = tpu.memref_slice %arg21[%dma_start3A_484, %dma_start3A_485] : memref<160x128xi32, #tpu.memory_space<vmem>> -> memref<1x128xi32, #tpu.memory_space<vmem>>
      %dma_start3A_487 = tpu.memref_squeeze %dma_start3A_486 : memref<1x128xi32, #tpu.memory_space<vmem>> -> memref<128xi32, #tpu.memory_space<vmem>>
      %dma_start3A_488 = arith.constant 0 : i32
      %dma_start3A_489 = arith.constant 0 : i32
      %dma_start3A_490 = tpu.memref_slice %arg27[%dma_start3A_488, %dma_start3A_489] : memref<10240x16xf32, #tpu.memory_space<vmem_shared>> -> memref<10240x16xf32, #tpu.memory_space<vmem_shared>>
      tpu.enqueue_indirect_dma source(%arg25 : memref<128x16xf32, #tpu.memory_space<vmem>>) target(%dma_start3A_490 : memref<10240x16xf32, #tpu.memory_space<vmem_shared>>) offsets(%dma_start3A_487 : memref<128xi32, #tpu.memory_space<vmem>>) semaphore(%arg10 : memref<!tpu.dma_semaphore, #tpu.memory_space<semaphore_mem>>) {add = true}
      %dma_start3A_491 = arith.constant 3 : i32
      %dma_start3A_492 = arith.constant 0 : i32
      %dma_start3A_493 = tpu.memref_slice %arg20[%dma_start3A_491, %dma_start3A_492] : memref<160x128xi32, #tpu.memory_space<vmem>> -> memref<1x128xi32, #tpu.memory_space<vmem>>
      %dma_start3A_494 = tpu.memref_squeeze %dma_start3A_493 : memref<1x128xi32, #tpu.memory_space<vmem>> -> memref<128xi32, #tpu.memory_space<vmem>>
      %dma_start3A_495 = arith.constant 0 : i32
      %dma_start3A_496 = arith.constant 0 : i32
      %dma_start3A_497 = tpu.memref_slice %arg2[%dma_start3A_495, %dma_start3A_496] : memref<10240x64xf32, #tpu.memory_space<hbm>> -> memref<10240x64xf32, #tpu.memory_space<hbm>>
      tpu.enqueue_indirect_dma source(%dma_start3A_497 : memref<10240x64xf32, #tpu.memory_space<hbm>>) target(%arg17 : memref<128x64xf32, #tpu.memory_space<vmem>>) offsets(%dma_start3A_494 : memref<128xi32, #tpu.memory_space<vmem>>) semaphore(%arg18 : memref<!tpu.dma_semaphore, #tpu.memory_space<semaphore_mem>>)
      %dma_wait3A_498 = arith.constant 1 : i32
      %dma_wait3A_499 = arith.constant 0 : i32
      %dma_wait3A_500 = tpu.memref_slice %arg20[%dma_wait3A_498, %dma_wait3A_499] : memref<160x128xi32, #tpu.memory_space<vmem>> -> memref<1x128xi32, #tpu.memory_space<vmem>>
      %dma_wait3A_501 = tpu.memref_squeeze %dma_wait3A_500 : memref<1x128xi32, #tpu.memory_space<vmem>> -> memref<128xi32, #tpu.memory_space<vmem>>
      %dma_wait3A_502 = arith.constant 0 : i32
      %dma_wait3A_503 = arith.constant 0 : i32
      %dma_wait3A_504 = tpu.memref_slice %arg2[%dma_wait3A_502, %dma_wait3A_503] : memref<10240x64xf32, #tpu.memory_space<hbm>> -> memref<10240x64xf32, #tpu.memory_space<hbm>>
      tpu.wait_indirect_dma semaphore(%arg12 : memref<!tpu.dma_semaphore, #tpu.memory_space<semaphore_mem>>) src(%dma_wait3A_504 : memref<10240x64xf32, #tpu.memory_space<hbm>>) dst(%arg11 : memref<128x64xf32, #tpu.memory_space<vmem>>)
      %dma_start3A_505 = arith.constant 1 : i32
      %dma_start3A_506 = arith.constant 0 : i32
      %dma_start3A_507 = tpu.memref_slice %arg21[%dma_start3A_505, %dma_start3A_506] : memref<160x128xi32, #tpu.memory_space<vmem>> -> memref<1x128xi32, #tpu.memory_space<vmem>>
      %dma_start3A_508 = tpu.memref_squeeze %dma_start3A_507 : memref<1x128xi32, #tpu.memory_space<vmem>> -> memref<128xi32, #tpu.memory_space<vmem>>
      %dma_start3A_509 = arith.constant 0 : i32
      %dma_start3A_510 = arith.constant 0 : i32
      %dma_start3A_511 = tpu.memref_slice %arg24[%dma_start3A_509, %dma_start3A_510] : memref<10240x64xf32, #tpu.memory_space<vmem_shared>> -> memref<10240x64xf32, #tpu.memory_space<vmem_shared>>
      tpu.enqueue_indirect_dma source(%arg11 : memref<128x64xf32, #tpu.memory_space<vmem>>) target(%dma_start3A_511 : memref<10240x64xf32, #tpu.memory_space<vmem_shared>>) offsets(%dma_start3A_508 : memref<128xi32, #tpu.memory_space<vmem>>) semaphore(%arg13 : memref<!tpu.dma_semaphore, #tpu.memory_space<semaphore_mem>>) {add = true}
      %dma_start3A_512 = arith.constant 1 : i32
      %dma_start3A_513 = arith.constant 0 : i32
      %dma_start3A_514 = tpu.memref_slice %arg21[%dma_start3A_512, %dma_start3A_513] : memref<160x128xi32, #tpu.memory_space<vmem>> -> memref<1x128xi32, #tpu.memory_space<vmem>>
      %dma_start3A_515 = tpu.memref_squeeze %dma_start3A_514 : memref<1x128xi32, #tpu.memory_space<vmem>> -> memref<128xi32, #tpu.memory_space<vmem>>
      %dma_start3A_516 = arith.constant 0 : i32
      %dma_start3A_517 = arith.constant 0 : i32
      %dma_start3A_518 = tpu.memref_slice %arg27[%dma_start3A_516, %dma_start3A_517] : memref<10240x16xf32, #tpu.memory_space<vmem_shared>> -> memref<10240x16xf32, #tpu.memory_space<vmem_shared>>
      tpu.enqueue_indirect_dma source(%arg25 : memref<128x16xf32, #tpu.memory_space<vmem>>) target(%dma_start3A_518 : memref<10240x16xf32, #tpu.memory_space<vmem_shared>>) offsets(%dma_start3A_515 : memref<128xi32, #tpu.memory_space<vmem>>) semaphore(%arg13 : memref<!tpu.dma_semaphore, #tpu.memory_space<semaphore_mem>>) {add = true}
      %dma_wait3A_519 = arith.constant 0 : i32
      %dma_wait3A_520 = arith.constant 0 : i32
      %dma_wait3A_521 = tpu.memref_slice %arg21[%dma_wait3A_519, %dma_wait3A_520] : memref<160x128xi32, #tpu.memory_space<vmem>> -> memref<1x128xi32, #tpu.memory_space<vmem>>
      %dma_wait3A_522 = tpu.memref_squeeze %dma_wait3A_521 : memref<1x128xi32, #tpu.memory_space<vmem>> -> memref<128xi32, #tpu.memory_space<vmem>>
      %dma_wait3A_523 = arith.constant 0 : i32
      %dma_wait3A_524 = arith.constant 0 : i32
      %dma_wait3A_525 = tpu.memref_slice %arg24[%dma_wait3A_523, %dma_wait3A_524] : memref<10240x64xf32, #tpu.memory_space<vmem_shared>> -> memref<10240x64xf32, #tpu.memory_space<vmem_shared>>
      tpu.wait_indirect_dma semaphore(%arg10 : memref<!tpu.dma_semaphore, #tpu.memory_space<semaphore_mem>>) src(%arg8 : memref<128x64xf32, #tpu.memory_space<vmem>>) dst(%dma_wait3A_525 : memref<10240x64xf32, #tpu.memory_space<vmem_shared>>)
      %dma_wait3A_526 = arith.constant 0 : i32
      %dma_wait3A_527 = arith.constant 0 : i32
      %dma_wait3A_528 = tpu.memref_slice %arg21[%dma_wait3A_526, %dma_wait3A_527] : memref<160x128xi32, #tpu.memory_space<vmem>> -> memref<1x128xi32, #tpu.memory_space<vmem>>
      %dma_wait3A_529 = tpu.memref_squeeze %dma_wait3A_528 : memref<1x128xi32, #tpu.memory_space<vmem>> -> memref<128xi32, #tpu.memory_space<vmem>>
      %dma_wait3A_530 = arith.constant 0 : i32
      %dma_wait3A_531 = arith.constant 0 : i32
      %dma_wait3A_532 = tpu.memref_slice %arg27[%dma_wait3A_530, %dma_wait3A_531] : memref<10240x16xf32, #tpu.memory_space<vmem_shared>> -> memref<10240x16xf32, #tpu.memory_space<vmem_shared>>
      tpu.wait_indirect_dma semaphore(%arg10 : memref<!tpu.dma_semaphore, #tpu.memory_space<semaphore_mem>>) src(%arg25 : memref<128x16xf32, #tpu.memory_space<vmem>>) dst(%dma_wait3A_532 : memref<10240x16xf32, #tpu.memory_space<vmem_shared>>)
      %dma_start3A_533 = arith.constant 4 : i32
      %dma_start3A_534 = arith.constant 0 : i32
      %dma_start3A_535 = tpu.memref_slice %arg20[%dma_start3A_533, %dma_start3A_534] : memref<160x128xi32, #tpu.memory_space<vmem>> -> memref<1x128xi32, #tpu.memory_space<vmem>>
      %dma_start3A_536 = tpu.memref_squeeze %dma_start3A_535 : memref<1x128xi32, #tpu.memory_space<vmem>> -> memref<128xi32, #tpu.memory_space<vmem>>
      %dma_start3A_537 = arith.constant 0 : i32
      %dma_start3A_538 = arith.constant 0 : i32
      %dma_start3A_539 = tpu.memref_slice %arg2[%dma_start3A_537, %dma_start3A_538] : memref<10240x64xf32, #tpu.memory_space<hbm>> -> memref<10240x64xf32, #tpu.memory_space<hbm>>
      tpu.enqueue_indirect_dma source(%dma_start3A_539 : memref<10240x64xf32, #tpu.memory_space<hbm>>) target(%arg8 : memref<128x64xf32, #tpu.memory_space<vmem>>) offsets(%dma_start3A_536 : memref<128xi32, #tpu.memory_space<vmem>>) semaphore(%arg9 : memref<!tpu.dma_semaphore, #tpu.memory_space<semaphore_mem>>)
      %dma_wait3A_540 = arith.constant 2 : i32
      %dma_wait3A_541 = arith.constant 0 : i32
      %dma_wait3A_542 = tpu.memref_slice %arg20[%dma_wait3A_540, %dma_wait3A_541] : memref<160x128xi32, #tpu.memory_space<vmem>> -> memref<1x128xi32, #tpu.memory_space<vmem>>
      %dma_wait3A_543 = tpu.memref_squeeze %dma_wait3A_542 : memref<1x128xi32, #tpu.memory_space<vmem>> -> memref<128xi32, #tpu.memory_space<vmem>>
      %dma_wait3A_544 = arith.constant 0 : i32
      %dma_wait3A_545 = arith.constant 0 : i32
      %dma_wait3A_546 = tpu.memref_slice %arg2[%dma_wait3A_544, %dma_wait3A_545] : memref<10240x64xf32, #tpu.memory_space<hbm>> -> memref<10240x64xf32, #tpu.memory_space<hbm>>
      tpu.wait_indirect_dma semaphore(%arg15 : memref<!tpu.dma_semaphore, #tpu.memory_space<semaphore_mem>>) src(%dma_wait3A_546 : memref<10240x64xf32, #tpu.memory_space<hbm>>) dst(%arg14 : memref<128x64xf32, #tpu.memory_space<vmem>>)
      %dma_start3A_547 = arith.constant 2 : i32
      %dma_start3A_548 = arith.constant 0 : i32
      %dma_start3A_549 = tpu.memref_slice %arg21[%dma_start3A_547, %dma_start3A_548] : memref<160x128xi32, #tpu.memory_space<vmem>> -> memref<1x128xi32, #tpu.memory_space<vmem>>
      %dma_start3A_550 = tpu.memref_squeeze %dma_start3A_549 : memref<1x128xi32, #tpu.memory_space<vmem>> -> memref<128xi32, #tpu.memory_space<vmem>>
      %dma_start3A_551 = arith.constant 0 : i32
      %dma_start3A_552 = arith.constant 0 : i32
      %dma_start3A_553 = tpu.memref_slice %arg24[%dma_start3A_551, %dma_start3A_552] : memref<10240x64xf32, #tpu.memory_space<vmem_shared>> -> memref<10240x64xf32, #tpu.memory_space<vmem_shared>>
      tpu.enqueue_indirect_dma source(%arg14 : memref<128x64xf32, #tpu.memory_space<vmem>>) target(%dma_start3A_553 : memref<10240x64xf32, #tpu.memory_space<vmem_shared>>) offsets(%dma_start3A_550 : memref<128xi32, #tpu.memory_space<vmem>>) semaphore(%arg16 : memref<!tpu.dma_semaphore, #tpu.memory_space<semaphore_mem>>) {add = true}
      %dma_start3A_554 = arith.constant 2 : i32
      %dma_start3A_555 = arith.constant 0 : i32
      %dma_start3A_556 = tpu.memref_slice %arg21[%dma_start3A_554, %dma_start3A_555] : memref<160x128xi32, #tpu.memory_space<vmem>> -> memref<1x128xi32, #tpu.memory_space<vmem>>
      %dma_start3A_557 = tpu.memref_squeeze %dma_start3A_556 : memref<1x128xi32, #tpu.memory_space<vmem>> -> memref<128xi32, #tpu.memory_space<vmem>>
      %dma_start3A_558 = arith.constant 0 : i32
      %dma_start3A_559 = arith.constant 0 : i32
      %dma_start3A_560 = tpu.memref_slice %arg27[%dma_start3A_558, %dma_start3A_559] : memref<10240x16xf32, #tpu.memory_space<vmem_shared>> -> memref<10240x16xf32, #tpu.memory_space<vmem_shared>>
      tpu.enqueue_indirect_dma source(%arg25 : memref<128x16xf32, #tpu.memory_space<vmem>>) target(%dma_start3A_560 : memref<10240x16xf32, #tpu.memory_space<vmem_shared>>) offsets(%dma_start3A_557 : memref<128xi32, #tpu.memory_space<vmem>>) semaphore(%arg16 : memref<!tpu.dma_semaphore, #tpu.memory_space<semaphore_mem>>) {add = true}
      %dma_wait3A_561 = arith.constant 1 : i32
      %dma_wait3A_562 = arith.constant 0 : i32
      %dma_wait3A_563 = tpu.memref_slice %arg21[%dma_wait3A_561, %dma_wait3A_562] : memref<160x128xi32, #tpu.memory_space<vmem>> -> memref<1x128xi32, #tpu.memory_space<vmem>>
      %dma_wait3A_564 = tpu.memref_squeeze %dma_wait3A_563 : memref<1x128xi32, #tpu.memory_space<vmem>> -> memref<128xi32, #tpu.memory_space<vmem>>
      %dma_wait3A_565 = arith.constant 0 : i32
      %dma_wait3A_566 = arith.constant 0 : i32
      %dma_wait3A_567 = tpu.memref_slice %arg24[%dma_wait3A_565, %dma_wait3A_566] : memref<10240x64xf32, #tpu.memory_space<vmem_shared>> -> memref<10240x64xf32, #tpu.memory_space<vmem_shared>>
      tpu.wait_indirect_dma semaphore(%arg13 : memref<!tpu.dma_semaphore, #tpu.memory_space<semaphore_mem>>) src(%arg11 : memref<128x64xf32, #tpu.memory_space<vmem>>) dst(%dma_wait3A_567 : memref<10240x64xf32, #tpu.memory_space<vmem_shared>>)
      %dma_wait3A_568 = arith.constant 1 : i32
      %dma_wait3A_569 = arith.constant 0 : i32
      %dma_wait3A_570 = tpu.memref_slice %arg21[%dma_wait3A_568, %dma_wait3A_569] : memref<160x128xi32, #tpu.memory_space<vmem>> -> memref<1x128xi32, #tpu.memory_space<vmem>>
      %dma_wait3A_571 = tpu.memref_squeeze %dma_wait3A_570 : memref<1x128xi32, #tpu.memory_space<vmem>> -> memref<128xi32, #tpu.memory_space<vmem>>
      %dma_wait3A_572 = arith.constant 0 : i32
      %dma_wait3A_573 = arith.constant 0 : i32
      %dma_wait3A_574 = tpu.memref_slice %arg27[%dma_wait3A_572, %dma_wait3A_573] : memref<10240x16xf32, #tpu.memory_space<vmem_shared>> -> memref<10240x16xf32, #tpu.memory_space<vmem_shared>>
      tpu.wait_indirect_dma semaphore(%arg13 : memref<!tpu.dma_semaphore, #tpu.memory_space<semaphore_mem>>) src(%arg25 : memref<128x16xf32, #tpu.memory_space<vmem>>) dst(%dma_wait3A_574 : memref<10240x16xf32, #tpu.memory_space<vmem_shared>>)
      %dma_start3A_575 = arith.constant 5 : i32
      %dma_start3A_576 = arith.constant 0 : i32
      %dma_start3A_577 = tpu.memref_slice %arg20[%dma_start3A_575, %dma_start3A_576] : memref<160x128xi32, #tpu.memory_space<vmem>> -> memref<1x128xi32, #tpu.memory_space<vmem>>
      %dma_start3A_578 = tpu.memref_squeeze %dma_start3A_577 : memref<1x128xi32, #tpu.memory_space<vmem>> -> memref<128xi32, #tpu.memory_space<vmem>>
      %dma_start3A_579 = arith.constant 0 : i32
      %dma_start3A_580 = arith.constant 0 : i32
      %dma_start3A_581 = tpu.memref_slice %arg2[%dma_start3A_579, %dma_start3A_580] : memref<10240x64xf32, #tpu.memory_space<hbm>> -> memref<10240x64xf32, #tpu.memory_space<hbm>>
      tpu.enqueue_indirect_dma source(%dma_start3A_581 : memref<10240x64xf32, #tpu.memory_space<hbm>>) target(%arg11 : memref<128x64xf32, #tpu.memory_space<vmem>>) offsets(%dma_start3A_578 : memref<128xi32, #tpu.memory_space<vmem>>) semaphore(%arg12 : memref<!tpu.dma_semaphore, #tpu.memory_space<semaphore_mem>>)
      %dma_wait3A_582 = arith.constant 3 : i32
      %dma_wait3A_583 = arith.constant 0 : i32
      %dma_wait3A_584 = tpu.memref_slice %arg20[%dma_wait3A_582, %dma_wait3A_583] : memref<160x128xi32, #tpu.memory_space<vmem>> -> memref<1x128xi32, #tpu.memory_space<vmem>>
      %dma_wait3A_585 = tpu.memref_squeeze %dma_wait3A_584 : memref<1x128xi32, #tpu.memory_space<vmem>> -> memref<128xi32, #tpu.memory_space<vmem>>
      %dma_wait3A_586 = arith.constant 0 : i32
      %dma_wait3A_587 = arith.constant 0 : i32
      %dma_wait3A_588 = tpu.memref_slice %arg2[%dma_wait3A_586, %dma_wait3A_587] : memref<10240x64xf32, #tpu.memory_space<hbm>> -> memref<10240x64xf32, #tpu.memory_space<hbm>>
      tpu.wait_indirect_dma semaphore(%arg18 : memref<!tpu.dma_semaphore, #tpu.memory_space<semaphore_mem>>) src(%dma_wait3A_588 : memref<10240x64xf32, #tpu.memory_space<hbm>>) dst(%arg17 : memref<128x64xf32, #tpu.memory_space<vmem>>)
      %dma_start3A_589 = arith.constant 3 : i32
      %dma_start3A_590 = arith.constant 0 : i32
      %dma_start3A_591 = tpu.memref_slice %arg21[%dma_start3A_589, %dma_start3A_590] : memref<160x128xi32, #tpu.memory_space<vmem>> -> memref<1x128xi32, #tpu.memory_space<vmem>>
      %dma_start3A_592 = tpu.memref_squeeze %dma_start3A_591 : memref<1x128xi32, #tpu.memory_space<vmem>> -> memref<128xi32, #tpu.memory_space<vmem>>
      %dma_start3A_593 = arith.constant 0 : i32
      %dma_start3A_594 = arith.constant 0 : i32
      %dma_start3A_595 = tpu.memref_slice %arg24[%dma_start3A_593, %dma_start3A_594] : memref<10240x64xf32, #tpu.memory_space<vmem_shared>> -> memref<10240x64xf32, #tpu.memory_space<vmem_shared>>
      tpu.enqueue_indirect_dma source(%arg17 : memref<128x64xf32, #tpu.memory_space<vmem>>) target(%dma_start3A_595 : memref<10240x64xf32, #tpu.memory_space<vmem_shared>>) offsets(%dma_start3A_592 : memref<128xi32, #tpu.memory_space<vmem>>) semaphore(%arg19 : memref<!tpu.dma_semaphore, #tpu.memory_space<semaphore_mem>>) {add = true}
      %dma_start3A_596 = arith.constant 3 : i32
      %dma_start3A_597 = arith.constant 0 : i32
      %dma_start3A_598 = tpu.memref_slice %arg21[%dma_start3A_596, %dma_start3A_597] : memref<160x128xi32, #tpu.memory_space<vmem>> -> memref<1x128xi32, #tpu.memory_space<vmem>>
      %dma_start3A_599 = tpu.memref_squeeze %dma_start3A_598 : memref<1x128xi32, #tpu.memory_space<vmem>> -> memref<128xi32, #tpu.memory_space<vmem>>
      %dma_start3A_600 = arith.constant 0 : i32
      %dma_start3A_601 = arith.constant 0 : i32
      %dma_start3A_602 = tpu.memref_slice %arg27[%dma_start3A_600, %dma_start3A_601] : memref<10240x16xf32, #tpu.memory_space<vmem_shared>> -> memref<10240x16xf32, #tpu.memory_space<vmem_shared>>
      tpu.enqueue_indirect_dma source(%arg25 : memref<128x16xf32, #tpu.memory_space<vmem>>) target(%dma_start3A_602 : memref<10240x16xf32, #tpu.memory_space<vmem_shared>>) offsets(%dma_start3A_599 : memref<128xi32, #tpu.memory_space<vmem>>) semaphore(%arg19 : memref<!tpu.dma_semaphore, #tpu.memory_space<semaphore_mem>>) {add = true}
      %dma_wait3A_603 = arith.constant 2 : i32
      %dma_wait3A_604 = arith.constant 0 : i32
      %dma_wait3A_605 = tpu.memref_slice %arg21[%dma_wait3A_603, %dma_wait3A_604] : memref<160x128xi32, #tpu.memory_space<vmem>> -> memref<1x128xi32, #tpu.memory_space<vmem>>
      %dma_wait3A_606 = tpu.memref_squeeze %dma_wait3A_605 : memref<1x128xi32, #tpu.memory_space<vmem>> -> memref<128xi32, #tpu.memory_space<vmem>>
      %dma_wait3A_607 = arith.constant 0 : i32
      %dma_wait3A_608 = arith.constant 0 : i32
      %dma_wait3A_609 = tpu.memref_slice %arg24[%dma_wait3A_607, %dma_wait3A_608] : memref<10240x64xf32, #tpu.memory_space<vmem_shared>> -> memref<10240x64xf32, #tpu.memory_space<vmem_shared>>
      tpu.wait_indirect_dma semaphore(%arg16 : memref<!tpu.dma_semaphore, #tpu.memory_space<semaphore_mem>>) src(%arg14 : memref<128x64xf32, #tpu.memory_space<vmem>>) dst(%dma_wait3A_609 : memref<10240x64xf32, #tpu.memory_space<vmem_shared>>)
      %dma_wait3A_610 = arith.constant 2 : i32
      %dma_wait3A_611 = arith.constant 0 : i32
      %dma_wait3A_612 = tpu.memref_slice %arg21[%dma_wait3A_610, %dma_wait3A_611] : memref<160x128xi32, #tpu.memory_space<vmem>> -> memref<1x128xi32, #tpu.memory_space<vmem>>
      %dma_wait3A_613 = tpu.memref_squeeze %dma_wait3A_612 : memref<1x128xi32, #tpu.memory_space<vmem>> -> memref<128xi32, #tpu.memory_space<vmem>>
      %dma_wait3A_614 = arith.constant 0 : i32
      %dma_wait3A_615 = arith.constant 0 : i32
      %dma_wait3A_616 = tpu.memref_slice %arg27[%dma_wait3A_614, %dma_wait3A_615] : memref<10240x16xf32, #tpu.memory_space<vmem_shared>> -> memref<10240x16xf32, #tpu.memory_space<vmem_shared>>
      tpu.wait_indirect_dma semaphore(%arg16 : memref<!tpu.dma_semaphore, #tpu.memory_space<semaphore_mem>>) src(%arg25 : memref<128x16xf32, #tpu.memory_space<vmem>>) dst(%dma_wait3A_616 : memref<10240x16xf32, #tpu.memory_space<vmem_shared>>)
      %dma_start3A_617 = arith.constant 6 : i32
      %dma_start3A_618 = arith.constant 0 : i32
      %dma_start3A_619 = tpu.memref_slice %arg20[%dma_start3A_617, %dma_start3A_618] : memref<160x128xi32, #tpu.memory_space<vmem>> -> memref<1x128xi32, #tpu.memory_space<vmem>>
      %dma_start3A_620 = tpu.memref_squeeze %dma_start3A_619 : memref<1x128xi32, #tpu.memory_space<vmem>> -> memref<128xi32, #tpu.memory_space<vmem>>
      %dma_start3A_621 = arith.constant 0 : i32
      %dma_start3A_622 = arith.constant 0 : i32
      %dma_start3A_623 = tpu.memref_slice %arg2[%dma_start3A_621, %dma_start3A_622] : memref<10240x64xf32, #tpu.memory_space<hbm>> -> memref<10240x64xf32, #tpu.memory_space<hbm>>
      tpu.enqueue_indirect_dma source(%dma_start3A_623 : memref<10240x64xf32, #tpu.memory_space<hbm>>) target(%arg14 : memref<128x64xf32, #tpu.memory_space<vmem>>) offsets(%dma_start3A_620 : memref<128xi32, #tpu.memory_space<vmem>>) semaphore(%arg15 : memref<!tpu.dma_semaphore, #tpu.memory_space<semaphore_mem>>)
      %scan3A_624 = arith.constant 0 : i32
      %scan3A_625 = arith.constant 1 : i32
      %scan3A_626 = arith.constant 39 : i32
      %scan3A_627 = arith.addi %scan3A_625, %scan3A_626 : i32
      %scan3A_628 = arith.constant 1 : i32
      %scan3A_629 = scf.for %scan3A_645 = %scan3A_625 to %scan3A_627 step %scan3A_628 iter_args(%scan3A_646 = %scan3A_624) -> (i32)  : i32 {
        %mul3A_647 = arith.constant 4 : i32
        %mul3A_648 = arith.muli %mul3A_647, %scan3A_645 : i32
        %add3A = arith.constant 0 : i32
        %add3A_649 = arith.addi %mul3A_648, %add3A : i32
        %dma_wait3A_650 = arith.constant 0 : i32
        %dma_wait3A_651 = tpu.memref_slice %arg20[%add3A_649, %dma_wait3A_650] : memref<160x128xi32, #tpu.memory_space<vmem>> -> memref<1x128xi32, #tpu.memory_space<vmem>>
        %dma_wait3A_652 = tpu.memref_squeeze %dma_wait3A_651 : memref<1x128xi32, #tpu.memory_space<vmem>> -> memref<128xi32, #tpu.memory_space<vmem>>
        %dma_wait3A_653 = arith.constant 0 : i32
        %dma_wait3A_654 = arith.constant 0 : i32
        %dma_wait3A_655 = tpu.memref_slice %arg2[%dma_wait3A_653, %dma_wait3A_654] : memref<10240x64xf32, #tpu.memory_space<hbm>> -> memref<10240x64xf32, #tpu.memory_space<hbm>>
        tpu.wait_indirect_dma semaphore(%arg9 : memref<!tpu.dma_semaphore, #tpu.memory_space<semaphore_mem>>) src(%dma_wait3A_655 : memref<10240x64xf32, #tpu.memory_space<hbm>>) dst(%arg8 : memref<128x64xf32, #tpu.memory_space<vmem>>)
        %dma_start3A_656 = arith.constant 0 : i32
        %dma_start3A_657 = tpu.memref_slice %arg21[%add3A_649, %dma_start3A_656] : memref<160x128xi32, #tpu.memory_space<vmem>> -> memref<1x128xi32, #tpu.memory_space<vmem>>
        %dma_start3A_658 = tpu.memref_squeeze %dma_start3A_657 : memref<1x128xi32, #tpu.memory_space<vmem>> -> memref<128xi32, #tpu.memory_space<vmem>>
        %dma_start3A_659 = arith.constant 0 : i32
        %dma_start3A_660 = arith.constant 0 : i32
        %dma_start3A_661 = tpu.memref_slice %arg24[%dma_start3A_659, %dma_start3A_660] : memref<10240x64xf32, #tpu.memory_space<vmem_shared>> -> memref<10240x64xf32, #tpu.memory_space<vmem_shared>>
        tpu.enqueue_indirect_dma source(%arg8 : memref<128x64xf32, #tpu.memory_space<vmem>>) target(%dma_start3A_661 : memref<10240x64xf32, #tpu.memory_space<vmem_shared>>) offsets(%dma_start3A_658 : memref<128xi32, #tpu.memory_space<vmem>>) semaphore(%arg10 : memref<!tpu.dma_semaphore, #tpu.memory_space<semaphore_mem>>) {add = true}
        %dma_start3A_662 = arith.constant 0 : i32
        %dma_start3A_663 = tpu.memref_slice %arg21[%add3A_649, %dma_start3A_662] : memref<160x128xi32, #tpu.memory_space<vmem>> -> memref<1x128xi32, #tpu.memory_space<vmem>>
        %dma_start3A_664 = tpu.memref_squeeze %dma_start3A_663 : memref<1x128xi32, #tpu.memory_space<vmem>> -> memref<128xi32, #tpu.memory_space<vmem>>
        %dma_start3A_665 = arith.constant 0 : i32
        %dma_start3A_666 = arith.constant 0 : i32
        %dma_start3A_667 = tpu.memref_slice %arg27[%dma_start3A_665, %dma_start3A_666] : memref<10240x16xf32, #tpu.memory_space<vmem_shared>> -> memref<10240x16xf32, #tpu.memory_space<vmem_shared>>
        tpu.enqueue_indirect_dma source(%arg25 : memref<128x16xf32, #tpu.memory_space<vmem>>) target(%dma_start3A_667 : memref<10240x16xf32, #tpu.memory_space<vmem_shared>>) offsets(%dma_start3A_664 : memref<128xi32, #tpu.memory_space<vmem>>) semaphore(%arg10 : memref<!tpu.dma_semaphore, #tpu.memory_space<semaphore_mem>>) {add = true}
        %sub3A = arith.constant 1 : i32
        %sub3A_668 = arith.subi %add3A_649, %sub3A : i32
        %dma_wait3A_669 = arith.constant 0 : i32
        %dma_wait3A_670 = tpu.memref_slice %arg21[%sub3A_668, %dma_wait3A_669] : memref<160x128xi32, #tpu.memory_space<vmem>> -> memref<1x128xi32, #tpu.memory_space<vmem>>
        %dma_wait3A_671 = tpu.memref_squeeze %dma_wait3A_670 : memref<1x128xi32, #tpu.memory_space<vmem>> -> memref<128xi32, #tpu.memory_space<vmem>>
        %dma_wait3A_672 = arith.constant 0 : i32
        %dma_wait3A_673 = arith.constant 0 : i32
        %dma_wait3A_674 = tpu.memref_slice %arg24[%dma_wait3A_672, %dma_wait3A_673] : memref<10240x64xf32, #tpu.memory_space<vmem_shared>> -> memref<10240x64xf32, #tpu.memory_space<vmem_shared>>
        tpu.wait_indirect_dma semaphore(%arg19 : memref<!tpu.dma_semaphore, #tpu.memory_space<semaphore_mem>>) src(%arg17 : memref<128x64xf32, #tpu.memory_space<vmem>>) dst(%dma_wait3A_674 : memref<10240x64xf32, #tpu.memory_space<vmem_shared>>)
        %dma_wait3A_675 = arith.constant 0 : i32
        %dma_wait3A_676 = tpu.memref_slice %arg21[%sub3A_668, %dma_wait3A_675] : memref<160x128xi32, #tpu.memory_space<vmem>> -> memref<1x128xi32, #tpu.memory_space<vmem>>
        %dma_wait3A_677 = tpu.memref_squeeze %dma_wait3A_676 : memref<1x128xi32, #tpu.memory_space<vmem>> -> memref<128xi32, #tpu.memory_space<vmem>>
        %dma_wait3A_678 = arith.constant 0 : i32
        %dma_wait3A_679 = arith.constant 0 : i32
        %dma_wait3A_680 = tpu.memref_slice %arg27[%dma_wait3A_678, %dma_wait3A_679] : memref<10240x16xf32, #tpu.memory_space<vmem_shared>> -> memref<10240x16xf32, #tpu.memory_space<vmem_shared>>
        tpu.wait_indirect_dma semaphore(%arg19 : memref<!tpu.dma_semaphore, #tpu.memory_space<semaphore_mem>>) src(%arg25 : memref<128x16xf32, #tpu.memory_space<vmem>>) dst(%dma_wait3A_680 : memref<10240x16xf32, #tpu.memory_space<vmem_shared>>)
        %add3A_681 = arith.constant 4 : i32
        %add3A_682 = arith.addi %add3A_649, %add3A_681 : i32
        %sub3A_683 = arith.constant 1 : i32
        %sub3A_684 = arith.subi %add3A_682, %sub3A_683 : i32
        %le3A = arith.constant 159 : i32
        %le3A_685 = arith.cmpi sle, %sub3A_684, %le3A : i32
        %convert_element_type3A_686 = arith.extui %le3A_685 : i1 to i32
        %cond3A_687 = arith.constant 0 : i32
        %cond3A_688 = arith.cmpi ne, %convert_element_type3A_686, %cond3A_687 : i32
        scf.if %cond3A_688 {
          %dma_start3A_819 = arith.constant 0 : i32
          %dma_start3A_820 = tpu.memref_slice %arg20[%sub3A_684, %dma_start3A_819] : memref<160x128xi32, #tpu.memory_space<vmem>> -> memref<1x128xi32, #tpu.memory_space<vmem>>
          %dma_start3A_821 = tpu.memref_squeeze %dma_start3A_820 : memref<1x128xi32, #tpu.memory_space<vmem>> -> memref<128xi32, #tpu.memory_space<vmem>>
          %dma_start3A_822 = arith.constant 0 : i32
          %dma_start3A_823 = arith.constant 0 : i32
          %dma_start3A_824 = tpu.memref_slice %arg2[%dma_start3A_822, %dma_start3A_823] : memref<10240x64xf32, #tpu.memory_space<hbm>> -> memref<10240x64xf32, #tpu.memory_space<hbm>>
          tpu.enqueue_indirect_dma source(%dma_start3A_824 : memref<10240x64xf32, #tpu.memory_space<hbm>>) target(%arg17 : memref<128x64xf32, #tpu.memory_space<vmem>>) offsets(%dma_start3A_821 : memref<128xi32, #tpu.memory_space<vmem>>) semaphore(%arg18 : memref<!tpu.dma_semaphore, #tpu.memory_space<semaphore_mem>>)
        } else {
        }
        %add3A_689 = arith.constant 1 : i32
        %add3A_690 = arith.addi %mul3A_648, %add3A_689 : i32
        %dma_wait3A_691 = arith.constant 0 : i32
        %dma_wait3A_692 = tpu.memref_slice %arg20[%add3A_690, %dma_wait3A_691] : memref<160x128xi32, #tpu.memory_space<vmem>> -> memref<1x128xi32, #tpu.memory_space<vmem>>
        %dma_wait3A_693 = tpu.memref_squeeze %dma_wait3A_692 : memref<1x128xi32, #tpu.memory_space<vmem>> -> memref<128xi32, #tpu.memory_space<vmem>>
        %dma_wait3A_694 = arith.constant 0 : i32
        %dma_wait3A_695 = arith.constant 0 : i32
        %dma_wait3A_696 = tpu.memref_slice %arg2[%dma_wait3A_694, %dma_wait3A_695] : memref<10240x64xf32, #tpu.memory_space<hbm>> -> memref<10240x64xf32, #tpu.memory_space<hbm>>
        tpu.wait_indirect_dma semaphore(%arg12 : memref<!tpu.dma_semaphore, #tpu.memory_space<semaphore_mem>>) src(%dma_wait3A_696 : memref<10240x64xf32, #tpu.memory_space<hbm>>) dst(%arg11 : memref<128x64xf32, #tpu.memory_space<vmem>>)
        %dma_start3A_697 = arith.constant 0 : i32
        %dma_start3A_698 = tpu.memref_slice %arg21[%add3A_690, %dma_start3A_697] : memref<160x128xi32, #tpu.memory_space<vmem>> -> memref<1x128xi32, #tpu.memory_space<vmem>>
        %dma_start3A_699 = tpu.memref_squeeze %dma_start3A_698 : memref<1x128xi32, #tpu.memory_space<vmem>> -> memref<128xi32, #tpu.memory_space<vmem>>
        %dma_start3A_700 = arith.constant 0 : i32
        %dma_start3A_701 = arith.constant 0 : i32
        %dma_start3A_702 = tpu.memref_slice %arg24[%dma_start3A_700, %dma_start3A_701] : memref<10240x64xf32, #tpu.memory_space<vmem_shared>> -> memref<10240x64xf32, #tpu.memory_space<vmem_shared>>
        tpu.enqueue_indirect_dma source(%arg11 : memref<128x64xf32, #tpu.memory_space<vmem>>) target(%dma_start3A_702 : memref<10240x64xf32, #tpu.memory_space<vmem_shared>>) offsets(%dma_start3A_699 : memref<128xi32, #tpu.memory_space<vmem>>) semaphore(%arg13 : memref<!tpu.dma_semaphore, #tpu.memory_space<semaphore_mem>>) {add = true}
        %dma_start3A_703 = arith.constant 0 : i32
        %dma_start3A_704 = tpu.memref_slice %arg21[%add3A_690, %dma_start3A_703] : memref<160x128xi32, #tpu.memory_space<vmem>> -> memref<1x128xi32, #tpu.memory_space<vmem>>
        %dma_start3A_705 = tpu.memref_squeeze %dma_start3A_704 : memref<1x128xi32, #tpu.memory_space<vmem>> -> memref<128xi32, #tpu.memory_space<vmem>>
        %dma_start3A_706 = arith.constant 0 : i32
        %dma_start3A_707 = arith.constant 0 : i32
        %dma_start3A_708 = tpu.memref_slice %arg27[%dma_start3A_706, %dma_start3A_707] : memref<10240x16xf32, #tpu.memory_space<vmem_shared>> -> memref<10240x16xf32, #tpu.memory_space<vmem_shared>>
        tpu.enqueue_indirect_dma source(%arg25 : memref<128x16xf32, #tpu.memory_space<vmem>>) target(%dma_start3A_708 : memref<10240x16xf32, #tpu.memory_space<vmem_shared>>) offsets(%dma_start3A_705 : memref<128xi32, #tpu.memory_space<vmem>>) semaphore(%arg13 : memref<!tpu.dma_semaphore, #tpu.memory_space<semaphore_mem>>) {add = true}
        %sub3A_709 = arith.constant 1 : i32
        %sub3A_710 = arith.subi %add3A_690, %sub3A_709 : i32
        %dma_wait3A_711 = arith.constant 0 : i32
        %dma_wait3A_712 = tpu.memref_slice %arg21[%sub3A_710, %dma_wait3A_711] : memref<160x128xi32, #tpu.memory_space<vmem>> -> memref<1x128xi32, #tpu.memory_space<vmem>>
        %dma_wait3A_713 = tpu.memref_squeeze %dma_wait3A_712 : memref<1x128xi32, #tpu.memory_space<vmem>> -> memref<128xi32, #tpu.memory_space<vmem>>
        %dma_wait3A_714 = arith.constant 0 : i32
        %dma_wait3A_715 = arith.constant 0 : i32
        %dma_wait3A_716 = tpu.memref_slice %arg24[%dma_wait3A_714, %dma_wait3A_715] : memref<10240x64xf32, #tpu.memory_space<vmem_shared>> -> memref<10240x64xf32, #tpu.memory_space<vmem_shared>>
        tpu.wait_indirect_dma semaphore(%arg10 : memref<!tpu.dma_semaphore, #tpu.memory_space<semaphore_mem>>) src(%arg8 : memref<128x64xf32, #tpu.memory_space<vmem>>) dst(%dma_wait3A_716 : memref<10240x64xf32, #tpu.memory_space<vmem_shared>>)
        %dma_wait3A_717 = arith.constant 0 : i32
        %dma_wait3A_718 = tpu.memref_slice %arg21[%sub3A_710, %dma_wait3A_717] : memref<160x128xi32, #tpu.memory_space<vmem>> -> memref<1x128xi32, #tpu.memory_space<vmem>>
        %dma_wait3A_719 = tpu.memref_squeeze %dma_wait3A_718 : memref<1x128xi32, #tpu.memory_space<vmem>> -> memref<128xi32, #tpu.memory_space<vmem>>
        %dma_wait3A_720 = arith.constant 0 : i32
        %dma_wait3A_721 = arith.constant 0 : i32
        %dma_wait3A_722 = tpu.memref_slice %arg27[%dma_wait3A_720, %dma_wait3A_721] : memref<10240x16xf32, #tpu.memory_space<vmem_shared>> -> memref<10240x16xf32, #tpu.memory_space<vmem_shared>>
        tpu.wait_indirect_dma semaphore(%arg10 : memref<!tpu.dma_semaphore, #tpu.memory_space<semaphore_mem>>) src(%arg25 : memref<128x16xf32, #tpu.memory_space<vmem>>) dst(%dma_wait3A_722 : memref<10240x16xf32, #tpu.memory_space<vmem_shared>>)
        %add3A_723 = arith.constant 4 : i32
        %add3A_724 = arith.addi %add3A_690, %add3A_723 : i32
        %sub3A_725 = arith.constant 1 : i32
        %sub3A_726 = arith.subi %add3A_724, %sub3A_725 : i32
        %le3A_727 = arith.constant 159 : i32
        %le3A_728 = arith.cmpi sle, %sub3A_726, %le3A_727 : i32
        %convert_element_type3A_729 = arith.extui %le3A_728 : i1 to i32
        %cond3A_730 = arith.constant 0 : i32
        %cond3A_731 = arith.cmpi ne, %convert_element_type3A_729, %cond3A_730 : i32
        scf.if %cond3A_731 {
          %dma_start3A_819 = arith.constant 0 : i32
          %dma_start3A_820 = tpu.memref_slice %arg20[%sub3A_726, %dma_start3A_819] : memref<160x128xi32, #tpu.memory_space<vmem>> -> memref<1x128xi32, #tpu.memory_space<vmem>>
          %dma_start3A_821 = tpu.memref_squeeze %dma_start3A_820 : memref<1x128xi32, #tpu.memory_space<vmem>> -> memref<128xi32, #tpu.memory_space<vmem>>
          %dma_start3A_822 = arith.constant 0 : i32
          %dma_start3A_823 = arith.constant 0 : i32
          %dma_start3A_824 = tpu.memref_slice %arg2[%dma_start3A_822, %dma_start3A_823] : memref<10240x64xf32, #tpu.memory_space<hbm>> -> memref<10240x64xf32, #tpu.memory_space<hbm>>
          tpu.enqueue_indirect_dma source(%dma_start3A_824 : memref<10240x64xf32, #tpu.memory_space<hbm>>) target(%arg8 : memref<128x64xf32, #tpu.memory_space<vmem>>) offsets(%dma_start3A_821 : memref<128xi32, #tpu.memory_space<vmem>>) semaphore(%arg9 : memref<!tpu.dma_semaphore, #tpu.memory_space<semaphore_mem>>)
        } else {
        }
        %add3A_732 = arith.constant 2 : i32
        %add3A_733 = arith.addi %mul3A_648, %add3A_732 : i32
        %dma_wait3A_734 = arith.constant 0 : i32
        %dma_wait3A_735 = tpu.memref_slice %arg20[%add3A_733, %dma_wait3A_734] : memref<160x128xi32, #tpu.memory_space<vmem>> -> memref<1x128xi32, #tpu.memory_space<vmem>>
        %dma_wait3A_736 = tpu.memref_squeeze %dma_wait3A_735 : memref<1x128xi32, #tpu.memory_space<vmem>> -> memref<128xi32, #tpu.memory_space<vmem>>
        %dma_wait3A_737 = arith.constant 0 : i32
        %dma_wait3A_738 = arith.constant 0 : i32
        %dma_wait3A_739 = tpu.memref_slice %arg2[%dma_wait3A_737, %dma_wait3A_738] : memref<10240x64xf32, #tpu.memory_space<hbm>> -> memref<10240x64xf32, #tpu.memory_space<hbm>>
        tpu.wait_indirect_dma semaphore(%arg15 : memref<!tpu.dma_semaphore, #tpu.memory_space<semaphore_mem>>) src(%dma_wait3A_739 : memref<10240x64xf32, #tpu.memory_space<hbm>>) dst(%arg14 : memref<128x64xf32, #tpu.memory_space<vmem>>)
        %dma_start3A_740 = arith.constant 0 : i32
        %dma_start3A_741 = tpu.memref_slice %arg21[%add3A_733, %dma_start3A_740] : memref<160x128xi32, #tpu.memory_space<vmem>> -> memref<1x128xi32, #tpu.memory_space<vmem>>
        %dma_start3A_742 = tpu.memref_squeeze %dma_start3A_741 : memref<1x128xi32, #tpu.memory_space<vmem>> -> memref<128xi32, #tpu.memory_space<vmem>>
        %dma_start3A_743 = arith.constant 0 : i32
        %dma_start3A_744 = arith.constant 0 : i32
        %dma_start3A_745 = tpu.memref_slice %arg24[%dma_start3A_743, %dma_start3A_744] : memref<10240x64xf32, #tpu.memory_space<vmem_shared>> -> memref<10240x64xf32, #tpu.memory_space<vmem_shared>>
        tpu.enqueue_indirect_dma source(%arg14 : memref<128x64xf32, #tpu.memory_space<vmem>>) target(%dma_start3A_745 : memref<10240x64xf32, #tpu.memory_space<vmem_shared>>) offsets(%dma_start3A_742 : memref<128xi32, #tpu.memory_space<vmem>>) semaphore(%arg16 : memref<!tpu.dma_semaphore, #tpu.memory_space<semaphore_mem>>) {add = true}
        %dma_start3A_746 = arith.constant 0 : i32
        %dma_start3A_747 = tpu.memref_slice %arg21[%add3A_733, %dma_start3A_746] : memref<160x128xi32, #tpu.memory_space<vmem>> -> memref<1x128xi32, #tpu.memory_space<vmem>>
        %dma_start3A_748 = tpu.memref_squeeze %dma_start3A_747 : memref<1x128xi32, #tpu.memory_space<vmem>> -> memref<128xi32, #tpu.memory_space<vmem>>
        %dma_start3A_749 = arith.constant 0 : i32
        %dma_start3A_750 = arith.constant 0 : i32
        %dma_start3A_751 = tpu.memref_slice %arg27[%dma_start3A_749, %dma_start3A_750] : memref<10240x16xf32, #tpu.memory_space<vmem_shared>> -> memref<10240x16xf32, #tpu.memory_space<vmem_shared>>
        tpu.enqueue_indirect_dma source(%arg25 : memref<128x16xf32, #tpu.memory_space<vmem>>) target(%dma_start3A_751 : memref<10240x16xf32, #tpu.memory_space<vmem_shared>>) offsets(%dma_start3A_748 : memref<128xi32, #tpu.memory_space<vmem>>) semaphore(%arg16 : memref<!tpu.dma_semaphore, #tpu.memory_space<semaphore_mem>>) {add = true}
        %sub3A_752 = arith.constant 1 : i32
        %sub3A_753 = arith.subi %add3A_733, %sub3A_752 : i32
        %dma_wait3A_754 = arith.constant 0 : i32
        %dma_wait3A_755 = tpu.memref_slice %arg21[%sub3A_753, %dma_wait3A_754] : memref<160x128xi32, #tpu.memory_space<vmem>> -> memref<1x128xi32, #tpu.memory_space<vmem>>
        %dma_wait3A_756 = tpu.memref_squeeze %dma_wait3A_755 : memref<1x128xi32, #tpu.memory_space<vmem>> -> memref<128xi32, #tpu.memory_space<vmem>>
        %dma_wait3A_757 = arith.constant 0 : i32
        %dma_wait3A_758 = arith.constant 0 : i32
        %dma_wait3A_759 = tpu.memref_slice %arg24[%dma_wait3A_757, %dma_wait3A_758] : memref<10240x64xf32, #tpu.memory_space<vmem_shared>> -> memref<10240x64xf32, #tpu.memory_space<vmem_shared>>
        tpu.wait_indirect_dma semaphore(%arg13 : memref<!tpu.dma_semaphore, #tpu.memory_space<semaphore_mem>>) src(%arg11 : memref<128x64xf32, #tpu.memory_space<vmem>>) dst(%dma_wait3A_759 : memref<10240x64xf32, #tpu.memory_space<vmem_shared>>)
        %dma_wait3A_760 = arith.constant 0 : i32
        %dma_wait3A_761 = tpu.memref_slice %arg21[%sub3A_753, %dma_wait3A_760] : memref<160x128xi32, #tpu.memory_space<vmem>> -> memref<1x128xi32, #tpu.memory_space<vmem>>
        %dma_wait3A_762 = tpu.memref_squeeze %dma_wait3A_761 : memref<1x128xi32, #tpu.memory_space<vmem>> -> memref<128xi32, #tpu.memory_space<vmem>>
        %dma_wait3A_763 = arith.constant 0 : i32
        %dma_wait3A_764 = arith.constant 0 : i32
        %dma_wait3A_765 = tpu.memref_slice %arg27[%dma_wait3A_763, %dma_wait3A_764] : memref<10240x16xf32, #tpu.memory_space<vmem_shared>> -> memref<10240x16xf32, #tpu.memory_space<vmem_shared>>
        tpu.wait_indirect_dma semaphore(%arg13 : memref<!tpu.dma_semaphore, #tpu.memory_space<semaphore_mem>>) src(%arg25 : memref<128x16xf32, #tpu.memory_space<vmem>>) dst(%dma_wait3A_765 : memref<10240x16xf32, #tpu.memory_space<vmem_shared>>)
        %add3A_766 = arith.constant 4 : i32
        %add3A_767 = arith.addi %add3A_733, %add3A_766 : i32
        %sub3A_768 = arith.constant 1 : i32
        %sub3A_769 = arith.subi %add3A_767, %sub3A_768 : i32
        %le3A_770 = arith.constant 159 : i32
        %le3A_771 = arith.cmpi sle, %sub3A_769, %le3A_770 : i32
        %convert_element_type3A_772 = arith.extui %le3A_771 : i1 to i32
        %cond3A_773 = arith.constant 0 : i32
        %cond3A_774 = arith.cmpi ne, %convert_element_type3A_772, %cond3A_773 : i32
        scf.if %cond3A_774 {
          %dma_start3A_819 = arith.constant 0 : i32
          %dma_start3A_820 = tpu.memref_slice %arg20[%sub3A_769, %dma_start3A_819] : memref<160x128xi32, #tpu.memory_space<vmem>> -> memref<1x128xi32, #tpu.memory_space<vmem>>
          %dma_start3A_821 = tpu.memref_squeeze %dma_start3A_820 : memref<1x128xi32, #tpu.memory_space<vmem>> -> memref<128xi32, #tpu.memory_space<vmem>>
          %dma_start3A_822 = arith.constant 0 : i32
          %dma_start3A_823 = arith.constant 0 : i32
          %dma_start3A_824 = tpu.memref_slice %arg2[%dma_start3A_822, %dma_start3A_823] : memref<10240x64xf32, #tpu.memory_space<hbm>> -> memref<10240x64xf32, #tpu.memory_space<hbm>>
          tpu.enqueue_indirect_dma source(%dma_start3A_824 : memref<10240x64xf32, #tpu.memory_space<hbm>>) target(%arg11 : memref<128x64xf32, #tpu.memory_space<vmem>>) offsets(%dma_start3A_821 : memref<128xi32, #tpu.memory_space<vmem>>) semaphore(%arg12 : memref<!tpu.dma_semaphore, #tpu.memory_space<semaphore_mem>>)
        } else {
        }
        %add3A_775 = arith.constant 3 : i32
        %add3A_776 = arith.addi %mul3A_648, %add3A_775 : i32
        %dma_wait3A_777 = arith.constant 0 : i32
        %dma_wait3A_778 = tpu.memref_slice %arg20[%add3A_776, %dma_wait3A_777] : memref<160x128xi32, #tpu.memory_space<vmem>> -> memref<1x128xi32, #tpu.memory_space<vmem>>
        %dma_wait3A_779 = tpu.memref_squeeze %dma_wait3A_778 : memref<1x128xi32, #tpu.memory_space<vmem>> -> memref<128xi32, #tpu.memory_space<vmem>>
        %dma_wait3A_780 = arith.constant 0 : i32
        %dma_wait3A_781 = arith.constant 0 : i32
        %dma_wait3A_782 = tpu.memref_slice %arg2[%dma_wait3A_780, %dma_wait3A_781] : memref<10240x64xf32, #tpu.memory_space<hbm>> -> memref<10240x64xf32, #tpu.memory_space<hbm>>
        tpu.wait_indirect_dma semaphore(%arg18 : memref<!tpu.dma_semaphore, #tpu.memory_space<semaphore_mem>>) src(%dma_wait3A_782 : memref<10240x64xf32, #tpu.memory_space<hbm>>) dst(%arg17 : memref<128x64xf32, #tpu.memory_space<vmem>>)
        %dma_start3A_783 = arith.constant 0 : i32
        %dma_start3A_784 = tpu.memref_slice %arg21[%add3A_776, %dma_start3A_783] : memref<160x128xi32, #tpu.memory_space<vmem>> -> memref<1x128xi32, #tpu.memory_space<vmem>>
        %dma_start3A_785 = tpu.memref_squeeze %dma_start3A_784 : memref<1x128xi32, #tpu.memory_space<vmem>> -> memref<128xi32, #tpu.memory_space<vmem>>
        %dma_start3A_786 = arith.constant 0 : i32
        %dma_start3A_787 = arith.constant 0 : i32
        %dma_start3A_788 = tpu.memref_slice %arg24[%dma_start3A_786, %dma_start3A_787] : memref<10240x64xf32, #tpu.memory_space<vmem_shared>> -> memref<10240x64xf32, #tpu.memory_space<vmem_shared>>
        tpu.enqueue_indirect_dma source(%arg17 : memref<128x64xf32, #tpu.memory_space<vmem>>) target(%dma_start3A_788 : memref<10240x64xf32, #tpu.memory_space<vmem_shared>>) offsets(%dma_start3A_785 : memref<128xi32, #tpu.memory_space<vmem>>) semaphore(%arg19 : memref<!tpu.dma_semaphore, #tpu.memory_space<semaphore_mem>>) {add = true}
        %dma_start3A_789 = arith.constant 0 : i32
        %dma_start3A_790 = tpu.memref_slice %arg21[%add3A_776, %dma_start3A_789] : memref<160x128xi32, #tpu.memory_space<vmem>> -> memref<1x128xi32, #tpu.memory_space<vmem>>
        %dma_start3A_791 = tpu.memref_squeeze %dma_start3A_790 : memref<1x128xi32, #tpu.memory_space<vmem>> -> memref<128xi32, #tpu.memory_space<vmem>>
        %dma_start3A_792 = arith.constant 0 : i32
        %dma_start3A_793 = arith.constant 0 : i32
        %dma_start3A_794 = tpu.memref_slice %arg27[%dma_start3A_792, %dma_start3A_793] : memref<10240x16xf32, #tpu.memory_space<vmem_shared>> -> memref<10240x16xf32, #tpu.memory_space<vmem_shared>>
        tpu.enqueue_indirect_dma source(%arg25 : memref<128x16xf32, #tpu.memory_space<vmem>>) target(%dma_start3A_794 : memref<10240x16xf32, #tpu.memory_space<vmem_shared>>) offsets(%dma_start3A_791 : memref<128xi32, #tpu.memory_space<vmem>>) semaphore(%arg19 : memref<!tpu.dma_semaphore, #tpu.memory_space<semaphore_mem>>) {add = true}
        %sub3A_795 = arith.constant 1 : i32
        %sub3A_796 = arith.subi %add3A_776, %sub3A_795 : i32
        %dma_wait3A_797 = arith.constant 0 : i32
        %dma_wait3A_798 = tpu.memref_slice %arg21[%sub3A_796, %dma_wait3A_797] : memref<160x128xi32, #tpu.memory_space<vmem>> -> memref<1x128xi32, #tpu.memory_space<vmem>>
        %dma_wait3A_799 = tpu.memref_squeeze %dma_wait3A_798 : memref<1x128xi32, #tpu.memory_space<vmem>> -> memref<128xi32, #tpu.memory_space<vmem>>
        %dma_wait3A_800 = arith.constant 0 : i32
        %dma_wait3A_801 = arith.constant 0 : i32
        %dma_wait3A_802 = tpu.memref_slice %arg24[%dma_wait3A_800, %dma_wait3A_801] : memref<10240x64xf32, #tpu.memory_space<vmem_shared>> -> memref<10240x64xf32, #tpu.memory_space<vmem_shared>>
        tpu.wait_indirect_dma semaphore(%arg16 : memref<!tpu.dma_semaphore, #tpu.memory_space<semaphore_mem>>) src(%arg14 : memref<128x64xf32, #tpu.memory_space<vmem>>) dst(%dma_wait3A_802 : memref<10240x64xf32, #tpu.memory_space<vmem_shared>>)
        %dma_wait3A_803 = arith.constant 0 : i32
        %dma_wait3A_804 = tpu.memref_slice %arg21[%sub3A_796, %dma_wait3A_803] : memref<160x128xi32, #tpu.memory_space<vmem>> -> memref<1x128xi32, #tpu.memory_space<vmem>>
        %dma_wait3A_805 = tpu.memref_squeeze %dma_wait3A_804 : memref<1x128xi32, #tpu.memory_space<vmem>> -> memref<128xi32, #tpu.memory_space<vmem>>
        %dma_wait3A_806 = arith.constant 0 : i32
        %dma_wait3A_807 = arith.constant 0 : i32
        %dma_wait3A_808 = tpu.memref_slice %arg27[%dma_wait3A_806, %dma_wait3A_807] : memref<10240x16xf32, #tpu.memory_space<vmem_shared>> -> memref<10240x16xf32, #tpu.memory_space<vmem_shared>>
        tpu.wait_indirect_dma semaphore(%arg16 : memref<!tpu.dma_semaphore, #tpu.memory_space<semaphore_mem>>) src(%arg25 : memref<128x16xf32, #tpu.memory_space<vmem>>) dst(%dma_wait3A_808 : memref<10240x16xf32, #tpu.memory_space<vmem_shared>>)
        %add3A_809 = arith.constant 4 : i32
        %add3A_810 = arith.addi %add3A_776, %add3A_809 : i32
        %sub3A_811 = arith.constant 1 : i32
        %sub3A_812 = arith.subi %add3A_810, %sub3A_811 : i32
        %le3A_813 = arith.constant 159 : i32
        %le3A_814 = arith.cmpi sle, %sub3A_812, %le3A_813 : i32
        %convert_element_type3A_815 = arith.extui %le3A_814 : i1 to i32
        %cond3A_816 = arith.constant 0 : i32
        %cond3A_817 = arith.cmpi ne, %convert_element_type3A_815, %cond3A_816 : i32
        scf.if %cond3A_817 {
          %dma_start3A_819 = arith.constant 0 : i32
          %dma_start3A_820 = tpu.memref_slice %arg20[%sub3A_812, %dma_start3A_819] : memref<160x128xi32, #tpu.memory_space<vmem>> -> memref<1x128xi32, #tpu.memory_space<vmem>>
          %dma_start3A_821 = tpu.memref_squeeze %dma_start3A_820 : memref<1x128xi32, #tpu.memory_space<vmem>> -> memref<128xi32, #tpu.memory_space<vmem>>
          %dma_start3A_822 = arith.constant 0 : i32
          %dma_start3A_823 = arith.constant 0 : i32
          %dma_start3A_824 = tpu.memref_slice %arg2[%dma_start3A_822, %dma_start3A_823] : memref<10240x64xf32, #tpu.memory_space<hbm>> -> memref<10240x64xf32, #tpu.memory_space<hbm>>
          tpu.enqueue_indirect_dma source(%dma_start3A_824 : memref<10240x64xf32, #tpu.memory_space<hbm>>) target(%arg14 : memref<128x64xf32, #tpu.memory_space<vmem>>) offsets(%dma_start3A_821 : memref<128xi32, #tpu.memory_space<vmem>>) semaphore(%arg15 : memref<!tpu.dma_semaphore, #tpu.memory_space<semaphore_mem>>)
        } else {
        }
        %scan3A_818 = arith.constant 0 : i32
        scf.yield %scan3A_818 : i32
      }
      %scan3A_630 = arith.constant 39 : i32
      %dma_wait3A_631 = arith.constant 159 : i32
      %dma_wait3A_632 = arith.constant 0 : i32
      %dma_wait3A_633 = tpu.memref_slice %arg21[%dma_wait3A_631, %dma_wait3A_632] : memref<160x128xi32, #tpu.memory_space<vmem>> -> memref<1x128xi32, #tpu.memory_space<vmem>>
      %dma_wait3A_634 = tpu.memref_squeeze %dma_wait3A_633 : memref<1x128xi32, #tpu.memory_space<vmem>> -> memref<128xi32, #tpu.memory_space<vmem>>
      %dma_wait3A_635 = arith.constant 0 : i32
      %dma_wait3A_636 = arith.constant 0 : i32
      %dma_wait3A_637 = tpu.memref_slice %arg24[%dma_wait3A_635, %dma_wait3A_636] : memref<10240x64xf32, #tpu.memory_space<vmem_shared>> -> memref<10240x64xf32, #tpu.memory_space<vmem_shared>>
      tpu.wait_indirect_dma semaphore(%arg19 : memref<!tpu.dma_semaphore, #tpu.memory_space<semaphore_mem>>) src(%arg17 : memref<128x64xf32, #tpu.memory_space<vmem>>) dst(%dma_wait3A_637 : memref<10240x64xf32, #tpu.memory_space<vmem_shared>>)
      %dma_wait3A_638 = arith.constant 159 : i32
      %dma_wait3A_639 = arith.constant 0 : i32
      %dma_wait3A_640 = tpu.memref_slice %arg21[%dma_wait3A_638, %dma_wait3A_639] : memref<160x128xi32, #tpu.memory_space<vmem>> -> memref<1x128xi32, #tpu.memory_space<vmem>>
      %dma_wait3A_641 = tpu.memref_squeeze %dma_wait3A_640 : memref<1x128xi32, #tpu.memory_space<vmem>> -> memref<128xi32, #tpu.memory_space<vmem>>
      %dma_wait3A_642 = arith.constant 0 : i32
      %dma_wait3A_643 = arith.constant 0 : i32
      %dma_wait3A_644 = tpu.memref_slice %arg27[%dma_wait3A_642, %dma_wait3A_643] : memref<10240x16xf32, #tpu.memory_space<vmem_shared>> -> memref<10240x16xf32, #tpu.memory_space<vmem_shared>>
      tpu.wait_indirect_dma semaphore(%arg19 : memref<!tpu.dma_semaphore, #tpu.memory_space<semaphore_mem>>) src(%arg25 : memref<128x16xf32, #tpu.memory_space<vmem>>) dst(%dma_wait3A_644 : memref<10240x16xf32, #tpu.memory_space<vmem_shared>>)
    } else {
    }
    %eq3A_434 = arith.constant 1 : i32
    %eq3A_435 = arith.cmpi eq, %arg0, %eq3A_434 : i32
    %convert_element_type3A_436 = arith.extui %eq3A_435 : i1 to i32
    %cond3A_437 = arith.constant 0 : i32
    %cond3A_438 = arith.cmpi ne, %convert_element_type3A_436, %cond3A_437 : i32
    scf.if %cond3A_438 {
      %dma_start3A_449 = arith.constant 0 : i32
      %dma_start3A_450 = arith.constant 0 : i32
      %dma_start3A_451 = tpu.memref_slice %arg20[%dma_start3A_449, %dma_start3A_450] : memref<160x128xi32, #tpu.memory_space<vmem>> -> memref<1x128xi32, #tpu.memory_space<vmem>>
      %dma_start3A_452 = tpu.memref_squeeze %dma_start3A_451 : memref<1x128xi32, #tpu.memory_space<vmem>> -> memref<128xi32, #tpu.memory_space<vmem>>
      %dma_start3A_453 = arith.constant 0 : i32
      %dma_start3A_454 = arith.constant 0 : i32
      %dma_start3A_455 = tpu.memref_slice %arg3[%dma_start3A_453, %dma_start3A_454] : memref<10240x64xf32, #tpu.memory_space<hbm>> -> memref<10240x64xf32, #tpu.memory_space<hbm>>
      tpu.enqueue_indirect_dma source(%dma_start3A_455 : memref<10240x64xf32, #tpu.memory_space<hbm>>) target(%arg8 : memref<128x64xf32, #tpu.memory_space<vmem>>) offsets(%dma_start3A_452 : memref<128xi32, #tpu.memory_space<vmem>>) semaphore(%arg9 : memref<!tpu.dma_semaphore, #tpu.memory_space<semaphore_mem>>)
      %dma_start3A_456 = arith.constant 1 : i32
      %dma_start3A_457 = arith.constant 0 : i32
      %dma_start3A_458 = tpu.memref_slice %arg20[%dma_start3A_456, %dma_start3A_457] : memref<160x128xi32, #tpu.memory_space<vmem>> -> memref<1x128xi32, #tpu.memory_space<vmem>>
      %dma_start3A_459 = tpu.memref_squeeze %dma_start3A_458 : memref<1x128xi32, #tpu.memory_space<vmem>> -> memref<128xi32, #tpu.memory_space<vmem>>
      %dma_start3A_460 = arith.constant 0 : i32
      %dma_start3A_461 = arith.constant 0 : i32
      %dma_start3A_462 = tpu.memref_slice %arg3[%dma_start3A_460, %dma_start3A_461] : memref<10240x64xf32, #tpu.memory_space<hbm>> -> memref<10240x64xf32, #tpu.memory_space<hbm>>
      tpu.enqueue_indirect_dma source(%dma_start3A_462 : memref<10240x64xf32, #tpu.memory_space<hbm>>) target(%arg11 : memref<128x64xf32, #tpu.memory_space<vmem>>) offsets(%dma_start3A_459 : memref<128xi32, #tpu.memory_space<vmem>>) semaphore(%arg12 : memref<!tpu.dma_semaphore, #tpu.memory_space<semaphore_mem>>)
      %dma_start3A_463 = arith.constant 2 : i32
      %dma_start3A_464 = arith.constant 0 : i32
      %dma_start3A_465 = tpu.memref_slice %arg20[%dma_start3A_463, %dma_start3A_464] : memref<160x128xi32, #tpu.memory_space<vmem>> -> memref<1x128xi32, #tpu.memory_space<vmem>>
      %dma_start3A_466 = tpu.memref_squeeze %dma_start3A_465 : memref<1x128xi32, #tpu.memory_space<vmem>> -> memref<128xi32, #tpu.memory_space<vmem>>
      %dma_start3A_467 = arith.constant 0 : i32
      %dma_start3A_468 = arith.constant 0 : i32
      %dma_start3A_469 = tpu.memref_slice %arg3[%dma_start3A_467, %dma_start3A_468] : memref<10240x64xf32, #tpu.memory_space<hbm>> -> memref<10240x64xf32, #tpu.memory_space<hbm>>
      tpu.enqueue_indirect_dma source(%dma_start3A_469 : memref<10240x64xf32, #tpu.memory_space<hbm>>) target(%arg14 : memref<128x64xf32, #tpu.memory_space<vmem>>) offsets(%dma_start3A_466 : memref<128xi32, #tpu.memory_space<vmem>>) semaphore(%arg15 : memref<!tpu.dma_semaphore, #tpu.memory_space<semaphore_mem>>)
      %dma_wait3A_470 = arith.constant 0 : i32
      %dma_wait3A_471 = arith.constant 0 : i32
      %dma_wait3A_472 = tpu.memref_slice %arg20[%dma_wait3A_470, %dma_wait3A_471] : memref<160x128xi32, #tpu.memory_space<vmem>> -> memref<1x128xi32, #tpu.memory_space<vmem>>
      %dma_wait3A_473 = tpu.memref_squeeze %dma_wait3A_472 : memref<1x128xi32, #tpu.memory_space<vmem>> -> memref<128xi32, #tpu.memory_space<vmem>>
      %dma_wait3A_474 = arith.constant 0 : i32
      %dma_wait3A_475 = arith.constant 0 : i32
      %dma_wait3A_476 = tpu.memref_slice %arg3[%dma_wait3A_474, %dma_wait3A_475] : memref<10240x64xf32, #tpu.memory_space<hbm>> -> memref<10240x64xf32, #tpu.memory_space<hbm>>
      tpu.wait_indirect_dma semaphore(%arg9 : memref<!tpu.dma_semaphore, #tpu.memory_space<semaphore_mem>>) src(%dma_wait3A_476 : memref<10240x64xf32, #tpu.memory_space<hbm>>) dst(%arg8 : memref<128x64xf32, #tpu.memory_space<vmem>>)
      %dma_start3A_477 = arith.constant 0 : i32
      %dma_start3A_478 = arith.constant 0 : i32
      %dma_start3A_479 = tpu.memref_slice %arg21[%dma_start3A_477, %dma_start3A_478] : memref<160x128xi32, #tpu.memory_space<vmem>> -> memref<1x128xi32, #tpu.memory_space<vmem>>
      %dma_start3A_480 = tpu.memref_squeeze %dma_start3A_479 : memref<1x128xi32, #tpu.memory_space<vmem>> -> memref<128xi32, #tpu.memory_space<vmem>>
      %dma_start3A_481 = arith.constant 0 : i32
      %dma_start3A_482 = arith.constant 0 : i32
      %dma_start3A_483 = tpu.memref_slice %arg24[%dma_start3A_481, %dma_start3A_482] : memref<10240x64xf32, #tpu.memory_space<vmem_shared>> -> memref<10240x64xf32, #tpu.memory_space<vmem_shared>>
      tpu.enqueue_indirect_dma source(%arg8 : memref<128x64xf32, #tpu.memory_space<vmem>>) target(%dma_start3A_483 : memref<10240x64xf32, #tpu.memory_space<vmem_shared>>) offsets(%dma_start3A_480 : memref<128xi32, #tpu.memory_space<vmem>>) semaphore(%arg10 : memref<!tpu.dma_semaphore, #tpu.memory_space<semaphore_mem>>) {add = true}
      %dma_start3A_484 = arith.constant 3 : i32
      %dma_start3A_485 = arith.constant 0 : i32
      %dma_start3A_486 = tpu.memref_slice %arg20[%dma_start3A_484, %dma_start3A_485] : memref<160x128xi32, #tpu.memory_space<vmem>> -> memref<1x128xi32, #tpu.memory_space<vmem>>
      %dma_start3A_487 = tpu.memref_squeeze %dma_start3A_486 : memref<1x128xi32, #tpu.memory_space<vmem>> -> memref<128xi32, #tpu.memory_space<vmem>>
      %dma_start3A_488 = arith.constant 0 : i32
      %dma_start3A_489 = arith.constant 0 : i32
      %dma_start3A_490 = tpu.memref_slice %arg3[%dma_start3A_488, %dma_start3A_489] : memref<10240x64xf32, #tpu.memory_space<hbm>> -> memref<10240x64xf32, #tpu.memory_space<hbm>>
      tpu.enqueue_indirect_dma source(%dma_start3A_490 : memref<10240x64xf32, #tpu.memory_space<hbm>>) target(%arg17 : memref<128x64xf32, #tpu.memory_space<vmem>>) offsets(%dma_start3A_487 : memref<128xi32, #tpu.memory_space<vmem>>) semaphore(%arg18 : memref<!tpu.dma_semaphore, #tpu.memory_space<semaphore_mem>>)
      %dma_wait3A_491 = arith.constant 1 : i32
      %dma_wait3A_492 = arith.constant 0 : i32
      %dma_wait3A_493 = tpu.memref_slice %arg20[%dma_wait3A_491, %dma_wait3A_492] : memref<160x128xi32, #tpu.memory_space<vmem>> -> memref<1x128xi32, #tpu.memory_space<vmem>>
      %dma_wait3A_494 = tpu.memref_squeeze %dma_wait3A_493 : memref<1x128xi32, #tpu.memory_space<vmem>> -> memref<128xi32, #tpu.memory_space<vmem>>
      %dma_wait3A_495 = arith.constant 0 : i32
      %dma_wait3A_496 = arith.constant 0 : i32
      %dma_wait3A_497 = tpu.memref_slice %arg3[%dma_wait3A_495, %dma_wait3A_496] : memref<10240x64xf32, #tpu.memory_space<hbm>> -> memref<10240x64xf32, #tpu.memory_space<hbm>>
      tpu.wait_indirect_dma semaphore(%arg12 : memref<!tpu.dma_semaphore, #tpu.memory_space<semaphore_mem>>) src(%dma_wait3A_497 : memref<10240x64xf32, #tpu.memory_space<hbm>>) dst(%arg11 : memref<128x64xf32, #tpu.memory_space<vmem>>)
      %dma_start3A_498 = arith.constant 1 : i32
      %dma_start3A_499 = arith.constant 0 : i32
      %dma_start3A_500 = tpu.memref_slice %arg21[%dma_start3A_498, %dma_start3A_499] : memref<160x128xi32, #tpu.memory_space<vmem>> -> memref<1x128xi32, #tpu.memory_space<vmem>>
      %dma_start3A_501 = tpu.memref_squeeze %dma_start3A_500 : memref<1x128xi32, #tpu.memory_space<vmem>> -> memref<128xi32, #tpu.memory_space<vmem>>
      %dma_start3A_502 = arith.constant 0 : i32
      %dma_start3A_503 = arith.constant 0 : i32
      %dma_start3A_504 = tpu.memref_slice %arg24[%dma_start3A_502, %dma_start3A_503] : memref<10240x64xf32, #tpu.memory_space<vmem_shared>> -> memref<10240x64xf32, #tpu.memory_space<vmem_shared>>
      tpu.enqueue_indirect_dma source(%arg11 : memref<128x64xf32, #tpu.memory_space<vmem>>) target(%dma_start3A_504 : memref<10240x64xf32, #tpu.memory_space<vmem_shared>>) offsets(%dma_start3A_501 : memref<128xi32, #tpu.memory_space<vmem>>) semaphore(%arg13 : memref<!tpu.dma_semaphore, #tpu.memory_space<semaphore_mem>>) {add = true}
      %dma_wait3A_505 = arith.constant 0 : i32
      %dma_wait3A_506 = arith.constant 0 : i32
      %dma_wait3A_507 = tpu.memref_slice %arg21[%dma_wait3A_505, %dma_wait3A_506] : memref<160x128xi32, #tpu.memory_space<vmem>> -> memref<1x128xi32, #tpu.memory_space<vmem>>
      %dma_wait3A_508 = tpu.memref_squeeze %dma_wait3A_507 : memref<1x128xi32, #tpu.memory_space<vmem>> -> memref<128xi32, #tpu.memory_space<vmem>>
      %dma_wait3A_509 = arith.constant 0 : i32
      %dma_wait3A_510 = arith.constant 0 : i32
      %dma_wait3A_511 = tpu.memref_slice %arg24[%dma_wait3A_509, %dma_wait3A_510] : memref<10240x64xf32, #tpu.memory_space<vmem_shared>> -> memref<10240x64xf32, #tpu.memory_space<vmem_shared>>
      tpu.wait_indirect_dma semaphore(%arg10 : memref<!tpu.dma_semaphore, #tpu.memory_space<semaphore_mem>>) src(%arg8 : memref<128x64xf32, #tpu.memory_space<vmem>>) dst(%dma_wait3A_511 : memref<10240x64xf32, #tpu.memory_space<vmem_shared>>)
      %dma_start3A_512 = arith.constant 4 : i32
      %dma_start3A_513 = arith.constant 0 : i32
      %dma_start3A_514 = tpu.memref_slice %arg20[%dma_start3A_512, %dma_start3A_513] : memref<160x128xi32, #tpu.memory_space<vmem>> -> memref<1x128xi32, #tpu.memory_space<vmem>>
      %dma_start3A_515 = tpu.memref_squeeze %dma_start3A_514 : memref<1x128xi32, #tpu.memory_space<vmem>> -> memref<128xi32, #tpu.memory_space<vmem>>
      %dma_start3A_516 = arith.constant 0 : i32
      %dma_start3A_517 = arith.constant 0 : i32
      %dma_start3A_518 = tpu.memref_slice %arg3[%dma_start3A_516, %dma_start3A_517] : memref<10240x64xf32, #tpu.memory_space<hbm>> -> memref<10240x64xf32, #tpu.memory_space<hbm>>
      tpu.enqueue_indirect_dma source(%dma_start3A_518 : memref<10240x64xf32, #tpu.memory_space<hbm>>) target(%arg8 : memref<128x64xf32, #tpu.memory_space<vmem>>) offsets(%dma_start3A_515 : memref<128xi32, #tpu.memory_space<vmem>>) semaphore(%arg9 : memref<!tpu.dma_semaphore, #tpu.memory_space<semaphore_mem>>)
      %dma_wait3A_519 = arith.constant 2 : i32
      %dma_wait3A_520 = arith.constant 0 : i32
      %dma_wait3A_521 = tpu.memref_slice %arg20[%dma_wait3A_519, %dma_wait3A_520] : memref<160x128xi32, #tpu.memory_space<vmem>> -> memref<1x128xi32, #tpu.memory_space<vmem>>
      %dma_wait3A_522 = tpu.memref_squeeze %dma_wait3A_521 : memref<1x128xi32, #tpu.memory_space<vmem>> -> memref<128xi32, #tpu.memory_space<vmem>>
      %dma_wait3A_523 = arith.constant 0 : i32
      %dma_wait3A_524 = arith.constant 0 : i32
      %dma_wait3A_525 = tpu.memref_slice %arg3[%dma_wait3A_523, %dma_wait3A_524] : memref<10240x64xf32, #tpu.memory_space<hbm>> -> memref<10240x64xf32, #tpu.memory_space<hbm>>
      tpu.wait_indirect_dma semaphore(%arg15 : memref<!tpu.dma_semaphore, #tpu.memory_space<semaphore_mem>>) src(%dma_wait3A_525 : memref<10240x64xf32, #tpu.memory_space<hbm>>) dst(%arg14 : memref<128x64xf32, #tpu.memory_space<vmem>>)
      %dma_start3A_526 = arith.constant 2 : i32
      %dma_start3A_527 = arith.constant 0 : i32
      %dma_start3A_528 = tpu.memref_slice %arg21[%dma_start3A_526, %dma_start3A_527] : memref<160x128xi32, #tpu.memory_space<vmem>> -> memref<1x128xi32, #tpu.memory_space<vmem>>
      %dma_start3A_529 = tpu.memref_squeeze %dma_start3A_528 : memref<1x128xi32, #tpu.memory_space<vmem>> -> memref<128xi32, #tpu.memory_space<vmem>>
      %dma_start3A_530 = arith.constant 0 : i32
      %dma_start3A_531 = arith.constant 0 : i32
      %dma_start3A_532 = tpu.memref_slice %arg24[%dma_start3A_530, %dma_start3A_531] : memref<10240x64xf32, #tpu.memory_space<vmem_shared>> -> memref<10240x64xf32, #tpu.memory_space<vmem_shared>>
      tpu.enqueue_indirect_dma source(%arg14 : memref<128x64xf32, #tpu.memory_space<vmem>>) target(%dma_start3A_532 : memref<10240x64xf32, #tpu.memory_space<vmem_shared>>) offsets(%dma_start3A_529 : memref<128xi32, #tpu.memory_space<vmem>>) semaphore(%arg16 : memref<!tpu.dma_semaphore, #tpu.memory_space<semaphore_mem>>) {add = true}
      %dma_wait3A_533 = arith.constant 1 : i32
      %dma_wait3A_534 = arith.constant 0 : i32
      %dma_wait3A_535 = tpu.memref_slice %arg21[%dma_wait3A_533, %dma_wait3A_534] : memref<160x128xi32, #tpu.memory_space<vmem>> -> memref<1x128xi32, #tpu.memory_space<vmem>>
      %dma_wait3A_536 = tpu.memref_squeeze %dma_wait3A_535 : memref<1x128xi32, #tpu.memory_space<vmem>> -> memref<128xi32, #tpu.memory_space<vmem>>
      %dma_wait3A_537 = arith.constant 0 : i32
      %dma_wait3A_538 = arith.constant 0 : i32
      %dma_wait3A_539 = tpu.memref_slice %arg24[%dma_wait3A_537, %dma_wait3A_538] : memref<10240x64xf32, #tpu.memory_space<vmem_shared>> -> memref<10240x64xf32, #tpu.memory_space<vmem_shared>>
      tpu.wait_indirect_dma semaphore(%arg13 : memref<!tpu.dma_semaphore, #tpu.memory_space<semaphore_mem>>) src(%arg11 : memref<128x64xf32, #tpu.memory_space<vmem>>) dst(%dma_wait3A_539 : memref<10240x64xf32, #tpu.memory_space<vmem_shared>>)
      %dma_start3A_540 = arith.constant 5 : i32
      %dma_start3A_541 = arith.constant 0 : i32
      %dma_start3A_542 = tpu.memref_slice %arg20[%dma_start3A_540, %dma_start3A_541] : memref<160x128xi32, #tpu.memory_space<vmem>> -> memref<1x128xi32, #tpu.memory_space<vmem>>
      %dma_start3A_543 = tpu.memref_squeeze %dma_start3A_542 : memref<1x128xi32, #tpu.memory_space<vmem>> -> memref<128xi32, #tpu.memory_space<vmem>>
      %dma_start3A_544 = arith.constant 0 : i32
      %dma_start3A_545 = arith.constant 0 : i32
      %dma_start3A_546 = tpu.memref_slice %arg3[%dma_start3A_544, %dma_start3A_545] : memref<10240x64xf32, #tpu.memory_space<hbm>> -> memref<10240x64xf32, #tpu.memory_space<hbm>>
      tpu.enqueue_indirect_dma source(%dma_start3A_546 : memref<10240x64xf32, #tpu.memory_space<hbm>>) target(%arg11 : memref<128x64xf32, #tpu.memory_space<vmem>>) offsets(%dma_start3A_543 : memref<128xi32, #tpu.memory_space<vmem>>) semaphore(%arg12 : memref<!tpu.dma_semaphore, #tpu.memory_space<semaphore_mem>>)
      %dma_wait3A_547 = arith.constant 3 : i32
      %dma_wait3A_548 = arith.constant 0 : i32
      %dma_wait3A_549 = tpu.memref_slice %arg20[%dma_wait3A_547, %dma_wait3A_548] : memref<160x128xi32, #tpu.memory_space<vmem>> -> memref<1x128xi32, #tpu.memory_space<vmem>>
      %dma_wait3A_550 = tpu.memref_squeeze %dma_wait3A_549 : memref<1x128xi32, #tpu.memory_space<vmem>> -> memref<128xi32, #tpu.memory_space<vmem>>
      %dma_wait3A_551 = arith.constant 0 : i32
      %dma_wait3A_552 = arith.constant 0 : i32
      %dma_wait3A_553 = tpu.memref_slice %arg3[%dma_wait3A_551, %dma_wait3A_552] : memref<10240x64xf32, #tpu.memory_space<hbm>> -> memref<10240x64xf32, #tpu.memory_space<hbm>>
      tpu.wait_indirect_dma semaphore(%arg18 : memref<!tpu.dma_semaphore, #tpu.memory_space<semaphore_mem>>) src(%dma_wait3A_553 : memref<10240x64xf32, #tpu.memory_space<hbm>>) dst(%arg17 : memref<128x64xf32, #tpu.memory_space<vmem>>)
      %dma_start3A_554 = arith.constant 3 : i32
      %dma_start3A_555 = arith.constant 0 : i32
      %dma_start3A_556 = tpu.memref_slice %arg21[%dma_start3A_554, %dma_start3A_555] : memref<160x128xi32, #tpu.memory_space<vmem>> -> memref<1x128xi32, #tpu.memory_space<vmem>>
      %dma_start3A_557 = tpu.memref_squeeze %dma_start3A_556 : memref<1x128xi32, #tpu.memory_space<vmem>> -> memref<128xi32, #tpu.memory_space<vmem>>
      %dma_start3A_558 = arith.constant 0 : i32
      %dma_start3A_559 = arith.constant 0 : i32
      %dma_start3A_560 = tpu.memref_slice %arg24[%dma_start3A_558, %dma_start3A_559] : memref<10240x64xf32, #tpu.memory_space<vmem_shared>> -> memref<10240x64xf32, #tpu.memory_space<vmem_shared>>
      tpu.enqueue_indirect_dma source(%arg17 : memref<128x64xf32, #tpu.memory_space<vmem>>) target(%dma_start3A_560 : memref<10240x64xf32, #tpu.memory_space<vmem_shared>>) offsets(%dma_start3A_557 : memref<128xi32, #tpu.memory_space<vmem>>) semaphore(%arg19 : memref<!tpu.dma_semaphore, #tpu.memory_space<semaphore_mem>>) {add = true}
      %dma_wait3A_561 = arith.constant 2 : i32
      %dma_wait3A_562 = arith.constant 0 : i32
      %dma_wait3A_563 = tpu.memref_slice %arg21[%dma_wait3A_561, %dma_wait3A_562] : memref<160x128xi32, #tpu.memory_space<vmem>> -> memref<1x128xi32, #tpu.memory_space<vmem>>
      %dma_wait3A_564 = tpu.memref_squeeze %dma_wait3A_563 : memref<1x128xi32, #tpu.memory_space<vmem>> -> memref<128xi32, #tpu.memory_space<vmem>>
      %dma_wait3A_565 = arith.constant 0 : i32
      %dma_wait3A_566 = arith.constant 0 : i32
      %dma_wait3A_567 = tpu.memref_slice %arg24[%dma_wait3A_565, %dma_wait3A_566] : memref<10240x64xf32, #tpu.memory_space<vmem_shared>> -> memref<10240x64xf32, #tpu.memory_space<vmem_shared>>
      tpu.wait_indirect_dma semaphore(%arg16 : memref<!tpu.dma_semaphore, #tpu.memory_space<semaphore_mem>>) src(%arg14 : memref<128x64xf32, #tpu.memory_space<vmem>>) dst(%dma_wait3A_567 : memref<10240x64xf32, #tpu.memory_space<vmem_shared>>)
      %dma_start3A_568 = arith.constant 6 : i32
      %dma_start3A_569 = arith.constant 0 : i32
      %dma_start3A_570 = tpu.memref_slice %arg20[%dma_start3A_568, %dma_start3A_569] : memref<160x128xi32, #tpu.memory_space<vmem>> -> memref<1x128xi32, #tpu.memory_space<vmem>>
      %dma_start3A_571 = tpu.memref_squeeze %dma_start3A_570 : memref<1x128xi32, #tpu.memory_space<vmem>> -> memref<128xi32, #tpu.memory_space<vmem>>
      %dma_start3A_572 = arith.constant 0 : i32
      %dma_start3A_573 = arith.constant 0 : i32
      %dma_start3A_574 = tpu.memref_slice %arg3[%dma_start3A_572, %dma_start3A_573] : memref<10240x64xf32, #tpu.memory_space<hbm>> -> memref<10240x64xf32, #tpu.memory_space<hbm>>
      tpu.enqueue_indirect_dma source(%dma_start3A_574 : memref<10240x64xf32, #tpu.memory_space<hbm>>) target(%arg14 : memref<128x64xf32, #tpu.memory_space<vmem>>) offsets(%dma_start3A_571 : memref<128xi32, #tpu.memory_space<vmem>>) semaphore(%arg15 : memref<!tpu.dma_semaphore, #tpu.memory_space<semaphore_mem>>)
      %scan3A_575 = arith.constant 0 : i32
      %scan3A_576 = arith.constant 1 : i32
      %scan3A_577 = arith.constant 39 : i32
      %scan3A_578 = arith.addi %scan3A_576, %scan3A_577 : i32
      %scan3A_579 = arith.constant 1 : i32
      %scan3A_580 = scf.for %scan3A_589 = %scan3A_576 to %scan3A_578 step %scan3A_579 iter_args(%scan3A_590 = %scan3A_575) -> (i32)  : i32 {
        %mul3A_591 = arith.constant 4 : i32
        %mul3A_592 = arith.muli %mul3A_591, %scan3A_589 : i32
        %add3A = arith.constant 0 : i32
        %add3A_593 = arith.addi %mul3A_592, %add3A : i32
        %dma_wait3A_594 = arith.constant 0 : i32
        %dma_wait3A_595 = tpu.memref_slice %arg20[%add3A_593, %dma_wait3A_594] : memref<160x128xi32, #tpu.memory_space<vmem>> -> memref<1x128xi32, #tpu.memory_space<vmem>>
        %dma_wait3A_596 = tpu.memref_squeeze %dma_wait3A_595 : memref<1x128xi32, #tpu.memory_space<vmem>> -> memref<128xi32, #tpu.memory_space<vmem>>
        %dma_wait3A_597 = arith.constant 0 : i32
        %dma_wait3A_598 = arith.constant 0 : i32
        %dma_wait3A_599 = tpu.memref_slice %arg3[%dma_wait3A_597, %dma_wait3A_598] : memref<10240x64xf32, #tpu.memory_space<hbm>> -> memref<10240x64xf32, #tpu.memory_space<hbm>>
        tpu.wait_indirect_dma semaphore(%arg9 : memref<!tpu.dma_semaphore, #tpu.memory_space<semaphore_mem>>) src(%dma_wait3A_599 : memref<10240x64xf32, #tpu.memory_space<hbm>>) dst(%arg8 : memref<128x64xf32, #tpu.memory_space<vmem>>)
        %dma_start3A_600 = arith.constant 0 : i32
        %dma_start3A_601 = tpu.memref_slice %arg21[%add3A_593, %dma_start3A_600] : memref<160x128xi32, #tpu.memory_space<vmem>> -> memref<1x128xi32, #tpu.memory_space<vmem>>
        %dma_start3A_602 = tpu.memref_squeeze %dma_start3A_601 : memref<1x128xi32, #tpu.memory_space<vmem>> -> memref<128xi32, #tpu.memory_space<vmem>>
        %dma_start3A_603 = arith.constant 0 : i32
        %dma_start3A_604 = arith.constant 0 : i32
        %dma_start3A_605 = tpu.memref_slice %arg24[%dma_start3A_603, %dma_start3A_604] : memref<10240x64xf32, #tpu.memory_space<vmem_shared>> -> memref<10240x64xf32, #tpu.memory_space<vmem_shared>>
        tpu.enqueue_indirect_dma source(%arg8 : memref<128x64xf32, #tpu.memory_space<vmem>>) target(%dma_start3A_605 : memref<10240x64xf32, #tpu.memory_space<vmem_shared>>) offsets(%dma_start3A_602 : memref<128xi32, #tpu.memory_space<vmem>>) semaphore(%arg10 : memref<!tpu.dma_semaphore, #tpu.memory_space<semaphore_mem>>) {add = true}
        %sub3A = arith.constant 1 : i32
        %sub3A_606 = arith.subi %add3A_593, %sub3A : i32
        %dma_wait3A_607 = arith.constant 0 : i32
        %dma_wait3A_608 = tpu.memref_slice %arg21[%sub3A_606, %dma_wait3A_607] : memref<160x128xi32, #tpu.memory_space<vmem>> -> memref<1x128xi32, #tpu.memory_space<vmem>>
        %dma_wait3A_609 = tpu.memref_squeeze %dma_wait3A_608 : memref<1x128xi32, #tpu.memory_space<vmem>> -> memref<128xi32, #tpu.memory_space<vmem>>
        %dma_wait3A_610 = arith.constant 0 : i32
        %dma_wait3A_611 = arith.constant 0 : i32
        %dma_wait3A_612 = tpu.memref_slice %arg24[%dma_wait3A_610, %dma_wait3A_611] : memref<10240x64xf32, #tpu.memory_space<vmem_shared>> -> memref<10240x64xf32, #tpu.memory_space<vmem_shared>>
        tpu.wait_indirect_dma semaphore(%arg19 : memref<!tpu.dma_semaphore, #tpu.memory_space<semaphore_mem>>) src(%arg17 : memref<128x64xf32, #tpu.memory_space<vmem>>) dst(%dma_wait3A_612 : memref<10240x64xf32, #tpu.memory_space<vmem_shared>>)
        %add3A_613 = arith.constant 4 : i32
        %add3A_614 = arith.addi %add3A_593, %add3A_613 : i32
        %sub3A_615 = arith.constant 1 : i32
        %sub3A_616 = arith.subi %add3A_614, %sub3A_615 : i32
        %le3A = arith.constant 159 : i32
        %le3A_617 = arith.cmpi sle, %sub3A_616, %le3A : i32
        %convert_element_type3A_618 = arith.extui %le3A_617 : i1 to i32
        %cond3A_619 = arith.constant 0 : i32
        %cond3A_620 = arith.cmpi ne, %convert_element_type3A_618, %cond3A_619 : i32
        scf.if %cond3A_620 {
          %dma_start3A_715 = arith.constant 0 : i32
          %dma_start3A_716 = tpu.memref_slice %arg20[%sub3A_616, %dma_start3A_715] : memref<160x128xi32, #tpu.memory_space<vmem>> -> memref<1x128xi32, #tpu.memory_space<vmem>>
          %dma_start3A_717 = tpu.memref_squeeze %dma_start3A_716 : memref<1x128xi32, #tpu.memory_space<vmem>> -> memref<128xi32, #tpu.memory_space<vmem>>
          %dma_start3A_718 = arith.constant 0 : i32
          %dma_start3A_719 = arith.constant 0 : i32
          %dma_start3A_720 = tpu.memref_slice %arg3[%dma_start3A_718, %dma_start3A_719] : memref<10240x64xf32, #tpu.memory_space<hbm>> -> memref<10240x64xf32, #tpu.memory_space<hbm>>
          tpu.enqueue_indirect_dma source(%dma_start3A_720 : memref<10240x64xf32, #tpu.memory_space<hbm>>) target(%arg17 : memref<128x64xf32, #tpu.memory_space<vmem>>) offsets(%dma_start3A_717 : memref<128xi32, #tpu.memory_space<vmem>>) semaphore(%arg18 : memref<!tpu.dma_semaphore, #tpu.memory_space<semaphore_mem>>)
        } else {
        }
        %add3A_621 = arith.constant 1 : i32
        %add3A_622 = arith.addi %mul3A_592, %add3A_621 : i32
        %dma_wait3A_623 = arith.constant 0 : i32
        %dma_wait3A_624 = tpu.memref_slice %arg20[%add3A_622, %dma_wait3A_623] : memref<160x128xi32, #tpu.memory_space<vmem>> -> memref<1x128xi32, #tpu.memory_space<vmem>>
        %dma_wait3A_625 = tpu.memref_squeeze %dma_wait3A_624 : memref<1x128xi32, #tpu.memory_space<vmem>> -> memref<128xi32, #tpu.memory_space<vmem>>
        %dma_wait3A_626 = arith.constant 0 : i32
        %dma_wait3A_627 = arith.constant 0 : i32
        %dma_wait3A_628 = tpu.memref_slice %arg3[%dma_wait3A_626, %dma_wait3A_627] : memref<10240x64xf32, #tpu.memory_space<hbm>> -> memref<10240x64xf32, #tpu.memory_space<hbm>>
        tpu.wait_indirect_dma semaphore(%arg12 : memref<!tpu.dma_semaphore, #tpu.memory_space<semaphore_mem>>) src(%dma_wait3A_628 : memref<10240x64xf32, #tpu.memory_space<hbm>>) dst(%arg11 : memref<128x64xf32, #tpu.memory_space<vmem>>)
        %dma_start3A_629 = arith.constant 0 : i32
        %dma_start3A_630 = tpu.memref_slice %arg21[%add3A_622, %dma_start3A_629] : memref<160x128xi32, #tpu.memory_space<vmem>> -> memref<1x128xi32, #tpu.memory_space<vmem>>
        %dma_start3A_631 = tpu.memref_squeeze %dma_start3A_630 : memref<1x128xi32, #tpu.memory_space<vmem>> -> memref<128xi32, #tpu.memory_space<vmem>>
        %dma_start3A_632 = arith.constant 0 : i32
        %dma_start3A_633 = arith.constant 0 : i32
        %dma_start3A_634 = tpu.memref_slice %arg24[%dma_start3A_632, %dma_start3A_633] : memref<10240x64xf32, #tpu.memory_space<vmem_shared>> -> memref<10240x64xf32, #tpu.memory_space<vmem_shared>>
        tpu.enqueue_indirect_dma source(%arg11 : memref<128x64xf32, #tpu.memory_space<vmem>>) target(%dma_start3A_634 : memref<10240x64xf32, #tpu.memory_space<vmem_shared>>) offsets(%dma_start3A_631 : memref<128xi32, #tpu.memory_space<vmem>>) semaphore(%arg13 : memref<!tpu.dma_semaphore, #tpu.memory_space<semaphore_mem>>) {add = true}
        %sub3A_635 = arith.constant 1 : i32
        %sub3A_636 = arith.subi %add3A_622, %sub3A_635 : i32
        %dma_wait3A_637 = arith.constant 0 : i32
        %dma_wait3A_638 = tpu.memref_slice %arg21[%sub3A_636, %dma_wait3A_637] : memref<160x128xi32, #tpu.memory_space<vmem>> -> memref<1x128xi32, #tpu.memory_space<vmem>>
        %dma_wait3A_639 = tpu.memref_squeeze %dma_wait3A_638 : memref<1x128xi32, #tpu.memory_space<vmem>> -> memref<128xi32, #tpu.memory_space<vmem>>
        %dma_wait3A_640 = arith.constant 0 : i32
        %dma_wait3A_641 = arith.constant 0 : i32
        %dma_wait3A_642 = tpu.memref_slice %arg24[%dma_wait3A_640, %dma_wait3A_641] : memref<10240x64xf32, #tpu.memory_space<vmem_shared>> -> memref<10240x64xf32, #tpu.memory_space<vmem_shared>>
        tpu.wait_indirect_dma semaphore(%arg10 : memref<!tpu.dma_semaphore, #tpu.memory_space<semaphore_mem>>) src(%arg8 : memref<128x64xf32, #tpu.memory_space<vmem>>) dst(%dma_wait3A_642 : memref<10240x64xf32, #tpu.memory_space<vmem_shared>>)
        %add3A_643 = arith.constant 4 : i32
        %add3A_644 = arith.addi %add3A_622, %add3A_643 : i32
        %sub3A_645 = arith.constant 1 : i32
        %sub3A_646 = arith.subi %add3A_644, %sub3A_645 : i32
        %le3A_647 = arith.constant 159 : i32
        %le3A_648 = arith.cmpi sle, %sub3A_646, %le3A_647 : i32
        %convert_element_type3A_649 = arith.extui %le3A_648 : i1 to i32
        %cond3A_650 = arith.constant 0 : i32
        %cond3A_651 = arith.cmpi ne, %convert_element_type3A_649, %cond3A_650 : i32
        scf.if %cond3A_651 {
          %dma_start3A_715 = arith.constant 0 : i32
          %dma_start3A_716 = tpu.memref_slice %arg20[%sub3A_646, %dma_start3A_715] : memref<160x128xi32, #tpu.memory_space<vmem>> -> memref<1x128xi32, #tpu.memory_space<vmem>>
          %dma_start3A_717 = tpu.memref_squeeze %dma_start3A_716 : memref<1x128xi32, #tpu.memory_space<vmem>> -> memref<128xi32, #tpu.memory_space<vmem>>
          %dma_start3A_718 = arith.constant 0 : i32
          %dma_start3A_719 = arith.constant 0 : i32
          %dma_start3A_720 = tpu.memref_slice %arg3[%dma_start3A_718, %dma_start3A_719] : memref<10240x64xf32, #tpu.memory_space<hbm>> -> memref<10240x64xf32, #tpu.memory_space<hbm>>
          tpu.enqueue_indirect_dma source(%dma_start3A_720 : memref<10240x64xf32, #tpu.memory_space<hbm>>) target(%arg8 : memref<128x64xf32, #tpu.memory_space<vmem>>) offsets(%dma_start3A_717 : memref<128xi32, #tpu.memory_space<vmem>>) semaphore(%arg9 : memref<!tpu.dma_semaphore, #tpu.memory_space<semaphore_mem>>)
        } else {
        }
        %add3A_652 = arith.constant 2 : i32
        %add3A_653 = arith.addi %mul3A_592, %add3A_652 : i32
        %dma_wait3A_654 = arith.constant 0 : i32
        %dma_wait3A_655 = tpu.memref_slice %arg20[%add3A_653, %dma_wait3A_654] : memref<160x128xi32, #tpu.memory_space<vmem>> -> memref<1x128xi32, #tpu.memory_space<vmem>>
        %dma_wait3A_656 = tpu.memref_squeeze %dma_wait3A_655 : memref<1x128xi32, #tpu.memory_space<vmem>> -> memref<128xi32, #tpu.memory_space<vmem>>
        %dma_wait3A_657 = arith.constant 0 : i32
        %dma_wait3A_658 = arith.constant 0 : i32
        %dma_wait3A_659 = tpu.memref_slice %arg3[%dma_wait3A_657, %dma_wait3A_658] : memref<10240x64xf32, #tpu.memory_space<hbm>> -> memref<10240x64xf32, #tpu.memory_space<hbm>>
        tpu.wait_indirect_dma semaphore(%arg15 : memref<!tpu.dma_semaphore, #tpu.memory_space<semaphore_mem>>) src(%dma_wait3A_659 : memref<10240x64xf32, #tpu.memory_space<hbm>>) dst(%arg14 : memref<128x64xf32, #tpu.memory_space<vmem>>)
        %dma_start3A_660 = arith.constant 0 : i32
        %dma_start3A_661 = tpu.memref_slice %arg21[%add3A_653, %dma_start3A_660] : memref<160x128xi32, #tpu.memory_space<vmem>> -> memref<1x128xi32, #tpu.memory_space<vmem>>
        %dma_start3A_662 = tpu.memref_squeeze %dma_start3A_661 : memref<1x128xi32, #tpu.memory_space<vmem>> -> memref<128xi32, #tpu.memory_space<vmem>>
        %dma_start3A_663 = arith.constant 0 : i32
        %dma_start3A_664 = arith.constant 0 : i32
        %dma_start3A_665 = tpu.memref_slice %arg24[%dma_start3A_663, %dma_start3A_664] : memref<10240x64xf32, #tpu.memory_space<vmem_shared>> -> memref<10240x64xf32, #tpu.memory_space<vmem_shared>>
        tpu.enqueue_indirect_dma source(%arg14 : memref<128x64xf32, #tpu.memory_space<vmem>>) target(%dma_start3A_665 : memref<10240x64xf32, #tpu.memory_space<vmem_shared>>) offsets(%dma_start3A_662 : memref<128xi32, #tpu.memory_space<vmem>>) semaphore(%arg16 : memref<!tpu.dma_semaphore, #tpu.memory_space<semaphore_mem>>) {add = true}
        %sub3A_666 = arith.constant 1 : i32
        %sub3A_667 = arith.subi %add3A_653, %sub3A_666 : i32
        %dma_wait3A_668 = arith.constant 0 : i32
        %dma_wait3A_669 = tpu.memref_slice %arg21[%sub3A_667, %dma_wait3A_668] : memref<160x128xi32, #tpu.memory_space<vmem>> -> memref<1x128xi32, #tpu.memory_space<vmem>>
        %dma_wait3A_670 = tpu.memref_squeeze %dma_wait3A_669 : memref<1x128xi32, #tpu.memory_space<vmem>> -> memref<128xi32, #tpu.memory_space<vmem>>
        %dma_wait3A_671 = arith.constant 0 : i32
        %dma_wait3A_672 = arith.constant 0 : i32
        %dma_wait3A_673 = tpu.memref_slice %arg24[%dma_wait3A_671, %dma_wait3A_672] : memref<10240x64xf32, #tpu.memory_space<vmem_shared>> -> memref<10240x64xf32, #tpu.memory_space<vmem_shared>>
        tpu.wait_indirect_dma semaphore(%arg13 : memref<!tpu.dma_semaphore, #tpu.memory_space<semaphore_mem>>) src(%arg11 : memref<128x64xf32, #tpu.memory_space<vmem>>) dst(%dma_wait3A_673 : memref<10240x64xf32, #tpu.memory_space<vmem_shared>>)
        %add3A_674 = arith.constant 4 : i32
        %add3A_675 = arith.addi %add3A_653, %add3A_674 : i32
        %sub3A_676 = arith.constant 1 : i32
        %sub3A_677 = arith.subi %add3A_675, %sub3A_676 : i32
        %le3A_678 = arith.constant 159 : i32
        %le3A_679 = arith.cmpi sle, %sub3A_677, %le3A_678 : i32
        %convert_element_type3A_680 = arith.extui %le3A_679 : i1 to i32
        %cond3A_681 = arith.constant 0 : i32
        %cond3A_682 = arith.cmpi ne, %convert_element_type3A_680, %cond3A_681 : i32
        scf.if %cond3A_682 {
          %dma_start3A_715 = arith.constant 0 : i32
          %dma_start3A_716 = tpu.memref_slice %arg20[%sub3A_677, %dma_start3A_715] : memref<160x128xi32, #tpu.memory_space<vmem>> -> memref<1x128xi32, #tpu.memory_space<vmem>>
          %dma_start3A_717 = tpu.memref_squeeze %dma_start3A_716 : memref<1x128xi32, #tpu.memory_space<vmem>> -> memref<128xi32, #tpu.memory_space<vmem>>
          %dma_start3A_718 = arith.constant 0 : i32
          %dma_start3A_719 = arith.constant 0 : i32
          %dma_start3A_720 = tpu.memref_slice %arg3[%dma_start3A_718, %dma_start3A_719] : memref<10240x64xf32, #tpu.memory_space<hbm>> -> memref<10240x64xf32, #tpu.memory_space<hbm>>
          tpu.enqueue_indirect_dma source(%dma_start3A_720 : memref<10240x64xf32, #tpu.memory_space<hbm>>) target(%arg11 : memref<128x64xf32, #tpu.memory_space<vmem>>) offsets(%dma_start3A_717 : memref<128xi32, #tpu.memory_space<vmem>>) semaphore(%arg12 : memref<!tpu.dma_semaphore, #tpu.memory_space<semaphore_mem>>)
        } else {
        }
        %add3A_683 = arith.constant 3 : i32
        %add3A_684 = arith.addi %mul3A_592, %add3A_683 : i32
        %dma_wait3A_685 = arith.constant 0 : i32
        %dma_wait3A_686 = tpu.memref_slice %arg20[%add3A_684, %dma_wait3A_685] : memref<160x128xi32, #tpu.memory_space<vmem>> -> memref<1x128xi32, #tpu.memory_space<vmem>>
        %dma_wait3A_687 = tpu.memref_squeeze %dma_wait3A_686 : memref<1x128xi32, #tpu.memory_space<vmem>> -> memref<128xi32, #tpu.memory_space<vmem>>
        %dma_wait3A_688 = arith.constant 0 : i32
        %dma_wait3A_689 = arith.constant 0 : i32
        %dma_wait3A_690 = tpu.memref_slice %arg3[%dma_wait3A_688, %dma_wait3A_689] : memref<10240x64xf32, #tpu.memory_space<hbm>> -> memref<10240x64xf32, #tpu.memory_space<hbm>>
        tpu.wait_indirect_dma semaphore(%arg18 : memref<!tpu.dma_semaphore, #tpu.memory_space<semaphore_mem>>) src(%dma_wait3A_690 : memref<10240x64xf32, #tpu.memory_space<hbm>>) dst(%arg17 : memref<128x64xf32, #tpu.memory_space<vmem>>)
        %dma_start3A_691 = arith.constant 0 : i32
        %dma_start3A_692 = tpu.memref_slice %arg21[%add3A_684, %dma_start3A_691] : memref<160x128xi32, #tpu.memory_space<vmem>> -> memref<1x128xi32, #tpu.memory_space<vmem>>
        %dma_start3A_693 = tpu.memref_squeeze %dma_start3A_692 : memref<1x128xi32, #tpu.memory_space<vmem>> -> memref<128xi32, #tpu.memory_space<vmem>>
        %dma_start3A_694 = arith.constant 0 : i32
        %dma_start3A_695 = arith.constant 0 : i32
        %dma_start3A_696 = tpu.memref_slice %arg24[%dma_start3A_694, %dma_start3A_695] : memref<10240x64xf32, #tpu.memory_space<vmem_shared>> -> memref<10240x64xf32, #tpu.memory_space<vmem_shared>>
        tpu.enqueue_indirect_dma source(%arg17 : memref<128x64xf32, #tpu.memory_space<vmem>>) target(%dma_start3A_696 : memref<10240x64xf32, #tpu.memory_space<vmem_shared>>) offsets(%dma_start3A_693 : memref<128xi32, #tpu.memory_space<vmem>>) semaphore(%arg19 : memref<!tpu.dma_semaphore, #tpu.memory_space<semaphore_mem>>) {add = true}
        %sub3A_697 = arith.constant 1 : i32
        %sub3A_698 = arith.subi %add3A_684, %sub3A_697 : i32
        %dma_wait3A_699 = arith.constant 0 : i32
        %dma_wait3A_700 = tpu.memref_slice %arg21[%sub3A_698, %dma_wait3A_699] : memref<160x128xi32, #tpu.memory_space<vmem>> -> memref<1x128xi32, #tpu.memory_space<vmem>>
        %dma_wait3A_701 = tpu.memref_squeeze %dma_wait3A_700 : memref<1x128xi32, #tpu.memory_space<vmem>> -> memref<128xi32, #tpu.memory_space<vmem>>
        %dma_wait3A_702 = arith.constant 0 : i32
        %dma_wait3A_703 = arith.constant 0 : i32
        %dma_wait3A_704 = tpu.memref_slice %arg24[%dma_wait3A_702, %dma_wait3A_703] : memref<10240x64xf32, #tpu.memory_space<vmem_shared>> -> memref<10240x64xf32, #tpu.memory_space<vmem_shared>>
        tpu.wait_indirect_dma semaphore(%arg16 : memref<!tpu.dma_semaphore, #tpu.memory_space<semaphore_mem>>) src(%arg14 : memref<128x64xf32, #tpu.memory_space<vmem>>) dst(%dma_wait3A_704 : memref<10240x64xf32, #tpu.memory_space<vmem_shared>>)
        %add3A_705 = arith.constant 4 : i32
        %add3A_706 = arith.addi %add3A_684, %add3A_705 : i32
        %sub3A_707 = arith.constant 1 : i32
        %sub3A_708 = arith.subi %add3A_706, %sub3A_707 : i32
        %le3A_709 = arith.constant 159 : i32
        %le3A_710 = arith.cmpi sle, %sub3A_708, %le3A_709 : i32
        %convert_element_type3A_711 = arith.extui %le3A_710 : i1 to i32
        %cond3A_712 = arith.constant 0 : i32
        %cond3A_713 = arith.cmpi ne, %convert_element_type3A_711, %cond3A_712 : i32
        scf.if %cond3A_713 {
          %dma_start3A_715 = arith.constant 0 : i32
          %dma_start3A_716 = tpu.memref_slice %arg20[%sub3A_708, %dma_start3A_715] : memref<160x128xi32, #tpu.memory_space<vmem>> -> memref<1x128xi32, #tpu.memory_space<vmem>>
          %dma_start3A_717 = tpu.memref_squeeze %dma_start3A_716 : memref<1x128xi32, #tpu.memory_space<vmem>> -> memref<128xi32, #tpu.memory_space<vmem>>
          %dma_start3A_718 = arith.constant 0 : i32
          %dma_start3A_719 = arith.constant 0 : i32
          %dma_start3A_720 = tpu.memref_slice %arg3[%dma_start3A_718, %dma_start3A_719] : memref<10240x64xf32, #tpu.memory_space<hbm>> -> memref<10240x64xf32, #tpu.memory_space<hbm>>
          tpu.enqueue_indirect_dma source(%dma_start3A_720 : memref<10240x64xf32, #tpu.memory_space<hbm>>) target(%arg14 : memref<128x64xf32, #tpu.memory_space<vmem>>) offsets(%dma_start3A_717 : memref<128xi32, #tpu.memory_space<vmem>>) semaphore(%arg15 : memref<!tpu.dma_semaphore, #tpu.memory_space<semaphore_mem>>)
        } else {
        }
        %scan3A_714 = arith.constant 0 : i32
        scf.yield %scan3A_714 : i32
      }
      %scan3A_581 = arith.constant 39 : i32
      %dma_wait3A_582 = arith.constant 159 : i32
      %dma_wait3A_583 = arith.constant 0 : i32
      %dma_wait3A_584 = tpu.memref_slice %arg21[%dma_wait3A_582, %dma_wait3A_583] : memref<160x128xi32, #tpu.memory_space<vmem>> -> memref<1x128xi32, #tpu.memory_space<vmem>>
      %dma_wait3A_585 = tpu.memref_squeeze %dma_wait3A_584 : memref<1x128xi32, #tpu.memory_space<vmem>> -> memref<128xi32, #tpu.memory_space<vmem>>
      %dma_wait3A_586 = arith.constant 0 : i32
      %dma_wait3A_587 = arith.constant 0 : i32
      %dma_wait3A_588 = tpu.memref_slice %arg24[%dma_wait3A_586, %dma_wait3A_587] : memref<10240x64xf32, #tpu.memory_space<vmem_shared>> -> memref<10240x64xf32, #tpu.memory_space<vmem_shared>>
      tpu.wait_indirect_dma semaphore(%arg19 : memref<!tpu.dma_semaphore, #tpu.memory_space<semaphore_mem>>) src(%arg17 : memref<128x64xf32, #tpu.memory_space<vmem>>) dst(%dma_wait3A_588 : memref<10240x64xf32, #tpu.memory_space<vmem_shared>>)
    } else {
    }
    %barrier3A_439 = arith.constant 0 : index
    tpu.barrier barrier_id(%barrier3A_439)
    %mul3A_440 = arith.constant 640 : i32
    %mul3A_441 = arith.muli %arg1, %mul3A_440 : i32
    %mul3A_442 = arith.constant 640 : i32
    %mul3A_443 = arith.muli %arg1, %mul3A_442 : i32
    "tpu.region"() ({
      %run_scoped3A = tpu.sem_alloc : memref<!tpu.dma_semaphore, #tpu.memory_space<semaphore_mem>>
      %dma_start3A_449 = arith.constant 0 : i32
      %dma_start3A_450 = tpu.memref_slice %arg6[%arg0, %mul3A_443, %dma_start3A_449] : memref<2x10240x64xf32, #tpu.memory_space<hbm>> -> memref<1x640x64xf32, #tpu.memory_space<hbm>>
      %dma_start3A_451 = tpu.memref_squeeze %dma_start3A_450 : memref<1x640x64xf32, #tpu.memory_space<hbm>> -> memref<640x64xf32, #tpu.memory_space<hbm>>
      %dma_start3A_452 = arith.constant 0 : i32
      %dma_start3A_453 = tpu.memref_slice %arg24[%mul3A_441, %dma_start3A_452] : memref<10240x64xf32, #tpu.memory_space<vmem_shared>> -> memref<640x64xf32, #tpu.memory_space<vmem_shared>>
      tpu.enqueue_dma source(%dma_start3A_453 : memref<640x64xf32, #tpu.memory_space<vmem_shared>>) target(%dma_start3A_451 : memref<640x64xf32, #tpu.memory_space<hbm>>) target_semaphore(%run_scoped3A : memref<!tpu.dma_semaphore, #tpu.memory_space<semaphore_mem>>)
      %dma_wait3A_454 = arith.constant 0 : i32
      %dma_wait3A_455 = tpu.memref_slice %arg6[%arg0, %mul3A_443, %dma_wait3A_454] : memref<2x10240x64xf32, #tpu.memory_space<hbm>> -> memref<1x640x64xf32, #tpu.memory_space<hbm>>
      %dma_wait3A_456 = tpu.memref_squeeze %dma_wait3A_455 : memref<1x640x64xf32, #tpu.memory_space<hbm>> -> memref<640x64xf32, #tpu.memory_space<hbm>>
      %dma_wait3A_457 = arith.constant 0 : i32
      %dma_wait3A_458 = tpu.memref_slice %arg24[%mul3A_441, %dma_wait3A_457] : memref<10240x64xf32, #tpu.memory_space<vmem_shared>> -> memref<640x64xf32, #tpu.memory_space<vmem_shared>>
      tpu.wait_dma2 semaphore(%run_scoped3A : memref<!tpu.dma_semaphore, #tpu.memory_space<semaphore_mem>>) src(%dma_wait3A_458 : memref<640x64xf32, #tpu.memory_space<vmem_shared>>) dst(%dma_wait3A_456 : memref<640x64xf32, #tpu.memory_space<hbm>>)
      tpu.yield
    }) : () -> ()
    %eq3A_444 = arith.constant 0 : i32
    %eq3A_445 = arith.cmpi eq, %arg0, %eq3A_444 : i32
    %convert_element_type3A_446 = arith.extui %eq3A_445 : i1 to i32
    %cond3A_447 = arith.constant 0 : i32
    %cond3A_448 = arith.cmpi ne, %convert_element_type3A_446, %cond3A_447 : i32
    scf.if %cond3A_448 {
      %mul3A_449 = arith.constant 640 : i32
      %mul3A_450 = arith.muli %arg1, %mul3A_449 : i32
      %mul3A_451 = arith.constant 640 : i32
      %mul3A_452 = arith.muli %arg1, %mul3A_451 : i32
      "tpu.region"() ({
        %run_scoped3A = tpu.sem_alloc : memref<!tpu.dma_semaphore, #tpu.memory_space<semaphore_mem>>
        %dma_start3A_453 = arith.constant 0 : i32
        %dma_start3A_454 = tpu.memref_slice %arg7[%mul3A_452, %dma_start3A_453] : memref<10240x16xf32, #tpu.memory_space<hbm>> -> memref<640x16xf32, #tpu.memory_space<hbm>>
        %dma_start3A_455 = arith.constant 0 : i32
        %dma_start3A_456 = tpu.memref_slice %arg27[%mul3A_450, %dma_start3A_455] : memref<10240x16xf32, #tpu.memory_space<vmem_shared>> -> memref<640x16xf32, #tpu.memory_space<vmem_shared>>
        tpu.enqueue_dma source(%dma_start3A_456 : memref<640x16xf32, #tpu.memory_space<vmem_shared>>) target(%dma_start3A_454 : memref<640x16xf32, #tpu.memory_space<hbm>>) target_semaphore(%run_scoped3A : memref<!tpu.dma_semaphore, #tpu.memory_space<semaphore_mem>>)
        %dma_wait3A_457 = arith.constant 0 : i32
        %dma_wait3A_458 = tpu.memref_slice %arg7[%mul3A_452, %dma_wait3A_457] : memref<10240x16xf32, #tpu.memory_space<hbm>> -> memref<640x16xf32, #tpu.memory_space<hbm>>
        %dma_wait3A_459 = arith.constant 0 : i32
        %dma_wait3A_460 = tpu.memref_slice %arg27[%mul3A_450, %dma_wait3A_459] : memref<10240x16xf32, #tpu.memory_space<vmem_shared>> -> memref<640x16xf32, #tpu.memory_space<vmem_shared>>
        tpu.wait_dma2 semaphore(%run_scoped3A : memref<!tpu.dma_semaphore, #tpu.memory_space<semaphore_mem>>) src(%dma_wait3A_460 : memref<640x16xf32, #tpu.memory_space<vmem_shared>>) dst(%dma_wait3A_458 : memref<640x16xf32, #tpu.memory_space<hbm>>)
        tpu.yield
      }) : () -> ()
    } else {
    }
    return
  }
}

#map = affine_map<(d0, d1) -> (0, 0)>
#map1 = affine_map<(d0, d1) -> (0, 0, 0)>
module attributes {stable_mosaic.version = 14 : i64} {
  func.func @body(%arg0: i32, %arg1: i32, %arg2: memref<10240x64xf32, #tpu.memory_space<hbm>>, %arg3: memref<10240x64xf32, #tpu.memory_space<hbm>>, %arg4: memref<2560x128xi32, #tpu.memory_space<hbm>>, %arg5: memref<2560x128xi32, #tpu.memory_space<hbm>>, %arg6: memref<2x10240x64xf32, #tpu.memory_space<hbm>>, %arg7: memref<128x64xf32, #tpu.memory_space<vmem>>, %arg8: memref<!tpu.dma_semaphore, #tpu.memory_space<semaphore_mem>>, %arg9: memref<!tpu.dma_semaphore, #tpu.memory_space<semaphore_mem>>, %arg10: memref<128x64xf32, #tpu.memory_space<vmem>>, %arg11: memref<!tpu.dma_semaphore, #tpu.memory_space<semaphore_mem>>, %arg12: memref<!tpu.dma_semaphore, #tpu.memory_space<semaphore_mem>>, %arg13: memref<128x64xf32, #tpu.memory_space<vmem>>, %arg14: memref<!tpu.dma_semaphore, #tpu.memory_space<semaphore_mem>>, %arg15: memref<!tpu.dma_semaphore, #tpu.memory_space<semaphore_mem>>, %arg16: memref<128x64xf32, #tpu.memory_space<vmem>>, %arg17: memref<!tpu.dma_semaphore, #tpu.memory_space<semaphore_mem>>, %arg18: memref<!tpu.dma_semaphore, #tpu.memory_space<semaphore_mem>>, %arg19: memref<128x64xf32, #tpu.memory_space<vmem>>, %arg20: memref<!tpu.dma_semaphore, #tpu.memory_space<semaphore_mem>>, %arg21: memref<!tpu.dma_semaphore, #tpu.memory_space<semaphore_mem>>, %arg22: memref<160x128xi32, #tpu.memory_space<vmem>>, %arg23: memref<160x128xi32, #tpu.memory_space<vmem>>, %arg24: memref<!tpu.dma_semaphore, #tpu.memory_space<semaphore_mem>>, %arg25: memref<16x64xf32, #tpu.memory_space<vmem>>, %arg26: memref<10240x64xf32, #tpu.memory_space<vmem_shared>>) attributes {dimension_semantics = [#tpu.dimension_semantics<core_parallel>, #tpu.dimension_semantics<subcore_parallel>], iteration_bounds = array<i64: 2, 16>, scalar_prefetch = 0 : i64, scratch_operands = 20 : i64, tpu.core_type = #tpu.core_type<sc_vector_subcore>, window_params = [{transform_indices = #map}, {transform_indices = #map}, {transform_indices = #map}, {transform_indices = #map}, {transform_indices = #map1}]} {
    %mul3A = arith.constant 160 : i32
    %mul3A_0 = arith.muli %arg1, %mul3A : i32
    %dma_start3A = arith.constant 0 : i32
    %dma_start3A_1 = tpu.memref_slice %arg4[%mul3A_0, %dma_start3A] : memref<2560x128xi32, #tpu.memory_space<hbm>> -> memref<160x128xi32, #tpu.memory_space<hbm>>
    %dma_start3A_2 = arith.constant 0 : i32
    %dma_start3A_3 = tpu.memref_slice %arg4[%mul3A_0, %dma_start3A_2] : memref<2560x128xi32, #tpu.memory_space<hbm>> -> memref<160x128xi32, #tpu.memory_space<hbm>>
    tpu.enqueue_dma source(%dma_start3A_3 : memref<160x128xi32, #tpu.memory_space<hbm>>) target(%arg22 : memref<160x128xi32, #tpu.memory_space<vmem>>) target_semaphore(%arg24 : memref<!tpu.dma_semaphore, #tpu.memory_space<semaphore_mem>>)
    %mul3A_4 = arith.constant 160 : i32
    %mul3A_5 = arith.muli %arg1, %mul3A_4 : i32
    %dma_start3A_6 = arith.constant 0 : i32
    %dma_start3A_7 = tpu.memref_slice %arg5[%mul3A_5, %dma_start3A_6] : memref<2560x128xi32, #tpu.memory_space<hbm>> -> memref<160x128xi32, #tpu.memory_space<hbm>>
    %dma_start3A_8 = arith.constant 0 : i32
    %dma_start3A_9 = tpu.memref_slice %arg5[%mul3A_5, %dma_start3A_8] : memref<2560x128xi32, #tpu.memory_space<hbm>> -> memref<160x128xi32, #tpu.memory_space<hbm>>
    tpu.enqueue_dma source(%dma_start3A_9 : memref<160x128xi32, #tpu.memory_space<hbm>>) target(%arg23 : memref<160x128xi32, #tpu.memory_space<vmem>>) target_semaphore(%arg24 : memref<!tpu.dma_semaphore, #tpu.memory_space<semaphore_mem>>)
    %broadcast_in_dim3A = arith.constant 0.000000e+00 : f32
    %broadcast_in_dim3A_10 = vector.broadcast %broadcast_in_dim3A : f32 to vector<16xf32>
    %swap3A = arith.constant 0 : i32
    %swap3A_11 = arith.index_cast %swap3A : i32 to index
    %swap3A_12 = arith.constant 0 : index
    %swap3A_13 = tpu.vector_load %arg25[%swap3A_11, %swap3A_12] {strides = array<i32>} : memref<16x64xf32, #tpu.memory_space<vmem>>, vector<1x16xf32>,
    %swap3A_14 = vector.shape_cast %swap3A_13 : vector<1x16xf32> to vector<16xf32>
    %swap3A_15 = vector.shape_cast %broadcast_in_dim3A_10 : vector<16xf32> to vector<1x16xf32>
    tpu.vector_store %arg25[%swap3A_11, %swap3A_12], %swap3A_15 {strides = array<i32>} : memref<16x64xf32, #tpu.memory_space<vmem>>, vector<1x16xf32>,
    %swap3A_16 = arith.constant 0 : i32
    %swap3A_17 = arith.index_cast %swap3A_16 : i32 to index
    %swap3A_18 = arith.constant 16 : index
    %swap3A_19 = tpu.vector_load %arg25[%swap3A_17, %swap3A_18] {strides = array<i32>} : memref<16x64xf32, #tpu.memory_space<vmem>>, vector<1x16xf32>,
    %swap3A_20 = vector.shape_cast %swap3A_19 : vector<1x16xf32> to vector<16xf32>
    %swap3A_21 = vector.shape_cast %broadcast_in_dim3A_10 : vector<16xf32> to vector<1x16xf32>
    tpu.vector_store %arg25[%swap3A_17, %swap3A_18], %swap3A_21 {strides = array<i32>} : memref<16x64xf32, #tpu.memory_space<vmem>>, vector<1x16xf32>,
    %swap3A_22 = arith.constant 0 : i32
    %swap3A_23 = arith.index_cast %swap3A_22 : i32 to index
    %swap3A_24 = arith.constant 32 : index
    %swap3A_25 = tpu.vector_load %arg25[%swap3A_23, %swap3A_24] {strides = array<i32>} : memref<16x64xf32, #tpu.memory_space<vmem>>, vector<1x16xf32>,
    %swap3A_26 = vector.shape_cast %swap3A_25 : vector<1x16xf32> to vector<16xf32>
    %swap3A_27 = vector.shape_cast %broadcast_in_dim3A_10 : vector<16xf32> to vector<1x16xf32>
    tpu.vector_store %arg25[%swap3A_23, %swap3A_24], %swap3A_27 {strides = array<i32>} : memref<16x64xf32, #tpu.memory_space<vmem>>, vector<1x16xf32>,
    %swap3A_28 = arith.constant 0 : i32
    %swap3A_29 = arith.index_cast %swap3A_28 : i32 to index
    %swap3A_30 = arith.constant 48 : index
    %swap3A_31 = tpu.vector_load %arg25[%swap3A_29, %swap3A_30] {strides = array<i32>} : memref<16x64xf32, #tpu.memory_space<vmem>>, vector<1x16xf32>,
    %swap3A_32 = vector.shape_cast %swap3A_31 : vector<1x16xf32> to vector<16xf32>
    %swap3A_33 = vector.shape_cast %broadcast_in_dim3A_10 : vector<16xf32> to vector<1x16xf32>
    tpu.vector_store %arg25[%swap3A_29, %swap3A_30], %swap3A_33 {strides = array<i32>} : memref<16x64xf32, #tpu.memory_space<vmem>>, vector<1x16xf32>,
    %swap3A_34 = arith.constant 1 : i32
    %swap3A_35 = arith.index_cast %swap3A_34 : i32 to index
    %swap3A_36 = arith.constant 0 : index
    %swap3A_37 = tpu.vector_load %arg25[%swap3A_35, %swap3A_36] {strides = array<i32>} : memref<16x64xf32, #tpu.memory_space<vmem>>, vector<1x16xf32>,
    %swap3A_38 = vector.shape_cast %swap3A_37 : vector<1x16xf32> to vector<16xf32>
    %swap3A_39 = vector.shape_cast %broadcast_in_dim3A_10 : vector<16xf32> to vector<1x16xf32>
    tpu.vector_store %arg25[%swap3A_35, %swap3A_36], %swap3A_39 {strides = array<i32>} : memref<16x64xf32, #tpu.memory_space<vmem>>, vector<1x16xf32>,
    %swap3A_40 = arith.constant 1 : i32
    %swap3A_41 = arith.index_cast %swap3A_40 : i32 to index
    %swap3A_42 = arith.constant 16 : index
    %swap3A_43 = tpu.vector_load %arg25[%swap3A_41, %swap3A_42] {strides = array<i32>} : memref<16x64xf32, #tpu.memory_space<vmem>>, vector<1x16xf32>,
    %swap3A_44 = vector.shape_cast %swap3A_43 : vector<1x16xf32> to vector<16xf32>
    %swap3A_45 = vector.shape_cast %broadcast_in_dim3A_10 : vector<16xf32> to vector<1x16xf32>
    tpu.vector_store %arg25[%swap3A_41, %swap3A_42], %swap3A_45 {strides = array<i32>} : memref<16x64xf32, #tpu.memory_space<vmem>>, vector<1x16xf32>,
    %swap3A_46 = arith.constant 1 : i32
    %swap3A_47 = arith.index_cast %swap3A_46 : i32 to index
    %swap3A_48 = arith.constant 32 : index
    %swap3A_49 = tpu.vector_load %arg25[%swap3A_47, %swap3A_48] {strides = array<i32>} : memref<16x64xf32, #tpu.memory_space<vmem>>, vector<1x16xf32>,
    %swap3A_50 = vector.shape_cast %swap3A_49 : vector<1x16xf32> to vector<16xf32>
    %swap3A_51 = vector.shape_cast %broadcast_in_dim3A_10 : vector<16xf32> to vector<1x16xf32>
    tpu.vector_store %arg25[%swap3A_47, %swap3A_48], %swap3A_51 {strides = array<i32>} : memref<16x64xf32, #tpu.memory_space<vmem>>, vector<1x16xf32>,
    %swap3A_52 = arith.constant 1 : i32
    %swap3A_53 = arith.index_cast %swap3A_52 : i32 to index
    %swap3A_54 = arith.constant 48 : index
    %swap3A_55 = tpu.vector_load %arg25[%swap3A_53, %swap3A_54] {strides = array<i32>} : memref<16x64xf32, #tpu.memory_space<vmem>>, vector<1x16xf32>,
    %swap3A_56 = vector.shape_cast %swap3A_55 : vector<1x16xf32> to vector<16xf32>
    %swap3A_57 = vector.shape_cast %broadcast_in_dim3A_10 : vector<16xf32> to vector<1x16xf32>
    tpu.vector_store %arg25[%swap3A_53, %swap3A_54], %swap3A_57 {strides = array<i32>} : memref<16x64xf32, #tpu.memory_space<vmem>>, vector<1x16xf32>,
    %swap3A_58 = arith.constant 2 : i32
    %swap3A_59 = arith.index_cast %swap3A_58 : i32 to index
    %swap3A_60 = arith.constant 0 : index
    %swap3A_61 = tpu.vector_load %arg25[%swap3A_59, %swap3A_60] {strides = array<i32>} : memref<16x64xf32, #tpu.memory_space<vmem>>, vector<1x16xf32>,
    %swap3A_62 = vector.shape_cast %swap3A_61 : vector<1x16xf32> to vector<16xf32>
    %swap3A_63 = vector.shape_cast %broadcast_in_dim3A_10 : vector<16xf32> to vector<1x16xf32>
    tpu.vector_store %arg25[%swap3A_59, %swap3A_60], %swap3A_63 {strides = array<i32>} : memref<16x64xf32, #tpu.memory_space<vmem>>, vector<1x16xf32>,
    %swap3A_64 = arith.constant 2 : i32
    %swap3A_65 = arith.index_cast %swap3A_64 : i32 to index
    %swap3A_66 = arith.constant 16 : index
    %swap3A_67 = tpu.vector_load %arg25[%swap3A_65, %swap3A_66] {strides = array<i32>} : memref<16x64xf32, #tpu.memory_space<vmem>>, vector<1x16xf32>,
    %swap3A_68 = vector.shape_cast %swap3A_67 : vector<1x16xf32> to vector<16xf32>
    %swap3A_69 = vector.shape_cast %broadcast_in_dim3A_10 : vector<16xf32> to vector<1x16xf32>
    tpu.vector_store %arg25[%swap3A_65, %swap3A_66], %swap3A_69 {strides = array<i32>} : memref<16x64xf32, #tpu.memory_space<vmem>>, vector<1x16xf32>,
    %swap3A_70 = arith.constant 2 : i32
    %swap3A_71 = arith.index_cast %swap3A_70 : i32 to index
    %swap3A_72 = arith.constant 32 : index
    %swap3A_73 = tpu.vector_load %arg25[%swap3A_71, %swap3A_72] {strides = array<i32>} : memref<16x64xf32, #tpu.memory_space<vmem>>, vector<1x16xf32>,
    %swap3A_74 = vector.shape_cast %swap3A_73 : vector<1x16xf32> to vector<16xf32>
    %swap3A_75 = vector.shape_cast %broadcast_in_dim3A_10 : vector<16xf32> to vector<1x16xf32>
    tpu.vector_store %arg25[%swap3A_71, %swap3A_72], %swap3A_75 {strides = array<i32>} : memref<16x64xf32, #tpu.memory_space<vmem>>, vector<1x16xf32>,
    %swap3A_76 = arith.constant 2 : i32
    %swap3A_77 = arith.index_cast %swap3A_76 : i32 to index
    %swap3A_78 = arith.constant 48 : index
    %swap3A_79 = tpu.vector_load %arg25[%swap3A_77, %swap3A_78] {strides = array<i32>} : memref<16x64xf32, #tpu.memory_space<vmem>>, vector<1x16xf32>,
    %swap3A_80 = vector.shape_cast %swap3A_79 : vector<1x16xf32> to vector<16xf32>
    %swap3A_81 = vector.shape_cast %broadcast_in_dim3A_10 : vector<16xf32> to vector<1x16xf32>
    tpu.vector_store %arg25[%swap3A_77, %swap3A_78], %swap3A_81 {strides = array<i32>} : memref<16x64xf32, #tpu.memory_space<vmem>>, vector<1x16xf32>,
    %swap3A_82 = arith.constant 3 : i32
    %swap3A_83 = arith.index_cast %swap3A_82 : i32 to index
    %swap3A_84 = arith.constant 0 : index
    %swap3A_85 = tpu.vector_load %arg25[%swap3A_83, %swap3A_84] {strides = array<i32>} : memref<16x64xf32, #tpu.memory_space<vmem>>, vector<1x16xf32>,
    %swap3A_86 = vector.shape_cast %swap3A_85 : vector<1x16xf32> to vector<16xf32>
    %swap3A_87 = vector.shape_cast %broadcast_in_dim3A_10 : vector<16xf32> to vector<1x16xf32>
    tpu.vector_store %arg25[%swap3A_83, %swap3A_84], %swap3A_87 {strides = array<i32>} : memref<16x64xf32, #tpu.memory_space<vmem>>, vector<1x16xf32>,
    %swap3A_88 = arith.constant 3 : i32
    %swap3A_89 = arith.index_cast %swap3A_88 : i32 to index
    %swap3A_90 = arith.constant 16 : index
    %swap3A_91 = tpu.vector_load %arg25[%swap3A_89, %swap3A_90] {strides = array<i32>} : memref<16x64xf32, #tpu.memory_space<vmem>>, vector<1x16xf32>,
    %swap3A_92 = vector.shape_cast %swap3A_91 : vector<1x16xf32> to vector<16xf32>
    %swap3A_93 = vector.shape_cast %broadcast_in_dim3A_10 : vector<16xf32> to vector<1x16xf32>
    tpu.vector_store %arg25[%swap3A_89, %swap3A_90], %swap3A_93 {strides = array<i32>} : memref<16x64xf32, #tpu.memory_space<vmem>>, vector<1x16xf32>,
    %swap3A_94 = arith.constant 3 : i32
    %swap3A_95 = arith.index_cast %swap3A_94 : i32 to index
    %swap3A_96 = arith.constant 32 : index
    %swap3A_97 = tpu.vector_load %arg25[%swap3A_95, %swap3A_96] {strides = array<i32>} : memref<16x64xf32, #tpu.memory_space<vmem>>, vector<1x16xf32>,
    %swap3A_98 = vector.shape_cast %swap3A_97 : vector<1x16xf32> to vector<16xf32>
    %swap3A_99 = vector.shape_cast %broadcast_in_dim3A_10 : vector<16xf32> to vector<1x16xf32>
    tpu.vector_store %arg25[%swap3A_95, %swap3A_96], %swap3A_99 {strides = array<i32>} : memref<16x64xf32, #tpu.memory_space<vmem>>, vector<1x16xf32>,
    %swap3A_100 = arith.constant 3 : i32
    %swap3A_101 = arith.index_cast %swap3A_100 : i32 to index
    %swap3A_102 = arith.constant 48 : index
    %swap3A_103 = tpu.vector_load %arg25[%swap3A_101, %swap3A_102] {strides = array<i32>} : memref<16x64xf32, #tpu.memory_space<vmem>>, vector<1x16xf32>,
    %swap3A_104 = vector.shape_cast %swap3A_103 : vector<1x16xf32> to vector<16xf32>
    %swap3A_105 = vector.shape_cast %broadcast_in_dim3A_10 : vector<16xf32> to vector<1x16xf32>
    tpu.vector_store %arg25[%swap3A_101, %swap3A_102], %swap3A_105 {strides = array<i32>} : memref<16x64xf32, #tpu.memory_space<vmem>>, vector<1x16xf32>,
    %swap3A_106 = arith.constant 4 : i32
    %swap3A_107 = arith.index_cast %swap3A_106 : i32 to index
    %swap3A_108 = arith.constant 0 : index
    %swap3A_109 = tpu.vector_load %arg25[%swap3A_107, %swap3A_108] {strides = array<i32>} : memref<16x64xf32, #tpu.memory_space<vmem>>, vector<1x16xf32>,
    %swap3A_110 = vector.shape_cast %swap3A_109 : vector<1x16xf32> to vector<16xf32>
    %swap3A_111 = vector.shape_cast %broadcast_in_dim3A_10 : vector<16xf32> to vector<1x16xf32>
    tpu.vector_store %arg25[%swap3A_107, %swap3A_108], %swap3A_111 {strides = array<i32>} : memref<16x64xf32, #tpu.memory_space<vmem>>, vector<1x16xf32>,
    %swap3A_112 = arith.constant 4 : i32
    %swap3A_113 = arith.index_cast %swap3A_112 : i32 to index
    %swap3A_114 = arith.constant 16 : index
    %swap3A_115 = tpu.vector_load %arg25[%swap3A_113, %swap3A_114] {strides = array<i32>} : memref<16x64xf32, #tpu.memory_space<vmem>>, vector<1x16xf32>,
    %swap3A_116 = vector.shape_cast %swap3A_115 : vector<1x16xf32> to vector<16xf32>
    %swap3A_117 = vector.shape_cast %broadcast_in_dim3A_10 : vector<16xf32> to vector<1x16xf32>
    tpu.vector_store %arg25[%swap3A_113, %swap3A_114], %swap3A_117 {strides = array<i32>} : memref<16x64xf32, #tpu.memory_space<vmem>>, vector<1x16xf32>,
    %swap3A_118 = arith.constant 4 : i32
    %swap3A_119 = arith.index_cast %swap3A_118 : i32 to index
    %swap3A_120 = arith.constant 32 : index
    %swap3A_121 = tpu.vector_load %arg25[%swap3A_119, %swap3A_120] {strides = array<i32>} : memref<16x64xf32, #tpu.memory_space<vmem>>, vector<1x16xf32>,
    %swap3A_122 = vector.shape_cast %swap3A_121 : vector<1x16xf32> to vector<16xf32>
    %swap3A_123 = vector.shape_cast %broadcast_in_dim3A_10 : vector<16xf32> to vector<1x16xf32>
    tpu.vector_store %arg25[%swap3A_119, %swap3A_120], %swap3A_123 {strides = array<i32>} : memref<16x64xf32, #tpu.memory_space<vmem>>, vector<1x16xf32>,
    %swap3A_124 = arith.constant 4 : i32
    %swap3A_125 = arith.index_cast %swap3A_124 : i32 to index
    %swap3A_126 = arith.constant 48 : index
    %swap3A_127 = tpu.vector_load %arg25[%swap3A_125, %swap3A_126] {strides = array<i32>} : memref<16x64xf32, #tpu.memory_space<vmem>>, vector<1x16xf32>,
    %swap3A_128 = vector.shape_cast %swap3A_127 : vector<1x16xf32> to vector<16xf32>
    %swap3A_129 = vector.shape_cast %broadcast_in_dim3A_10 : vector<16xf32> to vector<1x16xf32>
    tpu.vector_store %arg25[%swap3A_125, %swap3A_126], %swap3A_129 {strides = array<i32>} : memref<16x64xf32, #tpu.memory_space<vmem>>, vector<1x16xf32>,
    %swap3A_130 = arith.constant 5 : i32
    %swap3A_131 = arith.index_cast %swap3A_130 : i32 to index
    %swap3A_132 = arith.constant 0 : index
    %swap3A_133 = tpu.vector_load %arg25[%swap3A_131, %swap3A_132] {strides = array<i32>} : memref<16x64xf32, #tpu.memory_space<vmem>>, vector<1x16xf32>,
    %swap3A_134 = vector.shape_cast %swap3A_133 : vector<1x16xf32> to vector<16xf32>
    %swap3A_135 = vector.shape_cast %broadcast_in_dim3A_10 : vector<16xf32> to vector<1x16xf32>
    tpu.vector_store %arg25[%swap3A_131, %swap3A_132], %swap3A_135 {strides = array<i32>} : memref<16x64xf32, #tpu.memory_space<vmem>>, vector<1x16xf32>,
    %swap3A_136 = arith.constant 5 : i32
    %swap3A_137 = arith.index_cast %swap3A_136 : i32 to index
    %swap3A_138 = arith.constant 16 : index
    %swap3A_139 = tpu.vector_load %arg25[%swap3A_137, %swap3A_138] {strides = array<i32>} : memref<16x64xf32, #tpu.memory_space<vmem>>, vector<1x16xf32>,
    %swap3A_140 = vector.shape_cast %swap3A_139 : vector<1x16xf32> to vector<16xf32>
    %swap3A_141 = vector.shape_cast %broadcast_in_dim3A_10 : vector<16xf32> to vector<1x16xf32>
    tpu.vector_store %arg25[%swap3A_137, %swap3A_138], %swap3A_141 {strides = array<i32>} : memref<16x64xf32, #tpu.memory_space<vmem>>, vector<1x16xf32>,
    %swap3A_142 = arith.constant 5 : i32
    %swap3A_143 = arith.index_cast %swap3A_142 : i32 to index
    %swap3A_144 = arith.constant 32 : index
    %swap3A_145 = tpu.vector_load %arg25[%swap3A_143, %swap3A_144] {strides = array<i32>} : memref<16x64xf32, #tpu.memory_space<vmem>>, vector<1x16xf32>,
    %swap3A_146 = vector.shape_cast %swap3A_145 : vector<1x16xf32> to vector<16xf32>
    %swap3A_147 = vector.shape_cast %broadcast_in_dim3A_10 : vector<16xf32> to vector<1x16xf32>
    tpu.vector_store %arg25[%swap3A_143, %swap3A_144], %swap3A_147 {strides = array<i32>} : memref<16x64xf32, #tpu.memory_space<vmem>>, vector<1x16xf32>,
    %swap3A_148 = arith.constant 5 : i32
    %swap3A_149 = arith.index_cast %swap3A_148 : i32 to index
    %swap3A_150 = arith.constant 48 : index
    %swap3A_151 = tpu.vector_load %arg25[%swap3A_149, %swap3A_150] {strides = array<i32>} : memref<16x64xf32, #tpu.memory_space<vmem>>, vector<1x16xf32>,
    %swap3A_152 = vector.shape_cast %swap3A_151 : vector<1x16xf32> to vector<16xf32>
    %swap3A_153 = vector.shape_cast %broadcast_in_dim3A_10 : vector<16xf32> to vector<1x16xf32>
    tpu.vector_store %arg25[%swap3A_149, %swap3A_150], %swap3A_153 {strides = array<i32>} : memref<16x64xf32, #tpu.memory_space<vmem>>, vector<1x16xf32>,
    %swap3A_154 = arith.constant 6 : i32
    %swap3A_155 = arith.index_cast %swap3A_154 : i32 to index
    %swap3A_156 = arith.constant 0 : index
    %swap3A_157 = tpu.vector_load %arg25[%swap3A_155, %swap3A_156] {strides = array<i32>} : memref<16x64xf32, #tpu.memory_space<vmem>>, vector<1x16xf32>,
    %swap3A_158 = vector.shape_cast %swap3A_157 : vector<1x16xf32> to vector<16xf32>
    %swap3A_159 = vector.shape_cast %broadcast_in_dim3A_10 : vector<16xf32> to vector<1x16xf32>
    tpu.vector_store %arg25[%swap3A_155, %swap3A_156], %swap3A_159 {strides = array<i32>} : memref<16x64xf32, #tpu.memory_space<vmem>>, vector<1x16xf32>,
    %swap3A_160 = arith.constant 6 : i32
    %swap3A_161 = arith.index_cast %swap3A_160 : i32 to index
    %swap3A_162 = arith.constant 16 : index
    %swap3A_163 = tpu.vector_load %arg25[%swap3A_161, %swap3A_162] {strides = array<i32>} : memref<16x64xf32, #tpu.memory_space<vmem>>, vector<1x16xf32>,
    %swap3A_164 = vector.shape_cast %swap3A_163 : vector<1x16xf32> to vector<16xf32>
    %swap3A_165 = vector.shape_cast %broadcast_in_dim3A_10 : vector<16xf32> to vector<1x16xf32>
    tpu.vector_store %arg25[%swap3A_161, %swap3A_162], %swap3A_165 {strides = array<i32>} : memref<16x64xf32, #tpu.memory_space<vmem>>, vector<1x16xf32>,
    %swap3A_166 = arith.constant 6 : i32
    %swap3A_167 = arith.index_cast %swap3A_166 : i32 to index
    %swap3A_168 = arith.constant 32 : index
    %swap3A_169 = tpu.vector_load %arg25[%swap3A_167, %swap3A_168] {strides = array<i32>} : memref<16x64xf32, #tpu.memory_space<vmem>>, vector<1x16xf32>,
    %swap3A_170 = vector.shape_cast %swap3A_169 : vector<1x16xf32> to vector<16xf32>
    %swap3A_171 = vector.shape_cast %broadcast_in_dim3A_10 : vector<16xf32> to vector<1x16xf32>
    tpu.vector_store %arg25[%swap3A_167, %swap3A_168], %swap3A_171 {strides = array<i32>} : memref<16x64xf32, #tpu.memory_space<vmem>>, vector<1x16xf32>,
    %swap3A_172 = arith.constant 6 : i32
    %swap3A_173 = arith.index_cast %swap3A_172 : i32 to index
    %swap3A_174 = arith.constant 48 : index
    %swap3A_175 = tpu.vector_load %arg25[%swap3A_173, %swap3A_174] {strides = array<i32>} : memref<16x64xf32, #tpu.memory_space<vmem>>, vector<1x16xf32>,
    %swap3A_176 = vector.shape_cast %swap3A_175 : vector<1x16xf32> to vector<16xf32>
    %swap3A_177 = vector.shape_cast %broadcast_in_dim3A_10 : vector<16xf32> to vector<1x16xf32>
    tpu.vector_store %arg25[%swap3A_173, %swap3A_174], %swap3A_177 {strides = array<i32>} : memref<16x64xf32, #tpu.memory_space<vmem>>, vector<1x16xf32>,
    %swap3A_178 = arith.constant 7 : i32
    %swap3A_179 = arith.index_cast %swap3A_178 : i32 to index
    %swap3A_180 = arith.constant 0 : index
    %swap3A_181 = tpu.vector_load %arg25[%swap3A_179, %swap3A_180] {strides = array<i32>} : memref<16x64xf32, #tpu.memory_space<vmem>>, vector<1x16xf32>,
    %swap3A_182 = vector.shape_cast %swap3A_181 : vector<1x16xf32> to vector<16xf32>
    %swap3A_183 = vector.shape_cast %broadcast_in_dim3A_10 : vector<16xf32> to vector<1x16xf32>
    tpu.vector_store %arg25[%swap3A_179, %swap3A_180], %swap3A_183 {strides = array<i32>} : memref<16x64xf32, #tpu.memory_space<vmem>>, vector<1x16xf32>,
    %swap3A_184 = arith.constant 7 : i32
    %swap3A_185 = arith.index_cast %swap3A_184 : i32 to index
    %swap3A_186 = arith.constant 16 : index
    %swap3A_187 = tpu.vector_load %arg25[%swap3A_185, %swap3A_186] {strides = array<i32>} : memref<16x64xf32, #tpu.memory_space<vmem>>, vector<1x16xf32>,
    %swap3A_188 = vector.shape_cast %swap3A_187 : vector<1x16xf32> to vector<16xf32>
    %swap3A_189 = vector.shape_cast %broadcast_in_dim3A_10 : vector<16xf32> to vector<1x16xf32>
    tpu.vector_store %arg25[%swap3A_185, %swap3A_186], %swap3A_189 {strides = array<i32>} : memref<16x64xf32, #tpu.memory_space<vmem>>, vector<1x16xf32>,
    %swap3A_190 = arith.constant 7 : i32
    %swap3A_191 = arith.index_cast %swap3A_190 : i32 to index
    %swap3A_192 = arith.constant 32 : index
    %swap3A_193 = tpu.vector_load %arg25[%swap3A_191, %swap3A_192] {strides = array<i32>} : memref<16x64xf32, #tpu.memory_space<vmem>>, vector<1x16xf32>,
    %swap3A_194 = vector.shape_cast %swap3A_193 : vector<1x16xf32> to vector<16xf32>
    %swap3A_195 = vector.shape_cast %broadcast_in_dim3A_10 : vector<16xf32> to vector<1x16xf32>
    tpu.vector_store %arg25[%swap3A_191, %swap3A_192], %swap3A_195 {strides = array<i32>} : memref<16x64xf32, #tpu.memory_space<vmem>>, vector<1x16xf32>,
    %swap3A_196 = arith.constant 7 : i32
    %swap3A_197 = arith.index_cast %swap3A_196 : i32 to index
    %swap3A_198 = arith.constant 48 : index
    %swap3A_199 = tpu.vector_load %arg25[%swap3A_197, %swap3A_198] {strides = array<i32>} : memref<16x64xf32, #tpu.memory_space<vmem>>, vector<1x16xf32>,
    %swap3A_200 = vector.shape_cast %swap3A_199 : vector<1x16xf32> to vector<16xf32>
    %swap3A_201 = vector.shape_cast %broadcast_in_dim3A_10 : vector<16xf32> to vector<1x16xf32>
    tpu.vector_store %arg25[%swap3A_197, %swap3A_198], %swap3A_201 {strides = array<i32>} : memref<16x64xf32, #tpu.memory_space<vmem>>, vector<1x16xf32>,
    %swap3A_202 = arith.constant 8 : i32
    %swap3A_203 = arith.index_cast %swap3A_202 : i32 to index
    %swap3A_204 = arith.constant 0 : index
    %swap3A_205 = tpu.vector_load %arg25[%swap3A_203, %swap3A_204] {strides = array<i32>} : memref<16x64xf32, #tpu.memory_space<vmem>>, vector<1x16xf32>,
    %swap3A_206 = vector.shape_cast %swap3A_205 : vector<1x16xf32> to vector<16xf32>
    %swap3A_207 = vector.shape_cast %broadcast_in_dim3A_10 : vector<16xf32> to vector<1x16xf32>
    tpu.vector_store %arg25[%swap3A_203, %swap3A_204], %swap3A_207 {strides = array<i32>} : memref<16x64xf32, #tpu.memory_space<vmem>>, vector<1x16xf32>,
    %swap3A_208 = arith.constant 8 : i32
    %swap3A_209 = arith.index_cast %swap3A_208 : i32 to index
    %swap3A_210 = arith.constant 16 : index
    %swap3A_211 = tpu.vector_load %arg25[%swap3A_209, %swap3A_210] {strides = array<i32>} : memref<16x64xf32, #tpu.memory_space<vmem>>, vector<1x16xf32>,
    %swap3A_212 = vector.shape_cast %swap3A_211 : vector<1x16xf32> to vector<16xf32>
    %swap3A_213 = vector.shape_cast %broadcast_in_dim3A_10 : vector<16xf32> to vector<1x16xf32>
    tpu.vector_store %arg25[%swap3A_209, %swap3A_210], %swap3A_213 {strides = array<i32>} : memref<16x64xf32, #tpu.memory_space<vmem>>, vector<1x16xf32>,
    %swap3A_214 = arith.constant 8 : i32
    %swap3A_215 = arith.index_cast %swap3A_214 : i32 to index
    %swap3A_216 = arith.constant 32 : index
    %swap3A_217 = tpu.vector_load %arg25[%swap3A_215, %swap3A_216] {strides = array<i32>} : memref<16x64xf32, #tpu.memory_space<vmem>>, vector<1x16xf32>,
    %swap3A_218 = vector.shape_cast %swap3A_217 : vector<1x16xf32> to vector<16xf32>
    %swap3A_219 = vector.shape_cast %broadcast_in_dim3A_10 : vector<16xf32> to vector<1x16xf32>
    tpu.vector_store %arg25[%swap3A_215, %swap3A_216], %swap3A_219 {strides = array<i32>} : memref<16x64xf32, #tpu.memory_space<vmem>>, vector<1x16xf32>,
    %swap3A_220 = arith.constant 8 : i32
    %swap3A_221 = arith.index_cast %swap3A_220 : i32 to index
    %swap3A_222 = arith.constant 48 : index
    %swap3A_223 = tpu.vector_load %arg25[%swap3A_221, %swap3A_222] {strides = array<i32>} : memref<16x64xf32, #tpu.memory_space<vmem>>, vector<1x16xf32>,
    %swap3A_224 = vector.shape_cast %swap3A_223 : vector<1x16xf32> to vector<16xf32>
    %swap3A_225 = vector.shape_cast %broadcast_in_dim3A_10 : vector<16xf32> to vector<1x16xf32>
    tpu.vector_store %arg25[%swap3A_221, %swap3A_222], %swap3A_225 {strides = array<i32>} : memref<16x64xf32, #tpu.memory_space<vmem>>, vector<1x16xf32>,
    %swap3A_226 = arith.constant 9 : i32
    %swap3A_227 = arith.index_cast %swap3A_226 : i32 to index
    %swap3A_228 = arith.constant 0 : index
    %swap3A_229 = tpu.vector_load %arg25[%swap3A_227, %swap3A_228] {strides = array<i32>} : memref<16x64xf32, #tpu.memory_space<vmem>>, vector<1x16xf32>,
    %swap3A_230 = vector.shape_cast %swap3A_229 : vector<1x16xf32> to vector<16xf32>
    %swap3A_231 = vector.shape_cast %broadcast_in_dim3A_10 : vector<16xf32> to vector<1x16xf32>
    tpu.vector_store %arg25[%swap3A_227, %swap3A_228], %swap3A_231 {strides = array<i32>} : memref<16x64xf32, #tpu.memory_space<vmem>>, vector<1x16xf32>,
    %swap3A_232 = arith.constant 9 : i32
    %swap3A_233 = arith.index_cast %swap3A_232 : i32 to index
    %swap3A_234 = arith.constant 16 : index
    %swap3A_235 = tpu.vector_load %arg25[%swap3A_233, %swap3A_234] {strides = array<i32>} : memref<16x64xf32, #tpu.memory_space<vmem>>, vector<1x16xf32>,
    %swap3A_236 = vector.shape_cast %swap3A_235 : vector<1x16xf32> to vector<16xf32>
    %swap3A_237 = vector.shape_cast %broadcast_in_dim3A_10 : vector<16xf32> to vector<1x16xf32>
    tpu.vector_store %arg25[%swap3A_233, %swap3A_234], %swap3A_237 {strides = array<i32>} : memref<16x64xf32, #tpu.memory_space<vmem>>, vector<1x16xf32>,
    %swap3A_238 = arith.constant 9 : i32
    %swap3A_239 = arith.index_cast %swap3A_238 : i32 to index
    %swap3A_240 = arith.constant 32 : index
    %swap3A_241 = tpu.vector_load %arg25[%swap3A_239, %swap3A_240] {strides = array<i32>} : memref<16x64xf32, #tpu.memory_space<vmem>>, vector<1x16xf32>,
    %swap3A_242 = vector.shape_cast %swap3A_241 : vector<1x16xf32> to vector<16xf32>
    %swap3A_243 = vector.shape_cast %broadcast_in_dim3A_10 : vector<16xf32> to vector<1x16xf32>
    tpu.vector_store %arg25[%swap3A_239, %swap3A_240], %swap3A_243 {strides = array<i32>} : memref<16x64xf32, #tpu.memory_space<vmem>>, vector<1x16xf32>,
    %swap3A_244 = arith.constant 9 : i32
    %swap3A_245 = arith.index_cast %swap3A_244 : i32 to index
    %swap3A_246 = arith.constant 48 : index
    %swap3A_247 = tpu.vector_load %arg25[%swap3A_245, %swap3A_246] {strides = array<i32>} : memref<16x64xf32, #tpu.memory_space<vmem>>, vector<1x16xf32>,
    %swap3A_248 = vector.shape_cast %swap3A_247 : vector<1x16xf32> to vector<16xf32>
    %swap3A_249 = vector.shape_cast %broadcast_in_dim3A_10 : vector<16xf32> to vector<1x16xf32>
    tpu.vector_store %arg25[%swap3A_245, %swap3A_246], %swap3A_249 {strides = array<i32>} : memref<16x64xf32, #tpu.memory_space<vmem>>, vector<1x16xf32>,
    %swap3A_250 = arith.constant 10 : i32
    %swap3A_251 = arith.index_cast %swap3A_250 : i32 to index
    %swap3A_252 = arith.constant 0 : index
    %swap3A_253 = tpu.vector_load %arg25[%swap3A_251, %swap3A_252] {strides = array<i32>} : memref<16x64xf32, #tpu.memory_space<vmem>>, vector<1x16xf32>,
    %swap3A_254 = vector.shape_cast %swap3A_253 : vector<1x16xf32> to vector<16xf32>
    %swap3A_255 = vector.shape_cast %broadcast_in_dim3A_10 : vector<16xf32> to vector<1x16xf32>
    tpu.vector_store %arg25[%swap3A_251, %swap3A_252], %swap3A_255 {strides = array<i32>} : memref<16x64xf32, #tpu.memory_space<vmem>>, vector<1x16xf32>,
    %swap3A_256 = arith.constant 10 : i32
    %swap3A_257 = arith.index_cast %swap3A_256 : i32 to index
    %swap3A_258 = arith.constant 16 : index
    %swap3A_259 = tpu.vector_load %arg25[%swap3A_257, %swap3A_258] {strides = array<i32>} : memref<16x64xf32, #tpu.memory_space<vmem>>, vector<1x16xf32>,
    %swap3A_260 = vector.shape_cast %swap3A_259 : vector<1x16xf32> to vector<16xf32>
    %swap3A_261 = vector.shape_cast %broadcast_in_dim3A_10 : vector<16xf32> to vector<1x16xf32>
    tpu.vector_store %arg25[%swap3A_257, %swap3A_258], %swap3A_261 {strides = array<i32>} : memref<16x64xf32, #tpu.memory_space<vmem>>, vector<1x16xf32>,
    %swap3A_262 = arith.constant 10 : i32
    %swap3A_263 = arith.index_cast %swap3A_262 : i32 to index
    %swap3A_264 = arith.constant 32 : index
    %swap3A_265 = tpu.vector_load %arg25[%swap3A_263, %swap3A_264] {strides = array<i32>} : memref<16x64xf32, #tpu.memory_space<vmem>>, vector<1x16xf32>,
    %swap3A_266 = vector.shape_cast %swap3A_265 : vector<1x16xf32> to vector<16xf32>
    %swap3A_267 = vector.shape_cast %broadcast_in_dim3A_10 : vector<16xf32> to vector<1x16xf32>
    tpu.vector_store %arg25[%swap3A_263, %swap3A_264], %swap3A_267 {strides = array<i32>} : memref<16x64xf32, #tpu.memory_space<vmem>>, vector<1x16xf32>,
    %swap3A_268 = arith.constant 10 : i32
    %swap3A_269 = arith.index_cast %swap3A_268 : i32 to index
    %swap3A_270 = arith.constant 48 : index
    %swap3A_271 = tpu.vector_load %arg25[%swap3A_269, %swap3A_270] {strides = array<i32>} : memref<16x64xf32, #tpu.memory_space<vmem>>, vector<1x16xf32>,
    %swap3A_272 = vector.shape_cast %swap3A_271 : vector<1x16xf32> to vector<16xf32>
    %swap3A_273 = vector.shape_cast %broadcast_in_dim3A_10 : vector<16xf32> to vector<1x16xf32>
    tpu.vector_store %arg25[%swap3A_269, %swap3A_270], %swap3A_273 {strides = array<i32>} : memref<16x64xf32, #tpu.memory_space<vmem>>, vector<1x16xf32>,
    %swap3A_274 = arith.constant 11 : i32
    %swap3A_275 = arith.index_cast %swap3A_274 : i32 to index
    %swap3A_276 = arith.constant 0 : index
    %swap3A_277 = tpu.vector_load %arg25[%swap3A_275, %swap3A_276] {strides = array<i32>} : memref<16x64xf32, #tpu.memory_space<vmem>>, vector<1x16xf32>,
    %swap3A_278 = vector.shape_cast %swap3A_277 : vector<1x16xf32> to vector<16xf32>
    %swap3A_279 = vector.shape_cast %broadcast_in_dim3A_10 : vector<16xf32> to vector<1x16xf32>
    tpu.vector_store %arg25[%swap3A_275, %swap3A_276], %swap3A_279 {strides = array<i32>} : memref<16x64xf32, #tpu.memory_space<vmem>>, vector<1x16xf32>,
    %swap3A_280 = arith.constant 11 : i32
    %swap3A_281 = arith.index_cast %swap3A_280 : i32 to index
    %swap3A_282 = arith.constant 16 : index
    %swap3A_283 = tpu.vector_load %arg25[%swap3A_281, %swap3A_282] {strides = array<i32>} : memref<16x64xf32, #tpu.memory_space<vmem>>, vector<1x16xf32>,
    %swap3A_284 = vector.shape_cast %swap3A_283 : vector<1x16xf32> to vector<16xf32>
    %swap3A_285 = vector.shape_cast %broadcast_in_dim3A_10 : vector<16xf32> to vector<1x16xf32>
    tpu.vector_store %arg25[%swap3A_281, %swap3A_282], %swap3A_285 {strides = array<i32>} : memref<16x64xf32, #tpu.memory_space<vmem>>, vector<1x16xf32>,
    %swap3A_286 = arith.constant 11 : i32
    %swap3A_287 = arith.index_cast %swap3A_286 : i32 to index
    %swap3A_288 = arith.constant 32 : index
    %swap3A_289 = tpu.vector_load %arg25[%swap3A_287, %swap3A_288] {strides = array<i32>} : memref<16x64xf32, #tpu.memory_space<vmem>>, vector<1x16xf32>,
    %swap3A_290 = vector.shape_cast %swap3A_289 : vector<1x16xf32> to vector<16xf32>
    %swap3A_291 = vector.shape_cast %broadcast_in_dim3A_10 : vector<16xf32> to vector<1x16xf32>
    tpu.vector_store %arg25[%swap3A_287, %swap3A_288], %swap3A_291 {strides = array<i32>} : memref<16x64xf32, #tpu.memory_space<vmem>>, vector<1x16xf32>,
    %swap3A_292 = arith.constant 11 : i32
    %swap3A_293 = arith.index_cast %swap3A_292 : i32 to index
    %swap3A_294 = arith.constant 48 : index
    %swap3A_295 = tpu.vector_load %arg25[%swap3A_293, %swap3A_294] {strides = array<i32>} : memref<16x64xf32, #tpu.memory_space<vmem>>, vector<1x16xf32>,
    %swap3A_296 = vector.shape_cast %swap3A_295 : vector<1x16xf32> to vector<16xf32>
    %swap3A_297 = vector.shape_cast %broadcast_in_dim3A_10 : vector<16xf32> to vector<1x16xf32>
    tpu.vector_store %arg25[%swap3A_293, %swap3A_294], %swap3A_297 {strides = array<i32>} : memref<16x64xf32, #tpu.memory_space<vmem>>, vector<1x16xf32>,
    %swap3A_298 = arith.constant 12 : i32
    %swap3A_299 = arith.index_cast %swap3A_298 : i32 to index
    %swap3A_300 = arith.constant 0 : index
    %swap3A_301 = tpu.vector_load %arg25[%swap3A_299, %swap3A_300] {strides = array<i32>} : memref<16x64xf32, #tpu.memory_space<vmem>>, vector<1x16xf32>,
    %swap3A_302 = vector.shape_cast %swap3A_301 : vector<1x16xf32> to vector<16xf32>
    %swap3A_303 = vector.shape_cast %broadcast_in_dim3A_10 : vector<16xf32> to vector<1x16xf32>
    tpu.vector_store %arg25[%swap3A_299, %swap3A_300], %swap3A_303 {strides = array<i32>} : memref<16x64xf32, #tpu.memory_space<vmem>>, vector<1x16xf32>,
    %swap3A_304 = arith.constant 12 : i32
    %swap3A_305 = arith.index_cast %swap3A_304 : i32 to index
    %swap3A_306 = arith.constant 16 : index
    %swap3A_307 = tpu.vector_load %arg25[%swap3A_305, %swap3A_306] {strides = array<i32>} : memref<16x64xf32, #tpu.memory_space<vmem>>, vector<1x16xf32>,
    %swap3A_308 = vector.shape_cast %swap3A_307 : vector<1x16xf32> to vector<16xf32>
    %swap3A_309 = vector.shape_cast %broadcast_in_dim3A_10 : vector<16xf32> to vector<1x16xf32>
    tpu.vector_store %arg25[%swap3A_305, %swap3A_306], %swap3A_309 {strides = array<i32>} : memref<16x64xf32, #tpu.memory_space<vmem>>, vector<1x16xf32>,
    %swap3A_310 = arith.constant 12 : i32
    %swap3A_311 = arith.index_cast %swap3A_310 : i32 to index
    %swap3A_312 = arith.constant 32 : index
    %swap3A_313 = tpu.vector_load %arg25[%swap3A_311, %swap3A_312] {strides = array<i32>} : memref<16x64xf32, #tpu.memory_space<vmem>>, vector<1x16xf32>,
    %swap3A_314 = vector.shape_cast %swap3A_313 : vector<1x16xf32> to vector<16xf32>
    %swap3A_315 = vector.shape_cast %broadcast_in_dim3A_10 : vector<16xf32> to vector<1x16xf32>
    tpu.vector_store %arg25[%swap3A_311, %swap3A_312], %swap3A_315 {strides = array<i32>} : memref<16x64xf32, #tpu.memory_space<vmem>>, vector<1x16xf32>,
    %swap3A_316 = arith.constant 12 : i32
    %swap3A_317 = arith.index_cast %swap3A_316 : i32 to index
    %swap3A_318 = arith.constant 48 : index
    %swap3A_319 = tpu.vector_load %arg25[%swap3A_317, %swap3A_318] {strides = array<i32>} : memref<16x64xf32, #tpu.memory_space<vmem>>, vector<1x16xf32>,
    %swap3A_320 = vector.shape_cast %swap3A_319 : vector<1x16xf32> to vector<16xf32>
    %swap3A_321 = vector.shape_cast %broadcast_in_dim3A_10 : vector<16xf32> to vector<1x16xf32>
    tpu.vector_store %arg25[%swap3A_317, %swap3A_318], %swap3A_321 {strides = array<i32>} : memref<16x64xf32, #tpu.memory_space<vmem>>, vector<1x16xf32>,
    %swap3A_322 = arith.constant 13 : i32
    %swap3A_323 = arith.index_cast %swap3A_322 : i32 to index
    %swap3A_324 = arith.constant 0 : index
    %swap3A_325 = tpu.vector_load %arg25[%swap3A_323, %swap3A_324] {strides = array<i32>} : memref<16x64xf32, #tpu.memory_space<vmem>>, vector<1x16xf32>,
    %swap3A_326 = vector.shape_cast %swap3A_325 : vector<1x16xf32> to vector<16xf32>
    %swap3A_327 = vector.shape_cast %broadcast_in_dim3A_10 : vector<16xf32> to vector<1x16xf32>
    tpu.vector_store %arg25[%swap3A_323, %swap3A_324], %swap3A_327 {strides = array<i32>} : memref<16x64xf32, #tpu.memory_space<vmem>>, vector<1x16xf32>,
    %swap3A_328 = arith.constant 13 : i32
    %swap3A_329 = arith.index_cast %swap3A_328 : i32 to index
    %swap3A_330 = arith.constant 16 : index
    %swap3A_331 = tpu.vector_load %arg25[%swap3A_329, %swap3A_330] {strides = array<i32>} : memref<16x64xf32, #tpu.memory_space<vmem>>, vector<1x16xf32>,
    %swap3A_332 = vector.shape_cast %swap3A_331 : vector<1x16xf32> to vector<16xf32>
    %swap3A_333 = vector.shape_cast %broadcast_in_dim3A_10 : vector<16xf32> to vector<1x16xf32>
    tpu.vector_store %arg25[%swap3A_329, %swap3A_330], %swap3A_333 {strides = array<i32>} : memref<16x64xf32, #tpu.memory_space<vmem>>, vector<1x16xf32>,
    %swap3A_334 = arith.constant 13 : i32
    %swap3A_335 = arith.index_cast %swap3A_334 : i32 to index
    %swap3A_336 = arith.constant 32 : index
    %swap3A_337 = tpu.vector_load %arg25[%swap3A_335, %swap3A_336] {strides = array<i32>} : memref<16x64xf32, #tpu.memory_space<vmem>>, vector<1x16xf32>,
    %swap3A_338 = vector.shape_cast %swap3A_337 : vector<1x16xf32> to vector<16xf32>
    %swap3A_339 = vector.shape_cast %broadcast_in_dim3A_10 : vector<16xf32> to vector<1x16xf32>
    tpu.vector_store %arg25[%swap3A_335, %swap3A_336], %swap3A_339 {strides = array<i32>} : memref<16x64xf32, #tpu.memory_space<vmem>>, vector<1x16xf32>,
    %swap3A_340 = arith.constant 13 : i32
    %swap3A_341 = arith.index_cast %swap3A_340 : i32 to index
    %swap3A_342 = arith.constant 48 : index
    %swap3A_343 = tpu.vector_load %arg25[%swap3A_341, %swap3A_342] {strides = array<i32>} : memref<16x64xf32, #tpu.memory_space<vmem>>, vector<1x16xf32>,
    %swap3A_344 = vector.shape_cast %swap3A_343 : vector<1x16xf32> to vector<16xf32>
    %swap3A_345 = vector.shape_cast %broadcast_in_dim3A_10 : vector<16xf32> to vector<1x16xf32>
    tpu.vector_store %arg25[%swap3A_341, %swap3A_342], %swap3A_345 {strides = array<i32>} : memref<16x64xf32, #tpu.memory_space<vmem>>, vector<1x16xf32>,
    %swap3A_346 = arith.constant 14 : i32
    %swap3A_347 = arith.index_cast %swap3A_346 : i32 to index
    %swap3A_348 = arith.constant 0 : index
    %swap3A_349 = tpu.vector_load %arg25[%swap3A_347, %swap3A_348] {strides = array<i32>} : memref<16x64xf32, #tpu.memory_space<vmem>>, vector<1x16xf32>,
    %swap3A_350 = vector.shape_cast %swap3A_349 : vector<1x16xf32> to vector<16xf32>
    %swap3A_351 = vector.shape_cast %broadcast_in_dim3A_10 : vector<16xf32> to vector<1x16xf32>
    tpu.vector_store %arg25[%swap3A_347, %swap3A_348], %swap3A_351 {strides = array<i32>} : memref<16x64xf32, #tpu.memory_space<vmem>>, vector<1x16xf32>,
    %swap3A_352 = arith.constant 14 : i32
    %swap3A_353 = arith.index_cast %swap3A_352 : i32 to index
    %swap3A_354 = arith.constant 16 : index
    %swap3A_355 = tpu.vector_load %arg25[%swap3A_353, %swap3A_354] {strides = array<i32>} : memref<16x64xf32, #tpu.memory_space<vmem>>, vector<1x16xf32>,
    %swap3A_356 = vector.shape_cast %swap3A_355 : vector<1x16xf32> to vector<16xf32>
    %swap3A_357 = vector.shape_cast %broadcast_in_dim3A_10 : vector<16xf32> to vector<1x16xf32>
    tpu.vector_store %arg25[%swap3A_353, %swap3A_354], %swap3A_357 {strides = array<i32>} : memref<16x64xf32, #tpu.memory_space<vmem>>, vector<1x16xf32>,
    %swap3A_358 = arith.constant 14 : i32
    %swap3A_359 = arith.index_cast %swap3A_358 : i32 to index
    %swap3A_360 = arith.constant 32 : index
    %swap3A_361 = tpu.vector_load %arg25[%swap3A_359, %swap3A_360] {strides = array<i32>} : memref<16x64xf32, #tpu.memory_space<vmem>>, vector<1x16xf32>,
    %swap3A_362 = vector.shape_cast %swap3A_361 : vector<1x16xf32> to vector<16xf32>
    %swap3A_363 = vector.shape_cast %broadcast_in_dim3A_10 : vector<16xf32> to vector<1x16xf32>
    tpu.vector_store %arg25[%swap3A_359, %swap3A_360], %swap3A_363 {strides = array<i32>} : memref<16x64xf32, #tpu.memory_space<vmem>>, vector<1x16xf32>,
    %swap3A_364 = arith.constant 14 : i32
    %swap3A_365 = arith.index_cast %swap3A_364 : i32 to index
    %swap3A_366 = arith.constant 48 : index
    %swap3A_367 = tpu.vector_load %arg25[%swap3A_365, %swap3A_366] {strides = array<i32>} : memref<16x64xf32, #tpu.memory_space<vmem>>, vector<1x16xf32>,
    %swap3A_368 = vector.shape_cast %swap3A_367 : vector<1x16xf32> to vector<16xf32>
    %swap3A_369 = vector.shape_cast %broadcast_in_dim3A_10 : vector<16xf32> to vector<1x16xf32>
    tpu.vector_store %arg25[%swap3A_365, %swap3A_366], %swap3A_369 {strides = array<i32>} : memref<16x64xf32, #tpu.memory_space<vmem>>, vector<1x16xf32>,
    %swap3A_370 = arith.constant 15 : i32
    %swap3A_371 = arith.index_cast %swap3A_370 : i32 to index
    %swap3A_372 = arith.constant 0 : index
    %swap3A_373 = tpu.vector_load %arg25[%swap3A_371, %swap3A_372] {strides = array<i32>} : memref<16x64xf32, #tpu.memory_space<vmem>>, vector<1x16xf32>,
    %swap3A_374 = vector.shape_cast %swap3A_373 : vector<1x16xf32> to vector<16xf32>
    %swap3A_375 = vector.shape_cast %broadcast_in_dim3A_10 : vector<16xf32> to vector<1x16xf32>
    tpu.vector_store %arg25[%swap3A_371, %swap3A_372], %swap3A_375 {strides = array<i32>} : memref<16x64xf32, #tpu.memory_space<vmem>>, vector<1x16xf32>,
    %swap3A_376 = arith.constant 15 : i32
    %swap3A_377 = arith.index_cast %swap3A_376 : i32 to index
    %swap3A_378 = arith.constant 16 : index
    %swap3A_379 = tpu.vector_load %arg25[%swap3A_377, %swap3A_378] {strides = array<i32>} : memref<16x64xf32, #tpu.memory_space<vmem>>, vector<1x16xf32>,
    %swap3A_380 = vector.shape_cast %swap3A_379 : vector<1x16xf32> to vector<16xf32>
    %swap3A_381 = vector.shape_cast %broadcast_in_dim3A_10 : vector<16xf32> to vector<1x16xf32>
    tpu.vector_store %arg25[%swap3A_377, %swap3A_378], %swap3A_381 {strides = array<i32>} : memref<16x64xf32, #tpu.memory_space<vmem>>, vector<1x16xf32>,
    %swap3A_382 = arith.constant 15 : i32
    %swap3A_383 = arith.index_cast %swap3A_382 : i32 to index
    %swap3A_384 = arith.constant 32 : index
    %swap3A_385 = tpu.vector_load %arg25[%swap3A_383, %swap3A_384] {strides = array<i32>} : memref<16x64xf32, #tpu.memory_space<vmem>>, vector<1x16xf32>,
    %swap3A_386 = vector.shape_cast %swap3A_385 : vector<1x16xf32> to vector<16xf32>
    %swap3A_387 = vector.shape_cast %broadcast_in_dim3A_10 : vector<16xf32> to vector<1x16xf32>
    tpu.vector_store %arg25[%swap3A_383, %swap3A_384], %swap3A_387 {strides = array<i32>} : memref<16x64xf32, #tpu.memory_space<vmem>>, vector<1x16xf32>,
    %swap3A_388 = arith.constant 15 : i32
    %swap3A_389 = arith.index_cast %swap3A_388 : i32 to index
    %swap3A_390 = arith.constant 48 : index
    %swap3A_391 = tpu.vector_load %arg25[%swap3A_389, %swap3A_390] {strides = array<i32>} : memref<16x64xf32, #tpu.memory_space<vmem>>, vector<1x16xf32>,
    %swap3A_392 = vector.shape_cast %swap3A_391 : vector<1x16xf32> to vector<16xf32>
    %swap3A_393 = vector.shape_cast %broadcast_in_dim3A_10 : vector<16xf32> to vector<1x16xf32>
    tpu.vector_store %arg25[%swap3A_389, %swap3A_390], %swap3A_393 {strides = array<i32>} : memref<16x64xf32, #tpu.memory_space<vmem>>, vector<1x16xf32>,
    %scan3A = arith.constant 0 : i32
    %scan3A_394 = arith.constant 0 : i32
    %scan3A_395 = arith.constant 40 : i32
    %scan3A_396 = arith.addi %scan3A_394, %scan3A_395 : i32
    %scan3A_397 = arith.constant 1 : i32
    %scan3A_398 = scf.for %scan3A_423 = %scan3A_394 to %scan3A_396 step %scan3A_397 iter_args(%scan3A_424 = %scan3A) -> (i32)  : i32 {
      %mul3A_425 = arith.constant 640 : i32
      %mul3A_426 = arith.muli %arg1, %mul3A_425 : i32
      %mul3A_427 = arith.constant 16 : i32
      %mul3A_428 = arith.muli %scan3A_423, %mul3A_427 : i32
      %add3A = arith.addi %mul3A_426, %mul3A_428 : i32
      "tpu.region"() ({
        %run_scoped3A = tpu.sem_alloc : memref<!tpu.dma_semaphore, #tpu.memory_space<semaphore_mem>>
        %dma_start3A_430 = arith.constant 0 : i32
        %dma_start3A_431 = tpu.memref_slice %arg26[%add3A, %dma_start3A_430] : memref<10240x64xf32, #tpu.memory_space<vmem_shared>> -> memref<16x64xf32, #tpu.memory_space<vmem_shared>>
        %dma_start3A_432 = arith.constant 0 : i32
        %dma_start3A_433 = tpu.memref_slice %arg26[%add3A, %dma_start3A_432] : memref<10240x64xf32, #tpu.memory_space<vmem_shared>> -> memref<16x64xf32, #tpu.memory_space<vmem_shared>>
        tpu.enqueue_dma source(%arg25 : memref<16x64xf32, #tpu.memory_space<vmem>>) target(%dma_start3A_433 : memref<16x64xf32, #tpu.memory_space<vmem_shared>>) target_semaphore(%run_scoped3A : memref<!tpu.dma_semaphore, #tpu.memory_space<semaphore_mem>>)
        %dma_wait3A_434 = arith.constant 0 : i32
        %dma_wait3A_435 = tpu.memref_slice %arg26[%add3A, %dma_wait3A_434] : memref<10240x64xf32, #tpu.memory_space<vmem_shared>> -> memref<16x64xf32, #tpu.memory_space<vmem_shared>>
        %dma_wait3A_436 = arith.constant 0 : i32
        %dma_wait3A_437 = tpu.memref_slice %arg26[%add3A, %dma_wait3A_436] : memref<10240x64xf32, #tpu.memory_space<vmem_shared>> -> memref<16x64xf32, #tpu.memory_space<vmem_shared>>
        tpu.wait_dma2 semaphore(%run_scoped3A : memref<!tpu.dma_semaphore, #tpu.memory_space<semaphore_mem>>) src(%arg25 : memref<16x64xf32, #tpu.memory_space<vmem>>) dst(%dma_wait3A_437 : memref<16x64xf32, #tpu.memory_space<vmem_shared>>)
        tpu.yield
      }) : () -> ()
      %scan3A_429 = arith.constant 0 : i32
      scf.yield %scan3A_429 : i32
    }
    %scan3A_399 = arith.constant 40 : i32
    %barrier3A = arith.constant 0 : index
    tpu.barrier barrier_id(%barrier3A)
    %mul3A_400 = arith.constant 160 : i32
    %mul3A_401 = arith.muli %arg1, %mul3A_400 : i32
    %dma_wait3A = arith.constant 0 : i32
    %dma_wait3A_402 = tpu.memref_slice %arg4[%mul3A_401, %dma_wait3A] : memref<2560x128xi32, #tpu.memory_space<hbm>> -> memref<160x128xi32, #tpu.memory_space<hbm>>
    %dma_wait3A_403 = arith.constant 0 : i32
    %dma_wait3A_404 = tpu.memref_slice %arg4[%mul3A_401, %dma_wait3A_403] : memref<2560x128xi32, #tpu.memory_space<hbm>> -> memref<160x128xi32, #tpu.memory_space<hbm>>
    tpu.wait_dma2 semaphore(%arg24 : memref<!tpu.dma_semaphore, #tpu.memory_space<semaphore_mem>>) src(%dma_wait3A_404 : memref<160x128xi32, #tpu.memory_space<hbm>>) dst(%arg22 : memref<160x128xi32, #tpu.memory_space<vmem>>)
    %mul3A_405 = arith.constant 160 : i32
    %mul3A_406 = arith.muli %arg1, %mul3A_405 : i32
    %dma_wait3A_407 = arith.constant 0 : i32
    %dma_wait3A_408 = tpu.memref_slice %arg5[%mul3A_406, %dma_wait3A_407] : memref<2560x128xi32, #tpu.memory_space<hbm>> -> memref<160x128xi32, #tpu.memory_space<hbm>>
    %dma_wait3A_409 = arith.constant 0 : i32
    %dma_wait3A_410 = tpu.memref_slice %arg5[%mul3A_406, %dma_wait3A_409] : memref<2560x128xi32, #tpu.memory_space<hbm>> -> memref<160x128xi32, #tpu.memory_space<hbm>>
    tpu.wait_dma2 semaphore(%arg24 : memref<!tpu.dma_semaphore, #tpu.memory_space<semaphore_mem>>) src(%dma_wait3A_410 : memref<160x128xi32, #tpu.memory_space<hbm>>) dst(%arg23 : memref<160x128xi32, #tpu.memory_space<vmem>>)
    %eq3A = arith.constant 0 : i32
    %eq3A_411 = arith.cmpi eq, %arg0, %eq3A : i32
    %convert_element_type3A = arith.extui %eq3A_411 : i1 to i32
    %cond3A = arith.constant 0 : i32
    %cond3A_412 = arith.cmpi ne, %convert_element_type3A, %cond3A : i32
    scf.if %cond3A_412 {
      %dma_start3A_423 = arith.constant 0 : i32
      %dma_start3A_424 = arith.constant 0 : i32
      %dma_start3A_425 = tpu.memref_slice %arg22[%dma_start3A_423, %dma_start3A_424] : memref<160x128xi32, #tpu.memory_space<vmem>> -> memref<1x128xi32, #tpu.memory_space<vmem>>
      %dma_start3A_426 = tpu.memref_squeeze %dma_start3A_425 : memref<1x128xi32, #tpu.memory_space<vmem>> -> memref<128xi32, #tpu.memory_space<vmem>>
      %dma_start3A_427 = arith.constant 0 : i32
      %dma_start3A_428 = arith.constant 0 : i32
      %dma_start3A_429 = tpu.memref_slice %arg2[%dma_start3A_427, %dma_start3A_428] : memref<10240x64xf32, #tpu.memory_space<hbm>> -> memref<10240x64xf32, #tpu.memory_space<hbm>>
      tpu.enqueue_indirect_dma source(%dma_start3A_429 : memref<10240x64xf32, #tpu.memory_space<hbm>>) target(%arg7 : memref<128x64xf32, #tpu.memory_space<vmem>>) offsets(%dma_start3A_426 : memref<128xi32, #tpu.memory_space<vmem>>) semaphore(%arg8 : memref<!tpu.dma_semaphore, #tpu.memory_space<semaphore_mem>>)
      %dma_start3A_430 = arith.constant 1 : i32
      %dma_start3A_431 = arith.constant 0 : i32
      %dma_start3A_432 = tpu.memref_slice %arg22[%dma_start3A_430, %dma_start3A_431] : memref<160x128xi32, #tpu.memory_space<vmem>> -> memref<1x128xi32, #tpu.memory_space<vmem>>
      %dma_start3A_433 = tpu.memref_squeeze %dma_start3A_432 : memref<1x128xi32, #tpu.memory_space<vmem>> -> memref<128xi32, #tpu.memory_space<vmem>>
      %dma_start3A_434 = arith.constant 0 : i32
      %dma_start3A_435 = arith.constant 0 : i32
      %dma_start3A_436 = tpu.memref_slice %arg2[%dma_start3A_434, %dma_start3A_435] : memref<10240x64xf32, #tpu.memory_space<hbm>> -> memref<10240x64xf32, #tpu.memory_space<hbm>>
      tpu.enqueue_indirect_dma source(%dma_start3A_436 : memref<10240x64xf32, #tpu.memory_space<hbm>>) target(%arg10 : memref<128x64xf32, #tpu.memory_space<vmem>>) offsets(%dma_start3A_433 : memref<128xi32, #tpu.memory_space<vmem>>) semaphore(%arg11 : memref<!tpu.dma_semaphore, #tpu.memory_space<semaphore_mem>>)
      %dma_start3A_437 = arith.constant 2 : i32
      %dma_start3A_438 = arith.constant 0 : i32
      %dma_start3A_439 = tpu.memref_slice %arg22[%dma_start3A_437, %dma_start3A_438] : memref<160x128xi32, #tpu.memory_space<vmem>> -> memref<1x128xi32, #tpu.memory_space<vmem>>
      %dma_start3A_440 = tpu.memref_squeeze %dma_start3A_439 : memref<1x128xi32, #tpu.memory_space<vmem>> -> memref<128xi32, #tpu.memory_space<vmem>>
      %dma_start3A_441 = arith.constant 0 : i32
      %dma_start3A_442 = arith.constant 0 : i32
      %dma_start3A_443 = tpu.memref_slice %arg2[%dma_start3A_441, %dma_start3A_442] : memref<10240x64xf32, #tpu.memory_space<hbm>> -> memref<10240x64xf32, #tpu.memory_space<hbm>>
      tpu.enqueue_indirect_dma source(%dma_start3A_443 : memref<10240x64xf32, #tpu.memory_space<hbm>>) target(%arg13 : memref<128x64xf32, #tpu.memory_space<vmem>>) offsets(%dma_start3A_440 : memref<128xi32, #tpu.memory_space<vmem>>) semaphore(%arg14 : memref<!tpu.dma_semaphore, #tpu.memory_space<semaphore_mem>>)
      %dma_start3A_444 = arith.constant 3 : i32
      %dma_start3A_445 = arith.constant 0 : i32
      %dma_start3A_446 = tpu.memref_slice %arg22[%dma_start3A_444, %dma_start3A_445] : memref<160x128xi32, #tpu.memory_space<vmem>> -> memref<1x128xi32, #tpu.memory_space<vmem>>
      %dma_start3A_447 = tpu.memref_squeeze %dma_start3A_446 : memref<1x128xi32, #tpu.memory_space<vmem>> -> memref<128xi32, #tpu.memory_space<vmem>>
      %dma_start3A_448 = arith.constant 0 : i32
      %dma_start3A_449 = arith.constant 0 : i32
      %dma_start3A_450 = tpu.memref_slice %arg2[%dma_start3A_448, %dma_start3A_449] : memref<10240x64xf32, #tpu.memory_space<hbm>> -> memref<10240x64xf32, #tpu.memory_space<hbm>>
      tpu.enqueue_indirect_dma source(%dma_start3A_450 : memref<10240x64xf32, #tpu.memory_space<hbm>>) target(%arg16 : memref<128x64xf32, #tpu.memory_space<vmem>>) offsets(%dma_start3A_447 : memref<128xi32, #tpu.memory_space<vmem>>) semaphore(%arg17 : memref<!tpu.dma_semaphore, #tpu.memory_space<semaphore_mem>>)
      %dma_wait3A_451 = arith.constant 0 : i32
      %dma_wait3A_452 = arith.constant 0 : i32
      %dma_wait3A_453 = tpu.memref_slice %arg22[%dma_wait3A_451, %dma_wait3A_452] : memref<160x128xi32, #tpu.memory_space<vmem>> -> memref<1x128xi32, #tpu.memory_space<vmem>>
      %dma_wait3A_454 = tpu.memref_squeeze %dma_wait3A_453 : memref<1x128xi32, #tpu.memory_space<vmem>> -> memref<128xi32, #tpu.memory_space<vmem>>
      %dma_wait3A_455 = arith.constant 0 : i32
      %dma_wait3A_456 = arith.constant 0 : i32
      %dma_wait3A_457 = tpu.memref_slice %arg2[%dma_wait3A_455, %dma_wait3A_456] : memref<10240x64xf32, #tpu.memory_space<hbm>> -> memref<10240x64xf32, #tpu.memory_space<hbm>>
      tpu.wait_indirect_dma semaphore(%arg8 : memref<!tpu.dma_semaphore, #tpu.memory_space<semaphore_mem>>) src(%dma_wait3A_457 : memref<10240x64xf32, #tpu.memory_space<hbm>>) dst(%arg7 : memref<128x64xf32, #tpu.memory_space<vmem>>)
      %dma_start3A_458 = arith.constant 0 : i32
      %dma_start3A_459 = arith.constant 0 : i32
      %dma_start3A_460 = tpu.memref_slice %arg23[%dma_start3A_458, %dma_start3A_459] : memref<160x128xi32, #tpu.memory_space<vmem>> -> memref<1x128xi32, #tpu.memory_space<vmem>>
      %dma_start3A_461 = tpu.memref_squeeze %dma_start3A_460 : memref<1x128xi32, #tpu.memory_space<vmem>> -> memref<128xi32, #tpu.memory_space<vmem>>
      %dma_start3A_462 = arith.constant 0 : i32
      %dma_start3A_463 = arith.constant 0 : i32
      %dma_start3A_464 = tpu.memref_slice %arg26[%dma_start3A_462, %dma_start3A_463] : memref<10240x64xf32, #tpu.memory_space<vmem_shared>> -> memref<10240x64xf32, #tpu.memory_space<vmem_shared>>
      tpu.enqueue_indirect_dma source(%arg7 : memref<128x64xf32, #tpu.memory_space<vmem>>) target(%dma_start3A_464 : memref<10240x64xf32, #tpu.memory_space<vmem_shared>>) offsets(%dma_start3A_461 : memref<128xi32, #tpu.memory_space<vmem>>) semaphore(%arg9 : memref<!tpu.dma_semaphore, #tpu.memory_space<semaphore_mem>>) {add = true}
      %dma_start3A_465 = arith.constant 4 : i32
      %dma_start3A_466 = arith.constant 0 : i32
      %dma_start3A_467 = tpu.memref_slice %arg22[%dma_start3A_465, %dma_start3A_466] : memref<160x128xi32, #tpu.memory_space<vmem>> -> memref<1x128xi32, #tpu.memory_space<vmem>>
      %dma_start3A_468 = tpu.memref_squeeze %dma_start3A_467 : memref<1x128xi32, #tpu.memory_space<vmem>> -> memref<128xi32, #tpu.memory_space<vmem>>
      %dma_start3A_469 = arith.constant 0 : i32
      %dma_start3A_470 = arith.constant 0 : i32
      %dma_start3A_471 = tpu.memref_slice %arg2[%dma_start3A_469, %dma_start3A_470] : memref<10240x64xf32, #tpu.memory_space<hbm>> -> memref<10240x64xf32, #tpu.memory_space<hbm>>
      tpu.enqueue_indirect_dma source(%dma_start3A_471 : memref<10240x64xf32, #tpu.memory_space<hbm>>) target(%arg19 : memref<128x64xf32, #tpu.memory_space<vmem>>) offsets(%dma_start3A_468 : memref<128xi32, #tpu.memory_space<vmem>>) semaphore(%arg20 : memref<!tpu.dma_semaphore, #tpu.memory_space<semaphore_mem>>)
      %dma_wait3A_472 = arith.constant 1 : i32
      %dma_wait3A_473 = arith.constant 0 : i32
      %dma_wait3A_474 = tpu.memref_slice %arg22[%dma_wait3A_472, %dma_wait3A_473] : memref<160x128xi32, #tpu.memory_space<vmem>> -> memref<1x128xi32, #tpu.memory_space<vmem>>
      %dma_wait3A_475 = tpu.memref_squeeze %dma_wait3A_474 : memref<1x128xi32, #tpu.memory_space<vmem>> -> memref<128xi32, #tpu.memory_space<vmem>>
      %dma_wait3A_476 = arith.constant 0 : i32
      %dma_wait3A_477 = arith.constant 0 : i32
      %dma_wait3A_478 = tpu.memref_slice %arg2[%dma_wait3A_476, %dma_wait3A_477] : memref<10240x64xf32, #tpu.memory_space<hbm>> -> memref<10240x64xf32, #tpu.memory_space<hbm>>
      tpu.wait_indirect_dma semaphore(%arg11 : memref<!tpu.dma_semaphore, #tpu.memory_space<semaphore_mem>>) src(%dma_wait3A_478 : memref<10240x64xf32, #tpu.memory_space<hbm>>) dst(%arg10 : memref<128x64xf32, #tpu.memory_space<vmem>>)
      %dma_start3A_479 = arith.constant 1 : i32
      %dma_start3A_480 = arith.constant 0 : i32
      %dma_start3A_481 = tpu.memref_slice %arg23[%dma_start3A_479, %dma_start3A_480] : memref<160x128xi32, #tpu.memory_space<vmem>> -> memref<1x128xi32, #tpu.memory_space<vmem>>
      %dma_start3A_482 = tpu.memref_squeeze %dma_start3A_481 : memref<1x128xi32, #tpu.memory_space<vmem>> -> memref<128xi32, #tpu.memory_space<vmem>>
      %dma_start3A_483 = arith.constant 0 : i32
      %dma_start3A_484 = arith.constant 0 : i32
      %dma_start3A_485 = tpu.memref_slice %arg26[%dma_start3A_483, %dma_start3A_484] : memref<10240x64xf32, #tpu.memory_space<vmem_shared>> -> memref<10240x64xf32, #tpu.memory_space<vmem_shared>>
      tpu.enqueue_indirect_dma source(%arg10 : memref<128x64xf32, #tpu.memory_space<vmem>>) target(%dma_start3A_485 : memref<10240x64xf32, #tpu.memory_space<vmem_shared>>) offsets(%dma_start3A_482 : memref<128xi32, #tpu.memory_space<vmem>>) semaphore(%arg12 : memref<!tpu.dma_semaphore, #tpu.memory_space<semaphore_mem>>) {add = true}
      %dma_wait3A_486 = arith.constant 0 : i32
      %dma_wait3A_487 = arith.constant 0 : i32
      %dma_wait3A_488 = tpu.memref_slice %arg23[%dma_wait3A_486, %dma_wait3A_487] : memref<160x128xi32, #tpu.memory_space<vmem>> -> memref<1x128xi32, #tpu.memory_space<vmem>>
      %dma_wait3A_489 = tpu.memref_squeeze %dma_wait3A_488 : memref<1x128xi32, #tpu.memory_space<vmem>> -> memref<128xi32, #tpu.memory_space<vmem>>
      %dma_wait3A_490 = arith.constant 0 : i32
      %dma_wait3A_491 = arith.constant 0 : i32
      %dma_wait3A_492 = tpu.memref_slice %arg26[%dma_wait3A_490, %dma_wait3A_491] : memref<10240x64xf32, #tpu.memory_space<vmem_shared>> -> memref<10240x64xf32, #tpu.memory_space<vmem_shared>>
      tpu.wait_indirect_dma semaphore(%arg9 : memref<!tpu.dma_semaphore, #tpu.memory_space<semaphore_mem>>) src(%arg7 : memref<128x64xf32, #tpu.memory_space<vmem>>) dst(%dma_wait3A_492 : memref<10240x64xf32, #tpu.memory_space<vmem_shared>>)
      %dma_start3A_493 = arith.constant 5 : i32
      %dma_start3A_494 = arith.constant 0 : i32
      %dma_start3A_495 = tpu.memref_slice %arg22[%dma_start3A_493, %dma_start3A_494] : memref<160x128xi32, #tpu.memory_space<vmem>> -> memref<1x128xi32, #tpu.memory_space<vmem>>
      %dma_start3A_496 = tpu.memref_squeeze %dma_start3A_495 : memref<1x128xi32, #tpu.memory_space<vmem>> -> memref<128xi32, #tpu.memory_space<vmem>>
      %dma_start3A_497 = arith.constant 0 : i32
      %dma_start3A_498 = arith.constant 0 : i32
      %dma_start3A_499 = tpu.memref_slice %arg2[%dma_start3A_497, %dma_start3A_498] : memref<10240x64xf32, #tpu.memory_space<hbm>> -> memref<10240x64xf32, #tpu.memory_space<hbm>>
      tpu.enqueue_indirect_dma source(%dma_start3A_499 : memref<10240x64xf32, #tpu.memory_space<hbm>>) target(%arg7 : memref<128x64xf32, #tpu.memory_space<vmem>>) offsets(%dma_start3A_496 : memref<128xi32, #tpu.memory_space<vmem>>) semaphore(%arg8 : memref<!tpu.dma_semaphore, #tpu.memory_space<semaphore_mem>>)
      %dma_wait3A_500 = arith.constant 2 : i32
      %dma_wait3A_501 = arith.constant 0 : i32
      %dma_wait3A_502 = tpu.memref_slice %arg22[%dma_wait3A_500, %dma_wait3A_501] : memref<160x128xi32, #tpu.memory_space<vmem>> -> memref<1x128xi32, #tpu.memory_space<vmem>>
      %dma_wait3A_503 = tpu.memref_squeeze %dma_wait3A_502 : memref<1x128xi32, #tpu.memory_space<vmem>> -> memref<128xi32, #tpu.memory_space<vmem>>
      %dma_wait3A_504 = arith.constant 0 : i32
      %dma_wait3A_505 = arith.constant 0 : i32
      %dma_wait3A_506 = tpu.memref_slice %arg2[%dma_wait3A_504, %dma_wait3A_505] : memref<10240x64xf32, #tpu.memory_space<hbm>> -> memref<10240x64xf32, #tpu.memory_space<hbm>>
      tpu.wait_indirect_dma semaphore(%arg14 : memref<!tpu.dma_semaphore, #tpu.memory_space<semaphore_mem>>) src(%dma_wait3A_506 : memref<10240x64xf32, #tpu.memory_space<hbm>>) dst(%arg13 : memref<128x64xf32, #tpu.memory_space<vmem>>)
      %dma_start3A_507 = arith.constant 2 : i32
      %dma_start3A_508 = arith.constant 0 : i32
      %dma_start3A_509 = tpu.memref_slice %arg23[%dma_start3A_507, %dma_start3A_508] : memref<160x128xi32, #tpu.memory_space<vmem>> -> memref<1x128xi32, #tpu.memory_space<vmem>>
      %dma_start3A_510 = tpu.memref_squeeze %dma_start3A_509 : memref<1x128xi32, #tpu.memory_space<vmem>> -> memref<128xi32, #tpu.memory_space<vmem>>
      %dma_start3A_511 = arith.constant 0 : i32
      %dma_start3A_512 = arith.constant 0 : i32
      %dma_start3A_513 = tpu.memref_slice %arg26[%dma_start3A_511, %dma_start3A_512] : memref<10240x64xf32, #tpu.memory_space<vmem_shared>> -> memref<10240x64xf32, #tpu.memory_space<vmem_shared>>
      tpu.enqueue_indirect_dma source(%arg13 : memref<128x64xf32, #tpu.memory_space<vmem>>) target(%dma_start3A_513 : memref<10240x64xf32, #tpu.memory_space<vmem_shared>>) offsets(%dma_start3A_510 : memref<128xi32, #tpu.memory_space<vmem>>) semaphore(%arg15 : memref<!tpu.dma_semaphore, #tpu.memory_space<semaphore_mem>>) {add = true}
      %dma_wait3A_514 = arith.constant 1 : i32
      %dma_wait3A_515 = arith.constant 0 : i32
      %dma_wait3A_516 = tpu.memref_slice %arg23[%dma_wait3A_514, %dma_wait3A_515] : memref<160x128xi32, #tpu.memory_space<vmem>> -> memref<1x128xi32, #tpu.memory_space<vmem>>
      %dma_wait3A_517 = tpu.memref_squeeze %dma_wait3A_516 : memref<1x128xi32, #tpu.memory_space<vmem>> -> memref<128xi32, #tpu.memory_space<vmem>>
      %dma_wait3A_518 = arith.constant 0 : i32
      %dma_wait3A_519 = arith.constant 0 : i32
      %dma_wait3A_520 = tpu.memref_slice %arg26[%dma_wait3A_518, %dma_wait3A_519] : memref<10240x64xf32, #tpu.memory_space<vmem_shared>> -> memref<10240x64xf32, #tpu.memory_space<vmem_shared>>
      tpu.wait_indirect_dma semaphore(%arg12 : memref<!tpu.dma_semaphore, #tpu.memory_space<semaphore_mem>>) src(%arg10 : memref<128x64xf32, #tpu.memory_space<vmem>>) dst(%dma_wait3A_520 : memref<10240x64xf32, #tpu.memory_space<vmem_shared>>)
      %dma_start3A_521 = arith.constant 6 : i32
      %dma_start3A_522 = arith.constant 0 : i32
      %dma_start3A_523 = tpu.memref_slice %arg22[%dma_start3A_521, %dma_start3A_522] : memref<160x128xi32, #tpu.memory_space<vmem>> -> memref<1x128xi32, #tpu.memory_space<vmem>>
      %dma_start3A_524 = tpu.memref_squeeze %dma_start3A_523 : memref<1x128xi32, #tpu.memory_space<vmem>> -> memref<128xi32, #tpu.memory_space<vmem>>
      %dma_start3A_525 = arith.constant 0 : i32
      %dma_start3A_526 = arith.constant 0 : i32
      %dma_start3A_527 = tpu.memref_slice %arg2[%dma_start3A_525, %dma_start3A_526] : memref<10240x64xf32, #tpu.memory_space<hbm>> -> memref<10240x64xf32, #tpu.memory_space<hbm>>
      tpu.enqueue_indirect_dma source(%dma_start3A_527 : memref<10240x64xf32, #tpu.memory_space<hbm>>) target(%arg10 : memref<128x64xf32, #tpu.memory_space<vmem>>) offsets(%dma_start3A_524 : memref<128xi32, #tpu.memory_space<vmem>>) semaphore(%arg11 : memref<!tpu.dma_semaphore, #tpu.memory_space<semaphore_mem>>)
      %dma_wait3A_528 = arith.constant 3 : i32
      %dma_wait3A_529 = arith.constant 0 : i32
      %dma_wait3A_530 = tpu.memref_slice %arg22[%dma_wait3A_528, %dma_wait3A_529] : memref<160x128xi32, #tpu.memory_space<vmem>> -> memref<1x128xi32, #tpu.memory_space<vmem>>
      %dma_wait3A_531 = tpu.memref_squeeze %dma_wait3A_530 : memref<1x128xi32, #tpu.memory_space<vmem>> -> memref<128xi32, #tpu.memory_space<vmem>>
      %dma_wait3A_532 = arith.constant 0 : i32
      %dma_wait3A_533 = arith.constant 0 : i32
      %dma_wait3A_534 = tpu.memref_slice %arg2[%dma_wait3A_532, %dma_wait3A_533] : memref<10240x64xf32, #tpu.memory_space<hbm>> -> memref<10240x64xf32, #tpu.memory_space<hbm>>
      tpu.wait_indirect_dma semaphore(%arg17 : memref<!tpu.dma_semaphore, #tpu.memory_space<semaphore_mem>>) src(%dma_wait3A_534 : memref<10240x64xf32, #tpu.memory_space<hbm>>) dst(%arg16 : memref<128x64xf32, #tpu.memory_space<vmem>>)
      %dma_start3A_535 = arith.constant 3 : i32
      %dma_start3A_536 = arith.constant 0 : i32
      %dma_start3A_537 = tpu.memref_slice %arg23[%dma_start3A_535, %dma_start3A_536] : memref<160x128xi32, #tpu.memory_space<vmem>> -> memref<1x128xi32, #tpu.memory_space<vmem>>
      %dma_start3A_538 = tpu.memref_squeeze %dma_start3A_537 : memref<1x128xi32, #tpu.memory_space<vmem>> -> memref<128xi32, #tpu.memory_space<vmem>>
      %dma_start3A_539 = arith.constant 0 : i32
      %dma_start3A_540 = arith.constant 0 : i32
      %dma_start3A_541 = tpu.memref_slice %arg26[%dma_start3A_539, %dma_start3A_540] : memref<10240x64xf32, #tpu.memory_space<vmem_shared>> -> memref<10240x64xf32, #tpu.memory_space<vmem_shared>>
      tpu.enqueue_indirect_dma source(%arg16 : memref<128x64xf32, #tpu.memory_space<vmem>>) target(%dma_start3A_541 : memref<10240x64xf32, #tpu.memory_space<vmem_shared>>) offsets(%dma_start3A_538 : memref<128xi32, #tpu.memory_space<vmem>>) semaphore(%arg18 : memref<!tpu.dma_semaphore, #tpu.memory_space<semaphore_mem>>) {add = true}
      %dma_wait3A_542 = arith.constant 2 : i32
      %dma_wait3A_543 = arith.constant 0 : i32
      %dma_wait3A_544 = tpu.memref_slice %arg23[%dma_wait3A_542, %dma_wait3A_543] : memref<160x128xi32, #tpu.memory_space<vmem>> -> memref<1x128xi32, #tpu.memory_space<vmem>>
      %dma_wait3A_545 = tpu.memref_squeeze %dma_wait3A_544 : memref<1x128xi32, #tpu.memory_space<vmem>> -> memref<128xi32, #tpu.memory_space<vmem>>
      %dma_wait3A_546 = arith.constant 0 : i32
      %dma_wait3A_547 = arith.constant 0 : i32
      %dma_wait3A_548 = tpu.memref_slice %arg26[%dma_wait3A_546, %dma_wait3A_547] : memref<10240x64xf32, #tpu.memory_space<vmem_shared>> -> memref<10240x64xf32, #tpu.memory_space<vmem_shared>>
      tpu.wait_indirect_dma semaphore(%arg15 : memref<!tpu.dma_semaphore, #tpu.memory_space<semaphore_mem>>) src(%arg13 : memref<128x64xf32, #tpu.memory_space<vmem>>) dst(%dma_wait3A_548 : memref<10240x64xf32, #tpu.memory_space<vmem_shared>>)
      %dma_start3A_549 = arith.constant 7 : i32
      %dma_start3A_550 = arith.constant 0 : i32
      %dma_start3A_551 = tpu.memref_slice %arg22[%dma_start3A_549, %dma_start3A_550] : memref<160x128xi32, #tpu.memory_space<vmem>> -> memref<1x128xi32, #tpu.memory_space<vmem>>
      %dma_start3A_552 = tpu.memref_squeeze %dma_start3A_551 : memref<1x128xi32, #tpu.memory_space<vmem>> -> memref<128xi32, #tpu.memory_space<vmem>>
      %dma_start3A_553 = arith.constant 0 : i32
      %dma_start3A_554 = arith.constant 0 : i32
      %dma_start3A_555 = tpu.memref_slice %arg2[%dma_start3A_553, %dma_start3A_554] : memref<10240x64xf32, #tpu.memory_space<hbm>> -> memref<10240x64xf32, #tpu.memory_space<hbm>>
      tpu.enqueue_indirect_dma source(%dma_start3A_555 : memref<10240x64xf32, #tpu.memory_space<hbm>>) target(%arg13 : memref<128x64xf32, #tpu.memory_space<vmem>>) offsets(%dma_start3A_552 : memref<128xi32, #tpu.memory_space<vmem>>) semaphore(%arg14 : memref<!tpu.dma_semaphore, #tpu.memory_space<semaphore_mem>>)
      %dma_wait3A_556 = arith.constant 4 : i32
      %dma_wait3A_557 = arith.constant 0 : i32
      %dma_wait3A_558 = tpu.memref_slice %arg22[%dma_wait3A_556, %dma_wait3A_557] : memref<160x128xi32, #tpu.memory_space<vmem>> -> memref<1x128xi32, #tpu.memory_space<vmem>>
      %dma_wait3A_559 = tpu.memref_squeeze %dma_wait3A_558 : memref<1x128xi32, #tpu.memory_space<vmem>> -> memref<128xi32, #tpu.memory_space<vmem>>
      %dma_wait3A_560 = arith.constant 0 : i32
      %dma_wait3A_561 = arith.constant 0 : i32
      %dma_wait3A_562 = tpu.memref_slice %arg2[%dma_wait3A_560, %dma_wait3A_561] : memref<10240x64xf32, #tpu.memory_space<hbm>> -> memref<10240x64xf32, #tpu.memory_space<hbm>>
      tpu.wait_indirect_dma semaphore(%arg20 : memref<!tpu.dma_semaphore, #tpu.memory_space<semaphore_mem>>) src(%dma_wait3A_562 : memref<10240x64xf32, #tpu.memory_space<hbm>>) dst(%arg19 : memref<128x64xf32, #tpu.memory_space<vmem>>)
      %dma_start3A_563 = arith.constant 4 : i32
      %dma_start3A_564 = arith.constant 0 : i32
      %dma_start3A_565 = tpu.memref_slice %arg23[%dma_start3A_563, %dma_start3A_564] : memref<160x128xi32, #tpu.memory_space<vmem>> -> memref<1x128xi32, #tpu.memory_space<vmem>>
      %dma_start3A_566 = tpu.memref_squeeze %dma_start3A_565 : memref<1x128xi32, #tpu.memory_space<vmem>> -> memref<128xi32, #tpu.memory_space<vmem>>
      %dma_start3A_567 = arith.constant 0 : i32
      %dma_start3A_568 = arith.constant 0 : i32
      %dma_start3A_569 = tpu.memref_slice %arg26[%dma_start3A_567, %dma_start3A_568] : memref<10240x64xf32, #tpu.memory_space<vmem_shared>> -> memref<10240x64xf32, #tpu.memory_space<vmem_shared>>
      tpu.enqueue_indirect_dma source(%arg19 : memref<128x64xf32, #tpu.memory_space<vmem>>) target(%dma_start3A_569 : memref<10240x64xf32, #tpu.memory_space<vmem_shared>>) offsets(%dma_start3A_566 : memref<128xi32, #tpu.memory_space<vmem>>) semaphore(%arg21 : memref<!tpu.dma_semaphore, #tpu.memory_space<semaphore_mem>>) {add = true}
      %dma_wait3A_570 = arith.constant 3 : i32
      %dma_wait3A_571 = arith.constant 0 : i32
      %dma_wait3A_572 = tpu.memref_slice %arg23[%dma_wait3A_570, %dma_wait3A_571] : memref<160x128xi32, #tpu.memory_space<vmem>> -> memref<1x128xi32, #tpu.memory_space<vmem>>
      %dma_wait3A_573 = tpu.memref_squeeze %dma_wait3A_572 : memref<1x128xi32, #tpu.memory_space<vmem>> -> memref<128xi32, #tpu.memory_space<vmem>>
      %dma_wait3A_574 = arith.constant 0 : i32
      %dma_wait3A_575 = arith.constant 0 : i32
      %dma_wait3A_576 = tpu.memref_slice %arg26[%dma_wait3A_574, %dma_wait3A_575] : memref<10240x64xf32, #tpu.memory_space<vmem_shared>> -> memref<10240x64xf32, #tpu.memory_space<vmem_shared>>
      tpu.wait_indirect_dma semaphore(%arg18 : memref<!tpu.dma_semaphore, #tpu.memory_space<semaphore_mem>>) src(%arg16 : memref<128x64xf32, #tpu.memory_space<vmem>>) dst(%dma_wait3A_576 : memref<10240x64xf32, #tpu.memory_space<vmem_shared>>)
      %dma_start3A_577 = arith.constant 8 : i32
      %dma_start3A_578 = arith.constant 0 : i32
      %dma_start3A_579 = tpu.memref_slice %arg22[%dma_start3A_577, %dma_start3A_578] : memref<160x128xi32, #tpu.memory_space<vmem>> -> memref<1x128xi32, #tpu.memory_space<vmem>>
      %dma_start3A_580 = tpu.memref_squeeze %dma_start3A_579 : memref<1x128xi32, #tpu.memory_space<vmem>> -> memref<128xi32, #tpu.memory_space<vmem>>
      %dma_start3A_581 = arith.constant 0 : i32
      %dma_start3A_582 = arith.constant 0 : i32
      %dma_start3A_583 = tpu.memref_slice %arg2[%dma_start3A_581, %dma_start3A_582] : memref<10240x64xf32, #tpu.memory_space<hbm>> -> memref<10240x64xf32, #tpu.memory_space<hbm>>
      tpu.enqueue_indirect_dma source(%dma_start3A_583 : memref<10240x64xf32, #tpu.memory_space<hbm>>) target(%arg16 : memref<128x64xf32, #tpu.memory_space<vmem>>) offsets(%dma_start3A_580 : memref<128xi32, #tpu.memory_space<vmem>>) semaphore(%arg17 : memref<!tpu.dma_semaphore, #tpu.memory_space<semaphore_mem>>)
      %scan3A_584 = arith.constant 0 : i32
      %scan3A_585 = arith.constant 1 : i32
      %scan3A_586 = arith.constant 31 : i32
      %scan3A_587 = arith.addi %scan3A_585, %scan3A_586 : i32
      %scan3A_588 = arith.constant 1 : i32
      %scan3A_589 = scf.for %scan3A_598 = %scan3A_585 to %scan3A_587 step %scan3A_588 iter_args(%scan3A_599 = %scan3A_584) -> (i32)  : i32 {
        %mul3A_600 = arith.constant 5 : i32
        %mul3A_601 = arith.muli %mul3A_600, %scan3A_598 : i32
        %add3A = arith.constant 0 : i32
        %add3A_602 = arith.addi %mul3A_601, %add3A : i32
        %dma_wait3A_603 = arith.constant 0 : i32
        %dma_wait3A_604 = tpu.memref_slice %arg22[%add3A_602, %dma_wait3A_603] : memref<160x128xi32, #tpu.memory_space<vmem>> -> memref<1x128xi32, #tpu.memory_space<vmem>>
        %dma_wait3A_605 = tpu.memref_squeeze %dma_wait3A_604 : memref<1x128xi32, #tpu.memory_space<vmem>> -> memref<128xi32, #tpu.memory_space<vmem>>
        %dma_wait3A_606 = arith.constant 0 : i32
        %dma_wait3A_607 = arith.constant 0 : i32
        %dma_wait3A_608 = tpu.memref_slice %arg2[%dma_wait3A_606, %dma_wait3A_607] : memref<10240x64xf32, #tpu.memory_space<hbm>> -> memref<10240x64xf32, #tpu.memory_space<hbm>>
        tpu.wait_indirect_dma semaphore(%arg8 : memref<!tpu.dma_semaphore, #tpu.memory_space<semaphore_mem>>) src(%dma_wait3A_608 : memref<10240x64xf32, #tpu.memory_space<hbm>>) dst(%arg7 : memref<128x64xf32, #tpu.memory_space<vmem>>)
        %dma_start3A_609 = arith.constant 0 : i32
        %dma_start3A_610 = tpu.memref_slice %arg23[%add3A_602, %dma_start3A_609] : memref<160x128xi32, #tpu.memory_space<vmem>> -> memref<1x128xi32, #tpu.memory_space<vmem>>
        %dma_start3A_611 = tpu.memref_squeeze %dma_start3A_610 : memref<1x128xi32, #tpu.memory_space<vmem>> -> memref<128xi32, #tpu.memory_space<vmem>>
        %dma_start3A_612 = arith.constant 0 : i32
        %dma_start3A_613 = arith.constant 0 : i32
        %dma_start3A_614 = tpu.memref_slice %arg26[%dma_start3A_612, %dma_start3A_613] : memref<10240x64xf32, #tpu.memory_space<vmem_shared>> -> memref<10240x64xf32, #tpu.memory_space<vmem_shared>>
        tpu.enqueue_indirect_dma source(%arg7 : memref<128x64xf32, #tpu.memory_space<vmem>>) target(%dma_start3A_614 : memref<10240x64xf32, #tpu.memory_space<vmem_shared>>) offsets(%dma_start3A_611 : memref<128xi32, #tpu.memory_space<vmem>>) semaphore(%arg9 : memref<!tpu.dma_semaphore, #tpu.memory_space<semaphore_mem>>) {add = true}
        %sub3A = arith.constant 1 : i32
        %sub3A_615 = arith.subi %add3A_602, %sub3A : i32
        %dma_wait3A_616 = arith.constant 0 : i32
        %dma_wait3A_617 = tpu.memref_slice %arg23[%sub3A_615, %dma_wait3A_616] : memref<160x128xi32, #tpu.memory_space<vmem>> -> memref<1x128xi32, #tpu.memory_space<vmem>>
        %dma_wait3A_618 = tpu.memref_squeeze %dma_wait3A_617 : memref<1x128xi32, #tpu.memory_space<vmem>> -> memref<128xi32, #tpu.memory_space<vmem>>
        %dma_wait3A_619 = arith.constant 0 : i32
        %dma_wait3A_620 = arith.constant 0 : i32
        %dma_wait3A_621 = tpu.memref_slice %arg26[%dma_wait3A_619, %dma_wait3A_620] : memref<10240x64xf32, #tpu.memory_space<vmem_shared>> -> memref<10240x64xf32, #tpu.memory_space<vmem_shared>>
        tpu.wait_indirect_dma semaphore(%arg21 : memref<!tpu.dma_semaphore, #tpu.memory_space<semaphore_mem>>) src(%arg19 : memref<128x64xf32, #tpu.memory_space<vmem>>) dst(%dma_wait3A_621 : memref<10240x64xf32, #tpu.memory_space<vmem_shared>>)
        %add3A_622 = arith.constant 5 : i32
        %add3A_623 = arith.addi %add3A_602, %add3A_622 : i32
        %sub3A_624 = arith.constant 1 : i32
        %sub3A_625 = arith.subi %add3A_623, %sub3A_624 : i32
        %le3A = arith.constant 159 : i32
        %le3A_626 = arith.cmpi sle, %sub3A_625, %le3A : i32
        %convert_element_type3A_627 = arith.extui %le3A_626 : i1 to i32
        %cond3A_628 = arith.constant 0 : i32
        %cond3A_629 = arith.cmpi ne, %convert_element_type3A_627, %cond3A_628 : i32
        scf.if %cond3A_629 {
          %dma_start3A_755 = arith.constant 0 : i32
          %dma_start3A_756 = tpu.memref_slice %arg22[%sub3A_625, %dma_start3A_755] : memref<160x128xi32, #tpu.memory_space<vmem>> -> memref<1x128xi32, #tpu.memory_space<vmem>>
          %dma_start3A_757 = tpu.memref_squeeze %dma_start3A_756 : memref<1x128xi32, #tpu.memory_space<vmem>> -> memref<128xi32, #tpu.memory_space<vmem>>
          %dma_start3A_758 = arith.constant 0 : i32
          %dma_start3A_759 = arith.constant 0 : i32
          %dma_start3A_760 = tpu.memref_slice %arg2[%dma_start3A_758, %dma_start3A_759] : memref<10240x64xf32, #tpu.memory_space<hbm>> -> memref<10240x64xf32, #tpu.memory_space<hbm>>
          tpu.enqueue_indirect_dma source(%dma_start3A_760 : memref<10240x64xf32, #tpu.memory_space<hbm>>) target(%arg19 : memref<128x64xf32, #tpu.memory_space<vmem>>) offsets(%dma_start3A_757 : memref<128xi32, #tpu.memory_space<vmem>>) semaphore(%arg20 : memref<!tpu.dma_semaphore, #tpu.memory_space<semaphore_mem>>)
        } else {
        }
        %add3A_630 = arith.constant 1 : i32
        %add3A_631 = arith.addi %mul3A_601, %add3A_630 : i32
        %dma_wait3A_632 = arith.constant 0 : i32
        %dma_wait3A_633 = tpu.memref_slice %arg22[%add3A_631, %dma_wait3A_632] : memref<160x128xi32, #tpu.memory_space<vmem>> -> memref<1x128xi32, #tpu.memory_space<vmem>>
        %dma_wait3A_634 = tpu.memref_squeeze %dma_wait3A_633 : memref<1x128xi32, #tpu.memory_space<vmem>> -> memref<128xi32, #tpu.memory_space<vmem>>
        %dma_wait3A_635 = arith.constant 0 : i32
        %dma_wait3A_636 = arith.constant 0 : i32
        %dma_wait3A_637 = tpu.memref_slice %arg2[%dma_wait3A_635, %dma_wait3A_636] : memref<10240x64xf32, #tpu.memory_space<hbm>> -> memref<10240x64xf32, #tpu.memory_space<hbm>>
        tpu.wait_indirect_dma semaphore(%arg11 : memref<!tpu.dma_semaphore, #tpu.memory_space<semaphore_mem>>) src(%dma_wait3A_637 : memref<10240x64xf32, #tpu.memory_space<hbm>>) dst(%arg10 : memref<128x64xf32, #tpu.memory_space<vmem>>)
        %dma_start3A_638 = arith.constant 0 : i32
        %dma_start3A_639 = tpu.memref_slice %arg23[%add3A_631, %dma_start3A_638] : memref<160x128xi32, #tpu.memory_space<vmem>> -> memref<1x128xi32, #tpu.memory_space<vmem>>
        %dma_start3A_640 = tpu.memref_squeeze %dma_start3A_639 : memref<1x128xi32, #tpu.memory_space<vmem>> -> memref<128xi32, #tpu.memory_space<vmem>>
        %dma_start3A_641 = arith.constant 0 : i32
        %dma_start3A_642 = arith.constant 0 : i32
        %dma_start3A_643 = tpu.memref_slice %arg26[%dma_start3A_641, %dma_start3A_642] : memref<10240x64xf32, #tpu.memory_space<vmem_shared>> -> memref<10240x64xf32, #tpu.memory_space<vmem_shared>>
        tpu.enqueue_indirect_dma source(%arg10 : memref<128x64xf32, #tpu.memory_space<vmem>>) target(%dma_start3A_643 : memref<10240x64xf32, #tpu.memory_space<vmem_shared>>) offsets(%dma_start3A_640 : memref<128xi32, #tpu.memory_space<vmem>>) semaphore(%arg12 : memref<!tpu.dma_semaphore, #tpu.memory_space<semaphore_mem>>) {add = true}
        %sub3A_644 = arith.constant 1 : i32
        %sub3A_645 = arith.subi %add3A_631, %sub3A_644 : i32
        %dma_wait3A_646 = arith.constant 0 : i32
        %dma_wait3A_647 = tpu.memref_slice %arg23[%sub3A_645, %dma_wait3A_646] : memref<160x128xi32, #tpu.memory_space<vmem>> -> memref<1x128xi32, #tpu.memory_space<vmem>>
        %dma_wait3A_648 = tpu.memref_squeeze %dma_wait3A_647 : memref<1x128xi32, #tpu.memory_space<vmem>> -> memref<128xi32, #tpu.memory_space<vmem>>
        %dma_wait3A_649 = arith.constant 0 : i32
        %dma_wait3A_650 = arith.constant 0 : i32
        %dma_wait3A_651 = tpu.memref_slice %arg26[%dma_wait3A_649, %dma_wait3A_650] : memref<10240x64xf32, #tpu.memory_space<vmem_shared>> -> memref<10240x64xf32, #tpu.memory_space<vmem_shared>>
        tpu.wait_indirect_dma semaphore(%arg9 : memref<!tpu.dma_semaphore, #tpu.memory_space<semaphore_mem>>) src(%arg7 : memref<128x64xf32, #tpu.memory_space<vmem>>) dst(%dma_wait3A_651 : memref<10240x64xf32, #tpu.memory_space<vmem_shared>>)
        %add3A_652 = arith.constant 5 : i32
        %add3A_653 = arith.addi %add3A_631, %add3A_652 : i32
        %sub3A_654 = arith.constant 1 : i32
        %sub3A_655 = arith.subi %add3A_653, %sub3A_654 : i32
        %le3A_656 = arith.constant 159 : i32
        %le3A_657 = arith.cmpi sle, %sub3A_655, %le3A_656 : i32
        %convert_element_type3A_658 = arith.extui %le3A_657 : i1 to i32
        %cond3A_659 = arith.constant 0 : i32
        %cond3A_660 = arith.cmpi ne, %convert_element_type3A_658, %cond3A_659 : i32
        scf.if %cond3A_660 {
          %dma_start3A_755 = arith.constant 0 : i32
          %dma_start3A_756 = tpu.memref_slice %arg22[%sub3A_655, %dma_start3A_755] : memref<160x128xi32, #tpu.memory_space<vmem>> -> memref<1x128xi32, #tpu.memory_space<vmem>>
          %dma_start3A_757 = tpu.memref_squeeze %dma_start3A_756 : memref<1x128xi32, #tpu.memory_space<vmem>> -> memref<128xi32, #tpu.memory_space<vmem>>
          %dma_start3A_758 = arith.constant 0 : i32
          %dma_start3A_759 = arith.constant 0 : i32
          %dma_start3A_760 = tpu.memref_slice %arg2[%dma_start3A_758, %dma_start3A_759] : memref<10240x64xf32, #tpu.memory_space<hbm>> -> memref<10240x64xf32, #tpu.memory_space<hbm>>
          tpu.enqueue_indirect_dma source(%dma_start3A_760 : memref<10240x64xf32, #tpu.memory_space<hbm>>) target(%arg7 : memref<128x64xf32, #tpu.memory_space<vmem>>) offsets(%dma_start3A_757 : memref<128xi32, #tpu.memory_space<vmem>>) semaphore(%arg8 : memref<!tpu.dma_semaphore, #tpu.memory_space<semaphore_mem>>)
        } else {
        }
        %add3A_661 = arith.constant 2 : i32
        %add3A_662 = arith.addi %mul3A_601, %add3A_661 : i32
        %dma_wait3A_663 = arith.constant 0 : i32
        %dma_wait3A_664 = tpu.memref_slice %arg22[%add3A_662, %dma_wait3A_663] : memref<160x128xi32, #tpu.memory_space<vmem>> -> memref<1x128xi32, #tpu.memory_space<vmem>>
        %dma_wait3A_665 = tpu.memref_squeeze %dma_wait3A_664 : memref<1x128xi32, #tpu.memory_space<vmem>> -> memref<128xi32, #tpu.memory_space<vmem>>
        %dma_wait3A_666 = arith.constant 0 : i32
        %dma_wait3A_667 = arith.constant 0 : i32
        %dma_wait3A_668 = tpu.memref_slice %arg2[%dma_wait3A_666, %dma_wait3A_667] : memref<10240x64xf32, #tpu.memory_space<hbm>> -> memref<10240x64xf32, #tpu.memory_space<hbm>>
        tpu.wait_indirect_dma semaphore(%arg14 : memref<!tpu.dma_semaphore, #tpu.memory_space<semaphore_mem>>) src(%dma_wait3A_668 : memref<10240x64xf32, #tpu.memory_space<hbm>>) dst(%arg13 : memref<128x64xf32, #tpu.memory_space<vmem>>)
        %dma_start3A_669 = arith.constant 0 : i32
        %dma_start3A_670 = tpu.memref_slice %arg23[%add3A_662, %dma_start3A_669] : memref<160x128xi32, #tpu.memory_space<vmem>> -> memref<1x128xi32, #tpu.memory_space<vmem>>
        %dma_start3A_671 = tpu.memref_squeeze %dma_start3A_670 : memref<1x128xi32, #tpu.memory_space<vmem>> -> memref<128xi32, #tpu.memory_space<vmem>>
        %dma_start3A_672 = arith.constant 0 : i32
        %dma_start3A_673 = arith.constant 0 : i32
        %dma_start3A_674 = tpu.memref_slice %arg26[%dma_start3A_672, %dma_start3A_673] : memref<10240x64xf32, #tpu.memory_space<vmem_shared>> -> memref<10240x64xf32, #tpu.memory_space<vmem_shared>>
        tpu.enqueue_indirect_dma source(%arg13 : memref<128x64xf32, #tpu.memory_space<vmem>>) target(%dma_start3A_674 : memref<10240x64xf32, #tpu.memory_space<vmem_shared>>) offsets(%dma_start3A_671 : memref<128xi32, #tpu.memory_space<vmem>>) semaphore(%arg15 : memref<!tpu.dma_semaphore, #tpu.memory_space<semaphore_mem>>) {add = true}
        %sub3A_675 = arith.constant 1 : i32
        %sub3A_676 = arith.subi %add3A_662, %sub3A_675 : i32
        %dma_wait3A_677 = arith.constant 0 : i32
        %dma_wait3A_678 = tpu.memref_slice %arg23[%sub3A_676, %dma_wait3A_677] : memref<160x128xi32, #tpu.memory_space<vmem>> -> memref<1x128xi32, #tpu.memory_space<vmem>>
        %dma_wait3A_679 = tpu.memref_squeeze %dma_wait3A_678 : memref<1x128xi32, #tpu.memory_space<vmem>> -> memref<128xi32, #tpu.memory_space<vmem>>
        %dma_wait3A_680 = arith.constant 0 : i32
        %dma_wait3A_681 = arith.constant 0 : i32
        %dma_wait3A_682 = tpu.memref_slice %arg26[%dma_wait3A_680, %dma_wait3A_681] : memref<10240x64xf32, #tpu.memory_space<vmem_shared>> -> memref<10240x64xf32, #tpu.memory_space<vmem_shared>>
        tpu.wait_indirect_dma semaphore(%arg12 : memref<!tpu.dma_semaphore, #tpu.memory_space<semaphore_mem>>) src(%arg10 : memref<128x64xf32, #tpu.memory_space<vmem>>) dst(%dma_wait3A_682 : memref<10240x64xf32, #tpu.memory_space<vmem_shared>>)
        %add3A_683 = arith.constant 5 : i32
        %add3A_684 = arith.addi %add3A_662, %add3A_683 : i32
        %sub3A_685 = arith.constant 1 : i32
        %sub3A_686 = arith.subi %add3A_684, %sub3A_685 : i32
        %le3A_687 = arith.constant 159 : i32
        %le3A_688 = arith.cmpi sle, %sub3A_686, %le3A_687 : i32
        %convert_element_type3A_689 = arith.extui %le3A_688 : i1 to i32
        %cond3A_690 = arith.constant 0 : i32
        %cond3A_691 = arith.cmpi ne, %convert_element_type3A_689, %cond3A_690 : i32
        scf.if %cond3A_691 {
          %dma_start3A_755 = arith.constant 0 : i32
          %dma_start3A_756 = tpu.memref_slice %arg22[%sub3A_686, %dma_start3A_755] : memref<160x128xi32, #tpu.memory_space<vmem>> -> memref<1x128xi32, #tpu.memory_space<vmem>>
          %dma_start3A_757 = tpu.memref_squeeze %dma_start3A_756 : memref<1x128xi32, #tpu.memory_space<vmem>> -> memref<128xi32, #tpu.memory_space<vmem>>
          %dma_start3A_758 = arith.constant 0 : i32
          %dma_start3A_759 = arith.constant 0 : i32
          %dma_start3A_760 = tpu.memref_slice %arg2[%dma_start3A_758, %dma_start3A_759] : memref<10240x64xf32, #tpu.memory_space<hbm>> -> memref<10240x64xf32, #tpu.memory_space<hbm>>
          tpu.enqueue_indirect_dma source(%dma_start3A_760 : memref<10240x64xf32, #tpu.memory_space<hbm>>) target(%arg10 : memref<128x64xf32, #tpu.memory_space<vmem>>) offsets(%dma_start3A_757 : memref<128xi32, #tpu.memory_space<vmem>>) semaphore(%arg11 : memref<!tpu.dma_semaphore, #tpu.memory_space<semaphore_mem>>)
        } else {
        }
        %add3A_692 = arith.constant 3 : i32
        %add3A_693 = arith.addi %mul3A_601, %add3A_692 : i32
        %dma_wait3A_694 = arith.constant 0 : i32
        %dma_wait3A_695 = tpu.memref_slice %arg22[%add3A_693, %dma_wait3A_694] : memref<160x128xi32, #tpu.memory_space<vmem>> -> memref<1x128xi32, #tpu.memory_space<vmem>>
        %dma_wait3A_696 = tpu.memref_squeeze %dma_wait3A_695 : memref<1x128xi32, #tpu.memory_space<vmem>> -> memref<128xi32, #tpu.memory_space<vmem>>
        %dma_wait3A_697 = arith.constant 0 : i32
        %dma_wait3A_698 = arith.constant 0 : i32
        %dma_wait3A_699 = tpu.memref_slice %arg2[%dma_wait3A_697, %dma_wait3A_698] : memref<10240x64xf32, #tpu.memory_space<hbm>> -> memref<10240x64xf32, #tpu.memory_space<hbm>>
        tpu.wait_indirect_dma semaphore(%arg17 : memref<!tpu.dma_semaphore, #tpu.memory_space<semaphore_mem>>) src(%dma_wait3A_699 : memref<10240x64xf32, #tpu.memory_space<hbm>>) dst(%arg16 : memref<128x64xf32, #tpu.memory_space<vmem>>)
        %dma_start3A_700 = arith.constant 0 : i32
        %dma_start3A_701 = tpu.memref_slice %arg23[%add3A_693, %dma_start3A_700] : memref<160x128xi32, #tpu.memory_space<vmem>> -> memref<1x128xi32, #tpu.memory_space<vmem>>
        %dma_start3A_702 = tpu.memref_squeeze %dma_start3A_701 : memref<1x128xi32, #tpu.memory_space<vmem>> -> memref<128xi32, #tpu.memory_space<vmem>>
        %dma_start3A_703 = arith.constant 0 : i32
        %dma_start3A_704 = arith.constant 0 : i32
        %dma_start3A_705 = tpu.memref_slice %arg26[%dma_start3A_703, %dma_start3A_704] : memref<10240x64xf32, #tpu.memory_space<vmem_shared>> -> memref<10240x64xf32, #tpu.memory_space<vmem_shared>>
        tpu.enqueue_indirect_dma source(%arg16 : memref<128x64xf32, #tpu.memory_space<vmem>>) target(%dma_start3A_705 : memref<10240x64xf32, #tpu.memory_space<vmem_shared>>) offsets(%dma_start3A_702 : memref<128xi32, #tpu.memory_space<vmem>>) semaphore(%arg18 : memref<!tpu.dma_semaphore, #tpu.memory_space<semaphore_mem>>) {add = true}
        %sub3A_706 = arith.constant 1 : i32
        %sub3A_707 = arith.subi %add3A_693, %sub3A_706 : i32
        %dma_wait3A_708 = arith.constant 0 : i32
        %dma_wait3A_709 = tpu.memref_slice %arg23[%sub3A_707, %dma_wait3A_708] : memref<160x128xi32, #tpu.memory_space<vmem>> -> memref<1x128xi32, #tpu.memory_space<vmem>>
        %dma_wait3A_710 = tpu.memref_squeeze %dma_wait3A_709 : memref<1x128xi32, #tpu.memory_space<vmem>> -> memref<128xi32, #tpu.memory_space<vmem>>
        %dma_wait3A_711 = arith.constant 0 : i32
        %dma_wait3A_712 = arith.constant 0 : i32
        %dma_wait3A_713 = tpu.memref_slice %arg26[%dma_wait3A_711, %dma_wait3A_712] : memref<10240x64xf32, #tpu.memory_space<vmem_shared>> -> memref<10240x64xf32, #tpu.memory_space<vmem_shared>>
        tpu.wait_indirect_dma semaphore(%arg15 : memref<!tpu.dma_semaphore, #tpu.memory_space<semaphore_mem>>) src(%arg13 : memref<128x64xf32, #tpu.memory_space<vmem>>) dst(%dma_wait3A_713 : memref<10240x64xf32, #tpu.memory_space<vmem_shared>>)
        %add3A_714 = arith.constant 5 : i32
        %add3A_715 = arith.addi %add3A_693, %add3A_714 : i32
        %sub3A_716 = arith.constant 1 : i32
        %sub3A_717 = arith.subi %add3A_715, %sub3A_716 : i32
        %le3A_718 = arith.constant 159 : i32
        %le3A_719 = arith.cmpi sle, %sub3A_717, %le3A_718 : i32
        %convert_element_type3A_720 = arith.extui %le3A_719 : i1 to i32
        %cond3A_721 = arith.constant 0 : i32
        %cond3A_722 = arith.cmpi ne, %convert_element_type3A_720, %cond3A_721 : i32
        scf.if %cond3A_722 {
          %dma_start3A_755 = arith.constant 0 : i32
          %dma_start3A_756 = tpu.memref_slice %arg22[%sub3A_717, %dma_start3A_755] : memref<160x128xi32, #tpu.memory_space<vmem>> -> memref<1x128xi32, #tpu.memory_space<vmem>>
          %dma_start3A_757 = tpu.memref_squeeze %dma_start3A_756 : memref<1x128xi32, #tpu.memory_space<vmem>> -> memref<128xi32, #tpu.memory_space<vmem>>
          %dma_start3A_758 = arith.constant 0 : i32
          %dma_start3A_759 = arith.constant 0 : i32
          %dma_start3A_760 = tpu.memref_slice %arg2[%dma_start3A_758, %dma_start3A_759] : memref<10240x64xf32, #tpu.memory_space<hbm>> -> memref<10240x64xf32, #tpu.memory_space<hbm>>
          tpu.enqueue_indirect_dma source(%dma_start3A_760 : memref<10240x64xf32, #tpu.memory_space<hbm>>) target(%arg13 : memref<128x64xf32, #tpu.memory_space<vmem>>) offsets(%dma_start3A_757 : memref<128xi32, #tpu.memory_space<vmem>>) semaphore(%arg14 : memref<!tpu.dma_semaphore, #tpu.memory_space<semaphore_mem>>)
        } else {
        }
        %add3A_723 = arith.constant 4 : i32
        %add3A_724 = arith.addi %mul3A_601, %add3A_723 : i32
        %dma_wait3A_725 = arith.constant 0 : i32
        %dma_wait3A_726 = tpu.memref_slice %arg22[%add3A_724, %dma_wait3A_725] : memref<160x128xi32, #tpu.memory_space<vmem>> -> memref<1x128xi32, #tpu.memory_space<vmem>>
        %dma_wait3A_727 = tpu.memref_squeeze %dma_wait3A_726 : memref<1x128xi32, #tpu.memory_space<vmem>> -> memref<128xi32, #tpu.memory_space<vmem>>
        %dma_wait3A_728 = arith.constant 0 : i32
        %dma_wait3A_729 = arith.constant 0 : i32
        %dma_wait3A_730 = tpu.memref_slice %arg2[%dma_wait3A_728, %dma_wait3A_729] : memref<10240x64xf32, #tpu.memory_space<hbm>> -> memref<10240x64xf32, #tpu.memory_space<hbm>>
        tpu.wait_indirect_dma semaphore(%arg20 : memref<!tpu.dma_semaphore, #tpu.memory_space<semaphore_mem>>) src(%dma_wait3A_730 : memref<10240x64xf32, #tpu.memory_space<hbm>>) dst(%arg19 : memref<128x64xf32, #tpu.memory_space<vmem>>)
        %dma_start3A_731 = arith.constant 0 : i32
        %dma_start3A_732 = tpu.memref_slice %arg23[%add3A_724, %dma_start3A_731] : memref<160x128xi32, #tpu.memory_space<vmem>> -> memref<1x128xi32, #tpu.memory_space<vmem>>
        %dma_start3A_733 = tpu.memref_squeeze %dma_start3A_732 : memref<1x128xi32, #tpu.memory_space<vmem>> -> memref<128xi32, #tpu.memory_space<vmem>>
        %dma_start3A_734 = arith.constant 0 : i32
        %dma_start3A_735 = arith.constant 0 : i32
        %dma_start3A_736 = tpu.memref_slice %arg26[%dma_start3A_734, %dma_start3A_735] : memref<10240x64xf32, #tpu.memory_space<vmem_shared>> -> memref<10240x64xf32, #tpu.memory_space<vmem_shared>>
        tpu.enqueue_indirect_dma source(%arg19 : memref<128x64xf32, #tpu.memory_space<vmem>>) target(%dma_start3A_736 : memref<10240x64xf32, #tpu.memory_space<vmem_shared>>) offsets(%dma_start3A_733 : memref<128xi32, #tpu.memory_space<vmem>>) semaphore(%arg21 : memref<!tpu.dma_semaphore, #tpu.memory_space<semaphore_mem>>) {add = true}
        %sub3A_737 = arith.constant 1 : i32
        %sub3A_738 = arith.subi %add3A_724, %sub3A_737 : i32
        %dma_wait3A_739 = arith.constant 0 : i32
        %dma_wait3A_740 = tpu.memref_slice %arg23[%sub3A_738, %dma_wait3A_739] : memref<160x128xi32, #tpu.memory_space<vmem>> -> memref<1x128xi32, #tpu.memory_space<vmem>>
        %dma_wait3A_741 = tpu.memref_squeeze %dma_wait3A_740 : memref<1x128xi32, #tpu.memory_space<vmem>> -> memref<128xi32, #tpu.memory_space<vmem>>
        %dma_wait3A_742 = arith.constant 0 : i32
        %dma_wait3A_743 = arith.constant 0 : i32
        %dma_wait3A_744 = tpu.memref_slice %arg26[%dma_wait3A_742, %dma_wait3A_743] : memref<10240x64xf32, #tpu.memory_space<vmem_shared>> -> memref<10240x64xf32, #tpu.memory_space<vmem_shared>>
        tpu.wait_indirect_dma semaphore(%arg18 : memref<!tpu.dma_semaphore, #tpu.memory_space<semaphore_mem>>) src(%arg16 : memref<128x64xf32, #tpu.memory_space<vmem>>) dst(%dma_wait3A_744 : memref<10240x64xf32, #tpu.memory_space<vmem_shared>>)
        %add3A_745 = arith.constant 5 : i32
        %add3A_746 = arith.addi %add3A_724, %add3A_745 : i32
        %sub3A_747 = arith.constant 1 : i32
        %sub3A_748 = arith.subi %add3A_746, %sub3A_747 : i32
        %le3A_749 = arith.constant 159 : i32
        %le3A_750 = arith.cmpi sle, %sub3A_748, %le3A_749 : i32
        %convert_element_type3A_751 = arith.extui %le3A_750 : i1 to i32
        %cond3A_752 = arith.constant 0 : i32
        %cond3A_753 = arith.cmpi ne, %convert_element_type3A_751, %cond3A_752 : i32
        scf.if %cond3A_753 {
          %dma_start3A_755 = arith.constant 0 : i32
          %dma_start3A_756 = tpu.memref_slice %arg22[%sub3A_748, %dma_start3A_755] : memref<160x128xi32, #tpu.memory_space<vmem>> -> memref<1x128xi32, #tpu.memory_space<vmem>>
          %dma_start3A_757 = tpu.memref_squeeze %dma_start3A_756 : memref<1x128xi32, #tpu.memory_space<vmem>> -> memref<128xi32, #tpu.memory_space<vmem>>
          %dma_start3A_758 = arith.constant 0 : i32
          %dma_start3A_759 = arith.constant 0 : i32
          %dma_start3A_760 = tpu.memref_slice %arg2[%dma_start3A_758, %dma_start3A_759] : memref<10240x64xf32, #tpu.memory_space<hbm>> -> memref<10240x64xf32, #tpu.memory_space<hbm>>
          tpu.enqueue_indirect_dma source(%dma_start3A_760 : memref<10240x64xf32, #tpu.memory_space<hbm>>) target(%arg16 : memref<128x64xf32, #tpu.memory_space<vmem>>) offsets(%dma_start3A_757 : memref<128xi32, #tpu.memory_space<vmem>>) semaphore(%arg17 : memref<!tpu.dma_semaphore, #tpu.memory_space<semaphore_mem>>)
        } else {
        }
        %scan3A_754 = arith.constant 0 : i32
        scf.yield %scan3A_754 : i32
      }
      %scan3A_590 = arith.constant 31 : i32
      %dma_wait3A_591 = arith.constant 159 : i32
      %dma_wait3A_592 = arith.constant 0 : i32
      %dma_wait3A_593 = tpu.memref_slice %arg23[%dma_wait3A_591, %dma_wait3A_592] : memref<160x128xi32, #tpu.memory_space<vmem>> -> memref<1x128xi32, #tpu.memory_space<vmem>>
      %dma_wait3A_594 = tpu.memref_squeeze %dma_wait3A_593 : memref<1x128xi32, #tpu.memory_space<vmem>> -> memref<128xi32, #tpu.memory_space<vmem>>
      %dma_wait3A_595 = arith.constant 0 : i32
      %dma_wait3A_596 = arith.constant 0 : i32
      %dma_wait3A_597 = tpu.memref_slice %arg26[%dma_wait3A_595, %dma_wait3A_596] : memref<10240x64xf32, #tpu.memory_space<vmem_shared>> -> memref<10240x64xf32, #tpu.memory_space<vmem_shared>>
      tpu.wait_indirect_dma semaphore(%arg21 : memref<!tpu.dma_semaphore, #tpu.memory_space<semaphore_mem>>) src(%arg19 : memref<128x64xf32, #tpu.memory_space<vmem>>) dst(%dma_wait3A_597 : memref<10240x64xf32, #tpu.memory_space<vmem_shared>>)
    } else {
    }
    %eq3A_413 = arith.constant 1 : i32
    %eq3A_414 = arith.cmpi eq, %arg0, %eq3A_413 : i32
    %convert_element_type3A_415 = arith.extui %eq3A_414 : i1 to i32
    %cond3A_416 = arith.constant 0 : i32
    %cond3A_417 = arith.cmpi ne, %convert_element_type3A_415, %cond3A_416 : i32
    scf.if %cond3A_417 {
      %dma_start3A_423 = arith.constant 0 : i32
      %dma_start3A_424 = arith.constant 0 : i32
      %dma_start3A_425 = tpu.memref_slice %arg22[%dma_start3A_423, %dma_start3A_424] : memref<160x128xi32, #tpu.memory_space<vmem>> -> memref<1x128xi32, #tpu.memory_space<vmem>>
      %dma_start3A_426 = tpu.memref_squeeze %dma_start3A_425 : memref<1x128xi32, #tpu.memory_space<vmem>> -> memref<128xi32, #tpu.memory_space<vmem>>
      %dma_start3A_427 = arith.constant 0 : i32
      %dma_start3A_428 = arith.constant 0 : i32
      %dma_start3A_429 = tpu.memref_slice %arg3[%dma_start3A_427, %dma_start3A_428] : memref<10240x64xf32, #tpu.memory_space<hbm>> -> memref<10240x64xf32, #tpu.memory_space<hbm>>
      tpu.enqueue_indirect_dma source(%dma_start3A_429 : memref<10240x64xf32, #tpu.memory_space<hbm>>) target(%arg7 : memref<128x64xf32, #tpu.memory_space<vmem>>) offsets(%dma_start3A_426 : memref<128xi32, #tpu.memory_space<vmem>>) semaphore(%arg8 : memref<!tpu.dma_semaphore, #tpu.memory_space<semaphore_mem>>)
      %dma_start3A_430 = arith.constant 1 : i32
      %dma_start3A_431 = arith.constant 0 : i32
      %dma_start3A_432 = tpu.memref_slice %arg22[%dma_start3A_430, %dma_start3A_431] : memref<160x128xi32, #tpu.memory_space<vmem>> -> memref<1x128xi32, #tpu.memory_space<vmem>>
      %dma_start3A_433 = tpu.memref_squeeze %dma_start3A_432 : memref<1x128xi32, #tpu.memory_space<vmem>> -> memref<128xi32, #tpu.memory_space<vmem>>
      %dma_start3A_434 = arith.constant 0 : i32
      %dma_start3A_435 = arith.constant 0 : i32
      %dma_start3A_436 = tpu.memref_slice %arg3[%dma_start3A_434, %dma_start3A_435] : memref<10240x64xf32, #tpu.memory_space<hbm>> -> memref<10240x64xf32, #tpu.memory_space<hbm>>
      tpu.enqueue_indirect_dma source(%dma_start3A_436 : memref<10240x64xf32, #tpu.memory_space<hbm>>) target(%arg10 : memref<128x64xf32, #tpu.memory_space<vmem>>) offsets(%dma_start3A_433 : memref<128xi32, #tpu.memory_space<vmem>>) semaphore(%arg11 : memref<!tpu.dma_semaphore, #tpu.memory_space<semaphore_mem>>)
      %dma_start3A_437 = arith.constant 2 : i32
      %dma_start3A_438 = arith.constant 0 : i32
      %dma_start3A_439 = tpu.memref_slice %arg22[%dma_start3A_437, %dma_start3A_438] : memref<160x128xi32, #tpu.memory_space<vmem>> -> memref<1x128xi32, #tpu.memory_space<vmem>>
      %dma_start3A_440 = tpu.memref_squeeze %dma_start3A_439 : memref<1x128xi32, #tpu.memory_space<vmem>> -> memref<128xi32, #tpu.memory_space<vmem>>
      %dma_start3A_441 = arith.constant 0 : i32
      %dma_start3A_442 = arith.constant 0 : i32
      %dma_start3A_443 = tpu.memref_slice %arg3[%dma_start3A_441, %dma_start3A_442] : memref<10240x64xf32, #tpu.memory_space<hbm>> -> memref<10240x64xf32, #tpu.memory_space<hbm>>
      tpu.enqueue_indirect_dma source(%dma_start3A_443 : memref<10240x64xf32, #tpu.memory_space<hbm>>) target(%arg13 : memref<128x64xf32, #tpu.memory_space<vmem>>) offsets(%dma_start3A_440 : memref<128xi32, #tpu.memory_space<vmem>>) semaphore(%arg14 : memref<!tpu.dma_semaphore, #tpu.memory_space<semaphore_mem>>)
      %dma_start3A_444 = arith.constant 3 : i32
      %dma_start3A_445 = arith.constant 0 : i32
      %dma_start3A_446 = tpu.memref_slice %arg22[%dma_start3A_444, %dma_start3A_445] : memref<160x128xi32, #tpu.memory_space<vmem>> -> memref<1x128xi32, #tpu.memory_space<vmem>>
      %dma_start3A_447 = tpu.memref_squeeze %dma_start3A_446 : memref<1x128xi32, #tpu.memory_space<vmem>> -> memref<128xi32, #tpu.memory_space<vmem>>
      %dma_start3A_448 = arith.constant 0 : i32
      %dma_start3A_449 = arith.constant 0 : i32
      %dma_start3A_450 = tpu.memref_slice %arg3[%dma_start3A_448, %dma_start3A_449] : memref<10240x64xf32, #tpu.memory_space<hbm>> -> memref<10240x64xf32, #tpu.memory_space<hbm>>
      tpu.enqueue_indirect_dma source(%dma_start3A_450 : memref<10240x64xf32, #tpu.memory_space<hbm>>) target(%arg16 : memref<128x64xf32, #tpu.memory_space<vmem>>) offsets(%dma_start3A_447 : memref<128xi32, #tpu.memory_space<vmem>>) semaphore(%arg17 : memref<!tpu.dma_semaphore, #tpu.memory_space<semaphore_mem>>)
      %dma_wait3A_451 = arith.constant 0 : i32
      %dma_wait3A_452 = arith.constant 0 : i32
      %dma_wait3A_453 = tpu.memref_slice %arg22[%dma_wait3A_451, %dma_wait3A_452] : memref<160x128xi32, #tpu.memory_space<vmem>> -> memref<1x128xi32, #tpu.memory_space<vmem>>
      %dma_wait3A_454 = tpu.memref_squeeze %dma_wait3A_453 : memref<1x128xi32, #tpu.memory_space<vmem>> -> memref<128xi32, #tpu.memory_space<vmem>>
      %dma_wait3A_455 = arith.constant 0 : i32
      %dma_wait3A_456 = arith.constant 0 : i32
      %dma_wait3A_457 = tpu.memref_slice %arg3[%dma_wait3A_455, %dma_wait3A_456] : memref<10240x64xf32, #tpu.memory_space<hbm>> -> memref<10240x64xf32, #tpu.memory_space<hbm>>
      tpu.wait_indirect_dma semaphore(%arg8 : memref<!tpu.dma_semaphore, #tpu.memory_space<semaphore_mem>>) src(%dma_wait3A_457 : memref<10240x64xf32, #tpu.memory_space<hbm>>) dst(%arg7 : memref<128x64xf32, #tpu.memory_space<vmem>>)
      %dma_start3A_458 = arith.constant 0 : i32
      %dma_start3A_459 = arith.constant 0 : i32
      %dma_start3A_460 = tpu.memref_slice %arg23[%dma_start3A_458, %dma_start3A_459] : memref<160x128xi32, #tpu.memory_space<vmem>> -> memref<1x128xi32, #tpu.memory_space<vmem>>
      %dma_start3A_461 = tpu.memref_squeeze %dma_start3A_460 : memref<1x128xi32, #tpu.memory_space<vmem>> -> memref<128xi32, #tpu.memory_space<vmem>>
      %dma_start3A_462 = arith.constant 0 : i32
      %dma_start3A_463 = arith.constant 0 : i32
      %dma_start3A_464 = tpu.memref_slice %arg26[%dma_start3A_462, %dma_start3A_463] : memref<10240x64xf32, #tpu.memory_space<vmem_shared>> -> memref<10240x64xf32, #tpu.memory_space<vmem_shared>>
      tpu.enqueue_indirect_dma source(%arg7 : memref<128x64xf32, #tpu.memory_space<vmem>>) target(%dma_start3A_464 : memref<10240x64xf32, #tpu.memory_space<vmem_shared>>) offsets(%dma_start3A_461 : memref<128xi32, #tpu.memory_space<vmem>>) semaphore(%arg9 : memref<!tpu.dma_semaphore, #tpu.memory_space<semaphore_mem>>) {add = true}
      %dma_start3A_465 = arith.constant 4 : i32
      %dma_start3A_466 = arith.constant 0 : i32
      %dma_start3A_467 = tpu.memref_slice %arg22[%dma_start3A_465, %dma_start3A_466] : memref<160x128xi32, #tpu.memory_space<vmem>> -> memref<1x128xi32, #tpu.memory_space<vmem>>
      %dma_start3A_468 = tpu.memref_squeeze %dma_start3A_467 : memref<1x128xi32, #tpu.memory_space<vmem>> -> memref<128xi32, #tpu.memory_space<vmem>>
      %dma_start3A_469 = arith.constant 0 : i32
      %dma_start3A_470 = arith.constant 0 : i32
      %dma_start3A_471 = tpu.memref_slice %arg3[%dma_start3A_469, %dma_start3A_470] : memref<10240x64xf32, #tpu.memory_space<hbm>> -> memref<10240x64xf32, #tpu.memory_space<hbm>>
      tpu.enqueue_indirect_dma source(%dma_start3A_471 : memref<10240x64xf32, #tpu.memory_space<hbm>>) target(%arg19 : memref<128x64xf32, #tpu.memory_space<vmem>>) offsets(%dma_start3A_468 : memref<128xi32, #tpu.memory_space<vmem>>) semaphore(%arg20 : memref<!tpu.dma_semaphore, #tpu.memory_space<semaphore_mem>>)
      %dma_wait3A_472 = arith.constant 1 : i32
      %dma_wait3A_473 = arith.constant 0 : i32
      %dma_wait3A_474 = tpu.memref_slice %arg22[%dma_wait3A_472, %dma_wait3A_473] : memref<160x128xi32, #tpu.memory_space<vmem>> -> memref<1x128xi32, #tpu.memory_space<vmem>>
      %dma_wait3A_475 = tpu.memref_squeeze %dma_wait3A_474 : memref<1x128xi32, #tpu.memory_space<vmem>> -> memref<128xi32, #tpu.memory_space<vmem>>
      %dma_wait3A_476 = arith.constant 0 : i32
      %dma_wait3A_477 = arith.constant 0 : i32
      %dma_wait3A_478 = tpu.memref_slice %arg3[%dma_wait3A_476, %dma_wait3A_477] : memref<10240x64xf32, #tpu.memory_space<hbm>> -> memref<10240x64xf32, #tpu.memory_space<hbm>>
      tpu.wait_indirect_dma semaphore(%arg11 : memref<!tpu.dma_semaphore, #tpu.memory_space<semaphore_mem>>) src(%dma_wait3A_478 : memref<10240x64xf32, #tpu.memory_space<hbm>>) dst(%arg10 : memref<128x64xf32, #tpu.memory_space<vmem>>)
      %dma_start3A_479 = arith.constant 1 : i32
      %dma_start3A_480 = arith.constant 0 : i32
      %dma_start3A_481 = tpu.memref_slice %arg23[%dma_start3A_479, %dma_start3A_480] : memref<160x128xi32, #tpu.memory_space<vmem>> -> memref<1x128xi32, #tpu.memory_space<vmem>>
      %dma_start3A_482 = tpu.memref_squeeze %dma_start3A_481 : memref<1x128xi32, #tpu.memory_space<vmem>> -> memref<128xi32, #tpu.memory_space<vmem>>
      %dma_start3A_483 = arith.constant 0 : i32
      %dma_start3A_484 = arith.constant 0 : i32
      %dma_start3A_485 = tpu.memref_slice %arg26[%dma_start3A_483, %dma_start3A_484] : memref<10240x64xf32, #tpu.memory_space<vmem_shared>> -> memref<10240x64xf32, #tpu.memory_space<vmem_shared>>
      tpu.enqueue_indirect_dma source(%arg10 : memref<128x64xf32, #tpu.memory_space<vmem>>) target(%dma_start3A_485 : memref<10240x64xf32, #tpu.memory_space<vmem_shared>>) offsets(%dma_start3A_482 : memref<128xi32, #tpu.memory_space<vmem>>) semaphore(%arg12 : memref<!tpu.dma_semaphore, #tpu.memory_space<semaphore_mem>>) {add = true}
      %dma_wait3A_486 = arith.constant 0 : i32
      %dma_wait3A_487 = arith.constant 0 : i32
      %dma_wait3A_488 = tpu.memref_slice %arg23[%dma_wait3A_486, %dma_wait3A_487] : memref<160x128xi32, #tpu.memory_space<vmem>> -> memref<1x128xi32, #tpu.memory_space<vmem>>
      %dma_wait3A_489 = tpu.memref_squeeze %dma_wait3A_488 : memref<1x128xi32, #tpu.memory_space<vmem>> -> memref<128xi32, #tpu.memory_space<vmem>>
      %dma_wait3A_490 = arith.constant 0 : i32
      %dma_wait3A_491 = arith.constant 0 : i32
      %dma_wait3A_492 = tpu.memref_slice %arg26[%dma_wait3A_490, %dma_wait3A_491] : memref<10240x64xf32, #tpu.memory_space<vmem_shared>> -> memref<10240x64xf32, #tpu.memory_space<vmem_shared>>
      tpu.wait_indirect_dma semaphore(%arg9 : memref<!tpu.dma_semaphore, #tpu.memory_space<semaphore_mem>>) src(%arg7 : memref<128x64xf32, #tpu.memory_space<vmem>>) dst(%dma_wait3A_492 : memref<10240x64xf32, #tpu.memory_space<vmem_shared>>)
      %dma_start3A_493 = arith.constant 5 : i32
      %dma_start3A_494 = arith.constant 0 : i32
      %dma_start3A_495 = tpu.memref_slice %arg22[%dma_start3A_493, %dma_start3A_494] : memref<160x128xi32, #tpu.memory_space<vmem>> -> memref<1x128xi32, #tpu.memory_space<vmem>>
      %dma_start3A_496 = tpu.memref_squeeze %dma_start3A_495 : memref<1x128xi32, #tpu.memory_space<vmem>> -> memref<128xi32, #tpu.memory_space<vmem>>
      %dma_start3A_497 = arith.constant 0 : i32
      %dma_start3A_498 = arith.constant 0 : i32
      %dma_start3A_499 = tpu.memref_slice %arg3[%dma_start3A_497, %dma_start3A_498] : memref<10240x64xf32, #tpu.memory_space<hbm>> -> memref<10240x64xf32, #tpu.memory_space<hbm>>
      tpu.enqueue_indirect_dma source(%dma_start3A_499 : memref<10240x64xf32, #tpu.memory_space<hbm>>) target(%arg7 : memref<128x64xf32, #tpu.memory_space<vmem>>) offsets(%dma_start3A_496 : memref<128xi32, #tpu.memory_space<vmem>>) semaphore(%arg8 : memref<!tpu.dma_semaphore, #tpu.memory_space<semaphore_mem>>)
      %dma_wait3A_500 = arith.constant 2 : i32
      %dma_wait3A_501 = arith.constant 0 : i32
      %dma_wait3A_502 = tpu.memref_slice %arg22[%dma_wait3A_500, %dma_wait3A_501] : memref<160x128xi32, #tpu.memory_space<vmem>> -> memref<1x128xi32, #tpu.memory_space<vmem>>
      %dma_wait3A_503 = tpu.memref_squeeze %dma_wait3A_502 : memref<1x128xi32, #tpu.memory_space<vmem>> -> memref<128xi32, #tpu.memory_space<vmem>>
      %dma_wait3A_504 = arith.constant 0 : i32
      %dma_wait3A_505 = arith.constant 0 : i32
      %dma_wait3A_506 = tpu.memref_slice %arg3[%dma_wait3A_504, %dma_wait3A_505] : memref<10240x64xf32, #tpu.memory_space<hbm>> -> memref<10240x64xf32, #tpu.memory_space<hbm>>
      tpu.wait_indirect_dma semaphore(%arg14 : memref<!tpu.dma_semaphore, #tpu.memory_space<semaphore_mem>>) src(%dma_wait3A_506 : memref<10240x64xf32, #tpu.memory_space<hbm>>) dst(%arg13 : memref<128x64xf32, #tpu.memory_space<vmem>>)
      %dma_start3A_507 = arith.constant 2 : i32
      %dma_start3A_508 = arith.constant 0 : i32
      %dma_start3A_509 = tpu.memref_slice %arg23[%dma_start3A_507, %dma_start3A_508] : memref<160x128xi32, #tpu.memory_space<vmem>> -> memref<1x128xi32, #tpu.memory_space<vmem>>
      %dma_start3A_510 = tpu.memref_squeeze %dma_start3A_509 : memref<1x128xi32, #tpu.memory_space<vmem>> -> memref<128xi32, #tpu.memory_space<vmem>>
      %dma_start3A_511 = arith.constant 0 : i32
      %dma_start3A_512 = arith.constant 0 : i32
      %dma_start3A_513 = tpu.memref_slice %arg26[%dma_start3A_511, %dma_start3A_512] : memref<10240x64xf32, #tpu.memory_space<vmem_shared>> -> memref<10240x64xf32, #tpu.memory_space<vmem_shared>>
      tpu.enqueue_indirect_dma source(%arg13 : memref<128x64xf32, #tpu.memory_space<vmem>>) target(%dma_start3A_513 : memref<10240x64xf32, #tpu.memory_space<vmem_shared>>) offsets(%dma_start3A_510 : memref<128xi32, #tpu.memory_space<vmem>>) semaphore(%arg15 : memref<!tpu.dma_semaphore, #tpu.memory_space<semaphore_mem>>) {add = true}
      %dma_wait3A_514 = arith.constant 1 : i32
      %dma_wait3A_515 = arith.constant 0 : i32
      %dma_wait3A_516 = tpu.memref_slice %arg23[%dma_wait3A_514, %dma_wait3A_515] : memref<160x128xi32, #tpu.memory_space<vmem>> -> memref<1x128xi32, #tpu.memory_space<vmem>>
      %dma_wait3A_517 = tpu.memref_squeeze %dma_wait3A_516 : memref<1x128xi32, #tpu.memory_space<vmem>> -> memref<128xi32, #tpu.memory_space<vmem>>
      %dma_wait3A_518 = arith.constant 0 : i32
      %dma_wait3A_519 = arith.constant 0 : i32
      %dma_wait3A_520 = tpu.memref_slice %arg26[%dma_wait3A_518, %dma_wait3A_519] : memref<10240x64xf32, #tpu.memory_space<vmem_shared>> -> memref<10240x64xf32, #tpu.memory_space<vmem_shared>>
      tpu.wait_indirect_dma semaphore(%arg12 : memref<!tpu.dma_semaphore, #tpu.memory_space<semaphore_mem>>) src(%arg10 : memref<128x64xf32, #tpu.memory_space<vmem>>) dst(%dma_wait3A_520 : memref<10240x64xf32, #tpu.memory_space<vmem_shared>>)
      %dma_start3A_521 = arith.constant 6 : i32
      %dma_start3A_522 = arith.constant 0 : i32
      %dma_start3A_523 = tpu.memref_slice %arg22[%dma_start3A_521, %dma_start3A_522] : memref<160x128xi32, #tpu.memory_space<vmem>> -> memref<1x128xi32, #tpu.memory_space<vmem>>
      %dma_start3A_524 = tpu.memref_squeeze %dma_start3A_523 : memref<1x128xi32, #tpu.memory_space<vmem>> -> memref<128xi32, #tpu.memory_space<vmem>>
      %dma_start3A_525 = arith.constant 0 : i32
      %dma_start3A_526 = arith.constant 0 : i32
      %dma_start3A_527 = tpu.memref_slice %arg3[%dma_start3A_525, %dma_start3A_526] : memref<10240x64xf32, #tpu.memory_space<hbm>> -> memref<10240x64xf32, #tpu.memory_space<hbm>>
      tpu.enqueue_indirect_dma source(%dma_start3A_527 : memref<10240x64xf32, #tpu.memory_space<hbm>>) target(%arg10 : memref<128x64xf32, #tpu.memory_space<vmem>>) offsets(%dma_start3A_524 : memref<128xi32, #tpu.memory_space<vmem>>) semaphore(%arg11 : memref<!tpu.dma_semaphore, #tpu.memory_space<semaphore_mem>>)
      %dma_wait3A_528 = arith.constant 3 : i32
      %dma_wait3A_529 = arith.constant 0 : i32
      %dma_wait3A_530 = tpu.memref_slice %arg22[%dma_wait3A_528, %dma_wait3A_529] : memref<160x128xi32, #tpu.memory_space<vmem>> -> memref<1x128xi32, #tpu.memory_space<vmem>>
      %dma_wait3A_531 = tpu.memref_squeeze %dma_wait3A_530 : memref<1x128xi32, #tpu.memory_space<vmem>> -> memref<128xi32, #tpu.memory_space<vmem>>
      %dma_wait3A_532 = arith.constant 0 : i32
      %dma_wait3A_533 = arith.constant 0 : i32
      %dma_wait3A_534 = tpu.memref_slice %arg3[%dma_wait3A_532, %dma_wait3A_533] : memref<10240x64xf32, #tpu.memory_space<hbm>> -> memref<10240x64xf32, #tpu.memory_space<hbm>>
      tpu.wait_indirect_dma semaphore(%arg17 : memref<!tpu.dma_semaphore, #tpu.memory_space<semaphore_mem>>) src(%dma_wait3A_534 : memref<10240x64xf32, #tpu.memory_space<hbm>>) dst(%arg16 : memref<128x64xf32, #tpu.memory_space<vmem>>)
      %dma_start3A_535 = arith.constant 3 : i32
      %dma_start3A_536 = arith.constant 0 : i32
      %dma_start3A_537 = tpu.memref_slice %arg23[%dma_start3A_535, %dma_start3A_536] : memref<160x128xi32, #tpu.memory_space<vmem>> -> memref<1x128xi32, #tpu.memory_space<vmem>>
      %dma_start3A_538 = tpu.memref_squeeze %dma_start3A_537 : memref<1x128xi32, #tpu.memory_space<vmem>> -> memref<128xi32, #tpu.memory_space<vmem>>
      %dma_start3A_539 = arith.constant 0 : i32
      %dma_start3A_540 = arith.constant 0 : i32
      %dma_start3A_541 = tpu.memref_slice %arg26[%dma_start3A_539, %dma_start3A_540] : memref<10240x64xf32, #tpu.memory_space<vmem_shared>> -> memref<10240x64xf32, #tpu.memory_space<vmem_shared>>
      tpu.enqueue_indirect_dma source(%arg16 : memref<128x64xf32, #tpu.memory_space<vmem>>) target(%dma_start3A_541 : memref<10240x64xf32, #tpu.memory_space<vmem_shared>>) offsets(%dma_start3A_538 : memref<128xi32, #tpu.memory_space<vmem>>) semaphore(%arg18 : memref<!tpu.dma_semaphore, #tpu.memory_space<semaphore_mem>>) {add = true}
      %dma_wait3A_542 = arith.constant 2 : i32
      %dma_wait3A_543 = arith.constant 0 : i32
      %dma_wait3A_544 = tpu.memref_slice %arg23[%dma_wait3A_542, %dma_wait3A_543] : memref<160x128xi32, #tpu.memory_space<vmem>> -> memref<1x128xi32, #tpu.memory_space<vmem>>
      %dma_wait3A_545 = tpu.memref_squeeze %dma_wait3A_544 : memref<1x128xi32, #tpu.memory_space<vmem>> -> memref<128xi32, #tpu.memory_space<vmem>>
      %dma_wait3A_546 = arith.constant 0 : i32
      %dma_wait3A_547 = arith.constant 0 : i32
      %dma_wait3A_548 = tpu.memref_slice %arg26[%dma_wait3A_546, %dma_wait3A_547] : memref<10240x64xf32, #tpu.memory_space<vmem_shared>> -> memref<10240x64xf32, #tpu.memory_space<vmem_shared>>
      tpu.wait_indirect_dma semaphore(%arg15 : memref<!tpu.dma_semaphore, #tpu.memory_space<semaphore_mem>>) src(%arg13 : memref<128x64xf32, #tpu.memory_space<vmem>>) dst(%dma_wait3A_548 : memref<10240x64xf32, #tpu.memory_space<vmem_shared>>)
      %dma_start3A_549 = arith.constant 7 : i32
      %dma_start3A_550 = arith.constant 0 : i32
      %dma_start3A_551 = tpu.memref_slice %arg22[%dma_start3A_549, %dma_start3A_550] : memref<160x128xi32, #tpu.memory_space<vmem>> -> memref<1x128xi32, #tpu.memory_space<vmem>>
      %dma_start3A_552 = tpu.memref_squeeze %dma_start3A_551 : memref<1x128xi32, #tpu.memory_space<vmem>> -> memref<128xi32, #tpu.memory_space<vmem>>
      %dma_start3A_553 = arith.constant 0 : i32
      %dma_start3A_554 = arith.constant 0 : i32
      %dma_start3A_555 = tpu.memref_slice %arg3[%dma_start3A_553, %dma_start3A_554] : memref<10240x64xf32, #tpu.memory_space<hbm>> -> memref<10240x64xf32, #tpu.memory_space<hbm>>
      tpu.enqueue_indirect_dma source(%dma_start3A_555 : memref<10240x64xf32, #tpu.memory_space<hbm>>) target(%arg13 : memref<128x64xf32, #tpu.memory_space<vmem>>) offsets(%dma_start3A_552 : memref<128xi32, #tpu.memory_space<vmem>>) semaphore(%arg14 : memref<!tpu.dma_semaphore, #tpu.memory_space<semaphore_mem>>)
      %dma_wait3A_556 = arith.constant 4 : i32
      %dma_wait3A_557 = arith.constant 0 : i32
      %dma_wait3A_558 = tpu.memref_slice %arg22[%dma_wait3A_556, %dma_wait3A_557] : memref<160x128xi32, #tpu.memory_space<vmem>> -> memref<1x128xi32, #tpu.memory_space<vmem>>
      %dma_wait3A_559 = tpu.memref_squeeze %dma_wait3A_558 : memref<1x128xi32, #tpu.memory_space<vmem>> -> memref<128xi32, #tpu.memory_space<vmem>>
      %dma_wait3A_560 = arith.constant 0 : i32
      %dma_wait3A_561 = arith.constant 0 : i32
      %dma_wait3A_562 = tpu.memref_slice %arg3[%dma_wait3A_560, %dma_wait3A_561] : memref<10240x64xf32, #tpu.memory_space<hbm>> -> memref<10240x64xf32, #tpu.memory_space<hbm>>
      tpu.wait_indirect_dma semaphore(%arg20 : memref<!tpu.dma_semaphore, #tpu.memory_space<semaphore_mem>>) src(%dma_wait3A_562 : memref<10240x64xf32, #tpu.memory_space<hbm>>) dst(%arg19 : memref<128x64xf32, #tpu.memory_space<vmem>>)
      %dma_start3A_563 = arith.constant 4 : i32
      %dma_start3A_564 = arith.constant 0 : i32
      %dma_start3A_565 = tpu.memref_slice %arg23[%dma_start3A_563, %dma_start3A_564] : memref<160x128xi32, #tpu.memory_space<vmem>> -> memref<1x128xi32, #tpu.memory_space<vmem>>
      %dma_start3A_566 = tpu.memref_squeeze %dma_start3A_565 : memref<1x128xi32, #tpu.memory_space<vmem>> -> memref<128xi32, #tpu.memory_space<vmem>>
      %dma_start3A_567 = arith.constant 0 : i32
      %dma_start3A_568 = arith.constant 0 : i32
      %dma_start3A_569 = tpu.memref_slice %arg26[%dma_start3A_567, %dma_start3A_568] : memref<10240x64xf32, #tpu.memory_space<vmem_shared>> -> memref<10240x64xf32, #tpu.memory_space<vmem_shared>>
      tpu.enqueue_indirect_dma source(%arg19 : memref<128x64xf32, #tpu.memory_space<vmem>>) target(%dma_start3A_569 : memref<10240x64xf32, #tpu.memory_space<vmem_shared>>) offsets(%dma_start3A_566 : memref<128xi32, #tpu.memory_space<vmem>>) semaphore(%arg21 : memref<!tpu.dma_semaphore, #tpu.memory_space<semaphore_mem>>) {add = true}
      %dma_wait3A_570 = arith.constant 3 : i32
      %dma_wait3A_571 = arith.constant 0 : i32
      %dma_wait3A_572 = tpu.memref_slice %arg23[%dma_wait3A_570, %dma_wait3A_571] : memref<160x128xi32, #tpu.memory_space<vmem>> -> memref<1x128xi32, #tpu.memory_space<vmem>>
      %dma_wait3A_573 = tpu.memref_squeeze %dma_wait3A_572 : memref<1x128xi32, #tpu.memory_space<vmem>> -> memref<128xi32, #tpu.memory_space<vmem>>
      %dma_wait3A_574 = arith.constant 0 : i32
      %dma_wait3A_575 = arith.constant 0 : i32
      %dma_wait3A_576 = tpu.memref_slice %arg26[%dma_wait3A_574, %dma_wait3A_575] : memref<10240x64xf32, #tpu.memory_space<vmem_shared>> -> memref<10240x64xf32, #tpu.memory_space<vmem_shared>>
      tpu.wait_indirect_dma semaphore(%arg18 : memref<!tpu.dma_semaphore, #tpu.memory_space<semaphore_mem>>) src(%arg16 : memref<128x64xf32, #tpu.memory_space<vmem>>) dst(%dma_wait3A_576 : memref<10240x64xf32, #tpu.memory_space<vmem_shared>>)
      %dma_start3A_577 = arith.constant 8 : i32
      %dma_start3A_578 = arith.constant 0 : i32
      %dma_start3A_579 = tpu.memref_slice %arg22[%dma_start3A_577, %dma_start3A_578] : memref<160x128xi32, #tpu.memory_space<vmem>> -> memref<1x128xi32, #tpu.memory_space<vmem>>
      %dma_start3A_580 = tpu.memref_squeeze %dma_start3A_579 : memref<1x128xi32, #tpu.memory_space<vmem>> -> memref<128xi32, #tpu.memory_space<vmem>>
      %dma_start3A_581 = arith.constant 0 : i32
      %dma_start3A_582 = arith.constant 0 : i32
      %dma_start3A_583 = tpu.memref_slice %arg3[%dma_start3A_581, %dma_start3A_582] : memref<10240x64xf32, #tpu.memory_space<hbm>> -> memref<10240x64xf32, #tpu.memory_space<hbm>>
      tpu.enqueue_indirect_dma source(%dma_start3A_583 : memref<10240x64xf32, #tpu.memory_space<hbm>>) target(%arg16 : memref<128x64xf32, #tpu.memory_space<vmem>>) offsets(%dma_start3A_580 : memref<128xi32, #tpu.memory_space<vmem>>) semaphore(%arg17 : memref<!tpu.dma_semaphore, #tpu.memory_space<semaphore_mem>>)
      %scan3A_584 = arith.constant 0 : i32
      %scan3A_585 = arith.constant 1 : i32
      %scan3A_586 = arith.constant 31 : i32
      %scan3A_587 = arith.addi %scan3A_585, %scan3A_586 : i32
      %scan3A_588 = arith.constant 1 : i32
      %scan3A_589 = scf.for %scan3A_598 = %scan3A_585 to %scan3A_587 step %scan3A_588 iter_args(%scan3A_599 = %scan3A_584) -> (i32)  : i32 {
        %mul3A_600 = arith.constant 5 : i32
        %mul3A_601 = arith.muli %mul3A_600, %scan3A_598 : i32
        %add3A = arith.constant 0 : i32
        %add3A_602 = arith.addi %mul3A_601, %add3A : i32
        %dma_wait3A_603 = arith.constant 0 : i32
        %dma_wait3A_604 = tpu.memref_slice %arg22[%add3A_602, %dma_wait3A_603] : memref<160x128xi32, #tpu.memory_space<vmem>> -> memref<1x128xi32, #tpu.memory_space<vmem>>
        %dma_wait3A_605 = tpu.memref_squeeze %dma_wait3A_604 : memref<1x128xi32, #tpu.memory_space<vmem>> -> memref<128xi32, #tpu.memory_space<vmem>>
        %dma_wait3A_606 = arith.constant 0 : i32
        %dma_wait3A_607 = arith.constant 0 : i32
        %dma_wait3A_608 = tpu.memref_slice %arg3[%dma_wait3A_606, %dma_wait3A_607] : memref<10240x64xf32, #tpu.memory_space<hbm>> -> memref<10240x64xf32, #tpu.memory_space<hbm>>
        tpu.wait_indirect_dma semaphore(%arg8 : memref<!tpu.dma_semaphore, #tpu.memory_space<semaphore_mem>>) src(%dma_wait3A_608 : memref<10240x64xf32, #tpu.memory_space<hbm>>) dst(%arg7 : memref<128x64xf32, #tpu.memory_space<vmem>>)
        %dma_start3A_609 = arith.constant 0 : i32
        %dma_start3A_610 = tpu.memref_slice %arg23[%add3A_602, %dma_start3A_609] : memref<160x128xi32, #tpu.memory_space<vmem>> -> memref<1x128xi32, #tpu.memory_space<vmem>>
        %dma_start3A_611 = tpu.memref_squeeze %dma_start3A_610 : memref<1x128xi32, #tpu.memory_space<vmem>> -> memref<128xi32, #tpu.memory_space<vmem>>
        %dma_start3A_612 = arith.constant 0 : i32
        %dma_start3A_613 = arith.constant 0 : i32
        %dma_start3A_614 = tpu.memref_slice %arg26[%dma_start3A_612, %dma_start3A_613] : memref<10240x64xf32, #tpu.memory_space<vmem_shared>> -> memref<10240x64xf32, #tpu.memory_space<vmem_shared>>
        tpu.enqueue_indirect_dma source(%arg7 : memref<128x64xf32, #tpu.memory_space<vmem>>) target(%dma_start3A_614 : memref<10240x64xf32, #tpu.memory_space<vmem_shared>>) offsets(%dma_start3A_611 : memref<128xi32, #tpu.memory_space<vmem>>) semaphore(%arg9 : memref<!tpu.dma_semaphore, #tpu.memory_space<semaphore_mem>>) {add = true}
        %sub3A = arith.constant 1 : i32
        %sub3A_615 = arith.subi %add3A_602, %sub3A : i32
        %dma_wait3A_616 = arith.constant 0 : i32
        %dma_wait3A_617 = tpu.memref_slice %arg23[%sub3A_615, %dma_wait3A_616] : memref<160x128xi32, #tpu.memory_space<vmem>> -> memref<1x128xi32, #tpu.memory_space<vmem>>
        %dma_wait3A_618 = tpu.memref_squeeze %dma_wait3A_617 : memref<1x128xi32, #tpu.memory_space<vmem>> -> memref<128xi32, #tpu.memory_space<vmem>>
        %dma_wait3A_619 = arith.constant 0 : i32
        %dma_wait3A_620 = arith.constant 0 : i32
        %dma_wait3A_621 = tpu.memref_slice %arg26[%dma_wait3A_619, %dma_wait3A_620] : memref<10240x64xf32, #tpu.memory_space<vmem_shared>> -> memref<10240x64xf32, #tpu.memory_space<vmem_shared>>
        tpu.wait_indirect_dma semaphore(%arg21 : memref<!tpu.dma_semaphore, #tpu.memory_space<semaphore_mem>>) src(%arg19 : memref<128x64xf32, #tpu.memory_space<vmem>>) dst(%dma_wait3A_621 : memref<10240x64xf32, #tpu.memory_space<vmem_shared>>)
        %add3A_622 = arith.constant 5 : i32
        %add3A_623 = arith.addi %add3A_602, %add3A_622 : i32
        %sub3A_624 = arith.constant 1 : i32
        %sub3A_625 = arith.subi %add3A_623, %sub3A_624 : i32
        %le3A = arith.constant 159 : i32
        %le3A_626 = arith.cmpi sle, %sub3A_625, %le3A : i32
        %convert_element_type3A_627 = arith.extui %le3A_626 : i1 to i32
        %cond3A_628 = arith.constant 0 : i32
        %cond3A_629 = arith.cmpi ne, %convert_element_type3A_627, %cond3A_628 : i32
        scf.if %cond3A_629 {
          %dma_start3A_755 = arith.constant 0 : i32
          %dma_start3A_756 = tpu.memref_slice %arg22[%sub3A_625, %dma_start3A_755] : memref<160x128xi32, #tpu.memory_space<vmem>> -> memref<1x128xi32, #tpu.memory_space<vmem>>
          %dma_start3A_757 = tpu.memref_squeeze %dma_start3A_756 : memref<1x128xi32, #tpu.memory_space<vmem>> -> memref<128xi32, #tpu.memory_space<vmem>>
          %dma_start3A_758 = arith.constant 0 : i32
          %dma_start3A_759 = arith.constant 0 : i32
          %dma_start3A_760 = tpu.memref_slice %arg3[%dma_start3A_758, %dma_start3A_759] : memref<10240x64xf32, #tpu.memory_space<hbm>> -> memref<10240x64xf32, #tpu.memory_space<hbm>>
          tpu.enqueue_indirect_dma source(%dma_start3A_760 : memref<10240x64xf32, #tpu.memory_space<hbm>>) target(%arg19 : memref<128x64xf32, #tpu.memory_space<vmem>>) offsets(%dma_start3A_757 : memref<128xi32, #tpu.memory_space<vmem>>) semaphore(%arg20 : memref<!tpu.dma_semaphore, #tpu.memory_space<semaphore_mem>>)
        } else {
        }
        %add3A_630 = arith.constant 1 : i32
        %add3A_631 = arith.addi %mul3A_601, %add3A_630 : i32
        %dma_wait3A_632 = arith.constant 0 : i32
        %dma_wait3A_633 = tpu.memref_slice %arg22[%add3A_631, %dma_wait3A_632] : memref<160x128xi32, #tpu.memory_space<vmem>> -> memref<1x128xi32, #tpu.memory_space<vmem>>
        %dma_wait3A_634 = tpu.memref_squeeze %dma_wait3A_633 : memref<1x128xi32, #tpu.memory_space<vmem>> -> memref<128xi32, #tpu.memory_space<vmem>>
        %dma_wait3A_635 = arith.constant 0 : i32
        %dma_wait3A_636 = arith.constant 0 : i32
        %dma_wait3A_637 = tpu.memref_slice %arg3[%dma_wait3A_635, %dma_wait3A_636] : memref<10240x64xf32, #tpu.memory_space<hbm>> -> memref<10240x64xf32, #tpu.memory_space<hbm>>
        tpu.wait_indirect_dma semaphore(%arg11 : memref<!tpu.dma_semaphore, #tpu.memory_space<semaphore_mem>>) src(%dma_wait3A_637 : memref<10240x64xf32, #tpu.memory_space<hbm>>) dst(%arg10 : memref<128x64xf32, #tpu.memory_space<vmem>>)
        %dma_start3A_638 = arith.constant 0 : i32
        %dma_start3A_639 = tpu.memref_slice %arg23[%add3A_631, %dma_start3A_638] : memref<160x128xi32, #tpu.memory_space<vmem>> -> memref<1x128xi32, #tpu.memory_space<vmem>>
        %dma_start3A_640 = tpu.memref_squeeze %dma_start3A_639 : memref<1x128xi32, #tpu.memory_space<vmem>> -> memref<128xi32, #tpu.memory_space<vmem>>
        %dma_start3A_641 = arith.constant 0 : i32
        %dma_start3A_642 = arith.constant 0 : i32
        %dma_start3A_643 = tpu.memref_slice %arg26[%dma_start3A_641, %dma_start3A_642] : memref<10240x64xf32, #tpu.memory_space<vmem_shared>> -> memref<10240x64xf32, #tpu.memory_space<vmem_shared>>
        tpu.enqueue_indirect_dma source(%arg10 : memref<128x64xf32, #tpu.memory_space<vmem>>) target(%dma_start3A_643 : memref<10240x64xf32, #tpu.memory_space<vmem_shared>>) offsets(%dma_start3A_640 : memref<128xi32, #tpu.memory_space<vmem>>) semaphore(%arg12 : memref<!tpu.dma_semaphore, #tpu.memory_space<semaphore_mem>>) {add = true}
        %sub3A_644 = arith.constant 1 : i32
        %sub3A_645 = arith.subi %add3A_631, %sub3A_644 : i32
        %dma_wait3A_646 = arith.constant 0 : i32
        %dma_wait3A_647 = tpu.memref_slice %arg23[%sub3A_645, %dma_wait3A_646] : memref<160x128xi32, #tpu.memory_space<vmem>> -> memref<1x128xi32, #tpu.memory_space<vmem>>
        %dma_wait3A_648 = tpu.memref_squeeze %dma_wait3A_647 : memref<1x128xi32, #tpu.memory_space<vmem>> -> memref<128xi32, #tpu.memory_space<vmem>>
        %dma_wait3A_649 = arith.constant 0 : i32
        %dma_wait3A_650 = arith.constant 0 : i32
        %dma_wait3A_651 = tpu.memref_slice %arg26[%dma_wait3A_649, %dma_wait3A_650] : memref<10240x64xf32, #tpu.memory_space<vmem_shared>> -> memref<10240x64xf32, #tpu.memory_space<vmem_shared>>
        tpu.wait_indirect_dma semaphore(%arg9 : memref<!tpu.dma_semaphore, #tpu.memory_space<semaphore_mem>>) src(%arg7 : memref<128x64xf32, #tpu.memory_space<vmem>>) dst(%dma_wait3A_651 : memref<10240x64xf32, #tpu.memory_space<vmem_shared>>)
        %add3A_652 = arith.constant 5 : i32
        %add3A_653 = arith.addi %add3A_631, %add3A_652 : i32
        %sub3A_654 = arith.constant 1 : i32
        %sub3A_655 = arith.subi %add3A_653, %sub3A_654 : i32
        %le3A_656 = arith.constant 159 : i32
        %le3A_657 = arith.cmpi sle, %sub3A_655, %le3A_656 : i32
        %convert_element_type3A_658 = arith.extui %le3A_657 : i1 to i32
        %cond3A_659 = arith.constant 0 : i32
        %cond3A_660 = arith.cmpi ne, %convert_element_type3A_658, %cond3A_659 : i32
        scf.if %cond3A_660 {
          %dma_start3A_755 = arith.constant 0 : i32
          %dma_start3A_756 = tpu.memref_slice %arg22[%sub3A_655, %dma_start3A_755] : memref<160x128xi32, #tpu.memory_space<vmem>> -> memref<1x128xi32, #tpu.memory_space<vmem>>
          %dma_start3A_757 = tpu.memref_squeeze %dma_start3A_756 : memref<1x128xi32, #tpu.memory_space<vmem>> -> memref<128xi32, #tpu.memory_space<vmem>>
          %dma_start3A_758 = arith.constant 0 : i32
          %dma_start3A_759 = arith.constant 0 : i32
          %dma_start3A_760 = tpu.memref_slice %arg3[%dma_start3A_758, %dma_start3A_759] : memref<10240x64xf32, #tpu.memory_space<hbm>> -> memref<10240x64xf32, #tpu.memory_space<hbm>>
          tpu.enqueue_indirect_dma source(%dma_start3A_760 : memref<10240x64xf32, #tpu.memory_space<hbm>>) target(%arg7 : memref<128x64xf32, #tpu.memory_space<vmem>>) offsets(%dma_start3A_757 : memref<128xi32, #tpu.memory_space<vmem>>) semaphore(%arg8 : memref<!tpu.dma_semaphore, #tpu.memory_space<semaphore_mem>>)
        } else {
        }
        %add3A_661 = arith.constant 2 : i32
        %add3A_662 = arith.addi %mul3A_601, %add3A_661 : i32
        %dma_wait3A_663 = arith.constant 0 : i32
        %dma_wait3A_664 = tpu.memref_slice %arg22[%add3A_662, %dma_wait3A_663] : memref<160x128xi32, #tpu.memory_space<vmem>> -> memref<1x128xi32, #tpu.memory_space<vmem>>
        %dma_wait3A_665 = tpu.memref_squeeze %dma_wait3A_664 : memref<1x128xi32, #tpu.memory_space<vmem>> -> memref<128xi32, #tpu.memory_space<vmem>>
        %dma_wait3A_666 = arith.constant 0 : i32
        %dma_wait3A_667 = arith.constant 0 : i32
        %dma_wait3A_668 = tpu.memref_slice %arg3[%dma_wait3A_666, %dma_wait3A_667] : memref<10240x64xf32, #tpu.memory_space<hbm>> -> memref<10240x64xf32, #tpu.memory_space<hbm>>
        tpu.wait_indirect_dma semaphore(%arg14 : memref<!tpu.dma_semaphore, #tpu.memory_space<semaphore_mem>>) src(%dma_wait3A_668 : memref<10240x64xf32, #tpu.memory_space<hbm>>) dst(%arg13 : memref<128x64xf32, #tpu.memory_space<vmem>>)
        %dma_start3A_669 = arith.constant 0 : i32
        %dma_start3A_670 = tpu.memref_slice %arg23[%add3A_662, %dma_start3A_669] : memref<160x128xi32, #tpu.memory_space<vmem>> -> memref<1x128xi32, #tpu.memory_space<vmem>>
        %dma_start3A_671 = tpu.memref_squeeze %dma_start3A_670 : memref<1x128xi32, #tpu.memory_space<vmem>> -> memref<128xi32, #tpu.memory_space<vmem>>
        %dma_start3A_672 = arith.constant 0 : i32
        %dma_start3A_673 = arith.constant 0 : i32
        %dma_start3A_674 = tpu.memref_slice %arg26[%dma_start3A_672, %dma_start3A_673] : memref<10240x64xf32, #tpu.memory_space<vmem_shared>> -> memref<10240x64xf32, #tpu.memory_space<vmem_shared>>
        tpu.enqueue_indirect_dma source(%arg13 : memref<128x64xf32, #tpu.memory_space<vmem>>) target(%dma_start3A_674 : memref<10240x64xf32, #tpu.memory_space<vmem_shared>>) offsets(%dma_start3A_671 : memref<128xi32, #tpu.memory_space<vmem>>) semaphore(%arg15 : memref<!tpu.dma_semaphore, #tpu.memory_space<semaphore_mem>>) {add = true}
        %sub3A_675 = arith.constant 1 : i32
        %sub3A_676 = arith.subi %add3A_662, %sub3A_675 : i32
        %dma_wait3A_677 = arith.constant 0 : i32
        %dma_wait3A_678 = tpu.memref_slice %arg23[%sub3A_676, %dma_wait3A_677] : memref<160x128xi32, #tpu.memory_space<vmem>> -> memref<1x128xi32, #tpu.memory_space<vmem>>
        %dma_wait3A_679 = tpu.memref_squeeze %dma_wait3A_678 : memref<1x128xi32, #tpu.memory_space<vmem>> -> memref<128xi32, #tpu.memory_space<vmem>>
        %dma_wait3A_680 = arith.constant 0 : i32
        %dma_wait3A_681 = arith.constant 0 : i32
        %dma_wait3A_682 = tpu.memref_slice %arg26[%dma_wait3A_680, %dma_wait3A_681] : memref<10240x64xf32, #tpu.memory_space<vmem_shared>> -> memref<10240x64xf32, #tpu.memory_space<vmem_shared>>
        tpu.wait_indirect_dma semaphore(%arg12 : memref<!tpu.dma_semaphore, #tpu.memory_space<semaphore_mem>>) src(%arg10 : memref<128x64xf32, #tpu.memory_space<vmem>>) dst(%dma_wait3A_682 : memref<10240x64xf32, #tpu.memory_space<vmem_shared>>)
        %add3A_683 = arith.constant 5 : i32
        %add3A_684 = arith.addi %add3A_662, %add3A_683 : i32
        %sub3A_685 = arith.constant 1 : i32
        %sub3A_686 = arith.subi %add3A_684, %sub3A_685 : i32
        %le3A_687 = arith.constant 159 : i32
        %le3A_688 = arith.cmpi sle, %sub3A_686, %le3A_687 : i32
        %convert_element_type3A_689 = arith.extui %le3A_688 : i1 to i32
        %cond3A_690 = arith.constant 0 : i32
        %cond3A_691 = arith.cmpi ne, %convert_element_type3A_689, %cond3A_690 : i32
        scf.if %cond3A_691 {
          %dma_start3A_755 = arith.constant 0 : i32
          %dma_start3A_756 = tpu.memref_slice %arg22[%sub3A_686, %dma_start3A_755] : memref<160x128xi32, #tpu.memory_space<vmem>> -> memref<1x128xi32, #tpu.memory_space<vmem>>
          %dma_start3A_757 = tpu.memref_squeeze %dma_start3A_756 : memref<1x128xi32, #tpu.memory_space<vmem>> -> memref<128xi32, #tpu.memory_space<vmem>>
          %dma_start3A_758 = arith.constant 0 : i32
          %dma_start3A_759 = arith.constant 0 : i32
          %dma_start3A_760 = tpu.memref_slice %arg3[%dma_start3A_758, %dma_start3A_759] : memref<10240x64xf32, #tpu.memory_space<hbm>> -> memref<10240x64xf32, #tpu.memory_space<hbm>>
          tpu.enqueue_indirect_dma source(%dma_start3A_760 : memref<10240x64xf32, #tpu.memory_space<hbm>>) target(%arg10 : memref<128x64xf32, #tpu.memory_space<vmem>>) offsets(%dma_start3A_757 : memref<128xi32, #tpu.memory_space<vmem>>) semaphore(%arg11 : memref<!tpu.dma_semaphore, #tpu.memory_space<semaphore_mem>>)
        } else {
        }
        %add3A_692 = arith.constant 3 : i32
        %add3A_693 = arith.addi %mul3A_601, %add3A_692 : i32
        %dma_wait3A_694 = arith.constant 0 : i32
        %dma_wait3A_695 = tpu.memref_slice %arg22[%add3A_693, %dma_wait3A_694] : memref<160x128xi32, #tpu.memory_space<vmem>> -> memref<1x128xi32, #tpu.memory_space<vmem>>
        %dma_wait3A_696 = tpu.memref_squeeze %dma_wait3A_695 : memref<1x128xi32, #tpu.memory_space<vmem>> -> memref<128xi32, #tpu.memory_space<vmem>>
        %dma_wait3A_697 = arith.constant 0 : i32
        %dma_wait3A_698 = arith.constant 0 : i32
        %dma_wait3A_699 = tpu.memref_slice %arg3[%dma_wait3A_697, %dma_wait3A_698] : memref<10240x64xf32, #tpu.memory_space<hbm>> -> memref<10240x64xf32, #tpu.memory_space<hbm>>
        tpu.wait_indirect_dma semaphore(%arg17 : memref<!tpu.dma_semaphore, #tpu.memory_space<semaphore_mem>>) src(%dma_wait3A_699 : memref<10240x64xf32, #tpu.memory_space<hbm>>) dst(%arg16 : memref<128x64xf32, #tpu.memory_space<vmem>>)
        %dma_start3A_700 = arith.constant 0 : i32
        %dma_start3A_701 = tpu.memref_slice %arg23[%add3A_693, %dma_start3A_700] : memref<160x128xi32, #tpu.memory_space<vmem>> -> memref<1x128xi32, #tpu.memory_space<vmem>>
        %dma_start3A_702 = tpu.memref_squeeze %dma_start3A_701 : memref<1x128xi32, #tpu.memory_space<vmem>> -> memref<128xi32, #tpu.memory_space<vmem>>
        %dma_start3A_703 = arith.constant 0 : i32
        %dma_start3A_704 = arith.constant 0 : i32
        %dma_start3A_705 = tpu.memref_slice %arg26[%dma_start3A_703, %dma_start3A_704] : memref<10240x64xf32, #tpu.memory_space<vmem_shared>> -> memref<10240x64xf32, #tpu.memory_space<vmem_shared>>
        tpu.enqueue_indirect_dma source(%arg16 : memref<128x64xf32, #tpu.memory_space<vmem>>) target(%dma_start3A_705 : memref<10240x64xf32, #tpu.memory_space<vmem_shared>>) offsets(%dma_start3A_702 : memref<128xi32, #tpu.memory_space<vmem>>) semaphore(%arg18 : memref<!tpu.dma_semaphore, #tpu.memory_space<semaphore_mem>>) {add = true}
        %sub3A_706 = arith.constant 1 : i32
        %sub3A_707 = arith.subi %add3A_693, %sub3A_706 : i32
        %dma_wait3A_708 = arith.constant 0 : i32
        %dma_wait3A_709 = tpu.memref_slice %arg23[%sub3A_707, %dma_wait3A_708] : memref<160x128xi32, #tpu.memory_space<vmem>> -> memref<1x128xi32, #tpu.memory_space<vmem>>
        %dma_wait3A_710 = tpu.memref_squeeze %dma_wait3A_709 : memref<1x128xi32, #tpu.memory_space<vmem>> -> memref<128xi32, #tpu.memory_space<vmem>>
        %dma_wait3A_711 = arith.constant 0 : i32
        %dma_wait3A_712 = arith.constant 0 : i32
        %dma_wait3A_713 = tpu.memref_slice %arg26[%dma_wait3A_711, %dma_wait3A_712] : memref<10240x64xf32, #tpu.memory_space<vmem_shared>> -> memref<10240x64xf32, #tpu.memory_space<vmem_shared>>
        tpu.wait_indirect_dma semaphore(%arg15 : memref<!tpu.dma_semaphore, #tpu.memory_space<semaphore_mem>>) src(%arg13 : memref<128x64xf32, #tpu.memory_space<vmem>>) dst(%dma_wait3A_713 : memref<10240x64xf32, #tpu.memory_space<vmem_shared>>)
        %add3A_714 = arith.constant 5 : i32
        %add3A_715 = arith.addi %add3A_693, %add3A_714 : i32
        %sub3A_716 = arith.constant 1 : i32
        %sub3A_717 = arith.subi %add3A_715, %sub3A_716 : i32
        %le3A_718 = arith.constant 159 : i32
        %le3A_719 = arith.cmpi sle, %sub3A_717, %le3A_718 : i32
        %convert_element_type3A_720 = arith.extui %le3A_719 : i1 to i32
        %cond3A_721 = arith.constant 0 : i32
        %cond3A_722 = arith.cmpi ne, %convert_element_type3A_720, %cond3A_721 : i32
        scf.if %cond3A_722 {
          %dma_start3A_755 = arith.constant 0 : i32
          %dma_start3A_756 = tpu.memref_slice %arg22[%sub3A_717, %dma_start3A_755] : memref<160x128xi32, #tpu.memory_space<vmem>> -> memref<1x128xi32, #tpu.memory_space<vmem>>
          %dma_start3A_757 = tpu.memref_squeeze %dma_start3A_756 : memref<1x128xi32, #tpu.memory_space<vmem>> -> memref<128xi32, #tpu.memory_space<vmem>>
          %dma_start3A_758 = arith.constant 0 : i32
          %dma_start3A_759 = arith.constant 0 : i32
          %dma_start3A_760 = tpu.memref_slice %arg3[%dma_start3A_758, %dma_start3A_759] : memref<10240x64xf32, #tpu.memory_space<hbm>> -> memref<10240x64xf32, #tpu.memory_space<hbm>>
          tpu.enqueue_indirect_dma source(%dma_start3A_760 : memref<10240x64xf32, #tpu.memory_space<hbm>>) target(%arg13 : memref<128x64xf32, #tpu.memory_space<vmem>>) offsets(%dma_start3A_757 : memref<128xi32, #tpu.memory_space<vmem>>) semaphore(%arg14 : memref<!tpu.dma_semaphore, #tpu.memory_space<semaphore_mem>>)
        } else {
        }
        %add3A_723 = arith.constant 4 : i32
        %add3A_724 = arith.addi %mul3A_601, %add3A_723 : i32
        %dma_wait3A_725 = arith.constant 0 : i32
        %dma_wait3A_726 = tpu.memref_slice %arg22[%add3A_724, %dma_wait3A_725] : memref<160x128xi32, #tpu.memory_space<vmem>> -> memref<1x128xi32, #tpu.memory_space<vmem>>
        %dma_wait3A_727 = tpu.memref_squeeze %dma_wait3A_726 : memref<1x128xi32, #tpu.memory_space<vmem>> -> memref<128xi32, #tpu.memory_space<vmem>>
        %dma_wait3A_728 = arith.constant 0 : i32
        %dma_wait3A_729 = arith.constant 0 : i32
        %dma_wait3A_730 = tpu.memref_slice %arg3[%dma_wait3A_728, %dma_wait3A_729] : memref<10240x64xf32, #tpu.memory_space<hbm>> -> memref<10240x64xf32, #tpu.memory_space<hbm>>
        tpu.wait_indirect_dma semaphore(%arg20 : memref<!tpu.dma_semaphore, #tpu.memory_space<semaphore_mem>>) src(%dma_wait3A_730 : memref<10240x64xf32, #tpu.memory_space<hbm>>) dst(%arg19 : memref<128x64xf32, #tpu.memory_space<vmem>>)
        %dma_start3A_731 = arith.constant 0 : i32
        %dma_start3A_732 = tpu.memref_slice %arg23[%add3A_724, %dma_start3A_731] : memref<160x128xi32, #tpu.memory_space<vmem>> -> memref<1x128xi32, #tpu.memory_space<vmem>>
        %dma_start3A_733 = tpu.memref_squeeze %dma_start3A_732 : memref<1x128xi32, #tpu.memory_space<vmem>> -> memref<128xi32, #tpu.memory_space<vmem>>
        %dma_start3A_734 = arith.constant 0 : i32
        %dma_start3A_735 = arith.constant 0 : i32
        %dma_start3A_736 = tpu.memref_slice %arg26[%dma_start3A_734, %dma_start3A_735] : memref<10240x64xf32, #tpu.memory_space<vmem_shared>> -> memref<10240x64xf32, #tpu.memory_space<vmem_shared>>
        tpu.enqueue_indirect_dma source(%arg19 : memref<128x64xf32, #tpu.memory_space<vmem>>) target(%dma_start3A_736 : memref<10240x64xf32, #tpu.memory_space<vmem_shared>>) offsets(%dma_start3A_733 : memref<128xi32, #tpu.memory_space<vmem>>) semaphore(%arg21 : memref<!tpu.dma_semaphore, #tpu.memory_space<semaphore_mem>>) {add = true}
        %sub3A_737 = arith.constant 1 : i32
        %sub3A_738 = arith.subi %add3A_724, %sub3A_737 : i32
        %dma_wait3A_739 = arith.constant 0 : i32
        %dma_wait3A_740 = tpu.memref_slice %arg23[%sub3A_738, %dma_wait3A_739] : memref<160x128xi32, #tpu.memory_space<vmem>> -> memref<1x128xi32, #tpu.memory_space<vmem>>
        %dma_wait3A_741 = tpu.memref_squeeze %dma_wait3A_740 : memref<1x128xi32, #tpu.memory_space<vmem>> -> memref<128xi32, #tpu.memory_space<vmem>>
        %dma_wait3A_742 = arith.constant 0 : i32
        %dma_wait3A_743 = arith.constant 0 : i32
        %dma_wait3A_744 = tpu.memref_slice %arg26[%dma_wait3A_742, %dma_wait3A_743] : memref<10240x64xf32, #tpu.memory_space<vmem_shared>> -> memref<10240x64xf32, #tpu.memory_space<vmem_shared>>
        tpu.wait_indirect_dma semaphore(%arg18 : memref<!tpu.dma_semaphore, #tpu.memory_space<semaphore_mem>>) src(%arg16 : memref<128x64xf32, #tpu.memory_space<vmem>>) dst(%dma_wait3A_744 : memref<10240x64xf32, #tpu.memory_space<vmem_shared>>)
        %add3A_745 = arith.constant 5 : i32
        %add3A_746 = arith.addi %add3A_724, %add3A_745 : i32
        %sub3A_747 = arith.constant 1 : i32
        %sub3A_748 = arith.subi %add3A_746, %sub3A_747 : i32
        %le3A_749 = arith.constant 159 : i32
        %le3A_750 = arith.cmpi sle, %sub3A_748, %le3A_749 : i32
        %convert_element_type3A_751 = arith.extui %le3A_750 : i1 to i32
        %cond3A_752 = arith.constant 0 : i32
        %cond3A_753 = arith.cmpi ne, %convert_element_type3A_751, %cond3A_752 : i32
        scf.if %cond3A_753 {
          %dma_start3A_755 = arith.constant 0 : i32
          %dma_start3A_756 = tpu.memref_slice %arg22[%sub3A_748, %dma_start3A_755] : memref<160x128xi32, #tpu.memory_space<vmem>> -> memref<1x128xi32, #tpu.memory_space<vmem>>
          %dma_start3A_757 = tpu.memref_squeeze %dma_start3A_756 : memref<1x128xi32, #tpu.memory_space<vmem>> -> memref<128xi32, #tpu.memory_space<vmem>>
          %dma_start3A_758 = arith.constant 0 : i32
          %dma_start3A_759 = arith.constant 0 : i32
          %dma_start3A_760 = tpu.memref_slice %arg3[%dma_start3A_758, %dma_start3A_759] : memref<10240x64xf32, #tpu.memory_space<hbm>> -> memref<10240x64xf32, #tpu.memory_space<hbm>>
          tpu.enqueue_indirect_dma source(%dma_start3A_760 : memref<10240x64xf32, #tpu.memory_space<hbm>>) target(%arg16 : memref<128x64xf32, #tpu.memory_space<vmem>>) offsets(%dma_start3A_757 : memref<128xi32, #tpu.memory_space<vmem>>) semaphore(%arg17 : memref<!tpu.dma_semaphore, #tpu.memory_space<semaphore_mem>>)
        } else {
        }
        %scan3A_754 = arith.constant 0 : i32
        scf.yield %scan3A_754 : i32
      }
      %scan3A_590 = arith.constant 31 : i32
      %dma_wait3A_591 = arith.constant 159 : i32
      %dma_wait3A_592 = arith.constant 0 : i32
      %dma_wait3A_593 = tpu.memref_slice %arg23[%dma_wait3A_591, %dma_wait3A_592] : memref<160x128xi32, #tpu.memory_space<vmem>> -> memref<1x128xi32, #tpu.memory_space<vmem>>
      %dma_wait3A_594 = tpu.memref_squeeze %dma_wait3A_593 : memref<1x128xi32, #tpu.memory_space<vmem>> -> memref<128xi32, #tpu.memory_space<vmem>>
      %dma_wait3A_595 = arith.constant 0 : i32
      %dma_wait3A_596 = arith.constant 0 : i32
      %dma_wait3A_597 = tpu.memref_slice %arg26[%dma_wait3A_595, %dma_wait3A_596] : memref<10240x64xf32, #tpu.memory_space<vmem_shared>> -> memref<10240x64xf32, #tpu.memory_space<vmem_shared>>
      tpu.wait_indirect_dma semaphore(%arg21 : memref<!tpu.dma_semaphore, #tpu.memory_space<semaphore_mem>>) src(%arg19 : memref<128x64xf32, #tpu.memory_space<vmem>>) dst(%dma_wait3A_597 : memref<10240x64xf32, #tpu.memory_space<vmem_shared>>)
    } else {
    }
    %barrier3A_418 = arith.constant 0 : index
    tpu.barrier barrier_id(%barrier3A_418)
    %mul3A_419 = arith.constant 640 : i32
    %mul3A_420 = arith.muli %arg1, %mul3A_419 : i32
    %mul3A_421 = arith.constant 640 : i32
    %mul3A_422 = arith.muli %arg1, %mul3A_421 : i32
    "tpu.region"() ({
      %run_scoped3A = tpu.sem_alloc : memref<!tpu.dma_semaphore, #tpu.memory_space<semaphore_mem>>
      %dma_start3A_423 = arith.constant 0 : i32
      %dma_start3A_424 = tpu.memref_slice %arg6[%arg0, %mul3A_422, %dma_start3A_423] : memref<2x10240x64xf32, #tpu.memory_space<hbm>> -> memref<1x640x64xf32, #tpu.memory_space<hbm>>
      %dma_start3A_425 = tpu.memref_squeeze %dma_start3A_424 : memref<1x640x64xf32, #tpu.memory_space<hbm>> -> memref<640x64xf32, #tpu.memory_space<hbm>>
      %dma_start3A_426 = arith.constant 0 : i32
      %dma_start3A_427 = tpu.memref_slice %arg26[%mul3A_420, %dma_start3A_426] : memref<10240x64xf32, #tpu.memory_space<vmem_shared>> -> memref<640x64xf32, #tpu.memory_space<vmem_shared>>
      tpu.enqueue_dma source(%dma_start3A_427 : memref<640x64xf32, #tpu.memory_space<vmem_shared>>) target(%dma_start3A_425 : memref<640x64xf32, #tpu.memory_space<hbm>>) target_semaphore(%run_scoped3A : memref<!tpu.dma_semaphore, #tpu.memory_space<semaphore_mem>>)
      %dma_wait3A_428 = arith.constant 0 : i32
      %dma_wait3A_429 = tpu.memref_slice %arg6[%arg0, %mul3A_422, %dma_wait3A_428] : memref<2x10240x64xf32, #tpu.memory_space<hbm>> -> memref<1x640x64xf32, #tpu.memory_space<hbm>>
      %dma_wait3A_430 = tpu.memref_squeeze %dma_wait3A_429 : memref<1x640x64xf32, #tpu.memory_space<hbm>> -> memref<640x64xf32, #tpu.memory_space<hbm>>
      %dma_wait3A_431 = arith.constant 0 : i32
      %dma_wait3A_432 = tpu.memref_slice %arg26[%mul3A_420, %dma_wait3A_431] : memref<10240x64xf32, #tpu.memory_space<vmem_shared>> -> memref<640x64xf32, #tpu.memory_space<vmem_shared>>
      tpu.wait_dma2 semaphore(%run_scoped3A : memref<!tpu.dma_semaphore, #tpu.memory_space<semaphore_mem>>) src(%dma_wait3A_432 : memref<640x64xf32, #tpu.memory_space<vmem_shared>>) dst(%dma_wait3A_430 : memref<640x64xf32, #tpu.memory_space<hbm>>)
      tpu.yield
    }) : () -> ()
    return
  }
}

module attributes {stable_mosaic.version = 14 : i64} {
  func.func @_tc_proj_body(%arg0: i32, %arg1: memref<1024x128xf32, #tpu.memory_space<vmem>>, %arg2: memref<128x128xf32, #tpu.memory_space<vmem>>, %arg3: memref<128x128xf32, #tpu.memory_space<vmem>>, %arg4: memref<1x128xf32, #tpu.memory_space<vmem>>, %arg5: memref<1024x128xf32, #tpu.memory_space<vmem>>, %arg6: memref<1024x128xf32, #tpu.memory_space<vmem>>) attributes {dimension_semantics = [#tpu.dimension_semantics<arbitrary>], iteration_bounds = array<i64: 10>, scalar_prefetch = 0 : i64, scratch_operands = 0 : i64, tpu.core_type = #tpu.core_type<tc>, window_params = [{transform_indices = @transform_0, window_bounds = array<i64: 1024, 128>}, {pipeline_mode = #tpu.pipeline_mode<synchronous>, transform_indices = @transform_1, window_bounds = array<i64: 128, 128>}, {pipeline_mode = #tpu.pipeline_mode<synchronous>, transform_indices = @transform_2, window_bounds = array<i64: 128, 128>}, {pipeline_mode = #tpu.pipeline_mode<synchronous>, transform_indices = @transform_3, window_bounds = array<i64: 1, 128>}, {transform_indices = @transform_4, window_bounds = array<i64: 1024, 128>}, {transform_indices = @transform_5, window_bounds = array<i64: 1024, 128>}]} {
    %get3A = arith.constant 0 : index
    %get3A_0 = arith.constant 0 : index
    %get3A_1 = vector.load %arg1[%get3A, %get3A_0] : memref<1024x128xf32, #tpu.memory_space<vmem>>, vector<1024x128xf32>
    %get3A_2 = arith.constant 0 : index
    %get3A_3 = arith.constant 0 : index
    %get3A_4 = vector.load %arg2[%get3A_2, %get3A_3] : memref<128x128xf32, #tpu.memory_space<vmem>>, vector<128x128xf32>
    %dot_general3A = arith.constant dense<0.000000e+00> : vector<1024x128xf32>
    %dot_general3A_5 = tpu.matmul %get3A_1, %get3A_4, %dot_general3A {dimension_numbers = #tpu.dot_dimension_numbers<[1], [0], [0], [1], [0, 0, 1, 1], [], []>, transpose_lhs_hint = false} : vector<1024x128xf32>, vector<128x128xf32>, vector<1024x128xf32> -> vector<1024x128xf32>
    %swap3A = arith.constant 0 : index
    %swap3A_6 = arith.constant 0 : index
    %swap3A_7 = vector.load %arg5[%swap3A, %swap3A_6] : memref<1024x128xf32, #tpu.memory_space<vmem>>, vector<1024x128xf32>
    tpu.vector_store %arg5[%swap3A, %swap3A_6], %dot_general3A_5 {strides = array<i32>} : memref<1024x128xf32, #tpu.memory_space<vmem>>, vector<1024x128xf32>,
    %get3A_8 = arith.constant 0 : index
    %get3A_9 = arith.constant 0 : index
    %get3A_10 = vector.load %arg3[%get3A_8, %get3A_9] : memref<128x128xf32, #tpu.memory_space<vmem>>, vector<128x128xf32>
    %dot_general3A_11 = arith.constant dense<0.000000e+00> : vector<1024x128xf32>
    %dot_general3A_12 = tpu.matmul %get3A_1, %get3A_10, %dot_general3A_11 {dimension_numbers = #tpu.dot_dimension_numbers<[1], [0], [0], [1], [0, 0, 1, 1], [], []>, transpose_lhs_hint = false} : vector<1024x128xf32>, vector<128x128xf32>, vector<1024x128xf32> -> vector<1024x128xf32>
    %get3A_13 = arith.constant 0 : index
    %get3A_14 = arith.constant 0 : index
    %get3A_15 = vector.load %arg4[%get3A_13, %get3A_14] : memref<1x128xf32, #tpu.memory_space<vmem>>, vector<1x128xf32>
    %add3A = vector.broadcast %get3A_15 : vector<1x128xf32> to vector<1024x128xf32>
    %add3A_16 = arith.addf %dot_general3A_12, %add3A : vector<1024x128xf32>
    %swap3A_17 = arith.constant 0 : index
    %swap3A_18 = arith.constant 0 : index
    %swap3A_19 = vector.load %arg6[%swap3A_17, %swap3A_18] : memref<1024x128xf32, #tpu.memory_space<vmem>>, vector<1024x128xf32>
    tpu.vector_store %arg6[%swap3A_17, %swap3A_18], %add3A_16 {strides = array<i32>} : memref<1024x128xf32, #tpu.memory_space<vmem>>, vector<1024x128xf32>,
    return
  }
  func.func @transform_0(%arg0: i32) -> (i32, i32) {
    %c0_i32 = arith.constant 0 : i32
    %c0_i32_0 = arith.constant 0 : i32
    return %arg0, %c0_i32 : i32, i32
  }
  func.func @transform_1(%arg0: i32) -> (i32, i32) {
    %c0_i32 = arith.constant 0 : i32
    %c0_i32_0 = arith.constant 0 : i32
    %c0_i32_1 = arith.constant 0 : i32
    return %c0_i32, %c0_i32_0 : i32, i32
  }
  func.func @transform_2(%arg0: i32) -> (i32, i32) {
    %c0_i32 = arith.constant 0 : i32
    %c0_i32_0 = arith.constant 0 : i32
    %c0_i32_1 = arith.constant 0 : i32
    return %c0_i32, %c0_i32_0 : i32, i32
  }
  func.func @transform_3(%arg0: i32) -> (i32, i32) {
    %c0_i32 = arith.constant 0 : i32
    %c0_i32_0 = arith.constant 0 : i32
    %c0_i32_1 = arith.constant 0 : i32
    return %c0_i32, %c0_i32_0 : i32, i32
  }
  func.func @transform_4(%arg0: i32) -> (i32, i32) {
    %c0_i32 = arith.constant 0 : i32
    %c0_i32_0 = arith.constant 0 : i32
    return %arg0, %c0_i32 : i32, i32
  }
  func.func @transform_5(%arg0: i32) -> (i32, i32) {
    %c0_i32 = arith.constant 0 : i32
    %c0_i32_0 = arith.constant 0 : i32
    return %arg0, %c0_i32 : i32, i32
  }
}

module attributes {stable_mosaic.version = 14 : i64} {
  func.func @_tc_comb_proj_body(%arg0: i32, %arg1: memref<1024x64xf32, #tpu.memory_space<vmem>>, %arg2: memref<1024x64xf32, #tpu.memory_space<vmem>>, %arg3: memref<1024x128xf32, #tpu.memory_space<vmem>>, %arg4: memref<1024x128xf32, #tpu.memory_space<vmem>>, %arg5: memref<1024x16xf32, #tpu.memory_space<vmem>>, %arg6: memref<128x128xf32, #tpu.memory_space<vmem>>, %arg7: memref<128x128xf32, #tpu.memory_space<vmem>>, %arg8: memref<1x128xf32, #tpu.memory_space<vmem>>, %arg9: memref<1024x128xf32, #tpu.memory_space<vmem>>, %arg10: memref<1024x128xf32, #tpu.memory_space<vmem>>, %arg11: memref<1024x1xf32, #tpu.memory_space<vmem>>) attributes {dimension_semantics = [#tpu.dimension_semantics<arbitrary>], iteration_bounds = array<i64: 10>, scalar_prefetch = 0 : i64, scratch_operands = 0 : i64, tpu.core_type = #tpu.core_type<tc>, window_params = [{transform_indices = @transform_0, window_bounds = array<i64: 1024, 64>}, {transform_indices = @transform_1, window_bounds = array<i64: 1024, 64>}, {transform_indices = @transform_2, window_bounds = array<i64: 1024, 128>}, {transform_indices = @transform_3, window_bounds = array<i64: 1024, 128>}, {transform_indices = @transform_4, window_bounds = array<i64: 1024, 16>}, {pipeline_mode = #tpu.pipeline_mode<synchronous>, transform_indices = @transform_5, window_bounds = array<i64: 128, 128>}, {pipeline_mode = #tpu.pipeline_mode<synchronous>, transform_indices = @transform_6, window_bounds = array<i64: 128, 128>}, {pipeline_mode = #tpu.pipeline_mode<synchronous>, transform_indices = @transform_7, window_bounds = array<i64: 1, 128>}, {transform_indices = @transform_8, window_bounds = array<i64: 1024, 128>}, {transform_indices = @transform_9, window_bounds = array<i64: 1024, 128>}, {transform_indices = @transform_10, window_bounds = array<i64: 1024, 1>}]} {
    %get3A = arith.constant 0 : index
    %get3A_0 = arith.constant 0 : index
    %get3A_1 = vector.load %arg5[%get3A, %get3A_0] : memref<1024x16xf32, #tpu.memory_space<vmem>>, vector<1024x16xf32>
    %slice3A = vector.extract_strided_slice %get3A_1 {offsets = [0, 0], sizes = [1024, 1], strides = [1, 1]} : vector<1024x16xf32> to vector<1024x1xf32>
    %add3A = arith.constant 1.000000e+00 : f32
    %add3A_2 = vector.broadcast %add3A : f32 to vector<1024x1xf32>
    %add3A_3 = arith.addf %add3A_2, %slice3A : vector<1024x1xf32>
    %div3A = arith.constant 1.000000e+00 : f32
    %div3A_4 = vector.broadcast %div3A : f32 to vector<1024x1xf32>
    %div3A_5 = arith.divf %div3A_4, %add3A_3 : vector<1024x1xf32>
    %swap3A = arith.constant 0 : index
    %swap3A_6 = arith.constant 0 : index
    %swap3A_7 = vector.load %arg11[%swap3A, %swap3A_6] : memref<1024x1xf32, #tpu.memory_space<vmem>>, vector<1024x1xf32>
    tpu.vector_store %arg11[%swap3A, %swap3A_6], %div3A_5 {strides = array<i32>} : memref<1024x1xf32, #tpu.memory_space<vmem>>, vector<1024x1xf32>,
    %get3A_8 = arith.constant 0 : index
    %get3A_9 = arith.constant 0 : index
    %get3A_10 = vector.load %arg1[%get3A_8, %get3A_9] : memref<1024x64xf32, #tpu.memory_space<vmem>>, vector<1024x64xf32>
    %get3A_11 = arith.constant 0 : index
    %get3A_12 = arith.constant 0 : index
    %get3A_13 = vector.load %arg2[%get3A_11, %get3A_12] : memref<1024x64xf32, #tpu.memory_space<vmem>>, vector<1024x64xf32>
    %concatenate3A = tpu.concatenate %get3A_10, %get3A_13 in 1 : vector<1024x64xf32>, vector<1024x64xf32> -> vector<1024x128xf32>
    %get3A_14 = arith.constant 0 : index
    %get3A_15 = arith.constant 0 : index
    %get3A_16 = vector.load %arg3[%get3A_14, %get3A_15] : memref<1024x128xf32, #tpu.memory_space<vmem>>, vector<1024x128xf32>
    %add3A_17 = arith.addf %concatenate3A, %get3A_16 : vector<1024x128xf32>
    %mul3A = vector.broadcast %div3A_5 : vector<1024x1xf32> to vector<1024x128xf32>
    %mul3A_18 = arith.mulf %add3A_17, %mul3A : vector<1024x128xf32>
    %get3A_19 = arith.constant 0 : index
    %get3A_20 = arith.constant 0 : index
    %get3A_21 = vector.load %arg4[%get3A_19, %get3A_20] : memref<1024x128xf32, #tpu.memory_space<vmem>>, vector<1024x128xf32>
    %add3A_22 = arith.addf %mul3A_18, %get3A_21 : vector<1024x128xf32>
    %max3A = arith.constant 0.000000e+00 : f32
    %max3A_23 = vector.broadcast %max3A : f32 to vector<1024x128xf32>
    %max3A_24 = arith.maximumf %add3A_22, %max3A_23 : vector<1024x128xf32>
    %get3A_25 = arith.constant 0 : index
    %get3A_26 = arith.constant 0 : index
    %get3A_27 = vector.load %arg6[%get3A_25, %get3A_26] : memref<128x128xf32, #tpu.memory_space<vmem>>, vector<128x128xf32>
    %dot_general3A = arith.constant dense<0.000000e+00> : vector<1024x128xf32>
    %dot_general3A_28 = tpu.matmul %max3A_24, %get3A_27, %dot_general3A {dimension_numbers = #tpu.dot_dimension_numbers<[1], [0], [0], [1], [0, 0, 1, 1], [], []>, transpose_lhs_hint = false} : vector<1024x128xf32>, vector<128x128xf32>, vector<1024x128xf32> -> vector<1024x128xf32>
    %swap3A_29 = arith.constant 0 : index
    %swap3A_30 = arith.constant 0 : index
    %swap3A_31 = vector.load %arg9[%swap3A_29, %swap3A_30] : memref<1024x128xf32, #tpu.memory_space<vmem>>, vector<1024x128xf32>
    tpu.vector_store %arg9[%swap3A_29, %swap3A_30], %dot_general3A_28 {strides = array<i32>} : memref<1024x128xf32, #tpu.memory_space<vmem>>, vector<1024x128xf32>,
    %get3A_32 = arith.constant 0 : index
    %get3A_33 = arith.constant 0 : index
    %get3A_34 = vector.load %arg7[%get3A_32, %get3A_33] : memref<128x128xf32, #tpu.memory_space<vmem>>, vector<128x128xf32>
    %dot_general3A_35 = arith.constant dense<0.000000e+00> : vector<1024x128xf32>
    %dot_general3A_36 = tpu.matmul %max3A_24, %get3A_34, %dot_general3A_35 {dimension_numbers = #tpu.dot_dimension_numbers<[1], [0], [0], [1], [0, 0, 1, 1], [], []>, transpose_lhs_hint = false} : vector<1024x128xf32>, vector<128x128xf32>, vector<1024x128xf32> -> vector<1024x128xf32>
    %get3A_37 = arith.constant 0 : index
    %get3A_38 = arith.constant 0 : index
    %get3A_39 = vector.load %arg8[%get3A_37, %get3A_38] : memref<1x128xf32, #tpu.memory_space<vmem>>, vector<1x128xf32>
    %add3A_40 = vector.broadcast %get3A_39 : vector<1x128xf32> to vector<1024x128xf32>
    %add3A_41 = arith.addf %dot_general3A_36, %add3A_40 : vector<1024x128xf32>
    %swap3A_42 = arith.constant 0 : index
    %swap3A_43 = arith.constant 0 : index
    %swap3A_44 = vector.load %arg10[%swap3A_42, %swap3A_43] : memref<1024x128xf32, #tpu.memory_space<vmem>>, vector<1024x128xf32>
    tpu.vector_store %arg10[%swap3A_42, %swap3A_43], %add3A_41 {strides = array<i32>} : memref<1024x128xf32, #tpu.memory_space<vmem>>, vector<1024x128xf32>,
    return
  }
  func.func @transform_0(%arg0: i32) -> (i32, i32) {
    %c0_i32 = arith.constant 0 : i32
    %c0_i32_0 = arith.constant 0 : i32
    return %arg0, %c0_i32 : i32, i32
  }
  func.func @transform_1(%arg0: i32) -> (i32, i32) {
    %c0_i32 = arith.constant 0 : i32
    %c0_i32_0 = arith.constant 0 : i32
    return %arg0, %c0_i32 : i32, i32
  }
  func.func @transform_2(%arg0: i32) -> (i32, i32) {
    %c0_i32 = arith.constant 0 : i32
    %c0_i32_0 = arith.constant 0 : i32
    return %arg0, %c0_i32 : i32, i32
  }
  func.func @transform_3(%arg0: i32) -> (i32, i32) {
    %c0_i32 = arith.constant 0 : i32
    %c0_i32_0 = arith.constant 0 : i32
    return %arg0, %c0_i32 : i32, i32
  }
  func.func @transform_4(%arg0: i32) -> (i32, i32) {
    %c0_i32 = arith.constant 0 : i32
    %c0_i32_0 = arith.constant 0 : i32
    return %arg0, %c0_i32 : i32, i32
  }
  func.func @transform_5(%arg0: i32) -> (i32, i32) {
    %c0_i32 = arith.constant 0 : i32
    %c0_i32_0 = arith.constant 0 : i32
    %c0_i32_1 = arith.constant 0 : i32
    return %c0_i32, %c0_i32_0 : i32, i32
  }
  func.func @transform_6(%arg0: i32) -> (i32, i32) {
    %c0_i32 = arith.constant 0 : i32
    %c0_i32_0 = arith.constant 0 : i32
    %c0_i32_1 = arith.constant 0 : i32
    return %c0_i32, %c0_i32_0 : i32, i32
  }
  func.func @transform_7(%arg0: i32) -> (i32, i32) {
    %c0_i32 = arith.constant 0 : i32
    %c0_i32_0 = arith.constant 0 : i32
    %c0_i32_1 = arith.constant 0 : i32
    return %c0_i32, %c0_i32_0 : i32, i32
  }
  func.func @transform_8(%arg0: i32) -> (i32, i32) {
    %c0_i32 = arith.constant 0 : i32
    %c0_i32_0 = arith.constant 0 : i32
    return %arg0, %c0_i32 : i32, i32
  }
  func.func @transform_9(%arg0: i32) -> (i32, i32) {
    %c0_i32 = arith.constant 0 : i32
    %c0_i32_0 = arith.constant 0 : i32
    return %arg0, %c0_i32 : i32, i32
  }
  func.func @transform_10(%arg0: i32) -> (i32, i32) {
    %c0_i32 = arith.constant 0 : i32
    %c0_i32_0 = arith.constant 0 : i32
    return %arg0, %c0_i32 : i32, i32
  }
}

module attributes {stable_mosaic.version = 14 : i64} {
  func.func @_tc_comb_body(%arg0: i32, %arg1: memref<1024x64xf32, #tpu.memory_space<vmem>>, %arg2: memref<1024x64xf32, #tpu.memory_space<vmem>>, %arg3: memref<1024x128xf32, #tpu.memory_space<vmem>>, %arg4: memref<1024x128xf32, #tpu.memory_space<vmem>>, %arg5: memref<1024x1xf32, #tpu.memory_space<vmem>>, %arg6: memref<1024x128xf32, #tpu.memory_space<vmem>>) attributes {dimension_semantics = [#tpu.dimension_semantics<arbitrary>], iteration_bounds = array<i64: 10>, scalar_prefetch = 0 : i64, scratch_operands = 0 : i64, tpu.core_type = #tpu.core_type<tc>, window_params = [{transform_indices = @transform_0, window_bounds = array<i64: 1024, 64>}, {transform_indices = @transform_1, window_bounds = array<i64: 1024, 64>}, {transform_indices = @transform_2, window_bounds = array<i64: 1024, 128>}, {transform_indices = @transform_3, window_bounds = array<i64: 1024, 128>}, {transform_indices = @transform_4, window_bounds = array<i64: 1024, 1>}, {transform_indices = @transform_5, window_bounds = array<i64: 1024, 128>}]} {
    %get3A = arith.constant 0 : index
    %get3A_0 = arith.constant 0 : index
    %get3A_1 = vector.load %arg1[%get3A, %get3A_0] : memref<1024x64xf32, #tpu.memory_space<vmem>>, vector<1024x64xf32>
    %get3A_2 = arith.constant 0 : index
    %get3A_3 = arith.constant 0 : index
    %get3A_4 = vector.load %arg2[%get3A_2, %get3A_3] : memref<1024x64xf32, #tpu.memory_space<vmem>>, vector<1024x64xf32>
    %concatenate3A = tpu.concatenate %get3A_1, %get3A_4 in 1 : vector<1024x64xf32>, vector<1024x64xf32> -> vector<1024x128xf32>
    %get3A_5 = arith.constant 0 : index
    %get3A_6 = arith.constant 0 : index
    %get3A_7 = vector.load %arg3[%get3A_5, %get3A_6] : memref<1024x128xf32, #tpu.memory_space<vmem>>, vector<1024x128xf32>
    %add3A = arith.addf %concatenate3A, %get3A_7 : vector<1024x128xf32>
    %get3A_8 = arith.constant 0 : index
    %get3A_9 = arith.constant 0 : index
    %get3A_10 = vector.load %arg5[%get3A_8, %get3A_9] : memref<1024x1xf32, #tpu.memory_space<vmem>>, vector<1024x1xf32>
    %mul3A = vector.broadcast %get3A_10 : vector<1024x1xf32> to vector<1024x128xf32>
    %mul3A_11 = arith.mulf %add3A, %mul3A : vector<1024x128xf32>
    %get3A_12 = arith.constant 0 : index
    %get3A_13 = arith.constant 0 : index
    %get3A_14 = vector.load %arg4[%get3A_12, %get3A_13] : memref<1024x128xf32, #tpu.memory_space<vmem>>, vector<1024x128xf32>
    %add3A_15 = arith.addf %mul3A_11, %get3A_14 : vector<1024x128xf32>
    %max3A = arith.constant 0.000000e+00 : f32
    %max3A_16 = vector.broadcast %max3A : f32 to vector<1024x128xf32>
    %max3A_17 = arith.maximumf %add3A_15, %max3A_16 : vector<1024x128xf32>
    %swap3A = arith.constant 0 : index
    %swap3A_18 = arith.constant 0 : index
    %swap3A_19 = vector.load %arg6[%swap3A, %swap3A_18] : memref<1024x128xf32, #tpu.memory_space<vmem>>, vector<1024x128xf32>
    tpu.vector_store %arg6[%swap3A, %swap3A_18], %max3A_17 {strides = array<i32>} : memref<1024x128xf32, #tpu.memory_space<vmem>>, vector<1024x128xf32>,
    return
  }
  func.func @transform_0(%arg0: i32) -> (i32, i32) {
    %c0_i32 = arith.constant 0 : i32
    %c0_i32_0 = arith.constant 0 : i32
    return %arg0, %c0_i32 : i32, i32
  }
  func.func @transform_1(%arg0: i32) -> (i32, i32) {
    %c0_i32 = arith.constant 0 : i32
    %c0_i32_0 = arith.constant 0 : i32
    return %arg0, %c0_i32 : i32, i32
  }
  func.func @transform_2(%arg0: i32) -> (i32, i32) {
    %c0_i32 = arith.constant 0 : i32
    %c0_i32_0 = arith.constant 0 : i32
    return %arg0, %c0_i32 : i32, i32
  }
  func.func @transform_3(%arg0: i32) -> (i32, i32) {
    %c0_i32 = arith.constant 0 : i32
    %c0_i32_0 = arith.constant 0 : i32
    return %arg0, %c0_i32 : i32, i32
  }
  func.func @transform_4(%arg0: i32) -> (i32, i32) {
    %c0_i32 = arith.constant 0 : i32
    %c0_i32_0 = arith.constant 0 : i32
    return %arg0, %c0_i32 : i32, i32
  }
  func.func @transform_5(%arg0: i32) -> (i32, i32) {
    %c0_i32 = arith.constant 0 : i32
    %c0_i32_0 = arith.constant 0 : i32
    return %arg0, %c0_i32 : i32, i32
  }
}

</mosaic_0001>

<sc_bundles>
// kernel: kernel.10.cloned.1.call-start
scs
__scs_entry_jumppad:
0x0: {  	(pc) =	sbr.rel $0x88, $3  }
0x1: {  	(tag) =	ssettag $0x0;
	lr =	simm.s32 $0x1  }
0x2: {  	[smem:$0x3F99] =	sst lr;
	_ =	strace $0xD0000000  }
0x3: {  	_ = 	snop  }
0x4: {  	_ = 	snop  }
0x5: {  	_ = 	snop  }
0x6: {  	_ = 	snop  }
0x7: {  	_ = 	snop  }
__scs_overlays_trampoline_lowered:
0x8: {  	[smem:$0x3FA8] =	sst s0  }
0x9: {  	[smem:$0x3FA9] =	sst s1  }
0xa: {  	[smem:$0x3FAA] =	sst s2  }
0xb: {  	[smem:$0x3FAB] =	sst s3  }
0xc: {  	[smem:$0x3FAC] =	sst s4  }
0xd: {  	[smem:$0x3FAD] =	sst s5  }
0xe: {  	[smem:$0x3FAE] =	sst s6  }
0xf: {  	[smem:$0x3FAF] =	sst s7  }
0x10: {  	[smem:$0x3FB0] =	sst s8  }
0x11: {  	[smem:$0x3FB1] =	sst s9;
	s0 =	simm.s32 @!p0 $0x0  }
0x12: {  	s1 =	sld [smem:$0x3F97];
	s0 =	simm.s32 @p0 $0x1  }
0x13: {  	[smem:$0x3FB2] =	sst s0;
	s0 =	simm.s32 @!p1 $0x0  }
0x14: {  	s2 =	sld [smem:$0x3F96];
	s0 =	simm.s32 @p1 $0x1  }
0x15: {  	[smem:$0x3FB3] =	sst s0;
	s0 =	simm.s32 @!p2 $0x0  }
0x16: {  	s3 =	sld [smem:$0x3FDB];
	s0 =	simm.s32 @p2 $0x1  }
0x17: {  	s4 =	simm.s32 $0x1BF5;
	[smem:$0x3FB5] =	sst s0  }
0x18: {  	s0 =	sld [smem:$0x3F98];
	_ =	swait.ge [sflag:s4], $0x0  }
0x19: {  	s7 =	sld [smem:$0x3F99]  }
0x1a: {  	s8 =	sadd.s32 $0xFFFFE003, lr  }
0x1b: {  	s9 =	sadd.s32 $0xFFFFFEF7, lr;
	s5 =	simm.s32 $0xFFFFFFFF;
	p2 =	slt.u32 s8, $0xFFFFF086  }
0x1c: {  	p1 =	slt.u32 s9, $0xF7A;
	s5 =	simm.s32 @!p2 $0x0  }
0x1d: {  	s5 =	simm.s32 @p1 $0x1;
	p0 =	seq.s32 s7, s2  }
0x1e: {  	s7 =	smul.u32 @!p0 $0xF7A, s2;
	p2 =	seq.s32 @!p0 s5, $0x0  }
0x1f: {  	s9 =	smul.u32 $0xF7A, s1;
	s8 =	simm.s32 @!p0 $0x1BF5;
	p2 =	por !p2, p0  }
0x20: {  	[sflag:s8] =	ssyncset.s32 @!p0 $0xFFFFF086;
	s6 =	sadd.s32 @!p0 s3, s7;
	s7 =	simm.s32 @!p0 $0x108  }
0x21: {  	s3 =	sadd.s32 s3, s9;
	s6 =	sadd.s32 @!p0 $0x88, s6;
	s7 =	simm.s32 @p2 $0x1082  }
0x22: {  	[simem:s7], [sflag:s8] =	dma.local @!p0 [hbm:s6], $0xF7A  }
0x23: {  	s9 =	sor.u32 $0xD0000000, s2;
	s6 =	simm.s32 $0x108;
	_ =	swait.ge @!p0 [sflag:s8], $0x0  }
0x24: {  	s3 =	sadd.s32 $0x88, s3;
	s6 =	simm.s32 @!p1 $0x1082;
	[sflag:s4] =	ssyncset.s32 $0xFFFFF086  }
0x25: {  	[simem:s6], [sflag:s4] =	dma.local [hbm:s3], $0xF7A  }
0x26: {  	[smem:$0x3F99] =	sst s1;
	(tag) =	ssettag s2;
	_ =	strace s9  }
0x27: {  	s1 =	sld [smem:$0x3FA9]  }
0x28: {  	s2 =	sld [smem:$0x3FAA]  }
0x29: {  	s4 =	sld [smem:$0x3FAC]  }
0x2a: {  	p0 =	seq.s32 s5, $0x0;
	s5 =	sld [smem:$0x3FAD]  }
0x2b: {  	s6 =	sld [smem:$0x3FAE]  }
0x2c: {  	s7 =	sld [smem:$0x3FAF]  }
0x2d: {  	s3 =	simm.s32 $0x108;
	s8 =	sld [smem:$0x3FB0]  }
0x2e: {  	s3 =	simm.s32 @!p0 $0x1082;
	s9 =	sld [smem:$0x3FB1]  }
0x2f: {  	lr =	sadd.s32 s0, s3;
	s0 =	sld [smem:$0x3FA8]  }
0x30: {  	s3 =	sld [smem:$0x3FAB]  }
0x31: {  	[smem:$0x3FB4] =	sst s10  }
0x32: {  	s10 =	sld [smem:$0x3FB2];
	_ =	sdelay $0x3  }
0x33: {  	p0 =	seq.s32 s10, $0x1;
	s10 =	sld [smem:$0x3FB4];
	_ =	sdelay $0x3  }
0x34: {  	[smem:$0x3FB4] =	sst s10  }
0x35: {  	s10 =	sld [smem:$0x3FB3];
	_ =	sdelay $0x3  }
0x36: {  	p1 =	seq.s32 s10, $0x1;
	s10 =	sld [smem:$0x3FB4];
	_ =	sdelay $0x3  }
0x37: {  	[smem:$0x3FB4] =	sst s10  }
0x38: {  	s10 =	sld [smem:$0x3FB5]  }
0x39: {  	_ = 	snop;
	(pc) =	sbr.ind lr, $3  }
0x3a: {  	_ = 	snop  }
0x3b: {  	_ = 	snop  }
0x3c: {  	p2 =	seq.s32 s10, $0x1;
	s10 =	sld [smem:$0x3FB4]  }
0x3d: {  	_ =	shalt  }
0x3e: {  	_ =	shalt  }
0x3f: {  	_ =	shalt  }
0x40: {  	_ =	shalt  }
0x41: {  	_ =	shalt  }
0x42: {  	_ =	shalt  }
0x43: {  	_ =	shalt  }
0x44: {  	_ =	shalt  }
0x45: {  	_ =	shalt  }
0x46: {  	_ =	shalt  }
0x47: {  	_ =	shalt  }
0x48: {  	_ =	shalt  }
0x49: {  	_ =	shalt  }
0x4a: {  	_ =	shalt  }
0x4b: {  	_ =	shalt  }
0x4c: {  	_ =	shalt  }
0x4d: {  	_ =	shalt  }
0x4e: {  	_ =	shalt  }
0x4f: {  	_ =	shalt  }
0x50: {  	_ =	shalt  }
0x51: {  	_ =	shalt  }
0x52: {  	_ =	shalt  }
0x53: {  	_ =	shalt  }
0x54: {  	_ =	shalt  }
0x55: {  	_ =	shalt  }
0x56: {  	_ =	shalt  }
0x57: {  	_ =	shalt  }
0x58: {  	_ =	shalt  }
0x59: {  	_ =	shalt  }
0x5a: {  	_ =	shalt  }
0x5b: {  	_ =	shalt  }
0x5c: {  	_ =	shalt  }
0x5d: {  	_ =	shalt  }
0x5e: {  	_ =	shalt  }
0x5f: {  	_ =	shalt  }
0x60: {  	_ =	shalt  }
0x61: {  	_ =	shalt  }
0x62: {  	_ =	shalt  }
0x63: {  	_ =	shalt  }
0x64: {  	_ =	shalt  }
0x65: {  	_ =	shalt  }
0x66: {  	_ =	shalt  }
0x67: {  	_ =	shalt  }
0x68: {  	_ =	shalt  }
0x69: {  	_ =	shalt  }
0x6a: {  	_ =	shalt  }
0x6b: {  	_ =	shalt  }
0x6c: {  	_ =	shalt  }
0x6d: {  	_ =	shalt  }
0x6e: {  	_ =	shalt  }
0x6f: {  	_ =	shalt  }
0x70: {  	_ =	shalt  }
0x71: {  	_ =	shalt  }
0x72: {  	_ =	shalt  }
0x73: {  	_ =	shalt  }
0x74: {  	_ =	shalt  }
0x75: {  	_ =	shalt  }
0x76: {  	_ =	shalt  }
0x77: {  	_ =	shalt  }
0x78: {  	_ =	shalt  }
0x79: {  	_ =	shalt  }
0x7a: {  	_ =	shalt  }
0x7b: {  	_ =	shalt  }
0x7c: {  	_ =	shalt  }
0x7d: {  	_ =	shalt  }
0x7e: {  	_ =	shalt  }
0x7f: {  	_ =	shalt  }
0x80: {  	_ =	shalt  }
0x81: {  	_ =	shalt  }
0x82: {  	_ =	shalt  }
0x83: {  	_ =	shalt  }
0x84: {  	_ =	shalt  }
0x85: {  	_ =	shalt  }
0x86: {  	_ =	shalt  }
0x87: {  	_ =	shalt  }
.Lfunc_end0:
.L_simem_size_0:
called_computation.1_lowered:
.L_overlay_start_0:
0x88: {  	s2 =	sld [smem:$0x3FD9]  }
0x89: {  	s3 =	sld [smem:$0x3FFE];
	_ =	sdelay $0x1  }
0x8a: {  	s1 =	srdreg.scid  }
0x8b: {  	s0 =	sand.u32 $0x1, s1  }
0x8c: {  	s17 =	sshll.u32 s0, $0xA;
	s2 =	sadd.s32 s3, s2  }
0x8d: {  	s2 =	sadd.s32 s2, s17  }
0x8e: {  	[smem:$0x3FC0] =	sst s2  }
0x8f: {  	_ = 	snop  }
0x90: {  	s2 =	sld [smem:$0x3FD0];
	(tm) =	ssettm $0x1  }
0x91: {  	s18 =	sld [smem:$0x3FFB];
	_ =	sdelay $0x3  }
0x92: {  	_ =	strace s18  }
0x93: {  	s3 =	sld [smem:$0x3FFC];
	_ =	sdelay $0x3  }
0x94: {  	_ =	strace s3  }
0x95: {  	s3 =	sld [smem:$0x3FFD];
	_ =	sdelay $0x3  }
0x96: {  	_ =	strace s3  }
0x97: {  	_ =	strace $0x8FFFFFFF  }
0x98: {  	s19 =	sld [smem:$0x3FDB];
	_ =	sdelay $0x1  }
0x99: {  	s4 =	simm.s32 $_scs_section_size  }
0x9a: {  	s5 =	simm.s32 $_size__tile_overlayer_lowered;
	s6 =	simm.s32 $_tile_overlayer_lowered  }
0x9b: {  	s22 =	simm.s32 $0x1BFF;
	s21 =	sshll.u32 s6, $0x1;
	s3 =	sadd.s32 s4, s19  }
0x9c: {  	s7 =	simm.s32 $0x0;
	s20 =	sshll.u32 s5, $0x1;
	s5 =	sadd.s32 s21, s3  }
0x9d: {  	[timem:s7], [sflag:s22] =	dma.local [hbm:s5], s20  }
0x9e: {  	_ =	swait.ge [sflag:s22], s20  }
0x9f: {  	s4 =	ssub.s32 $0x0, s20;
	[sflag:s22] =	ssyncset.done $0x0  }
0xa0: {  	[sflag:s22] =	ssyncadd.s32 s4;
	_ =	sdelay $0x1  }
0xa1: {  	s23 =	simm.s32 $0x1B8B  }
0xa2: {  	_ =	swait.ge [sflag:s23], $0x1  }
0xa3: {  	[sflag:s23] =	ssyncset.done $0x0  }
0xa4: {  	s25 =	simm.s32 $0x1B8E;
	s24 =	sld [smem:$0x3FFE];
	[sflag:s23] =	ssyncadd.s32 $0xFFFFFFFF  }
0xa5: {  	s26 =	simm.s32 $execute0_lowered;
	[smem:$0x3FD2] =	sst s25  }
0xa6: {  	s5 =	sshll.u32 s26, $0x1;
	_ =	strace $0x80000049;
	[dreg:$0x1] =	wrdreg $0xFFFFFFFF  }
0xa7: {  	s28 =	simm.s32 $_size_execute0_lowered;
	s3 =	sadd.s32 s3, s5;
	[dreg:$0x0] =	wrdreg $0x0  }
0xa8: {  	s5 =	sshll.u32 s28, $0x1;
	[dreg:$0x2] =	wrdreg s3  }
0xa9: {  	[dreg:$0x3] =	wrdreg s5  }
0xaa: {  	[dreg:$0x4] =	wrdreg $0xC0  }
0xab: {  	_ =	task [dreg:s7], $0x5FFFF  }
0xac: {  	[dreg:$0x1] =	wrdreg $0xFFFFFFFF  }
0xad: {  	[dreg:$0x0] =	wrdreg $0x60  }
0xae: {  	[dreg:$0x2] =	wrdreg s2  }
0xaf: {  	[dreg:$0x3] =	wrdreg s24  }
0xb0: {  	[dreg:$0x4] =	wrdreg $0x144000  }
0xb1: {  	[dreg:$0x5] =	wrdreg $0x9  }
0xb2: {  	_ =	task.clear_ibuf [dreg:s7], $0x6FFFF;
	_ =	strace $0x90000049  }
0xb3: {  	s29 =	simm.s32 $0x9;
	_ =	strace $0x8000004B  }
0xb4: {  	_ =	swait.ge [sflag:s29], $0x1  }
0xb5: {  	[sflag:s29] =	ssyncadd.s32 $0xFFFFFFFF  }
0xb6: {  	_ =	strace $0x9000004B  }
0xb7: {  	_ =	sfence  }
0xb8: {  	s30 =	sld [smem:$0x0];
	_ =	sdelay $0x2  }
0xb9: {  	s31 =	sshll.u32 s1, $0xD;
	s1 =	sshrl.u32 s1, $0x2  }
0xba: {  	s3 =	sand.u32 $0x4000, s31;
	s1 =	sadd.s32 s1, s30  }
0xbb: {  	s0 =	sor.u32 s3, s0;
	s1 =	sshll.u32 s1, $0x11  }
0xbc: {  	s0 =	sor.u32 s1, s0  }
0xbd: {  	s0 =	sadd.s32 $0x8F2B, s0  }
0xbe: {  	[sflag:s0] =	ssyncadd.remote.s32 $0x1  }
0xbf: {  	_ =	sfence.sel $0xFFFF  }
0xc0: {  	[dreg:$0x0] =	wrdreg $0xFFFFFFFF;
	(pc) =	sbr.abs _section_cstart, $3  }
0xc1: {  	[dreg:$0x1] =	wrdreg $0xFFFFFFFF  }
0xc2: {  	_ =	task.clear_ibuf [dreg:s7], $0x2FFFF;
	_ =	strace $0x9FFFFFFF  }
0xc3: {  	(tm) =	ssettm $0x7FFFFFFF  }
tec
execute0_lowered:
.L_overlay_start_1:
0x0: {  	(tag) =	ssettag $0x1  }
0x1: {  	s1 =	rddreg [dreg:$0x0]  }
0x2: {  	s0 =	rddreg [dreg:$0x1]  }
0x3: {  	s2 =	rddreg [dreg:$0x2]  }
0x4: {  	s3 =	srdreg.scid;
	s4 =	simm.s32 $0x0;
	s11 =	stileid.u32  }
0x5: {  	s13 =	simm.s32 $0x14000;
	s14 =	simm.s32 $0xC;
	s15 =	simm.s32 $0xB  }
0x6: {  	s16 =	simm.s32 $0x80;
	s18 =	simm.s32 $0x2000;
	s20 =	simm.s32 $0x4000  }
0x7: {  	s22 =	simm.s32 $0x6000;
	s23 =	simm.s32 $0x1;
	s28 =	simm.s32 $0x3  }
0x8: {  	s30 =	simm.s32 $0x2;
	s19 =	simm.s32 $0x4;
	s31 =	simm.s32 $0x6  }
0x9: {  	s21 =	simm.s32 $0x9;
	s17 =	simm.s32 $0x8;
	s10 =	smul.u32 $0xA000, s11  }
0xa: {  	s29 =	simm.s32 $0xA;
	s3 =	sand.u32 $0x1, s3;
	s7 =	smul.u32 $0xA00, s11  }
0xb: {  	[smem:$0x7FF] =	sst s4;
	s5 =	sadd.s32 $0x52800, s0;
	s11 =	smul.u32 $0x28000, s11  }
0xc: {  	s6 =	smul.u32 $0xA0000, s3;
	_ =	strace $0x8000004A;
	s8 =	ssub.s32 $0x2, s3  }
0xd: {  	p0 =	seq.s32 s3, $0x1;
	s3 =	simm.s32 $0x0;
	s9 =	sshrl.u32 s8, $0x1  }
0xe: {  	s7 =	sadd.s32 s7, s0;
	s25 =	sshrl.u32 s11, $0x2;
	s26 =	sadd.s32 s10, s2  }
.Ltmp0:
0xf: {  	s6 =	sadd.s32 s10, s6;
	s12 =	ssub.s32 s8, s9;
	(pc) =	sbr.rel .LBB2_1-.Ltmp0, $4  }
0x10: {  	s24 =	sadd.s32 $0x70800, s7;
	s7 =	sadd.s32 $0x66800, s7;
	s8 =	sadd.s32 s25, s2  }
0x11: {  	s25 =	sshrl.u32 s26, $0x3;
	s26 =	simm.s32 $0x8000;
	s6 =	sshrl.u32 s6, $0x3  }
0x12: {  	[dreg:$0x4] =	wrdreg s24;
	s10 =	smax.u32 s12, $0x1;
	s0 =	sadd.s32 s6, s0  }
0x13: {  	v0 =	vimm.f32 $0.0e+00;
	s24 =	simm.s32 $0x7;
	s9 =	sadd.s32 $0x7A800, s0;
	s0 =	simm.s32 $0x5  }
.LBB2_6:
0x14: {  	[tilespmem:s22], [sflag:$0x7] =	stream.indirect.gather [hbm4b:s1+s16], $0x40, s12, s16, $0xb8;
	[tilespmem:$0x1E400] =	vst v63  }
0x15: {  	_ =	swait.ge [sflag:s23], $0x2000  }
0x16: {  	[sflag:s23] =	ssyncset.done $0x0  }
0x17: {  	s6 =	simm.s32 $0x13D80;
	[sflag:s23] =	ssyncadd.s32 $0xFFFFE000  }
0x18: {  	[spmem:s2] =	stream.indirect.scatter.add.f32 [tilespmem:s4], [sflag:$0x2], $0x40, s6, s16, $0xb8;
	[tilespmem:$0x1E400] =	vst v63  }
0x19: {  	_ =	swait.ge [sflag:s29], $0x2000  }
0x1a: {  	[sflag:s29] =	ssyncset.done $0x0  }
0x1b: {  	s12 =	simm.s32 $0xEF80;
	[sflag:s29] =	ssyncadd.s32 $0xFFFFE000  }
0x1c: {  	[tilespmem:s26], [sflag:$0x9] =	stream.indirect.gather [hbm4b:s1+s16], $0x40, s12, s16, $0xb8;
	[tilespmem:$0x1E400] =	vst v63  }
.LBB2_10:
0x1d: {  	_ =	swait.ge [sflag:s28], $0x2000  }
0x1e: {  	[sflag:s28] =	ssyncset.done $0x0  }
0x1f: {  	s6 =	simm.s32 $0x13E00;
	[sflag:s28] =	ssyncadd.s32 $0xFFFFE000  }
0x20: {  	[spmem:s2] =	stream.indirect.scatter.add.f32 [tilespmem:s18], [sflag:$0x4], $0x40, s6, s16, $0xb8;
	[tilespmem:$0x1E400] =	vst v63  }
0x21: {  	_ =	swait.ge [sflag:s30], $0x2000  }
0x22: {  	[sflag:s30] =	ssyncset.done $0x0  }
0x23: {  	[sflag:s30] =	ssyncadd.s32 $0xFFFFE000  }
0x24: {  	_ =	swait.ge [sflag:s0], $0x2000  }
0x25: {  	[sflag:s0] =	ssyncset.done $0x0  }
0x26: {  	s11 =	simm.s32 $0x13E80;
	[sflag:s0] =	ssyncadd.s32 $0xFFFFE000  }
0x27: {  	[spmem:s2] =	stream.indirect.scatter.add.f32 [tilespmem:s20], [sflag:$0x6], $0x40, s11, s16, $0xb8;
	[tilespmem:$0x1E400] =	vst v63  }
0x28: {  	_ =	swait.ge [sflag:s19], $0x2000  }
0x29: {  	[sflag:s19] =	ssyncset.done $0x0  }
0x2a: {  	[sflag:s19] =	ssyncadd.s32 $0xFFFFE000  }
0x2b: {  	_ =	swait.ge [sflag:s24], $0x2000  }
0x2c: {  	[sflag:s24] =	ssyncset.done $0x0  }
0x2d: {  	s12 =	simm.s32 $0x13F00;
	[sflag:s24] =	ssyncadd.s32 $0xFFFFE000  }
0x2e: {  	[spmem:s2] =	stream.indirect.scatter.add.f32 [tilespmem:s22], [sflag:$0x8], $0x40, s12, s16, $0xb8;
	[tilespmem:$0x1E400] =	vst v63  }
0x2f: {  	_ =	swait.ge [sflag:s31], $0x2000  }
0x30: {  	[sflag:s31] =	ssyncset.done $0x0  }
0x31: {  	[sflag:s31] =	ssyncadd.s32 $0xFFFFE000  }
0x32: {  	_ =	swait.ge [sflag:s21], $0x2000  }
0x33: {  	[sflag:s21] =	ssyncset.done $0x0  }
0x34: {  	s11 =	simm.s32 $0x13F80;
	[sflag:s21] =	ssyncadd.s32 $0xFFFFE000  }
0x35: {  	[spmem:s2] =	stream.indirect.scatter.add.f32 [tilespmem:s26], [sflag:$0xA], $0x40, s11, s16, $0xb8;
	[tilespmem:$0x1E400] =	vst v63  }
0x36: {  	_ =	swait.ge [sflag:s17], $0x2000  }
0x37: {  	[sflag:s17] =	ssyncset.done $0x0  }
0x38: {  	[sflag:s17] =	ssyncadd.s32 $0xFFFFE000  }
0x39: {  	_ =	swait.ge [sflag:s29], $0x2000  }
0x3a: {  	s3 =	sadd.s32 $0x1, s3;
	s12 =	stileid.u32;
	[sflag:s29] =	ssyncset.done $0x0  }
0x3b: {  	p1 =	sne.s32 s3, s10;
	s6 =	sshll.u32 s12, $0x6;
	[sflag:s29] =	ssyncadd.s32 $0xFFFFE000  }
.Ltmp1:
0x3c: {  	s6 =	sor.u32 $0x1C0C, s6;
	[bflag:$0x0] =	sbarrier.arrive $0xFFFF;
	(pc) =	sbr.rel @!p1 .LBB2_11-.Ltmp1, $4  }
0x3d: {  	[hbm:s9], [sflag:s6] =	dma.local [spmem:s25], $0x1400  }
0x3e: {  	_ =	swait.ge [sflag:s14], $0x1400  }
0x3f: {  	[sflag:s14] =	ssyncset.done $0x0  }
0x40: {  	[sflag:s14] =	ssyncadd.s32 $0xFFFFEC00  }
.LBB2_1:
0x41: {  	s6 =	rddreg [dreg:$0x4];
	s11 =	simm.s32 $0xA000  }
0x42: {  	[tilespmem:s11], [sflag:$0xB] =	stream.linear.gather [hbm4b:s6+s4], $0x5000, $0x38;
	[tilespmem:$0x1E400] =	vst v63  }
0x43: {  	s11 =	simm.s32 $0xF000  }
0x44: {  	[tilespmem:s11], [sflag:$0xB] =	stream.linear.gather [hbm4b:s7+s4], $0x5000, $0x38;
	[tilespmem:$0x1E400] =	vst v63  }
0x45: {  	[tilespmem:$0x14000] =	vst v0  }
0x46: {  	[tilespmem:$0x14010] =	vst v0  }
0x47: {  	[tilespmem:$0x14020] =	vst v0  }
0x48: {  	[tilespmem:$0x14030] =	vst v0  }
0x49: {  	[tilespmem:$0x14040] =	vst v0  }
0x4a: {  	[tilespmem:$0x14050] =	vst v0  }
0x4b: {  	[tilespmem:$0x14060] =	vst v0  }
0x4c: {  	[tilespmem:$0x14070] =	vst v0  }
0x4d: {  	[tilespmem:$0x14080] =	vst v0  }
0x4e: {  	[tilespmem:$0x14090] =	vst v0  }
0x4f: {  	[tilespmem:$0x140A0] =	vst v0  }
0x50: {  	[tilespmem:$0x140B0] =	vst v0  }
0x51: {  	[tilespmem:$0x140C0] =	vst v0  }
0x52: {  	[tilespmem:$0x140D0] =	vst v0  }
0x53: {  	[tilespmem:$0x140E0] =	vst v0  }
0x54: {  	[tilespmem:$0x140F0] =	vst v0  }
0x55: {  	[tilespmem:$0x14100] =	vst v0  }
0x56: {  	[tilespmem:$0x14110] =	vst v0  }
0x57: {  	[tilespmem:$0x14120] =	vst v0  }
0x58: {  	[tilespmem:$0x14130] =	vst v0  }
0x59: {  	[tilespmem:$0x14140] =	vst v0  }
0x5a: {  	[tilespmem:$0x14150] =	vst v0  }
0x5b: {  	[tilespmem:$0x14160] =	vst v0  }
0x5c: {  	[tilespmem:$0x14170] =	vst v0  }
0x5d: {  	[tilespmem:$0x14180] =	vst v0  }
0x5e: {  	[tilespmem:$0x14190] =	vst v0  }
0x5f: {  	[tilespmem:$0x141A0] =	vst v0  }
0x60: {  	[tilespmem:$0x141B0] =	vst v0  }
0x61: {  	[tilespmem:$0x141C0] =	vst v0  }
0x62: {  	[tilespmem:$0x141D0] =	vst v0  }
0x63: {  	[tilespmem:$0x141E0] =	vst v0  }
0x64: {  	[tilespmem:$0x141F0] =	vst v0  }
0x65: {  	[tilespmem:$0x14200] =	vst v0  }
0x66: {  	[tilespmem:$0x14210] =	vst v0  }
0x67: {  	[tilespmem:$0x14220] =	vst v0  }
0x68: {  	[tilespmem:$0x14230] =	vst v0  }
0x69: {  	[tilespmem:$0x14240] =	vst v0  }
0x6a: {  	[tilespmem:$0x14250] =	vst v0  }
0x6b: {  	[tilespmem:$0x14260] =	vst v0  }
0x6c: {  	[tilespmem:$0x14270] =	vst v0  }
0x6d: {  	[tilespmem:$0x14280] =	vst v0  }
0x6e: {  	[tilespmem:$0x14290] =	vst v0  }
0x6f: {  	[tilespmem:$0x142A0] =	vst v0  }
0x70: {  	[tilespmem:$0x142B0] =	vst v0  }
0x71: {  	[tilespmem:$0x142C0] =	vst v0  }
0x72: {  	[tilespmem:$0x142D0] =	vst v0  }
0x73: {  	[tilespmem:$0x142E0] =	vst v0  }
0x74: {  	[tilespmem:$0x142F0] =	vst v0  }
0x75: {  	[tilespmem:$0x14300] =	vst v0  }
0x76: {  	[tilespmem:$0x14310] =	vst v0  }
0x77: {  	[tilespmem:$0x14320] =	vst v0  }
0x78: {  	[tilespmem:$0x14330] =	vst v0  }
0x79: {  	[tilespmem:$0x14340] =	vst v0  }
0x7a: {  	[tilespmem:$0x14350] =	vst v0  }
0x7b: {  	[tilespmem:$0x14360] =	vst v0  }
0x7c: {  	[tilespmem:$0x14370] =	vst v0  }
0x7d: {  	[tilespmem:$0x14380] =	vst v0  }
0x7e: {  	[tilespmem:$0x14390] =	vst v0  }
0x7f: {  	[tilespmem:$0x143A0] =	vst v0  }
0x80: {  	[tilespmem:$0x143B0] =	vst v0  }
0x81: {  	[tilespmem:$0x143C0] =	vst v0  }
0x82: {  	[tilespmem:$0x143D0] =	vst v0  }
0x83: {  	[tilespmem:$0x143E0] =	vst v0  }
0x84: {  	s12 =	sadd.s32 $0x0, s8;
	[tilespmem:$0x143F0] =	vst v0  }
0x85: {  	[spmem:s12] =	stream.linear.scatter [tilespmem:s13], [sflag:$0xC], $0x400, $0x38;
	[tilespmem:$0x1E400] =	vst v63  }
0x86: {  	s11 =	simm.s32 $0x1000;
	_ =	swait.ge [sflag:s14], $0x400  }
.LBB2_2:
0x87: {  	s12 =	sshra.s32 s11, $0x2;
	[sflag:s14] =	ssyncset.done $0x0;
	p1 =	sne.s32 s11, $0x27000  }
.Ltmp2:
0x88: {  	s12 =	sadd.s32 s12, s8;
	[sflag:s14] =	ssyncadd.s32 $0xFFFFFC00;
	(pc) =	sbr.rel @p1 .LBB2_2-.Ltmp2, $3  }
0x89: {  	[spmem:s12] =	stream.linear.scatter [tilespmem:s13], [sflag:$0xC], $0x400, $0x38;
	[tilespmem:$0x1E400] =	vst v63  }
0x8a: {  	s11 =	sadd.s32 $0x1000, s11;
	_ =	sdelay $0x1  }
0x8b: {  	_ =	swait.ge [sflag:s14], $0x400  }
0x8c: {  	[sflag:s14] =	ssyncset.done $0x0  }
0x8d: {  	[sflag:s14] =	ssyncadd.s32 $0xFFFFFC00  }
0x8e: {  	[bflag:$0x0] =	sbarrier.arrive $0xFFFF  }
0x8f: {  	_ =	swait.ge [sflag:s15], $0x5000  }
.Ltmp3:
0x90: {  	[sflag:s15] =	ssyncset.done $0x0;
	(pc) =	sbr.rel @!p0 .LBB2_4-.Ltmp3, $4  }
0x91: {  	[sflag:s15] =	ssyncadd.s32 $0xFFFFB000  }
0x92: {  	_ =	swait.ge [sflag:s15], $0x5000  }
0x93: {  	[sflag:s15] =	ssyncset.done $0x0  }
0x94: {  	[sflag:s15] =	ssyncadd.s32 $0xFFFFB000  }
0x95: {  	s6 =	simm.s32 $0x0;
	s11 =	simm.s32 $0xA000  }
0x96: {  	[tilespmem:s6], [sflag:$0x1] =	stream.indirect.gather [hbm4b:s5+s16], $0x40, s11, s16, $0xb8;
	[tilespmem:$0x1E400] =	vst v63  }
0x97: {  	s12 =	simm.s32 $0xA080  }
0x98: {  	[tilespmem:s18], [sflag:$0x3] =	stream.indirect.gather [hbm4b:s5+s16], $0x40, s12, s16, $0xb8;
	[tilespmem:$0x1E400] =	vst v63  }
0x99: {  	s12 =	simm.s32 $0xA100  }
0x9a: {  	[tilespmem:s20], [sflag:$0x5] =	stream.indirect.gather [hbm4b:s5+s16], $0x40, s12, s16, $0xb8;
	[tilespmem:$0x1E400] =	vst v63  }
0x9b: {  	s12 =	simm.s32 $0xA180  }
0x9c: {  	[tilespmem:s22], [sflag:$0x7] =	stream.indirect.gather [hbm4b:s5+s16], $0x40, s12, s16, $0xb8;
	[tilespmem:$0x1E400] =	vst v63  }
0x9d: {  	_ =	swait.ge [sflag:s23], $0x2000  }
0x9e: {  	[sflag:s23] =	ssyncset.done $0x0  }
0x9f: {  	s12 =	simm.s32 $0xF000;
	[sflag:s23] =	ssyncadd.s32 $0xFFFFE000  }
0xa0: {  	[spmem:s2] =	stream.indirect.scatter.add.f32 [tilespmem:s6], [sflag:$0x2], $0x40, s12, s16, $0xb8;
	[tilespmem:$0x1E400] =	vst v63  }
0xa1: {  	s12 =	simm.s32 $0xA200  }
0xa2: {  	[tilespmem:s26], [sflag:$0x9] =	stream.indirect.gather [hbm4b:s5+s16], $0x40, s12, s16, $0xb8;
	[tilespmem:$0x1E400] =	vst v63  }
0xa3: {  	_ =	swait.ge [sflag:s28], $0x2000  }
0xa4: {  	[sflag:s28] =	ssyncset.done $0x0  }
0xa5: {  	s12 =	simm.s32 $0xF080;
	[sflag:s28] =	ssyncadd.s32 $0xFFFFE000  }
0xa6: {  	[spmem:s2] =	stream.indirect.scatter.add.f32 [tilespmem:s18], [sflag:$0x4], $0x40, s12, s16, $0xb8;
	[tilespmem:$0x1E400] =	vst v63  }
0xa7: {  	_ =	swait.ge [sflag:s30], $0x2000  }
0xa8: {  	[sflag:s30] =	ssyncset.done $0x0  }
0xa9: {  	s12 =	simm.s32 $0xA280;
	[sflag:s30] =	ssyncadd.s32 $0xFFFFE000  }
0xaa: {  	[tilespmem:s6], [sflag:$0x1] =	stream.indirect.gather [hbm4b:s5+s16], $0x40, s12, s16, $0xb8;
	[tilespmem:$0x1E400] =	vst v63  }
0xab: {  	_ =	swait.ge [sflag:s0], $0x2000  }
0xac: {  	[sflag:s0] =	ssyncset.done $0x0  }
0xad: {  	s12 =	simm.s32 $0xF100;
	[sflag:s0] =	ssyncadd.s32 $0xFFFFE000  }
0xae: {  	[spmem:s2] =	stream.indirect.scatter.add.f32 [tilespmem:s20], [sflag:$0x6], $0x40, s12, s16, $0xb8;
	[tilespmem:$0x1E400] =	vst v63  }
0xaf: {  	_ =	swait.ge [sflag:s19], $0x2000  }
0xb0: {  	[sflag:s19] =	ssyncset.done $0x0  }
0xb1: {  	s11 =	simm.s32 $0xA300;
	[sflag:s19] =	ssyncadd.s32 $0xFFFFE000  }
0xb2: {  	[tilespmem:s18], [sflag:$0x3] =	stream.indirect.gather [hbm4b:s5+s16], $0x40, s11, s16, $0xb8;
	[tilespmem:$0x1E400] =	vst v63  }
0xb3: {  	_ =	swait.ge [sflag:s24], $0x2000  }
0xb4: {  	[sflag:s24] =	ssyncset.done $0x0  }
0xb5: {  	s12 =	simm.s32 $0xF180;
	[sflag:s24] =	ssyncadd.s32 $0xFFFFE000  }
0xb6: {  	[spmem:s2] =	stream.indirect.scatter.add.f32 [tilespmem:s22], [sflag:$0x8], $0x40, s12, s16, $0xb8;
	[tilespmem:$0x1E400] =	vst v63  }
0xb7: {  	_ =	swait.ge [sflag:s31], $0x2000  }
0xb8: {  	[sflag:s31] =	ssyncset.done $0x0  }
0xb9: {  	s11 =	simm.s32 $0xA380;
	[sflag:s31] =	ssyncadd.s32 $0xFFFFE000  }
0xba: {  	[tilespmem:s20], [sflag:$0x5] =	stream.indirect.gather [hbm4b:s5+s16], $0x40, s11, s16, $0xb8;
	[tilespmem:$0x1E400] =	vst v63  }
0xbb: {  	_ =	swait.ge [sflag:s21], $0x2000  }
0xbc: {  	[sflag:s21] =	ssyncset.done $0x0  }
0xbd: {  	s12 =	simm.s32 $0xF200;
	[sflag:s21] =	ssyncadd.s32 $0xFFFFE000  }
0xbe: {  	[spmem:s2] =	stream.indirect.scatter.add.f32 [tilespmem:s26], [sflag:$0xA], $0x40, s12, s16, $0xb8;
	[tilespmem:$0x1E400] =	vst v63  }
0xbf: {  	_ =	swait.ge [sflag:s17], $0x2000  }
0xc0: {  	[sflag:s17] =	ssyncset.done $0x0  }
0xc1: {  	s11 =	simm.s32 $0xA400;
	[sflag:s17] =	ssyncadd.s32 $0xFFFFE000  }
0xc2: {  	[tilespmem:s22], [sflag:$0x7] =	stream.indirect.gather [hbm4b:s5+s16], $0x40, s11, s16, $0xb8;
	[tilespmem:$0x1E400] =	vst v63  }
0xc3: {  	_ =	swait.ge [sflag:s23], $0x2000  }
0xc4: {  	[sflag:s23] =	ssyncset.done $0x0  }
0xc5: {  	s12 =	simm.s32 $0xF280;
	[sflag:s23] =	ssyncadd.s32 $0xFFFFE000  }
0xc6: {  	[spmem:s2] =	stream.indirect.scatter.add.f32 [tilespmem:s4], [sflag:$0x2], $0x40, s12, s16, $0xb8;
	[tilespmem:$0x1E400] =	vst v63  }
0xc7: {  	_ =	swait.ge [sflag:s29], $0x2000  }
0xc8: {  	[sflag:s29] =	ssyncset.done $0x0  }
0xc9: {  	s11 =	simm.s32 $0xA480;
	[sflag:s29] =	ssyncadd.s32 $0xFFFFE000  }
0xca: {  	[tilespmem:s26], [sflag:$0x9] =	stream.indirect.gather [hbm4b:s5+s16], $0x40, s11, s16, $0xb8;
	[tilespmem:$0x1E400] =	vst v63  }
0xcb: {  	_ =	swait.ge [sflag:s28], $0x2000  }
0xcc: {  	[sflag:s28] =	ssyncset.done $0x0  }
0xcd: {  	s12 =	simm.s32 $0xF300;
	[sflag:s28] =	ssyncadd.s32 $0xFFFFE000  }
0xce: {  	[spmem:s2] =	stream.indirect.scatter.add.f32 [tilespmem:s18], [sflag:$0x4], $0x40, s12, s16, $0xb8;
	[tilespmem:$0x1E400] =	vst v63  }
0xcf: {  	_ =	swait.ge [sflag:s30], $0x2000  }
0xd0: {  	[sflag:s30] =	ssyncset.done $0x0  }
0xd1: {  	s11 =	simm.s32 $0xA500;
	[sflag:s30] =	ssyncadd.s32 $0xFFFFE000  }
0xd2: {  	[tilespmem:s4], [sflag:$0x1] =	stream.indirect.gather [hbm4b:s5+s16], $0x40, s11, s16, $0xb8;
	[tilespmem:$0x1E400] =	vst v63  }
0xd3: {  	_ =	swait.ge [sflag:s0], $0x2000  }
0xd4: {  	[sflag:s0] =	ssyncset.done $0x0  }
0xd5: {  	s12 =	simm.s32 $0xF380;
	[sflag:s0] =	ssyncadd.s32 $0xFFFFE000  }
0xd6: {  	[spmem:s2] =	stream.indirect.scatter.add.f32 [tilespmem:s20], [sflag:$0x6], $0x40, s12, s16, $0xb8;
	[tilespmem:$0x1E400] =	vst v63  }
0xd7: {  	_ =	swait.ge [sflag:s19], $0x2000  }
0xd8: {  	[sflag:s19] =	ssyncset.done $0x0  }
0xd9: {  	s11 =	simm.s32 $0xA580;
	[sflag:s19] =	ssyncadd.s32 $0xFFFFE000  }
0xda: {  	[tilespmem:s18], [sflag:$0x3] =	stream.indirect.gather [hbm4b:s5+s16], $0x40, s11, s16, $0xb8;
	[tilespmem:$0x1E400] =	vst v63  }
0xdb: {  	_ =	swait.ge [sflag:s24], $0x2000  }
0xdc: {  	[sflag:s24] =	ssyncset.done $0x0  }
0xdd: {  	s12 =	simm.s32 $0xF400;
	[sflag:s24] =	ssyncadd.s32 $0xFFFFE000  }
0xde: {  	[spmem:s2] =	stream.indirect.scatter.add.f32 [tilespmem:s22], [sflag:$0x8], $0x40, s12, s16, $0xb8;
	[tilespmem:$0x1E400] =	vst v63  }
0xdf: {  	_ =	swait.ge [sflag:s31], $0x2000  }
0xe0: {  	[sflag:s31] =	ssyncset.done $0x0  }
0xe1: {  	s11 =	simm.s32 $0xA600;
	[sflag:s31] =	ssyncadd.s32 $0xFFFFE000  }
0xe2: {  	[tilespmem:s20], [sflag:$0x5] =	stream.indirect.gather [hbm4b:s5+s16], $0x40, s11, s16, $0xb8;
	[tilespmem:$0x1E400] =	vst v63  }
0xe3: {  	_ =	swait.ge [sflag:s21], $0x2000  }
0xe4: {  	[sflag:s21] =	ssyncset.done $0x0  }
0xe5: {  	s12 =	simm.s32 $0xF480;
	[sflag:s21] =	ssyncadd.s32 $0xFFFFE000  }
0xe6: {  	[spmem:s2] =	stream.indirect.scatter.add.f32 [tilespmem:s26], [sflag:$0xA], $0x40, s12, s16, $0xb8;
	[tilespmem:$0x1E400] =	vst v63  }
0xe7: {  	_ =	swait.ge [sflag:s17], $0x2000  }
0xe8: {  	[sflag:s17] =	ssyncset.done $0x0  }
0xe9: {  	s11 =	simm.s32 $0xA00;
	s12 =	simm.s32 $0xA680;
	[sflag:s17] =	ssyncadd.s32 $0xFFFFE000  }
.LBB2_8:
0xea: {  	[tilespmem:s22], [sflag:$0x7] =	stream.indirect.gather [hbm4b:s5+s16], $0x40, s12, s16, $0xb8;
	[tilespmem:$0x1E400] =	vst v63  }
0xeb: {  	s6 =	smov.u32 s11  }
0xec: {  	p1 =	sne.s32 s11, $0x12200;
	s11 =	sadd.s32 $0xA00, s11;
	_ =	swait.ge [sflag:s23], $0x2000  }
0xed: {  	s12 =	sshra.s32 s6, $0x2;
	[sflag:s23] =	ssyncset.done $0x0  }
0xee: {  	s6 =	sadd.s32 $0xF280, s12;
	[sflag:s23] =	ssyncadd.s32 $0xFFFFE000  }
0xef: {  	[spmem:s2] =	stream.indirect.scatter.add.f32 [tilespmem:s4], [sflag:$0x2], $0x40, s6, s16, $0xb8;
	[tilespmem:$0x1E400] =	vst v63  }
0xf0: {  	_ =	swait.ge [sflag:s29], $0x2000  }
0xf1: {  	[sflag:s29] =	ssyncset.done $0x0  }
0xf2: {  	s6 =	sadd.s32 $0xA480, s12;
	[sflag:s29] =	ssyncadd.s32 $0xFFFFE000  }
0xf3: {  	[tilespmem:s26], [sflag:$0x9] =	stream.indirect.gather [hbm4b:s5+s16], $0x40, s6, s16, $0xb8;
	[tilespmem:$0x1E400] =	vst v63  }
0xf4: {  	_ =	swait.ge [sflag:s28], $0x2000  }
0xf5: {  	[sflag:s28] =	ssyncset.done $0x0  }
0xf6: {  	s6 =	sadd.s32 $0xF300, s12;
	[sflag:s28] =	ssyncadd.s32 $0xFFFFE000  }
0xf7: {  	[spmem:s2] =	stream.indirect.scatter.add.f32 [tilespmem:s18], [sflag:$0x4], $0x40, s6, s16, $0xb8;
	[tilespmem:$0x1E400] =	vst v63  }
0xf8: {  	_ =	swait.ge [sflag:s30], $0x2000  }
0xf9: {  	[sflag:s30] =	ssyncset.done $0x0  }
0xfa: {  	s6 =	sadd.s32 $0xA500, s12;
	[sflag:s30] =	ssyncadd.s32 $0xFFFFE000  }
0xfb: {  	[tilespmem:s4], [sflag:$0x1] =	stream.indirect.gather [hbm4b:s5+s16], $0x40, s6, s16, $0xb8;
	[tilespmem:$0x1E400] =	vst v63  }
0xfc: {  	_ =	swait.ge [sflag:s0], $0x2000  }
0xfd: {  	[sflag:s0] =	ssyncset.done $0x0  }
0xfe: {  	s6 =	sadd.s32 $0xF380, s12;
	[sflag:s0] =	ssyncadd.s32 $0xFFFFE000  }
0xff: {  	[spmem:s2] =	stream.indirect.scatter.add.f32 [tilespmem:s20], [sflag:$0x6], $0x40, s6, s16, $0xb8;
	[tilespmem:$0x1E400] =	vst v63  }
0x100: {  	_ =	swait.ge [sflag:s19], $0x2000  }
0x101: {  	[sflag:s19] =	ssyncset.done $0x0  }
0x102: {  	s6 =	sadd.s32 $0xA580, s12;
	[sflag:s19] =	ssyncadd.s32 $0xFFFFE000  }
0x103: {  	[tilespmem:s18], [sflag:$0x3] =	stream.indirect.gather [hbm4b:s5+s16], $0x40, s6, s16, $0xb8;
	[tilespmem:$0x1E400] =	vst v63  }
0x104: {  	_ =	swait.ge [sflag:s24], $0x2000  }
0x105: {  	[sflag:s24] =	ssyncset.done $0x0  }
0x106: {  	s6 =	sadd.s32 $0xF400, s12;
	[sflag:s24] =	ssyncadd.s32 $0xFFFFE000  }
0x107: {  	[spmem:s2] =	stream.indirect.scatter.add.f32 [tilespmem:s22], [sflag:$0x8], $0x40, s6, s16, $0xb8;
	[tilespmem:$0x1E400] =	vst v63  }
0x108: {  	_ =	swait.ge [sflag:s31], $0x2000  }
0x109: {  	[sflag:s31] =	ssyncset.done $0x0  }
0x10a: {  	s6 =	sadd.s32 $0xA600, s12;
	[sflag:s31] =	ssyncadd.s32 $0xFFFFE000  }
0x10b: {  	[tilespmem:s20], [sflag:$0x5] =	stream.indirect.gather [hbm4b:s5+s16], $0x40, s6, s16, $0xb8;
	[tilespmem:$0x1E400] =	vst v63  }
0x10c: {  	_ =	swait.ge [sflag:s21], $0x2000  }
0x10d: {  	[sflag:s21] =	ssyncset.done $0x0  }
.Ltmp4:
0x10e: {  	s6 =	sadd.s32 $0xF480, s12;
	[sflag:s21] =	ssyncadd.s32 $0xFFFFE000;
	(pc) =	sbr.rel @p1 .LBB2_8-.Ltmp4, $4  }
0x10f: {  	[spmem:s2] =	stream.indirect.scatter.add.f32 [tilespmem:s26], [sflag:$0xA], $0x40, s6, s16, $0xb8;
	[tilespmem:$0x1E400] =	vst v63  }
0x110: {  	_ =	swait.ge [sflag:s17], $0x2000  }
0x111: {  	[sflag:s17] =	ssyncset.done $0x0  }
0x112: {  	s12 =	sadd.s32 $0xA680, s12;
	[sflag:s17] =	ssyncadd.s32 $0xFFFFE000  }
0x113: {  	[tilespmem:s22], [sflag:$0x7] =	stream.indirect.gather [hbm4b:s5+s16], $0x40, s12, s16, $0xb8;
	[tilespmem:$0x1E400] =	vst v63  }
0x114: {  	_ =	swait.ge [sflag:s23], $0x2000  }
0x115: {  	[sflag:s23] =	ssyncset.done $0x0  }
0x116: {  	s6 =	simm.s32 $0x13D80;
	[sflag:s23] =	ssyncadd.s32 $0xFFFFE000  }
0x117: {  	[spmem:s2] =	stream.indirect.scatter.add.f32 [tilespmem:s4], [sflag:$0x2], $0x40, s6, s16, $0xb8;
	[tilespmem:$0x1E400] =	vst v63  }
.Ltmp5:
0x118: {  	_ = 	snop;
	(pc) =	sbr.rel .LBB2_10-.Ltmp5, $4  }
0x119: {  	_ =	swait.ge [sflag:s29], $0x2000  }
0x11a: {  	[sflag:s29] =	ssyncset.done $0x0  }
0x11b: {  	s12 =	simm.s32 $0xEF80;
	[sflag:s29] =	ssyncadd.s32 $0xFFFFE000  }
0x11c: {  	[tilespmem:s26], [sflag:$0x9] =	stream.indirect.gather [hbm4b:s5+s16], $0x40, s12, s16, $0xb8;
	[tilespmem:$0x1E400] =	vst v63  }
.LBB2_4:
0x11d: {  	s11 =	simm.s32 $0x0;
	s6 =	simm.s32 $0xA000  }
0x11e: {  	[tilespmem:s11], [sflag:$0x1] =	stream.indirect.gather [hbm4b:s1+s16], $0x40, s6, s16, $0xb8;
	[tilespmem:$0x1E400] =	vst v63  }
0x11f: {  	s12 =	simm.s32 $0xA080  }
0x120: {  	[tilespmem:s18], [sflag:$0x3] =	stream.indirect.gather [hbm4b:s1+s16], $0x40, s12, s16, $0xb8;
	[tilespmem:$0x1E400] =	vst v63  }
0x121: {  	s12 =	simm.s32 $0xA100  }
0x122: {  	[tilespmem:s20], [sflag:$0x5] =	stream.indirect.gather [hbm4b:s1+s16], $0x40, s12, s16, $0xb8;
	[tilespmem:$0x1E400] =	vst v63  }
0x123: {  	s12 =	simm.s32 $0xA180  }
0x124: {  	[tilespmem:s22], [sflag:$0x7] =	stream.indirect.gather [hbm4b:s1+s16], $0x40, s12, s16, $0xb8;
	[tilespmem:$0x1E400] =	vst v63  }
0x125: {  	_ =	swait.ge [sflag:s23], $0x2000  }
0x126: {  	[sflag:s23] =	ssyncset.done $0x0  }
0x127: {  	s12 =	simm.s32 $0xF000;
	[sflag:s23] =	ssyncadd.s32 $0xFFFFE000  }
0x128: {  	[spmem:s2] =	stream.indirect.scatter.add.f32 [tilespmem:s11], [sflag:$0x2], $0x40, s12, s16, $0xb8;
	[tilespmem:$0x1E400] =	vst v63  }
0x129: {  	s12 =	simm.s32 $0xA200  }
0x12a: {  	[tilespmem:s26], [sflag:$0x9] =	stream.indirect.gather [hbm4b:s1+s16], $0x40, s12, s16, $0xb8;
	[tilespmem:$0x1E400] =	vst v63  }
0x12b: {  	_ =	swait.ge [sflag:s28], $0x2000  }
0x12c: {  	[sflag:s28] =	ssyncset.done $0x0  }
0x12d: {  	s12 =	simm.s32 $0xF080;
	[sflag:s28] =	ssyncadd.s32 $0xFFFFE000  }
0x12e: {  	[spmem:s2] =	stream.indirect.scatter.add.f32 [tilespmem:s18], [sflag:$0x4], $0x40, s12, s16, $0xb8;
	[tilespmem:$0x1E400] =	vst v63  }
0x12f: {  	_ =	swait.ge [sflag:s30], $0x2000  }
0x130: {  	[sflag:s30] =	ssyncset.done $0x0  }
0x131: {  	s12 =	simm.s32 $0xA280;
	[sflag:s30] =	ssyncadd.s32 $0xFFFFE000  }
0x132: {  	[tilespmem:s11], [sflag:$0x1] =	stream.indirect.gather [hbm4b:s1+s16], $0x40, s12, s16, $0xb8;
	[tilespmem:$0x1E400] =	vst v63  }
0x133: {  	_ =	swait.ge [sflag:s0], $0x2000  }
0x134: {  	[sflag:s0] =	ssyncset.done $0x0  }
0x135: {  	s12 =	simm.s32 $0xF100;
	[sflag:s0] =	ssyncadd.s32 $0xFFFFE000  }
0x136: {  	[spmem:s2] =	stream.indirect.scatter.add.f32 [tilespmem:s20], [sflag:$0x6], $0x40, s12, s16, $0xb8;
	[tilespmem:$0x1E400] =	vst v63  }
0x137: {  	_ =	swait.ge [sflag:s19], $0x2000  }
0x138: {  	[sflag:s19] =	ssyncset.done $0x0  }
0x139: {  	s11 =	simm.s32 $0xA300;
	[sflag:s19] =	ssyncadd.s32 $0xFFFFE000  }
0x13a: {  	[tilespmem:s18], [sflag:$0x3] =	stream.indirect.gather [hbm4b:s1+s16], $0x40, s11, s16, $0xb8;
	[tilespmem:$0x1E400] =	vst v63  }
0x13b: {  	_ =	swait.ge [sflag:s24], $0x2000  }
0x13c: {  	[sflag:s24] =	ssyncset.done $0x0  }
0x13d: {  	s12 =	simm.s32 $0xF180;
	[sflag:s24] =	ssyncadd.s32 $0xFFFFE000  }
0x13e: {  	[spmem:s2] =	stream.indirect.scatter.add.f32 [tilespmem:s22], [sflag:$0x8], $0x40, s12, s16, $0xb8;
	[tilespmem:$0x1E400] =	vst v63  }
0x13f: {  	_ =	swait.ge [sflag:s31], $0x2000  }
0x140: {  	[sflag:s31] =	ssyncset.done $0x0  }
0x141: {  	s11 =	simm.s32 $0xA380;
	[sflag:s31] =	ssyncadd.s32 $0xFFFFE000  }
0x142: {  	[tilespmem:s20], [sflag:$0x5] =	stream.indirect.gather [hbm4b:s1+s16], $0x40, s11, s16, $0xb8;
	[tilespmem:$0x1E400] =	vst v63  }
0x143: {  	_ =	swait.ge [sflag:s21], $0x2000  }
0x144: {  	[sflag:s21] =	ssyncset.done $0x0  }
0x145: {  	s12 =	simm.s32 $0xF200;
	[sflag:s21] =	ssyncadd.s32 $0xFFFFE000  }
0x146: {  	[spmem:s2] =	stream.indirect.scatter.add.f32 [tilespmem:s26], [sflag:$0xA], $0x40, s12, s16, $0xb8;
	[tilespmem:$0x1E400] =	vst v63  }
0x147: {  	_ =	swait.ge [sflag:s17], $0x2000  }
0x148: {  	[sflag:s17] =	ssyncset.done $0x0  }
0x149: {  	s11 =	simm.s32 $0xA400;
	[sflag:s17] =	ssyncadd.s32 $0xFFFFE000  }
0x14a: {  	[tilespmem:s22], [sflag:$0x7] =	stream.indirect.gather [hbm4b:s1+s16], $0x40, s11, s16, $0xb8;
	[tilespmem:$0x1E400] =	vst v63  }
0x14b: {  	_ =	swait.ge [sflag:s23], $0x2000  }
0x14c: {  	[sflag:s23] =	ssyncset.done $0x0  }
0x14d: {  	s12 =	simm.s32 $0xF280;
	[sflag:s23] =	ssyncadd.s32 $0xFFFFE000  }
0x14e: {  	[spmem:s2] =	stream.indirect.scatter.add.f32 [tilespmem:s4], [sflag:$0x2], $0x40, s12, s16, $0xb8;
	[tilespmem:$0x1E400] =	vst v63  }
0x14f: {  	_ =	swait.ge [sflag:s29], $0x2000  }
0x150: {  	[sflag:s29] =	ssyncset.done $0x0  }
0x151: {  	s6 =	simm.s32 $0xA480;
	[sflag:s29] =	ssyncadd.s32 $0xFFFFE000  }
0x152: {  	[tilespmem:s26], [sflag:$0x9] =	stream.indirect.gather [hbm4b:s1+s16], $0x40, s6, s16, $0xb8;
	[tilespmem:$0x1E400] =	vst v63  }
0x153: {  	_ =	swait.ge [sflag:s28], $0x2000  }
0x154: {  	[sflag:s28] =	ssyncset.done $0x0  }
0x155: {  	s12 =	simm.s32 $0xF300;
	[sflag:s28] =	ssyncadd.s32 $0xFFFFE000  }
0x156: {  	[spmem:s2] =	stream.indirect.scatter.add.f32 [tilespmem:s18], [sflag:$0x4], $0x40, s12, s16, $0xb8;
	[tilespmem:$0x1E400] =	vst v63  }
0x157: {  	_ =	swait.ge [sflag:s30], $0x2000  }
0x158: {  	[sflag:s30] =	ssyncset.done $0x0  }
0x159: {  	s6 =	simm.s32 $0xA500;
	[sflag:s30] =	ssyncadd.s32 $0xFFFFE000  }
0x15a: {  	[tilespmem:s4], [sflag:$0x1] =	stream.indirect.gather [hbm4b:s1+s16], $0x40, s6, s16, $0xb8;
	[tilespmem:$0x1E400] =	vst v63  }
0x15b: {  	_ =	swait.ge [sflag:s0], $0x2000  }
0x15c: {  	[sflag:s0] =	ssyncset.done $0x0  }
0x15d: {  	s12 =	simm.s32 $0xF380;
	[sflag:s0] =	ssyncadd.s32 $0xFFFFE000  }
0x15e: {  	[spmem:s2] =	stream.indirect.scatter.add.f32 [tilespmem:s20], [sflag:$0x6], $0x40, s12, s16, $0xb8;
	[tilespmem:$0x1E400] =	vst v63  }
0x15f: {  	_ =	swait.ge [sflag:s19], $0x2000  }
0x160: {  	[sflag:s19] =	ssyncset.done $0x0  }
0x161: {  	s6 =	simm.s32 $0xA580;
	[sflag:s19] =	ssyncadd.s32 $0xFFFFE000  }
0x162: {  	[tilespmem:s18], [sflag:$0x3] =	stream.indirect.gather [hbm4b:s1+s16], $0x40, s6, s16, $0xb8;
	[tilespmem:$0x1E400] =	vst v63  }
0x163: {  	_ =	swait.ge [sflag:s24], $0x2000  }
0x164: {  	[sflag:s24] =	ssyncset.done $0x0  }
0x165: {  	s12 =	simm.s32 $0xF400;
	[sflag:s24] =	ssyncadd.s32 $0xFFFFE000  }
0x166: {  	[spmem:s2] =	stream.indirect.scatter.add.f32 [tilespmem:s22], [sflag:$0x8], $0x40, s12, s16, $0xb8;
	[tilespmem:$0x1E400] =	vst v63  }
0x167: {  	_ =	swait.ge [sflag:s31], $0x2000  }
0x168: {  	[sflag:s31] =	ssyncset.done $0x0  }
0x169: {  	s6 =	simm.s32 $0xA600;
	[sflag:s31] =	ssyncadd.s32 $0xFFFFE000  }
0x16a: {  	[tilespmem:s20], [sflag:$0x5] =	stream.indirect.gather [hbm4b:s1+s16], $0x40, s6, s16, $0xb8;
	[tilespmem:$0x1E400] =	vst v63  }
0x16b: {  	_ =	swait.ge [sflag:s21], $0x2000  }
0x16c: {  	[sflag:s21] =	ssyncset.done $0x0  }
0x16d: {  	s12 =	simm.s32 $0xF480;
	[sflag:s21] =	ssyncadd.s32 $0xFFFFE000  }
0x16e: {  	[spmem:s2] =	stream.indirect.scatter.add.f32 [tilespmem:s26], [sflag:$0xA], $0x40, s12, s16, $0xb8;
	[tilespmem:$0x1E400] =	vst v63  }
0x16f: {  	_ =	swait.ge [sflag:s17], $0x2000  }
0x170: {  	[sflag:s17] =	ssyncset.done $0x0  }
0x171: {  	s11 =	simm.s32 $0xA00;
	s12 =	simm.s32 $0xA680;
	[sflag:s17] =	ssyncadd.s32 $0xFFFFE000  }
.LBB2_5:
0x172: {  	[tilespmem:s22], [sflag:$0x7] =	stream.indirect.gather [hbm4b:s1+s16], $0x40, s12, s16, $0xb8;
	[tilespmem:$0x1E400] =	vst v63  }
0x173: {  	s12 =	smov.u32 s11  }
0x174: {  	p1 =	sne.s32 s11, $0x12200;
	s11 =	sadd.s32 $0xA00, s11;
	_ =	swait.ge [sflag:s23], $0x2000  }
0x175: {  	s12 =	sshra.s32 s12, $0x2;
	[sflag:s23] =	ssyncset.done $0x0  }
0x176: {  	s6 =	sadd.s32 $0xF280, s12;
	[sflag:s23] =	ssyncadd.s32 $0xFFFFE000  }
0x177: {  	[spmem:s2] =	stream.indirect.scatter.add.f32 [tilespmem:s4], [sflag:$0x2], $0x40, s6, s16, $0xb8;
	[tilespmem:$0x1E400] =	vst v63  }
0x178: {  	_ =	swait.ge [sflag:s29], $0x2000  }
0x179: {  	[sflag:s29] =	ssyncset.done $0x0  }
0x17a: {  	s6 =	sadd.s32 $0xA480, s12;
	[sflag:s29] =	ssyncadd.s32 $0xFFFFE000  }
0x17b: {  	[tilespmem:s26], [sflag:$0x9] =	stream.indirect.gather [hbm4b:s1+s16], $0x40, s6, s16, $0xb8;
	[tilespmem:$0x1E400] =	vst v63  }
0x17c: {  	_ =	swait.ge [sflag:s28], $0x2000  }
0x17d: {  	[sflag:s28] =	ssyncset.done $0x0  }
0x17e: {  	s6 =	sadd.s32 $0xF300, s12;
	[sflag:s28] =	ssyncadd.s32 $0xFFFFE000  }
0x17f: {  	[spmem:s2] =	stream.indirect.scatter.add.f32 [tilespmem:s18], [sflag:$0x4], $0x40, s6, s16, $0xb8;
	[tilespmem:$0x1E400] =	vst v63  }
0x180: {  	_ =	swait.ge [sflag:s30], $0x2000  }
0x181: {  	[sflag:s30] =	ssyncset.done $0x0  }
0x182: {  	s6 =	sadd.s32 $0xA500, s12;
	[sflag:s30] =	ssyncadd.s32 $0xFFFFE000  }
0x183: {  	[tilespmem:s4], [sflag:$0x1] =	stream.indirect.gather [hbm4b:s1+s16], $0x40, s6, s16, $0xb8;
	[tilespmem:$0x1E400] =	vst v63  }
0x184: {  	_ =	swait.ge [sflag:s0], $0x2000  }
0x185: {  	[sflag:s0] =	ssyncset.done $0x0  }
0x186: {  	s6 =	sadd.s32 $0xF380, s12;
	[sflag:s0] =	ssyncadd.s32 $0xFFFFE000  }
0x187: {  	[spmem:s2] =	stream.indirect.scatter.add.f32 [tilespmem:s20], [sflag:$0x6], $0x40, s6, s16, $0xb8;
	[tilespmem:$0x1E400] =	vst v63  }
0x188: {  	_ =	swait.ge [sflag:s19], $0x2000  }
0x189: {  	[sflag:s19] =	ssyncset.done $0x0  }
0x18a: {  	s6 =	sadd.s32 $0xA580, s12;
	[sflag:s19] =	ssyncadd.s32 $0xFFFFE000  }
0x18b: {  	[tilespmem:s18], [sflag:$0x3] =	stream.indirect.gather [hbm4b:s1+s16], $0x40, s6, s16, $0xb8;
	[tilespmem:$0x1E400] =	vst v63  }
0x18c: {  	_ =	swait.ge [sflag:s24], $0x2000  }
0x18d: {  	[sflag:s24] =	ssyncset.done $0x0  }
0x18e: {  	s6 =	sadd.s32 $0xF400, s12;
	[sflag:s24] =	ssyncadd.s32 $0xFFFFE000  }
0x18f: {  	[spmem:s2] =	stream.indirect.scatter.add.f32 [tilespmem:s22], [sflag:$0x8], $0x40, s6, s16, $0xb8;
	[tilespmem:$0x1E400] =	vst v63  }
0x190: {  	_ =	swait.ge [sflag:s31], $0x2000  }
0x191: {  	[sflag:s31] =	ssyncset.done $0x0  }
0x192: {  	s6 =	sadd.s32 $0xA600, s12;
	[sflag:s31] =	ssyncadd.s32 $0xFFFFE000  }
0x193: {  	[tilespmem:s20], [sflag:$0x5] =	stream.indirect.gather [hbm4b:s1+s16], $0x40, s6, s16, $0xb8;
	[tilespmem:$0x1E400] =	vst v63  }
0x194: {  	_ =	swait.ge [sflag:s21], $0x2000  }
0x195: {  	[sflag:s21] =	ssyncset.done $0x0  }
.Ltmp6:
0x196: {  	s6 =	sadd.s32 $0xF480, s12;
	[sflag:s21] =	ssyncadd.s32 $0xFFFFE000;
	(pc) =	sbr.rel @p1 .LBB2_5-.Ltmp6, $4  }
0x197: {  	[spmem:s2] =	stream.indirect.scatter.add.f32 [tilespmem:s26], [sflag:$0xA], $0x40, s6, s16, $0xb8;
	[tilespmem:$0x1E400] =	vst v63  }
0x198: {  	_ =	swait.ge [sflag:s17], $0x2000  }
0x199: {  	[sflag:s17] =	ssyncset.done $0x0  }
0x19a: {  	s12 =	sadd.s32 $0xA680, s12;
	[sflag:s17] =	ssyncadd.s32 $0xFFFFE000  }
.Ltmp7:
0x19b: {  	_ = 	snop;
	(pc) =	sbr.rel .LBB2_6-.Ltmp7, $1  }
0x19c: {  	_ =	sdelay $0x3  }
.LBB2_11:
0x19d: {  	_ =	sfence.sel $0x180000  }
0x19e: {  	[bflag:$0x0] =	sbarrier.arrive $0xFFFF  }
0x19f: {  	_ =	strace $0x9000004A  }
0x1a0: {  	s0 =	stileid.u32;
	[bflag:$0x2] =	sbarrier.arrive $0xFFFF  }
0x1a1: {  	p0 =	sne.s32 s0, $0x0;
	s0 =	rddreg [dreg:$0x3]  }
0x1a2: {  	s0 =	sadd.s32 @!p0 $0x100000, s0  }
0x1a3: {  	[sflag:s0] =	ssyncadd.tile.s32 @!p0 $0x1;
	_ =	shalt  }
.Lfunc_end2:
_tile_overlayer_lowered:
.L_overlay_start_2:
0x1a4: {  	(tag) =	ssettag $0x2  }
0x1a5: {  	s0 =	rddreg [dreg:$0x0];
	s2 =	stileid.u32  }
0x1a6: {  	s1 =	rddreg [dreg:$0x1];
	p0 =	sne.s32 s2, $0x0  }
0x1a7: {  	s3 =	rddreg [dreg:$0x2];
	[bflag:$0x3] =	sbarrier.arrive $0xFFFF;
	s2 =	simm.s32 @!p0 $0x1C0C  }
0x1a8: {  	[timem:s3], [sflag:s2] =	dma.local @!p0 [hbm:s0], s1  }
0x1a9: {  	s0 =	simm.s32 @!p0 $0xC  }
0x1aa: {  	_ =	swait.ge @!p0 [sflag:s0], s1  }
0x1ab: {  	s1 =	ssub.s32 @!p0 $0x0, s1;
	[sflag:s0] =	ssyncset.done @!p0 $0x0  }
0x1ac: {  	[sflag:s0] =	ssyncadd.s32 @!p0 s1  }
0x1ad: {  	[bflag:$0x3] =	sbarrier.arrive $0xFFFF  }
0x1ae: {  	_ =	shalt  }

// kernel: kernel.7.cloned.1.call-start
scs
__scs_entry_jumppad:
0x0: {  	(pc) =	sbr.rel $0x88, $3  }
0x1: {  	(tag) =	ssettag $0x0;
	lr =	simm.s32 $0x1  }
0x2: {  	[smem:$0x3F99] =	sst lr;
	_ =	strace $0xD0000000  }
0x3: {  	_ = 	snop  }
0x4: {  	_ = 	snop  }
0x5: {  	_ = 	snop  }
0x6: {  	_ = 	snop  }
0x7: {  	_ = 	snop  }
__scs_overlays_trampoline_lowered:
0x8: {  	[smem:$0x3FA8] =	sst s0  }
0x9: {  	[smem:$0x3FA9] =	sst s1  }
0xa: {  	[smem:$0x3FAA] =	sst s2  }
0xb: {  	[smem:$0x3FAB] =	sst s3  }
0xc: {  	[smem:$0x3FAC] =	sst s4  }
0xd: {  	[smem:$0x3FAD] =	sst s5  }
0xe: {  	[smem:$0x3FAE] =	sst s6  }
0xf: {  	[smem:$0x3FAF] =	sst s7  }
0x10: {  	[smem:$0x3FB0] =	sst s8  }
0x11: {  	[smem:$0x3FB1] =	sst s9;
	s0 =	simm.s32 @!p0 $0x0  }
0x12: {  	s1 =	sld [smem:$0x3F97];
	s0 =	simm.s32 @p0 $0x1  }
0x13: {  	[smem:$0x3FB2] =	sst s0;
	s0 =	simm.s32 @!p1 $0x0  }
0x14: {  	s2 =	sld [smem:$0x3F96];
	s0 =	simm.s32 @p1 $0x1  }
0x15: {  	[smem:$0x3FB3] =	sst s0;
	s0 =	simm.s32 @!p2 $0x0  }
0x16: {  	s3 =	sld [smem:$0x3FDB];
	s0 =	simm.s32 @p2 $0x1  }
0x17: {  	s4 =	simm.s32 $0x1BF5;
	[smem:$0x3FB5] =	sst s0  }
0x18: {  	s0 =	sld [smem:$0x3F98];
	_ =	swait.ge [sflag:s4], $0x0  }
0x19: {  	s7 =	sld [smem:$0x3F99]  }
0x1a: {  	s8 =	sadd.s32 $0xFFFFE003, lr  }
0x1b: {  	s9 =	sadd.s32 $0xFFFFFEF7, lr;
	s5 =	simm.s32 $0xFFFFFFFF;
	p2 =	slt.u32 s8, $0xFFFFF086  }
0x1c: {  	p1 =	slt.u32 s9, $0xF7A;
	s5 =	simm.s32 @!p2 $0x0  }
0x1d: {  	s5 =	simm.s32 @p1 $0x1;
	p0 =	seq.s32 s7, s2  }
0x1e: {  	s7 =	smul.u32 @!p0 $0xF7A, s2;
	p2 =	seq.s32 @!p0 s5, $0x0  }
0x1f: {  	s9 =	smul.u32 $0xF7A, s1;
	s8 =	simm.s32 @!p0 $0x1BF5;
	p2 =	por !p2, p0  }
0x20: {  	[sflag:s8] =	ssyncset.s32 @!p0 $0xFFFFF086;
	s6 =	sadd.s32 @!p0 s3, s7;
	s7 =	simm.s32 @!p0 $0x108  }
0x21: {  	s3 =	sadd.s32 s3, s9;
	s6 =	sadd.s32 @!p0 $0x88, s6;
	s7 =	simm.s32 @p2 $0x1082  }
0x22: {  	[simem:s7], [sflag:s8] =	dma.local @!p0 [hbm:s6], $0xF7A  }
0x23: {  	s9 =	sor.u32 $0xD0000000, s2;
	s6 =	simm.s32 $0x108;
	_ =	swait.ge @!p0 [sflag:s8], $0x0  }
0x24: {  	s3 =	sadd.s32 $0x88, s3;
	s6 =	simm.s32 @!p1 $0x1082;
	[sflag:s4] =	ssyncset.s32 $0xFFFFF086  }
0x25: {  	[simem:s6], [sflag:s4] =	dma.local [hbm:s3], $0xF7A  }
0x26: {  	[smem:$0x3F99] =	sst s1;
	(tag) =	ssettag s2;
	_ =	strace s9  }
0x27: {  	s1 =	sld [smem:$0x3FA9]  }
0x28: {  	s2 =	sld [smem:$0x3FAA]  }
0x29: {  	s4 =	sld [smem:$0x3FAC]  }
0x2a: {  	p0 =	seq.s32 s5, $0x0;
	s5 =	sld [smem:$0x3FAD]  }
0x2b: {  	s6 =	sld [smem:$0x3FAE]  }
0x2c: {  	s7 =	sld [smem:$0x3FAF]  }
0x2d: {  	s3 =	simm.s32 $0x108;
	s8 =	sld [smem:$0x3FB0]  }
0x2e: {  	s3 =	simm.s32 @!p0 $0x1082;
	s9 =	sld [smem:$0x3FB1]  }
0x2f: {  	lr =	sadd.s32 s0, s3;
	s0 =	sld [smem:$0x3FA8]  }
0x30: {  	s3 =	sld [smem:$0x3FAB]  }
0x31: {  	[smem:$0x3FB4] =	sst s10  }
0x32: {  	s10 =	sld [smem:$0x3FB2];
	_ =	sdelay $0x3  }
0x33: {  	p0 =	seq.s32 s10, $0x1;
	s10 =	sld [smem:$0x3FB4];
	_ =	sdelay $0x3  }
0x34: {  	[smem:$0x3FB4] =	sst s10  }
0x35: {  	s10 =	sld [smem:$0x3FB3];
	_ =	sdelay $0x3  }
0x36: {  	p1 =	seq.s32 s10, $0x1;
	s10 =	sld [smem:$0x3FB4];
	_ =	sdelay $0x3  }
0x37: {  	[smem:$0x3FB4] =	sst s10  }
0x38: {  	s10 =	sld [smem:$0x3FB5]  }
0x39: {  	_ = 	snop;
	(pc) =	sbr.ind lr, $3  }
0x3a: {  	_ = 	snop  }
0x3b: {  	_ = 	snop  }
0x3c: {  	p2 =	seq.s32 s10, $0x1;
	s10 =	sld [smem:$0x3FB4]  }
0x3d: {  	_ =	shalt  }
0x3e: {  	_ =	shalt  }
0x3f: {  	_ =	shalt  }
0x40: {  	_ =	shalt  }
0x41: {  	_ =	shalt  }
0x42: {  	_ =	shalt  }
0x43: {  	_ =	shalt  }
0x44: {  	_ =	shalt  }
0x45: {  	_ =	shalt  }
0x46: {  	_ =	shalt  }
0x47: {  	_ =	shalt  }
0x48: {  	_ =	shalt  }
0x49: {  	_ =	shalt  }
0x4a: {  	_ =	shalt  }
0x4b: {  	_ =	shalt  }
0x4c: {  	_ =	shalt  }
0x4d: {  	_ =	shalt  }
0x4e: {  	_ =	shalt  }
0x4f: {  	_ =	shalt  }
0x50: {  	_ =	shalt  }
0x51: {  	_ =	shalt  }
0x52: {  	_ =	shalt  }
0x53: {  	_ =	shalt  }
0x54: {  	_ =	shalt  }
0x55: {  	_ =	shalt  }
0x56: {  	_ =	shalt  }
0x57: {  	_ =	shalt  }
0x58: {  	_ =	shalt  }
0x59: {  	_ =	shalt  }
0x5a: {  	_ =	shalt  }
0x5b: {  	_ =	shalt  }
0x5c: {  	_ =	shalt  }
0x5d: {  	_ =	shalt  }
0x5e: {  	_ =	shalt  }
0x5f: {  	_ =	shalt  }
0x60: {  	_ =	shalt  }
0x61: {  	_ =	shalt  }
0x62: {  	_ =	shalt  }
0x63: {  	_ =	shalt  }
0x64: {  	_ =	shalt  }
0x65: {  	_ =	shalt  }
0x66: {  	_ =	shalt  }
0x67: {  	_ =	shalt  }
0x68: {  	_ =	shalt  }
0x69: {  	_ =	shalt  }
0x6a: {  	_ =	shalt  }
0x6b: {  	_ =	shalt  }
0x6c: {  	_ =	shalt  }
0x6d: {  	_ =	shalt  }
0x6e: {  	_ =	shalt  }
0x6f: {  	_ =	shalt  }
0x70: {  	_ =	shalt  }
0x71: {  	_ =	shalt  }
0x72: {  	_ =	shalt  }
0x73: {  	_ =	shalt  }
0x74: {  	_ =	shalt  }
0x75: {  	_ =	shalt  }
0x76: {  	_ =	shalt  }
0x77: {  	_ =	shalt  }
0x78: {  	_ =	shalt  }
0x79: {  	_ =	shalt  }
0x7a: {  	_ =	shalt  }
0x7b: {  	_ =	shalt  }
0x7c: {  	_ =	shalt  }
0x7d: {  	_ =	shalt  }
0x7e: {  	_ =	shalt  }
0x7f: {  	_ =	shalt  }
0x80: {  	_ =	shalt  }
0x81: {  	_ =	shalt  }
0x82: {  	_ =	shalt  }
0x83: {  	_ =	shalt  }
0x84: {  	_ =	shalt  }
0x85: {  	_ =	shalt  }
0x86: {  	_ =	shalt  }
0x87: {  	_ =	shalt  }
.Lfunc_end0:
.L_simem_size_0:
called_computation_lowered:
.L_overlay_start_0:
0x88: {  	s2 =	sld [smem:$0x3FD9]  }
0x89: {  	s3 =	sld [smem:$0x3FFE];
	_ =	sdelay $0x1  }
0x8a: {  	s1 =	srdreg.scid  }
0x8b: {  	s0 =	sand.u32 $0x1, s1  }
0x8c: {  	s17 =	sshll.u32 s0, $0xA;
	s2 =	sadd.s32 s3, s2  }
0x8d: {  	s2 =	sadd.s32 s2, s17  }
0x8e: {  	[smem:$0x3FC0] =	sst s2  }
0x8f: {  	_ = 	snop  }
0x90: {  	s2 =	sld [smem:$0x3FD0];
	(tm) =	ssettm $0x1  }
0x91: {  	s18 =	sld [smem:$0x3FFB];
	_ =	sdelay $0x3  }
0x92: {  	_ =	strace s18  }
0x93: {  	s3 =	sld [smem:$0x3FFC];
	_ =	sdelay $0x3  }
0x94: {  	_ =	strace s3  }
0x95: {  	s3 =	sld [smem:$0x3FFD];
	_ =	sdelay $0x3  }
0x96: {  	_ =	strace s3  }
0x97: {  	_ =	strace $0x8FFFFFFF  }
0x98: {  	s19 =	sld [smem:$0x3FDB];
	_ =	sdelay $0x1  }
0x99: {  	s4 =	simm.s32 $_scs_section_size  }
0x9a: {  	s5 =	simm.s32 $_size__tile_overlayer_lowered;
	s6 =	simm.s32 $_tile_overlayer_lowered  }
0x9b: {  	s22 =	simm.s32 $0x1BFF;
	s21 =	sshll.u32 s6, $0x1;
	s3 =	sadd.s32 s4, s19  }
0x9c: {  	s7 =	simm.s32 $0x0;
	s20 =	sshll.u32 s5, $0x1;
	s5 =	sadd.s32 s21, s3  }
0x9d: {  	[timem:s7], [sflag:s22] =	dma.local [hbm:s5], s20  }
0x9e: {  	_ =	swait.ge [sflag:s22], s20  }
0x9f: {  	s4 =	ssub.s32 $0x0, s20;
	[sflag:s22] =	ssyncset.done $0x0  }
0xa0: {  	[sflag:s22] =	ssyncadd.s32 s4;
	_ =	sdelay $0x1  }
0xa1: {  	s23 =	simm.s32 $0x1B8B  }
0xa2: {  	_ =	swait.ge [sflag:s23], $0x1  }
0xa3: {  	[sflag:s23] =	ssyncset.done $0x0  }
0xa4: {  	s25 =	simm.s32 $0x1B8E;
	s24 =	sld [smem:$0x3FFE];
	[sflag:s23] =	ssyncadd.s32 $0xFFFFFFFF  }
0xa5: {  	s26 =	simm.s32 $execute0_lowered;
	[smem:$0x3FD2] =	sst s25  }
0xa6: {  	s5 =	sshll.u32 s26, $0x1;
	_ =	strace $0x80000046;
	[dreg:$0x1] =	wrdreg $0xFFFFFFFF  }
0xa7: {  	s28 =	simm.s32 $_size_execute0_lowered;
	s3 =	sadd.s32 s3, s5;
	[dreg:$0x0] =	wrdreg $0x0  }
0xa8: {  	s5 =	sshll.u32 s28, $0x1;
	[dreg:$0x2] =	wrdreg s3  }
0xa9: {  	[dreg:$0x3] =	wrdreg s5  }
0xaa: {  	[dreg:$0x4] =	wrdreg $0xC0  }
0xab: {  	_ =	task [dreg:s7], $0x5FFFF  }
0xac: {  	[dreg:$0x1] =	wrdreg $0xFFFFFFFF  }
0xad: {  	[dreg:$0x0] =	wrdreg $0x60  }
0xae: {  	[dreg:$0x2] =	wrdreg s2  }
0xaf: {  	[dreg:$0x3] =	wrdreg s24  }
0xb0: {  	[dreg:$0x4] =	wrdreg $0x124000  }
0xb1: {  	[dreg:$0x5] =	wrdreg $0x1D0000  }
0xb2: {  	[dreg:$0x6] =	wrdreg $0x9  }
0xb3: {  	_ =	task.clear_ibuf [dreg:s7], $0x7FFFF;
	_ =	strace $0x90000046  }
0xb4: {  	s29 =	simm.s32 $0x9;
	_ =	strace $0x80000048  }
0xb5: {  	_ =	swait.ge [sflag:s29], $0x1  }
0xb6: {  	[sflag:s29] =	ssyncadd.s32 $0xFFFFFFFF  }
0xb7: {  	_ =	strace $0x90000048  }
0xb8: {  	_ =	sfence  }
0xb9: {  	s30 =	sld [smem:$0x0];
	_ =	sdelay $0x2  }
0xba: {  	s31 =	sshll.u32 s1, $0xD;
	s1 =	sshrl.u32 s1, $0x2  }
0xbb: {  	s3 =	sand.u32 $0x4000, s31;
	s1 =	sadd.s32 s1, s30  }
0xbc: {  	s0 =	sor.u32 s3, s0;
	s1 =	sshll.u32 s1, $0x11  }
0xbd: {  	s0 =	sor.u32 s1, s0  }
0xbe: {  	s0 =	sadd.s32 $0x8F2B, s0  }
0xbf: {  	[sflag:s0] =	ssyncadd.remote.s32 $0x1  }
0xc0: {  	_ =	sfence.sel $0xFFFF  }
0xc1: {  	[dreg:$0x0] =	wrdreg $0xFFFFFFFF;
	(pc) =	sbr.abs _section_cstart, $3  }
0xc2: {  	[dreg:$0x1] =	wrdreg $0xFFFFFFFF  }
0xc3: {  	_ =	task.clear_ibuf [dreg:s7], $0x2FFFF;
	_ =	strace $0x9FFFFFFF  }
0xc4: {  	(tm) =	ssettm $0x7FFFFFFF  }
0xc5: {  	_ =	shalt  }
tec
execute0_lowered:
.L_overlay_start_1:
0x0: {  	(tag) =	ssettag $0x1  }
0x1: {  	s1 =	rddreg [dreg:$0x0]  }
0x2: {  	s0 =	rddreg [dreg:$0x1]  }
0x3: {  	s3 =	rddreg [dreg:$0x2]  }
0x4: {  	s4 =	rddreg [dreg:$0x3];
	s14 =	stileid.u32  }
0x5: {  	s2 =	srdreg.scid;
	s5 =	simm.s32 $0x0;
	s7 =	smul.u32 $0xA000, s14  }
0x6: {  	s28 =	simm.s32 $0x12000;
	s29 =	simm.s32 $0xA;
	s9 =	smul.u32 $0xA00, s14  }
0x7: {  	s30 =	simm.s32 $0x1CC00;
	s31 =	simm.s32 $0x9;
	s10 =	smul.u32 $0x2800, s14  }
0x8: {  	s2 =	sand.u32 $0x1, s2;
	[smem:$0x7FF] =	sst s5;
	s14 =	smul.u32 $0x28000, s14  }
0x9: {  	s6 =	sadd.s32 $0x52800, s0;
	s8 =	smul.u32 $0xA0000, s2;
	_ =	strace $0x80000047  }
0xa: {  	s11 =	ssub.s32 $0x2, s2;
	p0 =	sne.s32 s2, $0x0;
	s2 =	simm.s32 $0x7  }
0xb: {  	s9 =	sadd.s32 s9, s0;
	s12 =	sshrl.u32 s10, $0x3;
	s13 =	sshrl.u32 s11, $0x1  }
0xc: {  	s8 =	sadd.s32 s7, s8;
	s11 =	ssub.s32 s11, s13;
	s26 =	sadd.s32 $0x70800, s9  }
0xd: {  	s13 =	sshrl.u32 s14, $0x2;
	s9 =	sadd.s32 $0x66800, s9;
	[dreg:$0x5] =	wrdreg s26  }
0xe: {  	s14 =	sshrl.u32 s7, $0x2;
	[dreg:$0x6] =	wrdreg s9;
	s16 =	smax.u32 s11, $0x1  }
0xf: {  	s7 =	sadd.s32 s7, s3;
	s15 =	sadd.s32 s14, s4;
	[dreg:$0x13] =	wrdreg s16  }
0x10: {  	s8 =	sshrl.u32 s8, $0x3;
	s26 =	sshrl.u32 s7, $0x3;
	[dreg:$0x7] =	wrdreg s15  }
0x11: {  	s9 =	sadd.s32 s13, s3;
	s17 =	sadd.s32 $0x400, s15;
	[dreg:$0x14] =	wrdreg s26  }
0x12: {  	s14 =	simm.s32 $0x2000;
	s18 =	sadd.s32 $0x800, s15;
	[dreg:$0xa] =	wrdreg s17  }
0x13: {  	s7 =	simm.s32 $0x8;
	s19 =	sadd.s32 $0xC00, s15;
	[dreg:$0xb] =	wrdreg s18  }
0x14: {  	s13 =	simm.s32 $0x11E80;
	s20 =	sadd.s32 $0x1000, s15;
	[dreg:$0xc] =	wrdreg s19  }
0x15: {  	s8 =	sadd.s32 s8, s0;
	s21 =	sadd.s32 $0x1400, s15;
	[dreg:$0xd] =	wrdreg s20  }
0x16: {  	s0 =	sadd.s32 s12, s0;
	s22 =	sadd.s32 $0x1800, s15;
	[dreg:$0xe] =	wrdreg s21  }
0x17: {  	s23 =	sadd.s32 $0x1C00, s15;
	s24 =	sadd.s32 $0x2000, s15;
	[dreg:$0xf] =	wrdreg s22  }
0x18: {  	s25 =	sadd.s32 $0x2400, s15;
	s15 =	simm.s32 $0x4000;
	[dreg:$0x10] =	wrdreg s23  }
0x19: {  	s16 =	simm.s32 $0x1;
	s26 =	simm.s32 $0x11F00;
	[dreg:$0x11] =	wrdreg s24  }
0x1a: {  	s8 =	sadd.s32 $0x7F800, s8;
	s0 =	sadd.s32 $0x7A800, s0;
	[dreg:$0x12] =	wrdreg s25  }
0x1b: {  	s23 =	simm.s32 $0x8000;
	s25 =	simm.s32 $0xD000;
	s17 =	simm.s32 $0x1C400  }
.Ltmp0:
0x1c: {  	s18 =	simm.s32 $0x6000;
	s19 =	simm.s32 $0x3;
	(pc) =	sbr.rel .LBB2_1-.Ltmp0, $4  }
0x1d: {  	s21 =	simm.s32 $0x2;
	s22 =	simm.s32 $0x5;
	s20 =	simm.s32 $0x4  }
0x1e: {  	s24 =	simm.s32 $0x11F80;
	[dreg:$0x9] =	wrdreg s0;
	s0 =	sadd.s32 s10, s4  }
0x1f: {  	[dreg:$0x8] =	wrdreg s8;
	s10 =	simm.s32 $0x6;
	s0 =	sshrl.u32 @!p0 s0, $0x3  }
0x20: {  	v0 =	vimm.f32 $0.0e+00;
	v1 =	vimm.f32 $1.000000000e+00;
	s8 =	simm.s32 $0x0;
	[dreg:$0x15] =	wrdreg s0;
	s0 =	simm.s32 $0x80  }
.LBB2_13:
0x21: {  	[tilespmem:s15], [sflag:$0x5] =	stream.indirect.gather [hbm4b:s6+s0], $0x40, s12, s0, $0xb8;
	[tilespmem:$0x1F800] =	vst v63  }
0x22: {  	_ =	swait.ge [sflag:s16], $0x2000  }
0x23: {  	[sflag:s16] =	ssyncset.done $0x0  }
0x24: {  	s11 =	simm.s32 $0x11E00;
	[sflag:s16] =	ssyncadd.s32 $0xFFFFE000  }
0x25: {  	[spmem:s3] =	stream.indirect.scatter.add.f32 [tilespmem:s5], [sflag:$0x2], $0x40, s11, s0, $0xb8;
	[tilespmem:$0x1F800] =	vst v63  }
0x26: {  	_ =	swait.ge [sflag:s7], $0x2000  }
0x27: {  	[sflag:s7] =	ssyncset.done $0x0  }
0x28: {  	s25 =	simm.s32 $0xCF80;
	[sflag:s7] =	ssyncadd.s32 $0xFFFFE000  }
0x29: {  	[tilespmem:s18], [sflag:$0x7] =	stream.indirect.gather [hbm4b:s6+s0], $0x40, s25, s0, $0xb8;
	[tilespmem:$0x1F800] =	vst v63  }
0x2a: {  	_ =	swait.ge [sflag:s19], $0x2000  }
0x2b: {  	[sflag:s19] =	ssyncset.done $0x0  }
0x2c: {  	[sflag:s19] =	ssyncadd.s32 $0xFFFFE000  }
0x2d: {  	[spmem:s3] =	stream.indirect.scatter.add.f32 [tilespmem:s14], [sflag:$0x4], $0x40, s13, s0, $0xb8;
	[tilespmem:$0x1F800] =	vst v63  }
0x2e: {  	_ =	swait.ge [sflag:s21], $0x2000  }
0x2f: {  	[sflag:s21] =	ssyncset.done $0x0  }
0x30: {  	[sflag:s21] =	ssyncadd.s32 $0xFFFFE000  }
0x31: {  	_ =	swait.ge [sflag:s22], $0x2000  }
0x32: {  	[sflag:s22] =	ssyncset.done $0x0  }
0x33: {  	[sflag:s22] =	ssyncadd.s32 $0xFFFFE000  }
0x34: {  	[spmem:s3] =	stream.indirect.scatter.add.f32 [tilespmem:s15], [sflag:$0x6], $0x40, s26, s0, $0xb8;
	[tilespmem:$0x1F800] =	vst v63  }
0x35: {  	_ =	swait.ge [sflag:s20], $0x2000  }
0x36: {  	[sflag:s20] =	ssyncset.done $0x0  }
0x37: {  	[sflag:s20] =	ssyncadd.s32 $0xFFFFE000  }
0x38: {  	_ =	swait.ge [sflag:s2], $0x2000  }
0x39: {  	[sflag:s2] =	ssyncset.done $0x0  }
0x3a: {  	[sflag:s2] =	ssyncadd.s32 $0xFFFFE000  }
0x3b: {  	[spmem:s3] =	stream.indirect.scatter.add.f32 [tilespmem:s18], [sflag:$0x8], $0x40, s24, s0, $0xb8;
	[tilespmem:$0x1F800] =	vst v63  }
0x3c: {  	_ =	swait.ge [sflag:s10], $0x2000  }
0x3d: {  	[sflag:s10] =	ssyncset.done $0x0  }
0x3e: {  	[sflag:s10] =	ssyncadd.s32 $0xFFFFE000  }
0x3f: {  	_ =	swait.ge [sflag:s7], $0x2000  }
0x40: {  	[sflag:s7] =	ssyncset.done $0x0  }
0x41: {  	s23 =	simm.s32 $0x8000;
	[sflag:s7] =	ssyncadd.s32 $0xFFFFE000  }
.LBB2_14:
0x42: {  	s11 =	stileid.u32;
	[bflag:$0x0] =	sbarrier.arrive $0xFFFF  }
0x43: {  	s11 =	sshll.u32 s11, $0x6;
	s12 =	rddreg [dreg:$0x8]  }
0x44: {  	s25 =	rddreg [dreg:$0x14];
	s11 =	sor.u32 $0x1C0A, s11  }
0x45: {  	[hbm:s12], [sflag:s11] =	dma.local [spmem:s25], $0x1400  }
0x46: {  	_ =	swait.ge [sflag:s29], $0x1400  }
0x47: {  	[sflag:s29] =	ssyncset.done $0x0;
	s12 =	rddreg [dreg:$0x9]  }
0x48: {  	s25 =	rddreg [dreg:$0x15];
	[sflag:s29] =	ssyncadd.s32 $0xFFFFEC00  }
0x49: {  	[hbm:s12], [sflag:s11] =	dma.local @!p0 [spmem:s25], $0x500  }
0x4a: {  	s11 =	simm.s32 @!p0 $0xA  }
0x4b: {  	_ =	swait.ge @!p0 [sflag:s11], $0x500  }
0x4c: {  	s8 =	sadd.s32 $0x1, s8;
	s25 =	rddreg [dreg:$0x13]  }
0x4d: {  	p1 =	sne.s32 s8, s25  }
.Ltmp1:
0x4e: {  	_ = 	snop;
	(pc) =	sbr.rel @!p1 .LBB2_15-.Ltmp1, $3  }
0x4f: {  	_ =	sdelay $0x1  }
0x50: {  	[sflag:s11] =	ssyncset.done @!p0 $0x0  }
0x51: {  	[sflag:s11] =	ssyncadd.s32 @!p0 $0xFFFFFB00;
	s25 =	simm.s32 $0xD000  }
.LBB2_1:
0x52: {  	s11 =	rddreg [dreg:$0x5]  }
0x53: {  	[tilespmem:s23], [sflag:$0x9] =	stream.linear.gather [hbm4b:s11+s5], $0x5000, $0x38;
	[tilespmem:$0x1F800] =	vst v63  }
0x54: {  	s12 =	rddreg [dreg:$0x6]  }
0x55: {  	[tilespmem:s25], [sflag:$0x9] =	stream.linear.gather [hbm4b:s12+s5], $0x5000, $0x38;
	[tilespmem:$0x1F800] =	vst v63  }
0x56: {  	[tilespmem:$0x12000] =	vst v0  }
0x57: {  	[tilespmem:$0x12010] =	vst v0  }
0x58: {  	[tilespmem:$0x12020] =	vst v0  }
0x59: {  	[tilespmem:$0x12030] =	vst v0  }
0x5a: {  	[tilespmem:$0x12040] =	vst v0  }
0x5b: {  	[tilespmem:$0x12050] =	vst v0  }
0x5c: {  	[tilespmem:$0x12060] =	vst v0  }
0x5d: {  	[tilespmem:$0x12070] =	vst v0  }
0x5e: {  	[tilespmem:$0x12080] =	vst v0  }
0x5f: {  	[tilespmem:$0x12090] =	vst v0  }
0x60: {  	[tilespmem:$0x120A0] =	vst v0  }
0x61: {  	[tilespmem:$0x120B0] =	vst v0  }
0x62: {  	[tilespmem:$0x120C0] =	vst v0  }
0x63: {  	[tilespmem:$0x120D0] =	vst v0  }
0x64: {  	[tilespmem:$0x120E0] =	vst v0  }
0x65: {  	[tilespmem:$0x120F0] =	vst v0  }
0x66: {  	[tilespmem:$0x12100] =	vst v0  }
0x67: {  	[tilespmem:$0x12110] =	vst v0  }
0x68: {  	[tilespmem:$0x12120] =	vst v0  }
0x69: {  	[tilespmem:$0x12130] =	vst v0  }
0x6a: {  	[tilespmem:$0x12140] =	vst v0  }
0x6b: {  	[tilespmem:$0x12150] =	vst v0  }
0x6c: {  	[tilespmem:$0x12160] =	vst v0  }
0x6d: {  	[tilespmem:$0x12170] =	vst v0  }
0x6e: {  	[tilespmem:$0x12180] =	vst v0  }
0x6f: {  	[tilespmem:$0x12190] =	vst v0  }
0x70: {  	[tilespmem:$0x121A0] =	vst v0  }
0x71: {  	[tilespmem:$0x121B0] =	vst v0  }
0x72: {  	[tilespmem:$0x121C0] =	vst v0  }
0x73: {  	[tilespmem:$0x121D0] =	vst v0  }
0x74: {  	[tilespmem:$0x121E0] =	vst v0  }
0x75: {  	[tilespmem:$0x121F0] =	vst v0  }
0x76: {  	[tilespmem:$0x12200] =	vst v0  }
0x77: {  	[tilespmem:$0x12210] =	vst v0  }
0x78: {  	[tilespmem:$0x12220] =	vst v0  }
0x79: {  	[tilespmem:$0x12230] =	vst v0  }
0x7a: {  	[tilespmem:$0x12240] =	vst v0  }
0x7b: {  	[tilespmem:$0x12250] =	vst v0  }
0x7c: {  	[tilespmem:$0x12260] =	vst v0  }
0x7d: {  	[tilespmem:$0x12270] =	vst v0  }
0x7e: {  	[tilespmem:$0x12280] =	vst v0  }
0x7f: {  	[tilespmem:$0x12290] =	vst v0  }
0x80: {  	[tilespmem:$0x122A0] =	vst v0  }
0x81: {  	[tilespmem:$0x122B0] =	vst v0  }
0x82: {  	[tilespmem:$0x122C0] =	vst v0  }
0x83: {  	[tilespmem:$0x122D0] =	vst v0  }
0x84: {  	[tilespmem:$0x122E0] =	vst v0  }
0x85: {  	[tilespmem:$0x122F0] =	vst v0  }
0x86: {  	[tilespmem:$0x12300] =	vst v0  }
0x87: {  	[tilespmem:$0x12310] =	vst v0  }
0x88: {  	[tilespmem:$0x12320] =	vst v0  }
0x89: {  	[tilespmem:$0x12330] =	vst v0  }
0x8a: {  	[tilespmem:$0x12340] =	vst v0  }
0x8b: {  	[tilespmem:$0x12350] =	vst v0  }
0x8c: {  	[tilespmem:$0x12360] =	vst v0  }
0x8d: {  	[tilespmem:$0x12370] =	vst v0  }
0x8e: {  	[tilespmem:$0x12380] =	vst v0  }
0x8f: {  	[tilespmem:$0x12390] =	vst v0  }
0x90: {  	[tilespmem:$0x123A0] =	vst v0  }
0x91: {  	[tilespmem:$0x123B0] =	vst v0  }
0x92: {  	[tilespmem:$0x123C0] =	vst v0  }
0x93: {  	[tilespmem:$0x123D0] =	vst v0  }
0x94: {  	[tilespmem:$0x123E0] =	vst v0  }
0x95: {  	s12 =	sadd.s32 $0x0, s9;
	[tilespmem:$0x123F0] =	vst v0  }
0x96: {  	[spmem:s12] =	stream.linear.scatter [tilespmem:s28], [sflag:$0xA], $0x400, $0x38;
	[tilespmem:$0x1F800] =	vst v63  }
0x97: {  	s11 =	simm.s32 $0x1000;
	_ =	swait.ge [sflag:s29], $0x400  }
.LBB2_2:
0x98: {  	s12 =	sshra.s32 s11, $0x2;
	[sflag:s29] =	ssyncset.done $0x0;
	p1 =	sne.s32 s11, $0x27000  }
.Ltmp2:
0x99: {  	s12 =	sadd.s32 s12, s9;
	[sflag:s29] =	ssyncadd.s32 $0xFFFFFC00;
	(pc) =	sbr.rel @p1 .LBB2_2-.Ltmp2, $3  }
0x9a: {  	[spmem:s12] =	stream.linear.scatter [tilespmem:s28], [sflag:$0xA], $0x400, $0x38;
	[tilespmem:$0x1F800] =	vst v63  }
0x9b: {  	s11 =	sadd.s32 $0x1000, s11;
	_ =	sdelay $0x1  }
0x9c: {  	_ =	swait.ge [sflag:s29], $0x400  }
0x9d: {  	[sflag:s29] =	ssyncset.done $0x0  }
0x9e: {  	s11 =	simm.s32 $0x40;
	s12 =	simm.s32 $0x0;
	[sflag:s29] =	ssyncadd.s32 $0xFFFFFC00  }
.LBB2_4:
0x9f: {  	p1 =	sne.s32 s11, $0x1FC0;
	[tilespmem:s12+$0x1C400] =	vst v1;
	s12 =	smov.u32 s11;
	s11 =	sadd.s32 $0x40, s11  }
.Ltmp3:
0xa0: {  	(pc) =	sbr.rel @p1 .LBB2_4-.Ltmp3, $2  }
0xa1: {  	_ =	sdelay $0x2  }
0xa2: {  	s12 =	sshra.s32 s12, $0x2  }
0xa3: {  	[tilespmem:s12+$0x1C400] =	vst v1;
	s11 =	simm.s32 $0x40;
	s12 =	simm.s32 $0x0  }
.LBB2_6:
0xa4: {  	p1 =	sne.s32 s11, $0xFC0;
	[tilespmem:s12+$0x1CC00] =	vst v0;
	s12 =	smov.u32 s11;
	s11 =	sadd.s32 $0x40, s11  }
.Ltmp4:
0xa5: {  	(pc) =	sbr.rel @p1 .LBB2_6-.Ltmp4, $2  }
0xa6: {  	_ =	sdelay $0x2  }
0xa7: {  	s12 =	sshra.s32 s12, $0x2  }
.Ltmp5:
0xa8: {  	(pc) =	sbr.rel @p0 .LBB2_11-.Ltmp5, $2  }
0xa9: {  	_ =	sdelay $0x2  }
0xaa: {  	[tilespmem:s12+$0x1CC00] =	vst v0  }
0xab: {  	s11 =	rddreg [dreg:$0x7]  }
0xac: {  	[spmem:s11] =	stream.linear.scatter [tilespmem:s30], [sflag:$0xA], $0x400, $0x38;
	[tilespmem:$0x1F800] =	vst v63  }
0xad: {  	_ =	swait.ge [sflag:s29], $0x400  }
0xae: {  	[sflag:s29] =	ssyncset.done $0x0  }
0xaf: {  	s12 =	rddreg [dreg:$0xa];
	[sflag:s29] =	ssyncadd.s32 $0xFFFFFC00  }
0xb0: {  	[spmem:s12] =	stream.linear.scatter [tilespmem:s30], [sflag:$0xA], $0x400, $0x38;
	[tilespmem:$0x1F800] =	vst v63  }
0xb1: {  	_ =	swait.ge [sflag:s29], $0x400  }
0xb2: {  	[sflag:s29] =	ssyncset.done $0x0  }
0xb3: {  	s13 =	rddreg [dreg:$0xb];
	[sflag:s29] =	ssyncadd.s32 $0xFFFFFC00  }
0xb4: {  	[spmem:s13] =	stream.linear.scatter [tilespmem:s30], [sflag:$0xA], $0x400, $0x38;
	[tilespmem:$0x1F800] =	vst v63  }
0xb5: {  	_ =	swait.ge [sflag:s29], $0x400  }
0xb6: {  	[sflag:s29] =	ssyncset.done $0x0  }
0xb7: {  	s24 =	rddreg [dreg:$0xc];
	[sflag:s29] =	ssyncadd.s32 $0xFFFFFC00  }
0xb8: {  	[spmem:s24] =	stream.linear.scatter [tilespmem:s30], [sflag:$0xA], $0x400, $0x38;
	[tilespmem:$0x1F800] =	vst v63  }
0xb9: {  	_ =	swait.ge [sflag:s29], $0x400  }
0xba: {  	[sflag:s29] =	ssyncset.done $0x0  }
0xbb: {  	s26 =	rddreg [dreg:$0xd];
	[sflag:s29] =	ssyncadd.s32 $0xFFFFFC00  }
0xbc: {  	[spmem:s26] =	stream.linear.scatter [tilespmem:s30], [sflag:$0xA], $0x400, $0x38;
	[tilespmem:$0x1F800] =	vst v63  }
0xbd: {  	_ =	swait.ge [sflag:s29], $0x400  }
0xbe: {  	[sflag:s29] =	ssyncset.done $0x0  }
0xbf: {  	s12 =	rddreg [dreg:$0xe];
	[sflag:s29] =	ssyncadd.s32 $0xFFFFFC00  }
0xc0: {  	[spmem:s12] =	stream.linear.scatter [tilespmem:s30], [sflag:$0xA], $0x400, $0x38;
	[tilespmem:$0x1F800] =	vst v63  }
0xc1: {  	_ =	swait.ge [sflag:s29], $0x400  }
0xc2: {  	[sflag:s29] =	ssyncset.done $0x0  }
0xc3: {  	s13 =	rddreg [dreg:$0xf];
	[sflag:s29] =	ssyncadd.s32 $0xFFFFFC00  }
0xc4: {  	[spmem:s13] =	stream.linear.scatter [tilespmem:s30], [sflag:$0xA], $0x400, $0x38;
	[tilespmem:$0x1F800] =	vst v63  }
0xc5: {  	_ =	swait.ge [sflag:s29], $0x400  }
0xc6: {  	[sflag:s29] =	ssyncset.done $0x0  }
0xc7: {  	s24 =	rddreg [dreg:$0x10];
	[sflag:s29] =	ssyncadd.s32 $0xFFFFFC00  }
0xc8: {  	[spmem:s24] =	stream.linear.scatter [tilespmem:s30], [sflag:$0xA], $0x400, $0x38;
	[tilespmem:$0x1F800] =	vst v63  }
0xc9: {  	_ =	swait.ge [sflag:s29], $0x400  }
0xca: {  	[sflag:s29] =	ssyncset.done $0x0  }
0xcb: {  	s26 =	rddreg [dreg:$0x11];
	[sflag:s29] =	ssyncadd.s32 $0xFFFFFC00  }
0xcc: {  	[spmem:s26] =	stream.linear.scatter [tilespmem:s30], [sflag:$0xA], $0x400, $0x38;
	[tilespmem:$0x1F800] =	vst v63  }
0xcd: {  	_ =	swait.ge [sflag:s29], $0x400  }
0xce: {  	[sflag:s29] =	ssyncset.done $0x0  }
0xcf: {  	s12 =	rddreg [dreg:$0x12];
	[sflag:s29] =	ssyncadd.s32 $0xFFFFFC00  }
0xd0: {  	[spmem:s12] =	stream.linear.scatter [tilespmem:s30], [sflag:$0xA], $0x400, $0x38;
	[tilespmem:$0x1F800] =	vst v63  }
0xd1: {  	_ =	swait.ge [sflag:s29], $0x400  }
0xd2: {  	[sflag:s29] =	ssyncset.done $0x0  }
0xd3: {  	[sflag:s29] =	ssyncadd.s32 $0xFFFFFC00  }
0xd4: {  	[bflag:$0x0] =	sbarrier.arrive $0xFFFF  }
0xd5: {  	_ =	swait.ge [sflag:s31], $0x5000  }
0xd6: {  	[sflag:s31] =	ssyncset.done $0x0  }
0xd7: {  	[sflag:s31] =	ssyncadd.s32 $0xFFFFB000  }
0xd8: {  	_ =	swait.ge [sflag:s31], $0x5000  }
0xd9: {  	[sflag:s31] =	ssyncset.done $0x0  }
0xda: {  	s13 =	simm.s32 $0x0;
	[sflag:s31] =	ssyncadd.s32 $0xFFFFB000  }
0xdb: {  	[tilespmem:s13], [sflag:$0x1] =	stream.indirect.gather [hbm4b:s1+s0], $0x40, s23, s0, $0xb8;
	[tilespmem:$0x1F800] =	vst v63  }
0xdc: {  	s12 =	simm.s32 $0x8080  }
0xdd: {  	[tilespmem:s14], [sflag:$0x3] =	stream.indirect.gather [hbm4b:s1+s0], $0x40, s12, s0, $0xb8;
	[tilespmem:$0x1F800] =	vst v63  }
0xde: {  	s23 =	simm.s32 $0x8100  }
0xdf: {  	[tilespmem:s15], [sflag:$0x5] =	stream.indirect.gather [hbm4b:s1+s0], $0x40, s23, s0, $0xb8;
	[tilespmem:$0x1F800] =	vst v63  }
0xe0: {  	_ =	swait.ge [sflag:s16], $0x2000  }
0xe1: {  	[sflag:s16] =	ssyncset.done $0x0  }
0xe2: {  	[sflag:s16] =	ssyncadd.s32 $0xFFFFE000  }
0xe3: {  	[spmem:s3] =	stream.indirect.scatter.add.f32 [tilespmem:s13], [sflag:$0x2], $0x40, s25, s0, $0xb8;
	[tilespmem:$0x1F800] =	vst v63  }
0xe4: {  	_ = 	snop  }
0xe5: {  	[spmem:s4] =	stream.indirect.scatter.add.f32 [tilespmem:s17], [sflag:$0x2], $0x10, s25, s0, $0xb8;
	[tilespmem:$0x1F800] =	vst v63  }
0xe6: {  	s24 =	simm.s32 $0x8180  }
0xe7: {  	[tilespmem:s18], [sflag:$0x7] =	stream.indirect.gather [hbm4b:s1+s0], $0x40, s24, s0, $0xb8;
	[tilespmem:$0x1F800] =	vst v63  }
0xe8: {  	_ =	swait.ge [sflag:s19], $0x2000  }
0xe9: {  	[sflag:s19] =	ssyncset.done $0x0  }
0xea: {  	s25 =	simm.s32 $0xD080;
	[sflag:s19] =	ssyncadd.s32 $0xFFFFE000  }
0xeb: {  	[spmem:s3] =	stream.indirect.scatter.add.f32 [tilespmem:s14], [sflag:$0x4], $0x40, s25, s0, $0xb8;
	[tilespmem:$0x1F800] =	vst v63  }
0xec: {  	_ = 	snop  }
0xed: {  	[spmem:s4] =	stream.indirect.scatter.add.f32 [tilespmem:s17], [sflag:$0x4], $0x10, s25, s0, $0xb8;
	[tilespmem:$0x1F800] =	vst v63  }
0xee: {  	_ =	swait.ge [sflag:s21], $0x2000  }
0xef: {  	[sflag:s21] =	ssyncset.done $0x0  }
0xf0: {  	[sflag:s21] =	ssyncadd.s32 $0xFFFFE000  }
0xf1: {  	_ =	swait.ge [sflag:s21], $0x800  }
0xf2: {  	[sflag:s21] =	ssyncset.done $0x0  }
0xf3: {  	s26 =	simm.s32 $0x8200;
	[sflag:s21] =	ssyncadd.s32 $0xFFFFF800  }
0xf4: {  	[tilespmem:s13], [sflag:$0x1] =	stream.indirect.gather [hbm4b:s1+s0], $0x40, s26, s0, $0xb8;
	[tilespmem:$0x1F800] =	vst v63  }
0xf5: {  	_ =	swait.ge [sflag:s22], $0x2000  }
0xf6: {  	[sflag:s22] =	ssyncset.done $0x0  }
0xf7: {  	s13 =	simm.s32 $0xD100;
	[sflag:s22] =	ssyncadd.s32 $0xFFFFE000  }
0xf8: {  	[spmem:s3] =	stream.indirect.scatter.add.f32 [tilespmem:s15], [sflag:$0x6], $0x40, s13, s0, $0xb8;
	[tilespmem:$0x1F800] =	vst v63  }
0xf9: {  	_ = 	snop  }
0xfa: {  	[spmem:s4] =	stream.indirect.scatter.add.f32 [tilespmem:s17], [sflag:$0x6], $0x10, s13, s0, $0xb8;
	[tilespmem:$0x1F800] =	vst v63  }
0xfb: {  	_ =	swait.ge [sflag:s20], $0x2000  }
0xfc: {  	[sflag:s20] =	ssyncset.done $0x0  }
0xfd: {  	[sflag:s20] =	ssyncadd.s32 $0xFFFFE000  }
0xfe: {  	_ =	swait.ge [sflag:s20], $0x800  }
0xff: {  	[sflag:s20] =	ssyncset.done $0x0  }
0x100: {  	s23 =	simm.s32 $0x8280;
	[sflag:s20] =	ssyncadd.s32 $0xFFFFF800  }
0x101: {  	[tilespmem:s14], [sflag:$0x3] =	stream.indirect.gather [hbm4b:s1+s0], $0x40, s23, s0, $0xb8;
	[tilespmem:$0x1F800] =	vst v63  }
0x102: {  	_ =	swait.ge [sflag:s2], $0x2000  }
0x103: {  	[sflag:s2] =	ssyncset.done $0x0  }
0x104: {  	s24 =	simm.s32 $0xD180;
	[sflag:s2] =	ssyncadd.s32 $0xFFFFE000  }
0x105: {  	[spmem:s3] =	stream.indirect.scatter.add.f32 [tilespmem:s18], [sflag:$0x8], $0x40, s24, s0, $0xb8;
	[tilespmem:$0x1F800] =	vst v63  }
0x106: {  	_ = 	snop  }
0x107: {  	[spmem:s4] =	stream.indirect.scatter.add.f32 [tilespmem:s17], [sflag:$0x8], $0x10, s24, s0, $0xb8;
	[tilespmem:$0x1F800] =	vst v63  }
0x108: {  	_ =	swait.ge [sflag:s10], $0x2000  }
0x109: {  	[sflag:s10] =	ssyncset.done $0x0  }
0x10a: {  	[sflag:s10] =	ssyncadd.s32 $0xFFFFE000  }
0x10b: {  	_ =	swait.ge [sflag:s10], $0x800  }
0x10c: {  	[sflag:s10] =	ssyncset.done $0x0  }
0x10d: {  	s25 =	simm.s32 $0x8300;
	[sflag:s10] =	ssyncadd.s32 $0xFFFFF800  }
0x10e: {  	[tilespmem:s15], [sflag:$0x5] =	stream.indirect.gather [hbm4b:s1+s0], $0x40, s25, s0, $0xb8;
	[tilespmem:$0x1F800] =	vst v63  }
0x10f: {  	_ =	swait.ge [sflag:s16], $0x2000  }
0x110: {  	[sflag:s16] =	ssyncset.done $0x0  }
0x111: {  	s26 =	simm.s32 $0xD200;
	[sflag:s16] =	ssyncadd.s32 $0xFFFFE000  }
0x112: {  	[spmem:s3] =	stream.indirect.scatter.add.f32 [tilespmem:s5], [sflag:$0x2], $0x40, s26, s0, $0xb8;
	[tilespmem:$0x1F800] =	vst v63  }
0x113: {  	_ = 	snop  }
0x114: {  	[spmem:s4] =	stream.indirect.scatter.add.f32 [tilespmem:s17], [sflag:$0x2], $0x10, s26, s0, $0xb8;
	[tilespmem:$0x1F800] =	vst v63  }
0x115: {  	_ =	swait.ge [sflag:s7], $0x2000  }
0x116: {  	[sflag:s7] =	ssyncset.done $0x0  }
0x117: {  	[sflag:s7] =	ssyncadd.s32 $0xFFFFE000  }
0x118: {  	_ =	swait.ge [sflag:s7], $0x800  }
0x119: {  	[sflag:s7] =	ssyncset.done $0x0  }
0x11a: {  	s12 =	simm.s32 $0x8380;
	[sflag:s7] =	ssyncadd.s32 $0xFFFFF800  }
0x11b: {  	[tilespmem:s18], [sflag:$0x7] =	stream.indirect.gather [hbm4b:s1+s0], $0x40, s12, s0, $0xb8;
	[tilespmem:$0x1F800] =	vst v63  }
0x11c: {  	_ =	swait.ge [sflag:s19], $0x2000  }
0x11d: {  	[sflag:s19] =	ssyncset.done $0x0  }
0x11e: {  	s13 =	simm.s32 $0xD280;
	[sflag:s19] =	ssyncadd.s32 $0xFFFFE000  }
0x11f: {  	[spmem:s3] =	stream.indirect.scatter.add.f32 [tilespmem:s14], [sflag:$0x4], $0x40, s13, s0, $0xb8;
	[tilespmem:$0x1F800] =	vst v63  }
0x120: {  	_ = 	snop  }
0x121: {  	[spmem:s4] =	stream.indirect.scatter.add.f32 [tilespmem:s17], [sflag:$0x4], $0x10, s13, s0, $0xb8;
	[tilespmem:$0x1F800] =	vst v63  }
0x122: {  	_ =	swait.ge [sflag:s21], $0x2000  }
0x123: {  	[sflag:s21] =	ssyncset.done $0x0  }
0x124: {  	[sflag:s21] =	ssyncadd.s32 $0xFFFFE000  }
0x125: {  	_ =	swait.ge [sflag:s21], $0x800  }
0x126: {  	[sflag:s21] =	ssyncset.done $0x0  }
0x127: {  	s23 =	simm.s32 $0x8400;
	[sflag:s21] =	ssyncadd.s32 $0xFFFFF800  }
0x128: {  	[tilespmem:s5], [sflag:$0x1] =	stream.indirect.gather [hbm4b:s1+s0], $0x40, s23, s0, $0xb8;
	[tilespmem:$0x1F800] =	vst v63  }
0x129: {  	_ =	swait.ge [sflag:s22], $0x2000  }
0x12a: {  	[sflag:s22] =	ssyncset.done $0x0  }
0x12b: {  	s24 =	simm.s32 $0xD300;
	[sflag:s22] =	ssyncadd.s32 $0xFFFFE000  }
0x12c: {  	[spmem:s3] =	stream.indirect.scatter.add.f32 [tilespmem:s15], [sflag:$0x6], $0x40, s24, s0, $0xb8;
	[tilespmem:$0x1F800] =	vst v63  }
0x12d: {  	_ = 	snop  }
0x12e: {  	[spmem:s4] =	stream.indirect.scatter.add.f32 [tilespmem:s17], [sflag:$0x6], $0x10, s24, s0, $0xb8;
	[tilespmem:$0x1F800] =	vst v63  }
0x12f: {  	_ =	swait.ge [sflag:s20], $0x2000  }
0x130: {  	[sflag:s20] =	ssyncset.done $0x0  }
0x131: {  	[sflag:s20] =	ssyncadd.s32 $0xFFFFE000  }
0x132: {  	_ =	swait.ge [sflag:s20], $0x800  }
0x133: {  	[sflag:s20] =	ssyncset.done $0x0  }
0x134: {  	s25 =	simm.s32 $0x8480;
	[sflag:s20] =	ssyncadd.s32 $0xFFFFF800  }
0x135: {  	[tilespmem:s14], [sflag:$0x3] =	stream.indirect.gather [hbm4b:s1+s0], $0x40, s25, s0, $0xb8;
	[tilespmem:$0x1F800] =	vst v63  }
0x136: {  	_ =	swait.ge [sflag:s2], $0x2000  }
0x137: {  	[sflag:s2] =	ssyncset.done $0x0  }
0x138: {  	s26 =	simm.s32 $0xD380;
	[sflag:s2] =	ssyncadd.s32 $0xFFFFE000  }
0x139: {  	[spmem:s3] =	stream.indirect.scatter.add.f32 [tilespmem:s18], [sflag:$0x8], $0x40, s26, s0, $0xb8;
	[tilespmem:$0x1F800] =	vst v63  }
0x13a: {  	_ = 	snop  }
0x13b: {  	[spmem:s4] =	stream.indirect.scatter.add.f32 [tilespmem:s17], [sflag:$0x8], $0x10, s26, s0, $0xb8;
	[tilespmem:$0x1F800] =	vst v63  }
0x13c: {  	_ =	swait.ge [sflag:s10], $0x2000  }
0x13d: {  	[sflag:s10] =	ssyncset.done $0x0  }
0x13e: {  	[sflag:s10] =	ssyncadd.s32 $0xFFFFE000  }
0x13f: {  	_ =	swait.ge [sflag:s10], $0x800  }
0x140: {  	[sflag:s10] =	ssyncset.done $0x0  }
0x141: {  	s11 =	simm.s32 $0x800;
	s12 =	simm.s32 $0x8500;
	[sflag:s10] =	ssyncadd.s32 $0xFFFFF800  }
.LBB2_9:
0x142: {  	[tilespmem:s15], [sflag:$0x5] =	stream.indirect.gather [hbm4b:s1+s0], $0x40, s12, s0, $0xb8;
	[tilespmem:$0x1F800] =	vst v63  }
0x143: {  	s12 =	smov.u32 s11  }
0x144: {  	p1 =	seq.s32 s11, $0x12800;
	s11 =	sadd.s32 $0x800, s11;
	_ =	swait.ge [sflag:s16], $0x2000  }
0x145: {  	s12 =	sshra.s32 s12, $0x2;
	[sflag:s16] =	ssyncset.done $0x0  }
0x146: {  	s23 =	sadd.s32 $0xD200, s12;
	[sflag:s16] =	ssyncadd.s32 $0xFFFFE000  }
0x147: {  	[spmem:s3] =	stream.indirect.scatter.add.f32 [tilespmem:s5], [sflag:$0x2], $0x40, s23, s0, $0xb8;
	[tilespmem:$0x1F800] =	vst v63  }
0x148: {  	_ = 	snop  }
0x149: {  	[spmem:s4] =	stream.indirect.scatter.add.f32 [tilespmem:s17], [sflag:$0x2], $0x10, s23, s0, $0xb8;
	[tilespmem:$0x1F800] =	vst v63  }
0x14a: {  	_ =	swait.ge [sflag:s7], $0x2000  }
0x14b: {  	[sflag:s7] =	ssyncset.done $0x0  }
0x14c: {  	[sflag:s7] =	ssyncadd.s32 $0xFFFFE000  }
0x14d: {  	_ =	swait.ge [sflag:s7], $0x800  }
0x14e: {  	[sflag:s7] =	ssyncset.done $0x0  }
0x14f: {  	s23 =	sadd.s32 $0x8380, s12;
	[sflag:s7] =	ssyncadd.s32 $0xFFFFF800  }
0x150: {  	[tilespmem:s18], [sflag:$0x7] =	stream.indirect.gather [hbm4b:s1+s0], $0x40, s23, s0, $0xb8;
	[tilespmem:$0x1F800] =	vst v63  }
0x151: {  	_ =	swait.ge [sflag:s19], $0x2000  }
0x152: {  	[sflag:s19] =	ssyncset.done $0x0  }
0x153: {  	s23 =	sadd.s32 $0xD280, s12;
	[sflag:s19] =	ssyncadd.s32 $0xFFFFE000  }
0x154: {  	[spmem:s3] =	stream.indirect.scatter.add.f32 [tilespmem:s14], [sflag:$0x4], $0x40, s23, s0, $0xb8;
	[tilespmem:$0x1F800] =	vst v63  }
0x155: {  	_ = 	snop  }
0x156: {  	[spmem:s4] =	stream.indirect.scatter.add.f32 [tilespmem:s17], [sflag:$0x4], $0x10, s23, s0, $0xb8;
	[tilespmem:$0x1F800] =	vst v63  }
0x157: {  	_ =	swait.ge [sflag:s21], $0x2000  }
0x158: {  	[sflag:s21] =	ssyncset.done $0x0  }
0x159: {  	[sflag:s21] =	ssyncadd.s32 $0xFFFFE000  }
0x15a: {  	_ =	swait.ge [sflag:s21], $0x800  }
0x15b: {  	[sflag:s21] =	ssyncset.done $0x0  }
0x15c: {  	s23 =	sadd.s32 $0x8400, s12;
	[sflag:s21] =	ssyncadd.s32 $0xFFFFF800  }
0x15d: {  	[tilespmem:s5], [sflag:$0x1] =	stream.indirect.gather [hbm4b:s1+s0], $0x40, s23, s0, $0xb8;
	[tilespmem:$0x1F800] =	vst v63  }
0x15e: {  	_ =	swait.ge [sflag:s22], $0x2000  }
0x15f: {  	[sflag:s22] =	ssyncset.done $0x0  }
0x160: {  	s23 =	sadd.s32 $0xD300, s12;
	[sflag:s22] =	ssyncadd.s32 $0xFFFFE000  }
0x161: {  	[spmem:s3] =	stream.indirect.scatter.add.f32 [tilespmem:s15], [sflag:$0x6], $0x40, s23, s0, $0xb8;
	[tilespmem:$0x1F800] =	vst v63  }
0x162: {  	_ = 	snop  }
0x163: {  	[spmem:s4] =	stream.indirect.scatter.add.f32 [tilespmem:s17], [sflag:$0x6], $0x10, s23, s0, $0xb8;
	[tilespmem:$0x1F800] =	vst v63  }
0x164: {  	_ =	swait.ge [sflag:s20], $0x2000  }
0x165: {  	[sflag:s20] =	ssyncset.done $0x0  }
0x166: {  	[sflag:s20] =	ssyncadd.s32 $0xFFFFE000  }
0x167: {  	_ =	swait.ge [sflag:s20], $0x800  }
0x168: {  	[sflag:s20] =	ssyncset.done $0x0  }
0x169: {  	s23 =	sadd.s32 $0x8480, s12;
	[sflag:s20] =	ssyncadd.s32 $0xFFFFF800  }
0x16a: {  	[tilespmem:s14], [sflag:$0x3] =	stream.indirect.gather [hbm4b:s1+s0], $0x40, s23, s0, $0xb8;
	[tilespmem:$0x1F800] =	vst v63  }
0x16b: {  	_ =	swait.ge [sflag:s2], $0x2000  }
0x16c: {  	[sflag:s2] =	ssyncset.done $0x0  }
0x16d: {  	s23 =	sadd.s32 $0xD380, s12;
	[sflag:s2] =	ssyncadd.s32 $0xFFFFE000  }
0x16e: {  	[spmem:s3] =	stream.indirect.scatter.add.f32 [tilespmem:s18], [sflag:$0x8], $0x40, s23, s0, $0xb8;
	[tilespmem:$0x1F800] =	vst v63  }
0x16f: {  	_ = 	snop  }
0x170: {  	[spmem:s4] =	stream.indirect.scatter.add.f32 [tilespmem:s17], [sflag:$0x8], $0x10, s23, s0, $0xb8;
	[tilespmem:$0x1F800] =	vst v63  }
0x171: {  	_ =	swait.ge [sflag:s10], $0x2000  }
.Ltmp6:
0x172: {  	[sflag:s10] =	ssyncset.done $0x0;
	(pc) =	sbr.rel @!p1 .LBB2_9-.Ltmp6, $4  }
0x173: {  	[sflag:s10] =	ssyncadd.s32 $0xFFFFE000  }
0x174: {  	_ =	swait.ge [sflag:s10], $0x800  }
0x175: {  	[sflag:s10] =	ssyncset.done $0x0  }
0x176: {  	s12 =	sadd.s32 $0x8500, s12;
	[sflag:s10] =	ssyncadd.s32 $0xFFFFF800  }
0x177: {  	[tilespmem:s15], [sflag:$0x5] =	stream.indirect.gather [hbm4b:s1+s0], $0x40, s12, s0, $0xb8;
	[tilespmem:$0x1F800] =	vst v63  }
0x178: {  	_ =	swait.ge [sflag:s16], $0x2000  }
0x179: {  	[sflag:s16] =	ssyncset.done $0x0  }
0x17a: {  	s11 =	simm.s32 $0x11E00;
	[sflag:s16] =	ssyncadd.s32 $0xFFFFE000  }
0x17b: {  	[spmem:s3] =	stream.indirect.scatter.add.f32 [tilespmem:s5], [sflag:$0x2], $0x40, s11, s0, $0xb8;
	[tilespmem:$0x1F800] =	vst v63  }
0x17c: {  	_ = 	snop  }
0x17d: {  	[spmem:s4] =	stream.indirect.scatter.add.f32 [tilespmem:s17], [sflag:$0x2], $0x10, s11, s0, $0xb8;
	[tilespmem:$0x1F800] =	vst v63  }
0x17e: {  	_ =	swait.ge [sflag:s7], $0x2000  }
0x17f: {  	[sflag:s7] =	ssyncset.done $0x0  }
0x180: {  	[sflag:s7] =	ssyncadd.s32 $0xFFFFE000  }
0x181: {  	_ =	swait.ge [sflag:s7], $0x800  }
0x182: {  	[sflag:s7] =	ssyncset.done $0x0  }
0x183: {  	s13 =	simm.s32 $0xCF80;
	[sflag:s7] =	ssyncadd.s32 $0xFFFFF800  }
0x184: {  	[tilespmem:s18], [sflag:$0x7] =	stream.indirect.gather [hbm4b:s1+s0], $0x40, s13, s0, $0xb8;
	[tilespmem:$0x1F800] =	vst v63  }
0x185: {  	_ =	swait.ge [sflag:s19], $0x2000  }
0x186: {  	[sflag:s19] =	ssyncset.done $0x0  }
0x187: {  	s23 =	simm.s32 $0x11E80;
	[sflag:s19] =	ssyncadd.s32 $0xFFFFE000  }
0x188: {  	[spmem:s3] =	stream.indirect.scatter.add.f32 [tilespmem:s14], [sflag:$0x4], $0x40, s23, s0, $0xb8;
	[tilespmem:$0x1F800] =	vst v63  }
0x189: {  	_ = 	snop  }
0x18a: {  	[spmem:s4] =	stream.indirect.scatter.add.f32 [tilespmem:s17], [sflag:$0x4], $0x10, s23, s0, $0xb8;
	[tilespmem:$0x1F800] =	vst v63  }
0x18b: {  	_ =	swait.ge [sflag:s21], $0x2000  }
0x18c: {  	[sflag:s21] =	ssyncset.done $0x0  }
0x18d: {  	[sflag:s21] =	ssyncadd.s32 $0xFFFFE000  }
0x18e: {  	_ =	swait.ge [sflag:s21], $0x800  }
0x18f: {  	[sflag:s21] =	ssyncset.done $0x0  }
0x190: {  	[sflag:s21] =	ssyncadd.s32 $0xFFFFF800  }
0x191: {  	_ =	swait.ge [sflag:s22], $0x2000  }
0x192: {  	[sflag:s22] =	ssyncset.done $0x0  }
0x193: {  	s24 =	simm.s32 $0x11F00;
	[sflag:s22] =	ssyncadd.s32 $0xFFFFE000  }
0x194: {  	[spmem:s3] =	stream.indirect.scatter.add.f32 [tilespmem:s15], [sflag:$0x6], $0x40, s24, s0, $0xb8;
	[tilespmem:$0x1F800] =	vst v63  }
0x195: {  	_ = 	snop  }
0x196: {  	[spmem:s4] =	stream.indirect.scatter.add.f32 [tilespmem:s17], [sflag:$0x6], $0x10, s24, s0, $0xb8;
	[tilespmem:$0x1F800] =	vst v63  }
0x197: {  	_ =	swait.ge [sflag:s20], $0x2000  }
0x198: {  	[sflag:s20] =	ssyncset.done $0x0  }
0x199: {  	[sflag:s20] =	ssyncadd.s32 $0xFFFFE000  }
0x19a: {  	_ =	swait.ge [sflag:s20], $0x800  }
0x19b: {  	[sflag:s20] =	ssyncset.done $0x0  }
0x19c: {  	[sflag:s20] =	ssyncadd.s32 $0xFFFFF800  }
0x19d: {  	_ =	swait.ge [sflag:s2], $0x2000  }
0x19e: {  	[sflag:s2] =	ssyncset.done $0x0  }
0x19f: {  	s25 =	simm.s32 $0x11F80;
	[sflag:s2] =	ssyncadd.s32 $0xFFFFE000  }
0x1a0: {  	[spmem:s3] =	stream.indirect.scatter.add.f32 [tilespmem:s18], [sflag:$0x8], $0x40, s25, s0, $0xb8;
	[tilespmem:$0x1F800] =	vst v63  }
0x1a1: {  	_ = 	snop  }
0x1a2: {  	[spmem:s4] =	stream.indirect.scatter.add.f32 [tilespmem:s17], [sflag:$0x8], $0x10, s25, s0, $0xb8;
	[tilespmem:$0x1F800] =	vst v63  }
0x1a3: {  	_ =	swait.ge [sflag:s10], $0x2000  }
0x1a4: {  	[sflag:s10] =	ssyncset.done $0x0  }
0x1a5: {  	[sflag:s10] =	ssyncadd.s32 $0xFFFFE000  }
0x1a6: {  	_ =	swait.ge [sflag:s10], $0x800  }
0x1a7: {  	[sflag:s10] =	ssyncset.done $0x0  }
0x1a8: {  	[sflag:s10] =	ssyncadd.s32 $0xFFFFF800  }
0x1a9: {  	_ =	swait.ge [sflag:s7], $0x2000  }
.Ltmp7:
0x1aa: {  	[sflag:s7] =	ssyncset.done $0x0;
	(pc) =	sbr.rel .LBB2_14-.Ltmp7, $4  }
0x1ab: {  	[sflag:s7] =	ssyncadd.s32 $0xFFFFE000  }
0x1ac: {  	_ =	swait.ge [sflag:s7], $0x800  }
0x1ad: {  	s26 =	simm.s32 $0x11F00;
	s13 =	simm.s32 $0x11E80;
	[sflag:s7] =	ssyncset.done $0x0  }
0x1ae: {  	s23 =	simm.s32 $0x8000;
	s24 =	simm.s32 $0x11F80;
	[sflag:s7] =	ssyncadd.s32 $0xFFFFF800  }
.LBB2_11:
0x1af: {  	[bflag:$0x0] =	sbarrier.arrive $0xFFFF  }
0x1b0: {  	_ =	swait.ge [sflag:s31], $0x5000  }
0x1b1: {  	[sflag:s31] =	ssyncset.done $0x0  }
0x1b2: {  	[sflag:s31] =	ssyncadd.s32 $0xFFFFB000  }
0x1b3: {  	_ =	swait.ge [sflag:s31], $0x5000  }
0x1b4: {  	[sflag:s31] =	ssyncset.done $0x0  }
0x1b5: {  	s11 =	simm.s32 $0x0;
	[sflag:s31] =	ssyncadd.s32 $0xFFFFB000  }
0x1b6: {  	[tilespmem:s11], [sflag:$0x1] =	stream.indirect.gather [hbm4b:s6+s0], $0x40, s23, s0, $0xb8;
	[tilespmem:$0x1F800] =	vst v63  }
0x1b7: {  	s12 =	simm.s32 $0x8080  }
0x1b8: {  	[tilespmem:s14], [sflag:$0x3] =	stream.indirect.gather [hbm4b:s6+s0], $0x40, s12, s0, $0xb8;
	[tilespmem:$0x1F800] =	vst v63  }
0x1b9: {  	s23 =	simm.s32 $0x8100  }
0x1ba: {  	[tilespmem:s15], [sflag:$0x5] =	stream.indirect.gather [hbm4b:s6+s0], $0x40, s23, s0, $0xb8;
	[tilespmem:$0x1F800] =	vst v63  }
0x1bb: {  	_ =	swait.ge [sflag:s16], $0x2000  }
0x1bc: {  	[sflag:s16] =	ssyncset.done $0x0  }
0x1bd: {  	[sflag:s16] =	ssyncadd.s32 $0xFFFFE000  }
0x1be: {  	[spmem:s3] =	stream.indirect.scatter.add.f32 [tilespmem:s11], [sflag:$0x2], $0x40, s25, s0, $0xb8;
	[tilespmem:$0x1F800] =	vst v63  }
0x1bf: {  	s25 =	simm.s32 $0x8180  }
0x1c0: {  	[tilespmem:s18], [sflag:$0x7] =	stream.indirect.gather [hbm4b:s6+s0], $0x40, s25, s0, $0xb8;
	[tilespmem:$0x1F800] =	vst v63  }
0x1c1: {  	_ =	swait.ge [sflag:s19], $0x2000  }
0x1c2: {  	[sflag:s19] =	ssyncset.done $0x0  }
0x1c3: {  	s23 =	simm.s32 $0xD080;
	[sflag:s19] =	ssyncadd.s32 $0xFFFFE000  }
0x1c4: {  	[spmem:s3] =	stream.indirect.scatter.add.f32 [tilespmem:s14], [sflag:$0x4], $0x40, s23, s0, $0xb8;
	[tilespmem:$0x1F800] =	vst v63  }
0x1c5: {  	_ =	swait.ge [sflag:s21], $0x2000  }
0x1c6: {  	[sflag:s21] =	ssyncset.done $0x0  }
0x1c7: {  	s25 =	simm.s32 $0x8200;
	[sflag:s21] =	ssyncadd.s32 $0xFFFFE000  }
0x1c8: {  	[tilespmem:s11], [sflag:$0x1] =	stream.indirect.gather [hbm4b:s6+s0], $0x40, s25, s0, $0xb8;
	[tilespmem:$0x1F800] =	vst v63  }
0x1c9: {  	_ =	swait.ge [sflag:s22], $0x2000  }
0x1ca: {  	[sflag:s22] =	ssyncset.done $0x0  }
0x1cb: {  	s23 =	simm.s32 $0xD100;
	[sflag:s22] =	ssyncadd.s32 $0xFFFFE000  }
0x1cc: {  	[spmem:s3] =	stream.indirect.scatter.add.f32 [tilespmem:s15], [sflag:$0x6], $0x40, s23, s0, $0xb8;
	[tilespmem:$0x1F800] =	vst v63  }
0x1cd: {  	_ =	swait.ge [sflag:s20], $0x2000  }
0x1ce: {  	[sflag:s20] =	ssyncset.done $0x0  }
0x1cf: {  	s25 =	simm.s32 $0x8280;
	[sflag:s20] =	ssyncadd.s32 $0xFFFFE000  }
0x1d0: {  	[tilespmem:s14], [sflag:$0x3] =	stream.indirect.gather [hbm4b:s6+s0], $0x40, s25, s0, $0xb8;
	[tilespmem:$0x1F800] =	vst v63  }
0x1d1: {  	_ =	swait.ge [sflag:s2], $0x2000  }
0x1d2: {  	[sflag:s2] =	ssyncset.done $0x0  }
0x1d3: {  	s12 =	simm.s32 $0xD180;
	[sflag:s2] =	ssyncadd.s32 $0xFFFFE000  }
0x1d4: {  	[spmem:s3] =	stream.indirect.scatter.add.f32 [tilespmem:s18], [sflag:$0x8], $0x40, s12, s0, $0xb8;
	[tilespmem:$0x1F800] =	vst v63  }
0x1d5: {  	_ =	swait.ge [sflag:s10], $0x2000  }
0x1d6: {  	[sflag:s10] =	ssyncset.done $0x0  }
0x1d7: {  	s23 =	simm.s32 $0x8300;
	[sflag:s10] =	ssyncadd.s32 $0xFFFFE000  }
0x1d8: {  	[tilespmem:s15], [sflag:$0x5] =	stream.indirect.gather [hbm4b:s6+s0], $0x40, s23, s0, $0xb8;
	[tilespmem:$0x1F800] =	vst v63  }
0x1d9: {  	_ =	swait.ge [sflag:s16], $0x2000  }
0x1da: {  	[sflag:s16] =	ssyncset.done $0x0  }
0x1db: {  	s25 =	simm.s32 $0xD200;
	[sflag:s16] =	ssyncadd.s32 $0xFFFFE000  }
0x1dc: {  	[spmem:s3] =	stream.indirect.scatter.add.f32 [tilespmem:s5], [sflag:$0x2], $0x40, s25, s0, $0xb8;
	[tilespmem:$0x1F800] =	vst v63  }
0x1dd: {  	_ =	swait.ge [sflag:s7], $0x2000  }
0x1de: {  	[sflag:s7] =	ssyncset.done $0x0  }
0x1df: {  	s12 =	simm.s32 $0x8380;
	[sflag:s7] =	ssyncadd.s32 $0xFFFFE000  }
0x1e0: {  	[tilespmem:s18], [sflag:$0x7] =	stream.indirect.gather [hbm4b:s6+s0], $0x40, s12, s0, $0xb8;
	[tilespmem:$0x1F800] =	vst v63  }
0x1e1: {  	_ =	swait.ge [sflag:s19], $0x2000  }
0x1e2: {  	[sflag:s19] =	ssyncset.done $0x0  }
0x1e3: {  	s23 =	simm.s32 $0xD280;
	[sflag:s19] =	ssyncadd.s32 $0xFFFFE000  }
0x1e4: {  	[spmem:s3] =	stream.indirect.scatter.add.f32 [tilespmem:s14], [sflag:$0x4], $0x40, s23, s0, $0xb8;
	[tilespmem:$0x1F800] =	vst v63  }
0x1e5: {  	_ =	swait.ge [sflag:s21], $0x2000  }
0x1e6: {  	[sflag:s21] =	ssyncset.done $0x0  }
0x1e7: {  	s25 =	simm.s32 $0x8400;
	[sflag:s21] =	ssyncadd.s32 $0xFFFFE000  }
0x1e8: {  	[tilespmem:s5], [sflag:$0x1] =	stream.indirect.gather [hbm4b:s6+s0], $0x40, s25, s0, $0xb8;
	[tilespmem:$0x1F800] =	vst v63  }
0x1e9: {  	_ =	swait.ge [sflag:s22], $0x2000  }
0x1ea: {  	[sflag:s22] =	ssyncset.done $0x0  }
0x1eb: {  	s12 =	simm.s32 $0xD300;
	[sflag:s22] =	ssyncadd.s32 $0xFFFFE000  }
0x1ec: {  	[spmem:s3] =	stream.indirect.scatter.add.f32 [tilespmem:s15], [sflag:$0x6], $0x40, s12, s0, $0xb8;
	[tilespmem:$0x1F800] =	vst v63  }
0x1ed: {  	_ =	swait.ge [sflag:s20], $0x2000  }
0x1ee: {  	[sflag:s20] =	ssyncset.done $0x0  }
0x1ef: {  	s23 =	simm.s32 $0x8480;
	[sflag:s20] =	ssyncadd.s32 $0xFFFFE000  }
0x1f0: {  	[tilespmem:s14], [sflag:$0x3] =	stream.indirect.gather [hbm4b:s6+s0], $0x40, s23, s0, $0xb8;
	[tilespmem:$0x1F800] =	vst v63  }
0x1f1: {  	_ =	swait.ge [sflag:s2], $0x2000  }
0x1f2: {  	[sflag:s2] =	ssyncset.done $0x0  }
0x1f3: {  	s25 =	simm.s32 $0xD380;
	[sflag:s2] =	ssyncadd.s32 $0xFFFFE000  }
0x1f4: {  	[spmem:s3] =	stream.indirect.scatter.add.f32 [tilespmem:s18], [sflag:$0x8], $0x40, s25, s0, $0xb8;
	[tilespmem:$0x1F800] =	vst v63  }
0x1f5: {  	_ =	swait.ge [sflag:s10], $0x2000  }
0x1f6: {  	[sflag:s10] =	ssyncset.done $0x0  }
0x1f7: {  	s11 =	simm.s32 $0x800;
	s12 =	simm.s32 $0x8500;
	[sflag:s10] =	ssyncadd.s32 $0xFFFFE000  }
.LBB2_12:
0x1f8: {  	[tilespmem:s15], [sflag:$0x5] =	stream.indirect.gather [hbm4b:s6+s0], $0x40, s12, s0, $0xb8;
	[tilespmem:$0x1F800] =	vst v63  }
0x1f9: {  	s12 =	smov.u32 s11  }
0x1fa: {  	p1 =	sne.s32 s11, $0x12800;
	s11 =	sadd.s32 $0x800, s11;
	_ =	swait.ge [sflag:s16], $0x2000  }
0x1fb: {  	s12 =	sshra.s32 s12, $0x2;
	[sflag:s16] =	ssyncset.done $0x0  }
0x1fc: {  	s23 =	sadd.s32 $0xD200, s12;
	[sflag:s16] =	ssyncadd.s32 $0xFFFFE000  }
0x1fd: {  	[spmem:s3] =	stream.indirect.scatter.add.f32 [tilespmem:s5], [sflag:$0x2], $0x40, s23, s0, $0xb8;
	[tilespmem:$0x1F800] =	vst v63  }
0x1fe: {  	_ =	swait.ge [sflag:s7], $0x2000  }
0x1ff: {  	[sflag:s7] =	ssyncset.done $0x0  }
0x200: {  	s23 =	sadd.s32 $0x8380, s12;
	[sflag:s7] =	ssyncadd.s32 $0xFFFFE000  }
0x201: {  	[tilespmem:s18], [sflag:$0x7] =	stream.indirect.gather [hbm4b:s6+s0], $0x40, s23, s0, $0xb8;
	[tilespmem:$0x1F800] =	vst v63  }
0x202: {  	_ =	swait.ge [sflag:s19], $0x2000  }
0x203: {  	[sflag:s19] =	ssyncset.done $0x0  }
0x204: {  	s23 =	sadd.s32 $0xD280, s12;
	[sflag:s19] =	ssyncadd.s32 $0xFFFFE000  }
0x205: {  	[spmem:s3] =	stream.indirect.scatter.add.f32 [tilespmem:s14], [sflag:$0x4], $0x40, s23, s0, $0xb8;
	[tilespmem:$0x1F800] =	vst v63  }
0x206: {  	_ =	swait.ge [sflag:s21], $0x2000  }
0x207: {  	[sflag:s21] =	ssyncset.done $0x0  }
0x208: {  	s23 =	sadd.s32 $0x8400, s12;
	[sflag:s21] =	ssyncadd.s32 $0xFFFFE000  }
0x209: {  	[tilespmem:s5], [sflag:$0x1] =	stream.indirect.gather [hbm4b:s6+s0], $0x40, s23, s0, $0xb8;
	[tilespmem:$0x1F800] =	vst v63  }
0x20a: {  	_ =	swait.ge [sflag:s22], $0x2000  }
0x20b: {  	[sflag:s22] =	ssyncset.done $0x0  }
0x20c: {  	s23 =	sadd.s32 $0xD300, s12;
	[sflag:s22] =	ssyncadd.s32 $0xFFFFE000  }
0x20d: {  	[spmem:s3] =	stream.indirect.scatter.add.f32 [tilespmem:s15], [sflag:$0x6], $0x40, s23, s0, $0xb8;
	[tilespmem:$0x1F800] =	vst v63  }
0x20e: {  	_ =	swait.ge [sflag:s20], $0x2000  }
0x20f: {  	[sflag:s20] =	ssyncset.done $0x0  }
0x210: {  	s23 =	sadd.s32 $0x8480, s12;
	[sflag:s20] =	ssyncadd.s32 $0xFFFFE000  }
0x211: {  	[tilespmem:s14], [sflag:$0x3] =	stream.indirect.gather [hbm4b:s6+s0], $0x40, s23, s0, $0xb8;
	[tilespmem:$0x1F800] =	vst v63  }
0x212: {  	_ =	swait.ge [sflag:s2], $0x2000  }
0x213: {  	[sflag:s2] =	ssyncset.done $0x0  }
.Ltmp8:
0x214: {  	s23 =	sadd.s32 $0xD380, s12;
	[sflag:s2] =	ssyncadd.s32 $0xFFFFE000;
	(pc) =	sbr.rel @p1 .LBB2_12-.Ltmp8, $4  }
0x215: {  	[spmem:s3] =	stream.indirect.scatter.add.f32 [tilespmem:s18], [sflag:$0x8], $0x40, s23, s0, $0xb8;
	[tilespmem:$0x1F800] =	vst v63  }
0x216: {  	_ =	swait.ge [sflag:s10], $0x2000  }
0x217: {  	[sflag:s10] =	ssyncset.done $0x0  }
0x218: {  	s12 =	sadd.s32 $0x8500, s12;
	[sflag:s10] =	ssyncadd.s32 $0xFFFFE000  }
.Ltmp9:
0x219: {  	_ = 	snop;
	(pc) =	sbr.rel .LBB2_13-.Ltmp9, $1  }
0x21a: {  	_ =	sdelay $0x3  }
.LBB2_15:
0x21b: {  	_ =	sfence.sel $0x180000  }
0x21c: {  	[bflag:$0x0] =	sbarrier.arrive $0xFFFF  }
0x21d: {  	_ =	strace $0x90000047  }
0x21e: {  	s0 =	stileid.u32;
	[bflag:$0x2] =	sbarrier.arrive $0xFFFF  }
0x21f: {  	p0 =	sne.s32 s0, $0x0;
	s0 =	rddreg [dreg:$0x4]  }
0x220: {  	s0 =	sadd.s32 @!p0 $0x100000, s0  }
0x221: {  	[sflag:s0] =	ssyncadd.tile.s32 @!p0 $0x1;
	_ =	shalt  }
.Lfunc_end2:
_tile_overlayer_lowered:
.L_overlay_start_2:
0x222: {  	(tag) =	ssettag $0x2  }
0x223: {  	s0 =	rddreg [dreg:$0x0];
	s2 =	stileid.u32  }
0x224: {  	s1 =	rddreg [dreg:$0x1];
	p0 =	sne.s32 s2, $0x0  }
0x225: {  	s3 =	rddreg [dreg:$0x2];
	[bflag:$0x3] =	sbarrier.arrive $0xFFFF;
	s2 =	simm.s32 @!p0 $0x1C0A  }
0x226: {  	[timem:s3], [sflag:s2] =	dma.local @!p0 [hbm:s0], s1  }
0x227: {  	s0 =	simm.s32 @!p0 $0xA  }
0x228: {  	_ =	swait.ge @!p0 [sflag:s0], s1  }
0x229: {  	s1 =	ssub.s32 @!p0 $0x0, s1;
	[sflag:s0] =	ssyncset.done @!p0 $0x0  }
0x22a: {  	[sflag:s0] =	ssyncadd.s32 @!p0 s1  }
0x22b: {  	[bflag:$0x3] =	sbarrier.arrive $0xFFFF  }
0x22c: {  	_ =	shalt  }

</sc_bundles>
